<compile_context>
chip_gen: v7x
topology: tpu7x:2x2x1
jax: 0.10.2.dev20260603
libtpu: 0.0.44.dev20260713+nightly
codegen_flags: <defaults>
</compile_context>

<pallas_src>
import dataclasses
import functools

import jax
import jax.numpy as jnp
from jax import lax
from jax.experimental import pallas as pl
from jax.experimental.pallas import tpu as pltpu
from jax.experimental.pallas import tpu_sc as plsc

_NUM_EXPERTS = 64
_TOP_K = 8
_LANES = 16
_NW = 32


def _compiler_params():
    cp = pltpu.CompilerParams()
    if "needs_layout_passes" in pltpu.CompilerParams.__dataclass_fields__:
        cp = dataclasses.replace(cp, needs_layout_passes=False)
    return cp


@functools.partial(jax.jit, static_argnames=("n",))
def _reorder(scores_flat, experts_flat, n):
    chunk = n // _NW
    n_vregs = chunk // _LANES
    rows = chunk // 128
    group = 8 if rows % 8 == 0 else 1
    mesh = plsc.VectorSubcoreMesh(core_axis_name="c", subcore_axis_name="s")
    cp = _compiler_params()

    @functools.partial(
        pl.kernel,
        out_type=[
            jax.ShapeDtypeStruct((n,), jnp.int32),
            jax.ShapeDtypeStruct((_NW, _NUM_EXPERTS), jnp.int32),
        ],
        mesh=mesh,
        compiler_params=cp,
        scratch_types=[
            pltpu.VMEM((chunk,), jnp.int32),
            pltpu.VMEM((chunk,), jnp.int32),
            pltpu.VMEM((chunk,), jnp.int32),
            pltpu.VMEM((chunk,), jnp.int32),
            pltpu.VMEM((chunk,), jnp.int32),
            pltpu.VMEM((_NUM_EXPERTS,), jnp.int32),
        ],
    )
    def run1(experts_hbm, pack_hbm, hist_hbm,
             e_chunk, sebuf, rsbuf, tailbuf, packbuf, counters):
        cid = lax.axis_index("c")
        sid = lax.axis_index("s")
        wid = cid * 16 + sid
        base = wid * chunk
        lane = lax.iota(jnp.int32, _LANES)

        pltpu.sync_copy(experts_hbm.at[pl.ds(base, chunk)], e_chunk)

        @plsc.parallel_loop(0, n_vregs, 1, unroll=8)
        def _(v):
            off = v * _LANES
            e = e_chunk[pl.ds(off, _LANES)]
            key = e * _LANES + lane
            skey, slane = plsc.sort_key_val(key, lane)
            se = skey >> 4
            sebuf[pl.ds(off, _LANES)] = se
            prev = plsc.load_gather(
                sebuf, [jnp.maximum(off + lane - 1, off)]
            )
            nxt = plsc.load_gather(
                sebuf, [jnp.minimum(off + lane + 1, off + _LANES - 1)]
            )
            head = (lane == 0) | (se != prev)
            tail = (lane == _LANES - 1) | (se != nxt)
            segstart = plsc.cummax(jnp.where(head, lane, 0))
            rank = lane - segstart
            rsbuf[pl.ds(off, _LANES)] = (rank << 4) | slane
            tailbuf[pl.ds(off, _LANES)] = jnp.where(tail, 1, 0)

        for j in range(_NUM_EXPERTS // _LANES):
            counters[pl.ds(j * _LANES, _LANES)] = jnp.zeros(
                (_LANES,), jnp.int32
            )

        @pl.loop(0, n_vregs)
        def _(v):
            off = v * _LANES
            cs = pl.ds(off, _LANES)
            se = sebuf[cs]
            rs = rsbuf[cs]
            cold = plsc.load_gather(counters, [se])
            lpos = cold + (rs >> 4)
            plsc.store_scatter(
                counters, [se], lpos + 1, mask=(tailbuf[cs] == 1)
            )
            packbuf[cs] = (se << 18) | (lpos << 4) | (rs & 15)

        pltpu.sync_copy(packbuf, pack_hbm.at[pl.ds(base, chunk)])
        pltpu.sync_copy(counters, hist_hbm.at[wid])

    chunk2 = n // 16
    n_vregs2 = chunk2 // _LANES
    rows2 = chunk2 // 128
    group2 = 8 if rows2 % 8 == 0 else 1
    mesh2 = plsc.VectorSubcoreMesh(
        core_axis_name="c", subcore_axis_name="s",
        num_cores=1, num_subcores=16,
    )

    @functools.partial(
        pl.kernel,
        out_type=[
            jax.ShapeDtypeStruct((n,), jnp.float32),
            jax.ShapeDtypeStruct((n,), jnp.int32),
            jax.ShapeDtypeStruct((_NUM_EXPERTS,), jnp.float32),
        ],
        mesh=mesh2,
        compiler_params=cp,
        scratch_types=[
            pltpu.VMEM((chunk2,), jnp.float32),
            pltpu.VMEM((chunk2,), jnp.int32),
            pltpu.VMEM((chunk2,), jnp.int32),
            pltpu.VMEM((chunk2,), jnp.float32),
            pltpu.VMEM((chunk2,), jnp.int32),
            pltpu.VMEM((_NW, _NUM_EXPERTS), jnp.int32),
            pltpu.VMEM((_NUM_EXPERTS,), jnp.int32),
            pltpu.VMEM((_NUM_EXPERTS,), jnp.int32),
            pltpu.VMEM((_NUM_EXPERTS,), jnp.float32),
            [pltpu.VMEM((128,), jnp.int32) for _ in range(group2)],
            pltpu.VMEM_SHARED((n,), jnp.float32),
            pltpu.VMEM_SHARED((n,), jnp.int32),
            pltpu.SemaphoreType.DMA,
            pltpu.SemaphoreType.DMA,
        ],
    )
    def run2(scores_hbm, pack_hbm, hist_hbm,
             out_scores, out_tok, out_counts,
             s_chunk, packch, posbuf, scorebuf, tokbuf,
             allhist, starts_a, starts_b, countsf, idxbufs,
             shared_s, shared_t, sem_a, sem_b):
        wid = lax.axis_index("s")
        base = wid * chunk2

        pltpu.sync_copy(scores_hbm.at[pl.ds(base, chunk2)], s_chunk)
        pltpu.sync_copy(pack_hbm.at[pl.ds(base, chunk2)], packch)
        pltpu.sync_copy(hist_hbm, allhist)

        carry = jnp.int32(0)
        for c in range(_NUM_EXPERTS // _LANES):
            tot = jnp.zeros((_LANES,), jnp.int32)
            mine_a = jnp.zeros((_LANES,), jnp.int32)
            mine_b = jnp.zeros((_LANES,), jnp.int32)
            for w in range(_NW):
                h = allhist[w, pl.ds(c * _LANES, _LANES)]
                tot = tot + h
                wv = jnp.full((_LANES,), w, jnp.int32)
                mine_a = mine_a + jnp.where(wv < 2 * wid, h, 0)
                mine_b = mine_b + jnp.where(wv < 2 * wid + 1, h, 0)
            csum = plsc.cumsum(tot)
            excl = (csum - tot) + carry
            starts_a[pl.ds(c * _LANES, _LANES)] = excl + mine_a
            starts_b[pl.ds(c * _LANES, _LANES)] = excl + mine_b
            countsf[pl.ds(c * _LANES, _LANES)] = tot.astype(jnp.float32)
            carry = carry + jnp.sum(tot)

        @pl.when(wid == 0)
        def _():
            pltpu.sync_copy(countsf, out_counts)

        for h in range(2):
            starts_ref = starts_a if h == 0 else starts_b
            hoff = h * (chunk2 // 2)
            base1 = base + hoff

            @plsc.parallel_loop(0, n_vregs2 // 2, 1, unroll=8)
            def _(v):
                cs = pl.ds(hoff + v * _LANES, _LANES)
                pk = packch[cs]
                se = pk >> 18
                lpos = (pk >> 4) & 0x3FFF
                slane = pk & 15
                st = plsc.load_gather(starts_ref, [se])
                posbuf[cs] = st + lpos
                scorebuf[cs] = plsc.load_gather(
                    s_chunk, [hoff + v * _LANES + slane]
                )
                tokbuf[cs] = (base1 + v * _LANES + slane) >> 3

        def fill(idxbuf, r):
            for j in range(128 // _LANES):
                idxbuf[pl.ds(j * _LANES, _LANES)] = posbuf[
                    pl.ds(r * 128 + j * _LANES, _LANES)
                ]

        def fire(idxbuf, r):
            c1 = pltpu.async_copy(
                scorebuf.at[pl.ds(r * 128, 128)],
                shared_s.at[idxbuf],
                sem_a,
            )
            c2 = pltpu.async_copy(
                tokbuf.at[pl.ds(r * 128, 128)],
                shared_t.at[idxbuf],
                sem_b,
            )
            return (c1, c2)

        @pl.loop(0, rows2, step=group2)
        def _(r0):
            copies = []
            for b in range(group2):
                fill(idxbufs[b], r0 + b)
                copies.extend(fire(idxbufs[b], r0 + b))
            for cp_ in copies:
                cp_.wait()

        plsc.subcore_barrier()
        pltpu.sync_copy(
            shared_s.at[pl.ds(base, chunk2)],
            out_scores.at[pl.ds(base, chunk2)],
        )
        pltpu.sync_copy(
            shared_t.at[pl.ds(base, chunk2)],
            out_tok.at[pl.ds(base, chunk2)],
        )

    pack, hist = run1(experts_flat)
    out = run2(scores_flat, pack, hist)
    return (out[0], out[1], out[2])


def kernel(top_scores, selected_experts_indices):
    n = top_scores.shape[0] * top_scores.shape[1]
    scores_flat = top_scores.reshape(-1)
    experts_flat = selected_experts_indices.reshape(-1)
    return _reorder(scores_flat, experts_flat, n)

# --- scband reference (transcript-rebuilt; emitter-appended) ---
"""Pipeline reference for scband-token-reorderer-377957122268 (READ-ONLY COPY).

The authoritative reference and input builder live on the scoring server;
editing this copy changes nothing except your own understanding.
"""

import jax, jax.numpy as jnp
import numpy as np

NUM_EXPERTS = 64
TOP_K = 8
N_TOKENS = 32768


def setup_inputs(seed: int = 0) -> dict:
    key = jax.random.key(seed)
    k1, k2 = jax.random.split(key)
    top_scores = jax.random.uniform(k1, (N_TOKENS, TOP_K), dtype=jnp.float32)
    selected_experts_indices = jax.random.randint(
        k2, (N_TOKENS, TOP_K), 0, NUM_EXPERTS, dtype=jnp.int32
    )
    return {
        "top_scores": top_scores,
        "selected_experts_indices": selected_experts_indices,
    }


def reference(top_scores, selected_experts_indices):
    flat_experts = selected_experts_indices.reshape(-1)
    # torch.histc with bins=num_experts, min=0, max=num_experts on integer
    # expert ids in [0, num_experts) is an exact per-expert count.
    num_tokens_per_expert = jnp.bincount(flat_experts, length=NUM_EXPERTS).astype(
        jnp.float32
    )
    # stable argsort groups tokens by expert while preserving token order
    token_indices_experts_sorted = jnp.argsort(flat_experts, stable=True)
    top_scores_experts_sorted = top_scores.reshape(-1)[token_indices_experts_sorted]
    token_indices_experts_sorted = token_indices_experts_sorted // TOP_K
    return (
        top_scores_experts_sorted,
        token_indices_experts_sorted,
        num_tokens_per_expert,
    )

if __name__ == "__main__":
    import jax
    _d = setup_inputs()
    print(jax.jit(kernel)(*tuple(_d.values())))

</pallas_src>

<mosaic_0001>
#map = affine_map<(d0, d1) -> (0)>
#map1 = affine_map<(d0, d1) -> (0, 0)>
module attributes {stable_mosaic.version = 14 : i64} {
  func.func @run1(%arg0: i32, %arg1: i32, %arg2: memref<262144xi32, #tpu.memory_space<hbm>>, %arg3: memref<262144xi32, #tpu.memory_space<hbm>>, %arg4: memref<32x64xi32, #tpu.memory_space<hbm>>, %arg5: memref<8192xi32, #tpu.memory_space<vmem>>, %arg6: memref<8192xi32, #tpu.memory_space<vmem>>, %arg7: memref<8192xi32, #tpu.memory_space<vmem>>, %arg8: memref<8192xi32, #tpu.memory_space<vmem>>, %arg9: memref<8192xi32, #tpu.memory_space<vmem>>, %arg10: memref<64xi32, #tpu.memory_space<vmem>>) attributes {dimension_semantics = [#tpu.dimension_semantics<core_parallel>, #tpu.dimension_semantics<subcore_parallel>], iteration_bounds = array<i64: 2, 16>, scalar_prefetch = 0 : i64, scratch_operands = 6 : i64, tpu.core_type = #tpu.core_type<sc_vector_subcore>, window_params = [{transform_indices = #map}, {transform_indices = #map}, {transform_indices = #map1}]} {
    %mul3A = arith.constant 16 : i32
    %mul3A_0 = arith.muli %arg0, %mul3A : i32
    %add3A = arith.addi %mul3A_0, %arg1 : i32
    %mul3A_1 = arith.constant 8192 : i32
    %mul3A_2 = arith.muli %add3A, %mul3A_1 : i32
    %iota3A = tpu.iota {dimensions = array<i32: 0>} : vector<16xi32>
    "tpu.region"() ({
      %run_scoped3A = tpu.sem_alloc : memref<!tpu.dma_semaphore, #tpu.memory_space<semaphore_mem>>
      %dma_start3A = tpu.memref_slice %arg2[%mul3A_2] : memref<262144xi32, #tpu.memory_space<hbm>> -> memref<8192xi32, #tpu.memory_space<hbm>>
      %dma_start3A_23 = tpu.memref_slice %arg2[%mul3A_2] : memref<262144xi32, #tpu.memory_space<hbm>> -> memref<8192xi32, #tpu.memory_space<hbm>>
      tpu.enqueue_dma source(%dma_start3A_23 : memref<8192xi32, #tpu.memory_space<hbm>>) target(%arg5 : memref<8192xi32, #tpu.memory_space<vmem>>) target_semaphore(%run_scoped3A : memref<!tpu.dma_semaphore, #tpu.memory_space<semaphore_mem>>)
      %dma_wait3A = tpu.memref_slice %arg2[%mul3A_2] : memref<262144xi32, #tpu.memory_space<hbm>> -> memref<8192xi32, #tpu.memory_space<hbm>>
      %dma_wait3A_24 = tpu.memref_slice %arg2[%mul3A_2] : memref<262144xi32, #tpu.memory_space<hbm>> -> memref<8192xi32, #tpu.memory_space<hbm>>
      tpu.wait_dma2 semaphore(%run_scoped3A : memref<!tpu.dma_semaphore, #tpu.memory_space<semaphore_mem>>) src(%dma_wait3A_24 : memref<8192xi32, #tpu.memory_space<hbm>>) dst(%arg5 : memref<8192xi32, #tpu.memory_space<vmem>>)
      tpu.yield
    }) : () -> ()
    %parallel_loop3A = arith.constant 0 : i32
    %parallel_loop3A_3 = arith.constant 512 : i32
    %parallel_loop3A_4 = arith.constant 1 : i32
    scf.for %parallel_loop3A_23 = %parallel_loop3A to %parallel_loop3A_3 step %parallel_loop3A_4  : i32 {
      %parallel_loop3A_24 = arith.constant 16 : i32
      %parallel_loop3A_25 = arith.muli %parallel_loop3A_23, %parallel_loop3A_24 : i32
      %parallel_loop3A_26 = arith.index_cast %parallel_loop3A_25 : i32 to index
      %parallel_loop3A_27 = tpu.vector_load %arg5[%parallel_loop3A_26] {strides = array<i32>} : memref<8192xi32, #tpu.memory_space<vmem>>, vector<16xi32>,
      %parallel_loop3A_28 = arith.constant 16 : i32
      %parallel_loop3A_29 = vector.broadcast %parallel_loop3A_28 : i32 to vector<16xi32>
      %parallel_loop3A_30 = arith.muli %parallel_loop3A_27, %parallel_loop3A_29 : vector<16xi32>
      %parallel_loop3A_31 = arith.addi %parallel_loop3A_30, %iota3A : vector<16xi32>
      %parallel_loop3A_32 = arith.constant dense<true> : vector<16xi1>
      %parallel_loop3A_33 = arith.constant -2147483648 : i32
      %parallel_loop3A_34 = vector.broadcast %parallel_loop3A_33 : i32 to vector<16xi32>
      %parallel_loop3A_35 = arith.xori %parallel_loop3A_31, %parallel_loop3A_34 : vector<16xi32>
      %parallel_loop3A_36, %parallel_loop3A_37, %parallel_loop3A_38 = tpu.sort %parallel_loop3A_35, %iota3A masked %parallel_loop3A_32 : (vector<16xi32>, vector<16xi32>, vector<16xi1>) -> (vector<16xi1>, vector<16xi32>, vector<16xi32>)
      %parallel_loop3A_39 = arith.xori %parallel_loop3A_37, %parallel_loop3A_34 : vector<16xi32>
      %parallel_loop3A_40 = arith.constant 4 : i32
      %parallel_loop3A_41 = vector.broadcast %parallel_loop3A_40 : i32 to vector<16xi32>
      %parallel_loop3A_42 = arith.shrsi %parallel_loop3A_39, %parallel_loop3A_41 : vector<16xi32>
      %parallel_loop3A_43 = arith.index_cast %parallel_loop3A_25 : i32 to index
      %parallel_loop3A_44 = tpu.vector_load %arg6[%parallel_loop3A_43] {strides = array<i32>} : memref<8192xi32, #tpu.memory_space<vmem>>, vector<16xi32>,
      tpu.vector_store %arg6[%parallel_loop3A_43], %parallel_loop3A_42 {strides = array<i32>} : memref<8192xi32, #tpu.memory_space<vmem>>, vector<16xi32>,
      %parallel_loop3A_45 = vector.broadcast %parallel_loop3A_25 : i32 to vector<16xi32>
      %parallel_loop3A_46 = arith.addi %parallel_loop3A_45, %iota3A : vector<16xi32>
      %parallel_loop3A_47 = arith.constant 1 : i32
      %parallel_loop3A_48 = vector.broadcast %parallel_loop3A_47 : i32 to vector<16xi32>
      %parallel_loop3A_49 = arith.subi %parallel_loop3A_46, %parallel_loop3A_48 : vector<16xi32>
      %parallel_loop3A_50 = vector.broadcast %parallel_loop3A_25 : i32 to vector<16xi32>
      %parallel_loop3A_51 = arith.maxsi %parallel_loop3A_49, %parallel_loop3A_50 : vector<16xi32>
      %parallel_loop3A_52 = tpu.vector_load_idx %arg6[%parallel_loop3A_51] : memref<8192xi32, #tpu.memory_space<vmem>>[vector<16xi32>], vector<16xi32>,
      %parallel_loop3A_53 = vector.broadcast %parallel_loop3A_25 : i32 to vector<16xi32>
      %parallel_loop3A_54 = arith.addi %parallel_loop3A_53, %iota3A : vector<16xi32>
      %parallel_loop3A_55 = arith.constant 1 : i32
      %parallel_loop3A_56 = vector.broadcast %parallel_loop3A_55 : i32 to vector<16xi32>
      %parallel_loop3A_57 = arith.addi %parallel_loop3A_54, %parallel_loop3A_56 : vector<16xi32>
      %parallel_loop3A_58 = arith.constant 16 : i32
      %parallel_loop3A_59 = arith.addi %parallel_loop3A_25, %parallel_loop3A_58 : i32
      %parallel_loop3A_60 = arith.constant 1 : i32
      %parallel_loop3A_61 = arith.subi %parallel_loop3A_59, %parallel_loop3A_60 : i32
      %parallel_loop3A_62 = vector.broadcast %parallel_loop3A_61 : i32 to vector<16xi32>
      %parallel_loop3A_63 = arith.minsi %parallel_loop3A_57, %parallel_loop3A_62 : vector<16xi32>
      %parallel_loop3A_64 = tpu.vector_load_idx %arg6[%parallel_loop3A_63] : memref<8192xi32, #tpu.memory_space<vmem>>[vector<16xi32>], vector<16xi32>,
      %parallel_loop3A_65 = arith.constant 0 : i32
      %parallel_loop3A_66 = vector.broadcast %parallel_loop3A_65 : i32 to vector<16xi32>
      %parallel_loop3A_67 = arith.cmpi eq, %iota3A, %parallel_loop3A_66 : vector<16xi32>
      %parallel_loop3A_68 = arith.cmpi ne, %parallel_loop3A_42, %parallel_loop3A_52 : vector<16xi32>
      %parallel_loop3A_69 = arith.ori %parallel_loop3A_67, %parallel_loop3A_68 : vector<16xi1>
      %parallel_loop3A_70 = arith.constant 15 : i32
      %parallel_loop3A_71 = vector.broadcast %parallel_loop3A_70 : i32 to vector<16xi32>
      %parallel_loop3A_72 = arith.cmpi eq, %iota3A, %parallel_loop3A_71 : vector<16xi32>
      %parallel_loop3A_73 = arith.cmpi ne, %parallel_loop3A_42, %parallel_loop3A_64 : vector<16xi32>
      %parallel_loop3A_74 = arith.ori %parallel_loop3A_72, %parallel_loop3A_73 : vector<16xi1>
      %parallel_loop3A_75 = arith.constant 0 : i32
      %parallel_loop3A_76 = vector.broadcast %parallel_loop3A_75 : i32 to vector<16xi32>
      %parallel_loop3A_77 = arith.select %parallel_loop3A_69, %iota3A, %parallel_loop3A_76 : vector<16xi1>, vector<16xi32>
      %parallel_loop3A_78 = arith.constant true
      %parallel_loop3A_79 = vector.broadcast %parallel_loop3A_78 : i1 to vector<16xi1>
      %parallel_loop3A_80 = arith.constant -2147483648 : i32
      %parallel_loop3A_81 = vector.broadcast %parallel_loop3A_80 : i32 to vector<16xi32>
      %parallel_loop3A_82 = arith.xori %parallel_loop3A_77, %parallel_loop3A_81 : vector<16xi32>
      %parallel_loop3A_83 = tpu.scan <max>, %parallel_loop3A_82 masked %parallel_loop3A_79 : vector<16xi32>, vector<16xi1> -> vector<16xi32>
      %parallel_loop3A_84 = arith.xori %parallel_loop3A_83, %parallel_loop3A_81 : vector<16xi32>
      %parallel_loop3A_85 = arith.subi %iota3A, %parallel_loop3A_84 : vector<16xi32>
      %parallel_loop3A_86 = arith.constant 4 : i32
      %parallel_loop3A_87 = vector.broadcast %parallel_loop3A_86 : i32 to vector<16xi32>
      %parallel_loop3A_88 = arith.shli %parallel_loop3A_85, %parallel_loop3A_87 : vector<16xi32>
      %parallel_loop3A_89 = arith.ori %parallel_loop3A_88, %parallel_loop3A_38 : vector<16xi32>
      %parallel_loop3A_90 = arith.index_cast %parallel_loop3A_25 : i32 to index
      %parallel_loop3A_91 = tpu.vector_load %arg7[%parallel_loop3A_90] {strides = array<i32>} : memref<8192xi32, #tpu.memory_space<vmem>>, vector<16xi32>,
      tpu.vector_store %arg7[%parallel_loop3A_90], %parallel_loop3A_89 {strides = array<i32>} : memref<8192xi32, #tpu.memory_space<vmem>>, vector<16xi32>,
      %parallel_loop3A_92 = arith.constant 1 : i32
      %parallel_loop3A_93 = arith.constant 0 : i32
      %parallel_loop3A_94 = vector.broadcast %parallel_loop3A_92 : i32 to vector<16xi32>
      %parallel_loop3A_95 = vector.broadcast %parallel_loop3A_93 : i32 to vector<16xi32>
      %parallel_loop3A_96 = arith.select %parallel_loop3A_74, %parallel_loop3A_94, %parallel_loop3A_95 : vector<16xi1>, vector<16xi32>
      %parallel_loop3A_97 = arith.index_cast %parallel_loop3A_25 : i32 to index
      %parallel_loop3A_98 = tpu.vector_load %arg8[%parallel_loop3A_97] {strides = array<i32>} : memref<8192xi32, #tpu.memory_space<vmem>>, vector<16xi32>,
      tpu.vector_store %arg8[%parallel_loop3A_97], %parallel_loop3A_96 {strides = array<i32>} : memref<8192xi32, #tpu.memory_space<vmem>>, vector<16xi32>,
    } {sc.loop_unroll_factor = 8 : i64, sc.parallel_access}
    %broadcast_in_dim3A = arith.constant 0 : i32
    %broadcast_in_dim3A_5 = vector.broadcast %broadcast_in_dim3A : i32 to vector<16xi32>
    %swap3A = arith.constant 0 : index
    %swap3A_6 = tpu.vector_load %arg10[%swap3A] {strides = array<i32>} : memref<64xi32, #tpu.memory_space<vmem>>, vector<16xi32>,
    tpu.vector_store %arg10[%swap3A], %broadcast_in_dim3A_5 {strides = array<i32>} : memref<64xi32, #tpu.memory_space<vmem>>, vector<16xi32>,
    %broadcast_in_dim3A_7 = arith.constant 0 : i32
    %broadcast_in_dim3A_8 = vector.broadcast %broadcast_in_dim3A_7 : i32 to vector<16xi32>
    %swap3A_9 = arith.constant 16 : index
    %swap3A_10 = tpu.vector_load %arg10[%swap3A_9] {strides = array<i32>} : memref<64xi32, #tpu.memory_space<vmem>>, vector<16xi32>,
    tpu.vector_store %arg10[%swap3A_9], %broadcast_in_dim3A_8 {strides = array<i32>} : memref<64xi32, #tpu.memory_space<vmem>>, vector<16xi32>,
    %broadcast_in_dim3A_11 = arith.constant 0 : i32
    %broadcast_in_dim3A_12 = vector.broadcast %broadcast_in_dim3A_11 : i32 to vector<16xi32>
    %swap3A_13 = arith.constant 32 : index
    %swap3A_14 = tpu.vector_load %arg10[%swap3A_13] {strides = array<i32>} : memref<64xi32, #tpu.memory_space<vmem>>, vector<16xi32>,
    tpu.vector_store %arg10[%swap3A_13], %broadcast_in_dim3A_12 {strides = array<i32>} : memref<64xi32, #tpu.memory_space<vmem>>, vector<16xi32>,
    %broadcast_in_dim3A_15 = arith.constant 0 : i32
    %broadcast_in_dim3A_16 = vector.broadcast %broadcast_in_dim3A_15 : i32 to vector<16xi32>
    %swap3A_17 = arith.constant 48 : index
    %swap3A_18 = tpu.vector_load %arg10[%swap3A_17] {strides = array<i32>} : memref<64xi32, #tpu.memory_space<vmem>>, vector<16xi32>,
    tpu.vector_store %arg10[%swap3A_17], %broadcast_in_dim3A_16 {strides = array<i32>} : memref<64xi32, #tpu.memory_space<vmem>>, vector<16xi32>,
    %scan3A = arith.constant 0 : i32
    %scan3A_19 = arith.constant 512 : i32
    %scan3A_20 = arith.addi %scan3A, %scan3A_19 : i32
    %scan3A_21 = arith.constant 1 : i32
    scf.for %scan3A_23 = %scan3A to %scan3A_20 step %scan3A_21  : i32 {
      %mul3A_24 = arith.constant 1 : i32
      %mul3A_25 = arith.muli %scan3A_23, %mul3A_24 : i32
      %add3A_26 = arith.constant 0 : i32
      %add3A_27 = arith.addi %add3A_26, %mul3A_25 : i32
      %mul3A_28 = arith.constant 16 : i32
      %mul3A_29 = arith.muli %add3A_27, %mul3A_28 : i32
      %get3A = arith.index_cast %mul3A_29 : i32 to index
      %get3A_30 = tpu.vector_load %arg6[%get3A] {strides = array<i32>} : memref<8192xi32, #tpu.memory_space<vmem>>, vector<16xi32>,
      %get3A_31 = arith.index_cast %mul3A_29 : i32 to index
      %get3A_32 = tpu.vector_load %arg7[%get3A_31] {strides = array<i32>} : memref<8192xi32, #tpu.memory_space<vmem>>, vector<16xi32>,
      %gather3A = tpu.vector_load_idx %arg10[%get3A_30] : memref<64xi32, #tpu.memory_space<vmem>>[vector<16xi32>], vector<16xi32>,
      %shift_right_arithmetic3A = arith.constant 4 : i32
      %shift_right_arithmetic3A_33 = vector.broadcast %shift_right_arithmetic3A : i32 to vector<16xi32>
      %shift_right_arithmetic3A_34 = arith.shrsi %get3A_32, %shift_right_arithmetic3A_33 : vector<16xi32>
      %add3A_35 = arith.addi %gather3A, %shift_right_arithmetic3A_34 : vector<16xi32>
      %add3A_36 = arith.constant 1 : i32
      %add3A_37 = vector.broadcast %add3A_36 : i32 to vector<16xi32>
      %add3A_38 = arith.addi %add3A_35, %add3A_37 : vector<16xi32>
      %get3A_39 = arith.index_cast %mul3A_29 : i32 to index
      %get3A_40 = tpu.vector_load %arg8[%get3A_39] {strides = array<i32>} : memref<8192xi32, #tpu.memory_space<vmem>>, vector<16xi32>,
      %eq3A = arith.constant 1 : i32
      %eq3A_41 = vector.broadcast %eq3A : i32 to vector<16xi32>
      %eq3A_42 = arith.cmpi eq, %get3A_40, %eq3A_41 : vector<16xi32>
      tpu.vector_store_idx %arg10[%get3A_30], %add3A_38 masked %eq3A_42 : memref<64xi32, #tpu.memory_space<vmem>>[vector<16xi32>], vector<16xi32>, vector<16xi1>
      %shift_left3A = arith.constant 18 : i32
      %shift_left3A_43 = vector.broadcast %shift_left3A : i32 to vector<16xi32>
      %shift_left3A_44 = arith.shli %get3A_30, %shift_left3A_43 : vector<16xi32>
      %shift_left3A_45 = arith.constant 4 : i32
      %shift_left3A_46 = vector.broadcast %shift_left3A_45 : i32 to vector<16xi32>
      %shift_left3A_47 = arith.shli %add3A_35, %shift_left3A_46 : vector<16xi32>
      %or3A = arith.ori %shift_left3A_44, %shift_left3A_47 : vector<16xi32>
      %and3A = arith.constant 15 : i32
      %and3A_48 = vector.broadcast %and3A : i32 to vector<16xi32>
      %and3A_49 = arith.andi %get3A_32, %and3A_48 : vector<16xi32>
      %or3A_50 = arith.ori %or3A, %and3A_49 : vector<16xi32>
      %swap3A_51 = arith.index_cast %mul3A_29 : i32 to index
      %swap3A_52 = tpu.vector_load %arg9[%swap3A_51] {strides = array<i32>} : memref<8192xi32, #tpu.memory_space<vmem>>, vector<16xi32>,
      tpu.vector_store %arg9[%swap3A_51], %or3A_50 {strides = array<i32>} : memref<8192xi32, #tpu.memory_space<vmem>>, vector<16xi32>,
    }
    %scan3A_22 = arith.constant 512 : i32
    "tpu.region"() ({
      %run_scoped3A = tpu.sem_alloc : memref<!tpu.dma_semaphore, #tpu.memory_space<semaphore_mem>>
      %dma_start3A = tpu.memref_slice %arg3[%mul3A_2] : memref<262144xi32, #tpu.memory_space<hbm>> -> memref<8192xi32, #tpu.memory_space<hbm>>
      %dma_start3A_23 = tpu.memref_slice %arg3[%mul3A_2] : memref<262144xi32, #tpu.memory_space<hbm>> -> memref<8192xi32, #tpu.memory_space<hbm>>
      tpu.enqueue_dma source(%arg9 : memref<8192xi32, #tpu.memory_space<vmem>>) target(%dma_start3A_23 : memref<8192xi32, #tpu.memory_space<hbm>>) target_semaphore(%run_scoped3A : memref<!tpu.dma_semaphore, #tpu.memory_space<semaphore_mem>>)
      %dma_wait3A = tpu.memref_slice %arg3[%mul3A_2] : memref<262144xi32, #tpu.memory_space<hbm>> -> memref<8192xi32, #tpu.memory_space<hbm>>
      %dma_wait3A_24 = tpu.memref_slice %arg3[%mul3A_2] : memref<262144xi32, #tpu.memory_space<hbm>> -> memref<8192xi32, #tpu.memory_space<hbm>>
      tpu.wait_dma2 semaphore(%run_scoped3A : memref<!tpu.dma_semaphore, #tpu.memory_space<semaphore_mem>>) src(%arg9 : memref<8192xi32, #tpu.memory_space<vmem>>) dst(%dma_wait3A_24 : memref<8192xi32, #tpu.memory_space<hbm>>)
      tpu.yield
    }) : () -> ()
    "tpu.region"() ({
      %run_scoped3A = tpu.sem_alloc : memref<!tpu.dma_semaphore, #tpu.memory_space<semaphore_mem>>
      %dma_start3A = arith.constant 0 : i32
      %dma_start3A_23 = tpu.memref_slice %arg4[%add3A, %dma_start3A] : memref<32x64xi32, #tpu.memory_space<hbm>> -> memref<1x64xi32, #tpu.memory_space<hbm>>
      %dma_start3A_24 = tpu.memref_squeeze %dma_start3A_23 : memref<1x64xi32, #tpu.memory_space<hbm>> -> memref<64xi32, #tpu.memory_space<hbm>>
      %dma_start3A_25 = arith.constant 0 : i32
      %dma_start3A_26 = tpu.memref_slice %arg4[%add3A, %dma_start3A_25] : memref<32x64xi32, #tpu.memory_space<hbm>> -> memref<1x64xi32, #tpu.memory_space<hbm>>
      %dma_start3A_27 = tpu.memref_squeeze %dma_start3A_26 : memref<1x64xi32, #tpu.memory_space<hbm>> -> memref<64xi32, #tpu.memory_space<hbm>>
      tpu.enqueue_dma source(%arg10 : memref<64xi32, #tpu.memory_space<vmem>>) target(%dma_start3A_27 : memref<64xi32, #tpu.memory_space<hbm>>) target_semaphore(%run_scoped3A : memref<!tpu.dma_semaphore, #tpu.memory_space<semaphore_mem>>)
      %dma_wait3A = arith.constant 0 : i32
      %dma_wait3A_28 = tpu.memref_slice %arg4[%add3A, %dma_wait3A] : memref<32x64xi32, #tpu.memory_space<hbm>> -> memref<1x64xi32, #tpu.memory_space<hbm>>
      %dma_wait3A_29 = tpu.memref_squeeze %dma_wait3A_28 : memref<1x64xi32, #tpu.memory_space<hbm>> -> memref<64xi32, #tpu.memory_space<hbm>>
      %dma_wait3A_30 = arith.constant 0 : i32
      %dma_wait3A_31 = tpu.memref_slice %arg4[%add3A, %dma_wait3A_30] : memref<32x64xi32, #tpu.memory_space<hbm>> -> memref<1x64xi32, #tpu.memory_space<hbm>>
      %dma_wait3A_32 = tpu.memref_squeeze %dma_wait3A_31 : memref<1x64xi32, #tpu.memory_space<hbm>> -> memref<64xi32, #tpu.memory_space<hbm>>
      tpu.wait_dma2 semaphore(%run_scoped3A : memref<!tpu.dma_semaphore, #tpu.memory_space<semaphore_mem>>) src(%arg10 : memref<64xi32, #tpu.memory_space<vmem>>) dst(%dma_wait3A_32 : memref<64xi32, #tpu.memory_space<hbm>>)
      tpu.yield
    }) : () -> ()
    return
  }
}

#map = affine_map<(d0, d1) -> (0)>
#map1 = affine_map<(d0, d1) -> (0, 0)>
module attributes {stable_mosaic.version = 14 : i64} {
  func.func @run2(%arg0: i32, %arg1: i32, %arg2: memref<262144xf32, #tpu.memory_space<hbm>>, %arg3: memref<262144xi32, #tpu.memory_space<hbm>>, %arg4: memref<32x64xi32, #tpu.memory_space<hbm>>, %arg5: memref<262144xf32, #tpu.memory_space<hbm>>, %arg6: memref<262144xi32, #tpu.memory_space<hbm>>, %arg7: memref<64xf32, #tpu.memory_space<hbm>>, %arg8: memref<16384xf32, #tpu.memory_space<vmem>>, %arg9: memref<16384xi32, #tpu.memory_space<vmem>>, %arg10: memref<16384xi32, #tpu.memory_space<vmem>>, %arg11: memref<16384xf32, #tpu.memory_space<vmem>>, %arg12: memref<16384xi32, #tpu.memory_space<vmem>>, %arg13: memref<32x64xi32, #tpu.memory_space<vmem>>, %arg14: memref<64xi32, #tpu.memory_space<vmem>>, %arg15: memref<64xi32, #tpu.memory_space<vmem>>, %arg16: memref<64xf32, #tpu.memory_space<vmem>>, %arg17: memref<128xi32, #tpu.memory_space<vmem>>, %arg18: memref<128xi32, #tpu.memory_space<vmem>>, %arg19: memref<128xi32, #tpu.memory_space<vmem>>, %arg20: memref<128xi32, #tpu.memory_space<vmem>>, %arg21: memref<128xi32, #tpu.memory_space<vmem>>, %arg22: memref<128xi32, #tpu.memory_space<vmem>>, %arg23: memref<128xi32, #tpu.memory_space<vmem>>, %arg24: memref<128xi32, #tpu.memory_space<vmem>>, %arg25: memref<262144xf32, #tpu.memory_space<vmem_shared>>, %arg26: memref<262144xi32, #tpu.memory_space<vmem_shared>>, %arg27: memref<!tpu.dma_semaphore, #tpu.memory_space<semaphore_mem>>, %arg28: memref<!tpu.dma_semaphore, #tpu.memory_space<semaphore_mem>>) attributes {dimension_semantics = [#tpu.dimension_semantics<core_parallel>, #tpu.dimension_semantics<subcore_parallel>], iteration_bounds = array<i64: 1, 16>, scalar_prefetch = 0 : i64, scratch_operands = 21 : i64, tpu.core_type = #tpu.core_type<sc_vector_subcore>, window_params = [{transform_indices = #map}, {transform_indices = #map}, {transform_indices = #map1}, {transform_indices = #map}, {transform_indices = #map}, {transform_indices = #map}]} {
    %mul3A = arith.constant 16384 : i32
    %mul3A_0 = arith.muli %arg1, %mul3A : i32
    "tpu.region"() ({
      %run_scoped3A = tpu.sem_alloc : memref<!tpu.dma_semaphore, #tpu.memory_space<semaphore_mem>>
      %dma_start3A = tpu.memref_slice %arg2[%mul3A_0] : memref<262144xf32, #tpu.memory_space<hbm>> -> memref<16384xf32, #tpu.memory_space<hbm>>
      %dma_start3A_3312 = tpu.memref_slice %arg2[%mul3A_0] : memref<262144xf32, #tpu.memory_space<hbm>> -> memref<16384xf32, #tpu.memory_space<hbm>>
      tpu.enqueue_dma source(%dma_start3A_3312 : memref<16384xf32, #tpu.memory_space<hbm>>) target(%arg8 : memref<16384xf32, #tpu.memory_space<vmem>>) target_semaphore(%run_scoped3A : memref<!tpu.dma_semaphore, #tpu.memory_space<semaphore_mem>>)
      %dma_wait3A = tpu.memref_slice %arg2[%mul3A_0] : memref<262144xf32, #tpu.memory_space<hbm>> -> memref<16384xf32, #tpu.memory_space<hbm>>
      %dma_wait3A_3313 = tpu.memref_slice %arg2[%mul3A_0] : memref<262144xf32, #tpu.memory_space<hbm>> -> memref<16384xf32, #tpu.memory_space<hbm>>
      tpu.wait_dma2 semaphore(%run_scoped3A : memref<!tpu.dma_semaphore, #tpu.memory_space<semaphore_mem>>) src(%dma_wait3A_3313 : memref<16384xf32, #tpu.memory_space<hbm>>) dst(%arg8 : memref<16384xf32, #tpu.memory_space<vmem>>)
      tpu.yield
    }) : () -> ()
    "tpu.region"() ({
      %run_scoped3A = tpu.sem_alloc : memref<!tpu.dma_semaphore, #tpu.memory_space<semaphore_mem>>
      %dma_start3A = tpu.memref_slice %arg3[%mul3A_0] : memref<262144xi32, #tpu.memory_space<hbm>> -> memref<16384xi32, #tpu.memory_space<hbm>>
      %dma_start3A_3312 = tpu.memref_slice %arg3[%mul3A_0] : memref<262144xi32, #tpu.memory_space<hbm>> -> memref<16384xi32, #tpu.memory_space<hbm>>
      tpu.enqueue_dma source(%dma_start3A_3312 : memref<16384xi32, #tpu.memory_space<hbm>>) target(%arg9 : memref<16384xi32, #tpu.memory_space<vmem>>) target_semaphore(%run_scoped3A : memref<!tpu.dma_semaphore, #tpu.memory_space<semaphore_mem>>)
      %dma_wait3A = tpu.memref_slice %arg3[%mul3A_0] : memref<262144xi32, #tpu.memory_space<hbm>> -> memref<16384xi32, #tpu.memory_space<hbm>>
      %dma_wait3A_3313 = tpu.memref_slice %arg3[%mul3A_0] : memref<262144xi32, #tpu.memory_space<hbm>> -> memref<16384xi32, #tpu.memory_space<hbm>>
      tpu.wait_dma2 semaphore(%run_scoped3A : memref<!tpu.dma_semaphore, #tpu.memory_space<semaphore_mem>>) src(%dma_wait3A_3313 : memref<16384xi32, #tpu.memory_space<hbm>>) dst(%arg9 : memref<16384xi32, #tpu.memory_space<vmem>>)
      tpu.yield
    }) : () -> ()
    "tpu.region"() ({
      %run_scoped3A = tpu.sem_alloc : memref<!tpu.dma_semaphore, #tpu.memory_space<semaphore_mem>>
      tpu.enqueue_dma source(%arg4 : memref<32x64xi32, #tpu.memory_space<hbm>>) target(%arg13 : memref<32x64xi32, #tpu.memory_space<vmem>>) target_semaphore(%run_scoped3A : memref<!tpu.dma_semaphore, #tpu.memory_space<semaphore_mem>>)
      tpu.wait_dma2 semaphore(%run_scoped3A : memref<!tpu.dma_semaphore, #tpu.memory_space<semaphore_mem>>) src(%arg4 : memref<32x64xi32, #tpu.memory_space<hbm>>) dst(%arg13 : memref<32x64xi32, #tpu.memory_space<vmem>>)
      tpu.yield
    }) : () -> ()
    %broadcast_in_dim3A = arith.constant 0 : i32
    %broadcast_in_dim3A_1 = vector.broadcast %broadcast_in_dim3A : i32 to vector<16xi32>
    %broadcast_in_dim3A_2 = arith.constant 0 : i32
    %broadcast_in_dim3A_3 = vector.broadcast %broadcast_in_dim3A_2 : i32 to vector<16xi32>
    %broadcast_in_dim3A_4 = arith.constant 0 : i32
    %broadcast_in_dim3A_5 = vector.broadcast %broadcast_in_dim3A_4 : i32 to vector<16xi32>
    %get3A = arith.constant 0 : i32
    %get3A_6 = arith.index_cast %get3A : i32 to index
    %get3A_7 = arith.constant 0 : index
    %get3A_8 = tpu.vector_load %arg13[%get3A_6, %get3A_7] {strides = array<i32>} : memref<32x64xi32, #tpu.memory_space<vmem>>, vector<16xi32>,
    %add3A = arith.addi %broadcast_in_dim3A_1, %get3A_8 : vector<16xi32>
    %broadcast_in_dim3A_9 = arith.constant 0 : i32
    %broadcast_in_dim3A_10 = vector.broadcast %broadcast_in_dim3A_9 : i32 to vector<16xi32>
    %mul3A_11 = arith.constant 2 : i32
    %mul3A_12 = arith.muli %mul3A_11, %arg1 : i32
    %lt3A = vector.broadcast %mul3A_12 : i32 to vector<16xi32>
    %lt3A_13 = arith.cmpi slt, %broadcast_in_dim3A_10, %lt3A : vector<16xi32>
    %jit3A = arith.constant 0 : i32
    %broadcast_in_dim3A_14 = vector.broadcast %jit3A : i32 to vector<16xi32>
    %select_n3A = arith.select %lt3A_13, %get3A_8, %broadcast_in_dim3A_14 : vector<16xi1>, vector<16xi32>
    %add3A_15 = arith.addi %broadcast_in_dim3A_3, %select_n3A : vector<16xi32>
    %mul3A_16 = arith.constant 2 : i32
    %mul3A_17 = arith.muli %mul3A_16, %arg1 : i32
    %add3A_18 = arith.constant 1 : i32
    %add3A_19 = arith.addi %mul3A_17, %add3A_18 : i32
    %lt3A_20 = vector.broadcast %add3A_19 : i32 to vector<16xi32>
    %lt3A_21 = arith.cmpi slt, %broadcast_in_dim3A_10, %lt3A_20 : vector<16xi32>
    %jit3A_22 = arith.constant 0 : i32
    %broadcast_in_dim3A_23 = vector.broadcast %jit3A_22 : i32 to vector<16xi32>
    %select_n3A_24 = arith.select %lt3A_21, %get3A_8, %broadcast_in_dim3A_23 : vector<16xi1>, vector<16xi32>
    %add3A_25 = arith.addi %broadcast_in_dim3A_5, %select_n3A_24 : vector<16xi32>
    %get3A_26 = arith.constant 1 : i32
    %get3A_27 = arith.index_cast %get3A_26 : i32 to index
    %get3A_28 = arith.constant 0 : index
    %get3A_29 = tpu.vector_load %arg13[%get3A_27, %get3A_28] {strides = array<i32>} : memref<32x64xi32, #tpu.memory_space<vmem>>, vector<16xi32>,
    %add3A_30 = arith.addi %add3A, %get3A_29 : vector<16xi32>
    %broadcast_in_dim3A_31 = arith.constant 1 : i32
    %broadcast_in_dim3A_32 = vector.broadcast %broadcast_in_dim3A_31 : i32 to vector<16xi32>
    %mul3A_33 = arith.constant 2 : i32
    %mul3A_34 = arith.muli %mul3A_33, %arg1 : i32
    %lt3A_35 = vector.broadcast %mul3A_34 : i32 to vector<16xi32>
    %lt3A_36 = arith.cmpi slt, %broadcast_in_dim3A_32, %lt3A_35 : vector<16xi32>
    %jit3A_37 = arith.constant 0 : i32
    %broadcast_in_dim3A_38 = vector.broadcast %jit3A_37 : i32 to vector<16xi32>
    %select_n3A_39 = arith.select %lt3A_36, %get3A_29, %broadcast_in_dim3A_38 : vector<16xi1>, vector<16xi32>
    %add3A_40 = arith.addi %add3A_15, %select_n3A_39 : vector<16xi32>
    %mul3A_41 = arith.constant 2 : i32
    %mul3A_42 = arith.muli %mul3A_41, %arg1 : i32
    %add3A_43 = arith.constant 1 : i32
    %add3A_44 = arith.addi %mul3A_42, %add3A_43 : i32
    %lt3A_45 = vector.broadcast %add3A_44 : i32 to vector<16xi32>
    %lt3A_46 = arith.cmpi slt, %broadcast_in_dim3A_32, %lt3A_45 : vector<16xi32>
    %jit3A_47 = arith.constant 0 : i32
    %broadcast_in_dim3A_48 = vector.broadcast %jit3A_47 : i32 to vector<16xi32>
    %select_n3A_49 = arith.select %lt3A_46, %get3A_29, %broadcast_in_dim3A_48 : vector<16xi1>, vector<16xi32>
    %add3A_50 = arith.addi %add3A_25, %select_n3A_49 : vector<16xi32>
    %get3A_51 = arith.constant 2 : i32
    %get3A_52 = arith.index_cast %get3A_51 : i32 to index
    %get3A_53 = arith.constant 0 : index
    %get3A_54 = tpu.vector_load %arg13[%get3A_52, %get3A_53] {strides = array<i32>} : memref<32x64xi32, #tpu.memory_space<vmem>>, vector<16xi32>,
    %add3A_55 = arith.addi %add3A_30, %get3A_54 : vector<16xi32>
    %broadcast_in_dim3A_56 = arith.constant 2 : i32
    %broadcast_in_dim3A_57 = vector.broadcast %broadcast_in_dim3A_56 : i32 to vector<16xi32>
    %mul3A_58 = arith.constant 2 : i32
    %mul3A_59 = arith.muli %mul3A_58, %arg1 : i32
    %lt3A_60 = vector.broadcast %mul3A_59 : i32 to vector<16xi32>
    %lt3A_61 = arith.cmpi slt, %broadcast_in_dim3A_57, %lt3A_60 : vector<16xi32>
    %jit3A_62 = arith.constant 0 : i32
    %broadcast_in_dim3A_63 = vector.broadcast %jit3A_62 : i32 to vector<16xi32>
    %select_n3A_64 = arith.select %lt3A_61, %get3A_54, %broadcast_in_dim3A_63 : vector<16xi1>, vector<16xi32>
    %add3A_65 = arith.addi %add3A_40, %select_n3A_64 : vector<16xi32>
    %mul3A_66 = arith.constant 2 : i32
    %mul3A_67 = arith.muli %mul3A_66, %arg1 : i32
    %add3A_68 = arith.constant 1 : i32
    %add3A_69 = arith.addi %mul3A_67, %add3A_68 : i32
    %lt3A_70 = vector.broadcast %add3A_69 : i32 to vector<16xi32>
    %lt3A_71 = arith.cmpi slt, %broadcast_in_dim3A_57, %lt3A_70 : vector<16xi32>
    %jit3A_72 = arith.constant 0 : i32
    %broadcast_in_dim3A_73 = vector.broadcast %jit3A_72 : i32 to vector<16xi32>
    %select_n3A_74 = arith.select %lt3A_71, %get3A_54, %broadcast_in_dim3A_73 : vector<16xi1>, vector<16xi32>
    %add3A_75 = arith.addi %add3A_50, %select_n3A_74 : vector<16xi32>
    %get3A_76 = arith.constant 3 : i32
    %get3A_77 = arith.index_cast %get3A_76 : i32 to index
    %get3A_78 = arith.constant 0 : index
    %get3A_79 = tpu.vector_load %arg13[%get3A_77, %get3A_78] {strides = array<i32>} : memref<32x64xi32, #tpu.memory_space<vmem>>, vector<16xi32>,
    %add3A_80 = arith.addi %add3A_55, %get3A_79 : vector<16xi32>
    %broadcast_in_dim3A_81 = arith.constant 3 : i32
    %broadcast_in_dim3A_82 = vector.broadcast %broadcast_in_dim3A_81 : i32 to vector<16xi32>
    %mul3A_83 = arith.constant 2 : i32
    %mul3A_84 = arith.muli %mul3A_83, %arg1 : i32
    %lt3A_85 = vector.broadcast %mul3A_84 : i32 to vector<16xi32>
    %lt3A_86 = arith.cmpi slt, %broadcast_in_dim3A_82, %lt3A_85 : vector<16xi32>
    %jit3A_87 = arith.constant 0 : i32
    %broadcast_in_dim3A_88 = vector.broadcast %jit3A_87 : i32 to vector<16xi32>
    %select_n3A_89 = arith.select %lt3A_86, %get3A_79, %broadcast_in_dim3A_88 : vector<16xi1>, vector<16xi32>
    %add3A_90 = arith.addi %add3A_65, %select_n3A_89 : vector<16xi32>
    %mul3A_91 = arith.constant 2 : i32
    %mul3A_92 = arith.muli %mul3A_91, %arg1 : i32
    %add3A_93 = arith.constant 1 : i32
    %add3A_94 = arith.addi %mul3A_92, %add3A_93 : i32
    %lt3A_95 = vector.broadcast %add3A_94 : i32 to vector<16xi32>
    %lt3A_96 = arith.cmpi slt, %broadcast_in_dim3A_82, %lt3A_95 : vector<16xi32>
    %jit3A_97 = arith.constant 0 : i32
    %broadcast_in_dim3A_98 = vector.broadcast %jit3A_97 : i32 to vector<16xi32>
    %select_n3A_99 = arith.select %lt3A_96, %get3A_79, %broadcast_in_dim3A_98 : vector<16xi1>, vector<16xi32>
    %add3A_100 = arith.addi %add3A_75, %select_n3A_99 : vector<16xi32>
    %get3A_101 = arith.constant 4 : i32
    %get3A_102 = arith.index_cast %get3A_101 : i32 to index
    %get3A_103 = arith.constant 0 : index
    %get3A_104 = tpu.vector_load %arg13[%get3A_102, %get3A_103] {strides = array<i32>} : memref<32x64xi32, #tpu.memory_space<vmem>>, vector<16xi32>,
    %add3A_105 = arith.addi %add3A_80, %get3A_104 : vector<16xi32>
    %broadcast_in_dim3A_106 = arith.constant 4 : i32
    %broadcast_in_dim3A_107 = vector.broadcast %broadcast_in_dim3A_106 : i32 to vector<16xi32>
    %mul3A_108 = arith.constant 2 : i32
    %mul3A_109 = arith.muli %mul3A_108, %arg1 : i32
    %lt3A_110 = vector.broadcast %mul3A_109 : i32 to vector<16xi32>
    %lt3A_111 = arith.cmpi slt, %broadcast_in_dim3A_107, %lt3A_110 : vector<16xi32>
    %jit3A_112 = arith.constant 0 : i32
    %broadcast_in_dim3A_113 = vector.broadcast %jit3A_112 : i32 to vector<16xi32>
    %select_n3A_114 = arith.select %lt3A_111, %get3A_104, %broadcast_in_dim3A_113 : vector<16xi1>, vector<16xi32>
    %add3A_115 = arith.addi %add3A_90, %select_n3A_114 : vector<16xi32>
    %mul3A_116 = arith.constant 2 : i32
    %mul3A_117 = arith.muli %mul3A_116, %arg1 : i32
    %add3A_118 = arith.constant 1 : i32
    %add3A_119 = arith.addi %mul3A_117, %add3A_118 : i32
    %lt3A_120 = vector.broadcast %add3A_119 : i32 to vector<16xi32>
    %lt3A_121 = arith.cmpi slt, %broadcast_in_dim3A_107, %lt3A_120 : vector<16xi32>
    %jit3A_122 = arith.constant 0 : i32
    %broadcast_in_dim3A_123 = vector.broadcast %jit3A_122 : i32 to vector<16xi32>
    %select_n3A_124 = arith.select %lt3A_121, %get3A_104, %broadcast_in_dim3A_123 : vector<16xi1>, vector<16xi32>
    %add3A_125 = arith.addi %add3A_100, %select_n3A_124 : vector<16xi32>
    %get3A_126 = arith.constant 5 : i32
    %get3A_127 = arith.index_cast %get3A_126 : i32 to index
    %get3A_128 = arith.constant 0 : index
    %get3A_129 = tpu.vector_load %arg13[%get3A_127, %get3A_128] {strides = array<i32>} : memref<32x64xi32, #tpu.memory_space<vmem>>, vector<16xi32>,
    %add3A_130 = arith.addi %add3A_105, %get3A_129 : vector<16xi32>
    %broadcast_in_dim3A_131 = arith.constant 5 : i32
    %broadcast_in_dim3A_132 = vector.broadcast %broadcast_in_dim3A_131 : i32 to vector<16xi32>
    %mul3A_133 = arith.constant 2 : i32
    %mul3A_134 = arith.muli %mul3A_133, %arg1 : i32
    %lt3A_135 = vector.broadcast %mul3A_134 : i32 to vector<16xi32>
    %lt3A_136 = arith.cmpi slt, %broadcast_in_dim3A_132, %lt3A_135 : vector<16xi32>
    %jit3A_137 = arith.constant 0 : i32
    %broadcast_in_dim3A_138 = vector.broadcast %jit3A_137 : i32 to vector<16xi32>
    %select_n3A_139 = arith.select %lt3A_136, %get3A_129, %broadcast_in_dim3A_138 : vector<16xi1>, vector<16xi32>
    %add3A_140 = arith.addi %add3A_115, %select_n3A_139 : vector<16xi32>
    %mul3A_141 = arith.constant 2 : i32
    %mul3A_142 = arith.muli %mul3A_141, %arg1 : i32
    %add3A_143 = arith.constant 1 : i32
    %add3A_144 = arith.addi %mul3A_142, %add3A_143 : i32
    %lt3A_145 = vector.broadcast %add3A_144 : i32 to vector<16xi32>
    %lt3A_146 = arith.cmpi slt, %broadcast_in_dim3A_132, %lt3A_145 : vector<16xi32>
    %jit3A_147 = arith.constant 0 : i32
    %broadcast_in_dim3A_148 = vector.broadcast %jit3A_147 : i32 to vector<16xi32>
    %select_n3A_149 = arith.select %lt3A_146, %get3A_129, %broadcast_in_dim3A_148 : vector<16xi1>, vector<16xi32>
    %add3A_150 = arith.addi %add3A_125, %select_n3A_149 : vector<16xi32>
    %get3A_151 = arith.constant 6 : i32
    %get3A_152 = arith.index_cast %get3A_151 : i32 to index
    %get3A_153 = arith.constant 0 : index
    %get3A_154 = tpu.vector_load %arg13[%get3A_152, %get3A_153] {strides = array<i32>} : memref<32x64xi32, #tpu.memory_space<vmem>>, vector<16xi32>,
    %add3A_155 = arith.addi %add3A_130, %get3A_154 : vector<16xi32>
    %broadcast_in_dim3A_156 = arith.constant 6 : i32
    %broadcast_in_dim3A_157 = vector.broadcast %broadcast_in_dim3A_156 : i32 to vector<16xi32>
    %mul3A_158 = arith.constant 2 : i32
    %mul3A_159 = arith.muli %mul3A_158, %arg1 : i32
    %lt3A_160 = vector.broadcast %mul3A_159 : i32 to vector<16xi32>
    %lt3A_161 = arith.cmpi slt, %broadcast_in_dim3A_157, %lt3A_160 : vector<16xi32>
    %jit3A_162 = arith.constant 0 : i32
    %broadcast_in_dim3A_163 = vector.broadcast %jit3A_162 : i32 to vector<16xi32>
    %select_n3A_164 = arith.select %lt3A_161, %get3A_154, %broadcast_in_dim3A_163 : vector<16xi1>, vector<16xi32>
    %add3A_165 = arith.addi %add3A_140, %select_n3A_164 : vector<16xi32>
    %mul3A_166 = arith.constant 2 : i32
    %mul3A_167 = arith.muli %mul3A_166, %arg1 : i32
    %add3A_168 = arith.constant 1 : i32
    %add3A_169 = arith.addi %mul3A_167, %add3A_168 : i32
    %lt3A_170 = vector.broadcast %add3A_169 : i32 to vector<16xi32>
    %lt3A_171 = arith.cmpi slt, %broadcast_in_dim3A_157, %lt3A_170 : vector<16xi32>
    %jit3A_172 = arith.constant 0 : i32
    %broadcast_in_dim3A_173 = vector.broadcast %jit3A_172 : i32 to vector<16xi32>
    %select_n3A_174 = arith.select %lt3A_171, %get3A_154, %broadcast_in_dim3A_173 : vector<16xi1>, vector<16xi32>
    %add3A_175 = arith.addi %add3A_150, %select_n3A_174 : vector<16xi32>
    %get3A_176 = arith.constant 7 : i32
    %get3A_177 = arith.index_cast %get3A_176 : i32 to index
    %get3A_178 = arith.constant 0 : index
    %get3A_179 = tpu.vector_load %arg13[%get3A_177, %get3A_178] {strides = array<i32>} : memref<32x64xi32, #tpu.memory_space<vmem>>, vector<16xi32>,
    %add3A_180 = arith.addi %add3A_155, %get3A_179 : vector<16xi32>
    %broadcast_in_dim3A_181 = arith.constant 7 : i32
    %broadcast_in_dim3A_182 = vector.broadcast %broadcast_in_dim3A_181 : i32 to vector<16xi32>
    %mul3A_183 = arith.constant 2 : i32
    %mul3A_184 = arith.muli %mul3A_183, %arg1 : i32
    %lt3A_185 = vector.broadcast %mul3A_184 : i32 to vector<16xi32>
    %lt3A_186 = arith.cmpi slt, %broadcast_in_dim3A_182, %lt3A_185 : vector<16xi32>
    %jit3A_187 = arith.constant 0 : i32
    %broadcast_in_dim3A_188 = vector.broadcast %jit3A_187 : i32 to vector<16xi32>
    %select_n3A_189 = arith.select %lt3A_186, %get3A_179, %broadcast_in_dim3A_188 : vector<16xi1>, vector<16xi32>
    %add3A_190 = arith.addi %add3A_165, %select_n3A_189 : vector<16xi32>
    %mul3A_191 = arith.constant 2 : i32
    %mul3A_192 = arith.muli %mul3A_191, %arg1 : i32
    %add3A_193 = arith.constant 1 : i32
    %add3A_194 = arith.addi %mul3A_192, %add3A_193 : i32
    %lt3A_195 = vector.broadcast %add3A_194 : i32 to vector<16xi32>
    %lt3A_196 = arith.cmpi slt, %broadcast_in_dim3A_182, %lt3A_195 : vector<16xi32>
    %jit3A_197 = arith.constant 0 : i32
    %broadcast_in_dim3A_198 = vector.broadcast %jit3A_197 : i32 to vector<16xi32>
    %select_n3A_199 = arith.select %lt3A_196, %get3A_179, %broadcast_in_dim3A_198 : vector<16xi1>, vector<16xi32>
    %add3A_200 = arith.addi %add3A_175, %select_n3A_199 : vector<16xi32>
    %get3A_201 = arith.constant 8 : i32
    %get3A_202 = arith.index_cast %get3A_201 : i32 to index
    %get3A_203 = arith.constant 0 : index
    %get3A_204 = tpu.vector_load %arg13[%get3A_202, %get3A_203] {strides = array<i32>} : memref<32x64xi32, #tpu.memory_space<vmem>>, vector<16xi32>,
    %add3A_205 = arith.addi %add3A_180, %get3A_204 : vector<16xi32>
    %broadcast_in_dim3A_206 = arith.constant 8 : i32
    %broadcast_in_dim3A_207 = vector.broadcast %broadcast_in_dim3A_206 : i32 to vector<16xi32>
    %mul3A_208 = arith.constant 2 : i32
    %mul3A_209 = arith.muli %mul3A_208, %arg1 : i32
    %lt3A_210 = vector.broadcast %mul3A_209 : i32 to vector<16xi32>
    %lt3A_211 = arith.cmpi slt, %broadcast_in_dim3A_207, %lt3A_210 : vector<16xi32>
    %jit3A_212 = arith.constant 0 : i32
    %broadcast_in_dim3A_213 = vector.broadcast %jit3A_212 : i32 to vector<16xi32>
    %select_n3A_214 = arith.select %lt3A_211, %get3A_204, %broadcast_in_dim3A_213 : vector<16xi1>, vector<16xi32>
    %add3A_215 = arith.addi %add3A_190, %select_n3A_214 : vector<16xi32>
    %mul3A_216 = arith.constant 2 : i32
    %mul3A_217 = arith.muli %mul3A_216, %arg1 : i32
    %add3A_218 = arith.constant 1 : i32
    %add3A_219 = arith.addi %mul3A_217, %add3A_218 : i32
    %lt3A_220 = vector.broadcast %add3A_219 : i32 to vector<16xi32>
    %lt3A_221 = arith.cmpi slt, %broadcast_in_dim3A_207, %lt3A_220 : vector<16xi32>
    %jit3A_222 = arith.constant 0 : i32
    %broadcast_in_dim3A_223 = vector.broadcast %jit3A_222 : i32 to vector<16xi32>
    %select_n3A_224 = arith.select %lt3A_221, %get3A_204, %broadcast_in_dim3A_223 : vector<16xi1>, vector<16xi32>
    %add3A_225 = arith.addi %add3A_200, %select_n3A_224 : vector<16xi32>
    %get3A_226 = arith.constant 9 : i32
    %get3A_227 = arith.index_cast %get3A_226 : i32 to index
    %get3A_228 = arith.constant 0 : index
    %get3A_229 = tpu.vector_load %arg13[%get3A_227, %get3A_228] {strides = array<i32>} : memref<32x64xi32, #tpu.memory_space<vmem>>, vector<16xi32>,
    %add3A_230 = arith.addi %add3A_205, %get3A_229 : vector<16xi32>
    %broadcast_in_dim3A_231 = arith.constant 9 : i32
    %broadcast_in_dim3A_232 = vector.broadcast %broadcast_in_dim3A_231 : i32 to vector<16xi32>
    %mul3A_233 = arith.constant 2 : i32
    %mul3A_234 = arith.muli %mul3A_233, %arg1 : i32
    %lt3A_235 = vector.broadcast %mul3A_234 : i32 to vector<16xi32>
    %lt3A_236 = arith.cmpi slt, %broadcast_in_dim3A_232, %lt3A_235 : vector<16xi32>
    %jit3A_237 = arith.constant 0 : i32
    %broadcast_in_dim3A_238 = vector.broadcast %jit3A_237 : i32 to vector<16xi32>
    %select_n3A_239 = arith.select %lt3A_236, %get3A_229, %broadcast_in_dim3A_238 : vector<16xi1>, vector<16xi32>
    %add3A_240 = arith.addi %add3A_215, %select_n3A_239 : vector<16xi32>
    %mul3A_241 = arith.constant 2 : i32
    %mul3A_242 = arith.muli %mul3A_241, %arg1 : i32
    %add3A_243 = arith.constant 1 : i32
    %add3A_244 = arith.addi %mul3A_242, %add3A_243 : i32
    %lt3A_245 = vector.broadcast %add3A_244 : i32 to vector<16xi32>
    %lt3A_246 = arith.cmpi slt, %broadcast_in_dim3A_232, %lt3A_245 : vector<16xi32>
    %jit3A_247 = arith.constant 0 : i32
    %broadcast_in_dim3A_248 = vector.broadcast %jit3A_247 : i32 to vector<16xi32>
    %select_n3A_249 = arith.select %lt3A_246, %get3A_229, %broadcast_in_dim3A_248 : vector<16xi1>, vector<16xi32>
    %add3A_250 = arith.addi %add3A_225, %select_n3A_249 : vector<16xi32>
    %get3A_251 = arith.constant 10 : i32
    %get3A_252 = arith.index_cast %get3A_251 : i32 to index
    %get3A_253 = arith.constant 0 : index
    %get3A_254 = tpu.vector_load %arg13[%get3A_252, %get3A_253] {strides = array<i32>} : memref<32x64xi32, #tpu.memory_space<vmem>>, vector<16xi32>,
    %add3A_255 = arith.addi %add3A_230, %get3A_254 : vector<16xi32>
    %broadcast_in_dim3A_256 = arith.constant 10 : i32
    %broadcast_in_dim3A_257 = vector.broadcast %broadcast_in_dim3A_256 : i32 to vector<16xi32>
    %mul3A_258 = arith.constant 2 : i32
    %mul3A_259 = arith.muli %mul3A_258, %arg1 : i32
    %lt3A_260 = vector.broadcast %mul3A_259 : i32 to vector<16xi32>
    %lt3A_261 = arith.cmpi slt, %broadcast_in_dim3A_257, %lt3A_260 : vector<16xi32>
    %jit3A_262 = arith.constant 0 : i32
    %broadcast_in_dim3A_263 = vector.broadcast %jit3A_262 : i32 to vector<16xi32>
    %select_n3A_264 = arith.select %lt3A_261, %get3A_254, %broadcast_in_dim3A_263 : vector<16xi1>, vector<16xi32>
    %add3A_265 = arith.addi %add3A_240, %select_n3A_264 : vector<16xi32>
    %mul3A_266 = arith.constant 2 : i32
    %mul3A_267 = arith.muli %mul3A_266, %arg1 : i32
    %add3A_268 = arith.constant 1 : i32
    %add3A_269 = arith.addi %mul3A_267, %add3A_268 : i32
    %lt3A_270 = vector.broadcast %add3A_269 : i32 to vector<16xi32>
    %lt3A_271 = arith.cmpi slt, %broadcast_in_dim3A_257, %lt3A_270 : vector<16xi32>
    %jit3A_272 = arith.constant 0 : i32
    %broadcast_in_dim3A_273 = vector.broadcast %jit3A_272 : i32 to vector<16xi32>
    %select_n3A_274 = arith.select %lt3A_271, %get3A_254, %broadcast_in_dim3A_273 : vector<16xi1>, vector<16xi32>
    %add3A_275 = arith.addi %add3A_250, %select_n3A_274 : vector<16xi32>
    %get3A_276 = arith.constant 11 : i32
    %get3A_277 = arith.index_cast %get3A_276 : i32 to index
    %get3A_278 = arith.constant 0 : index
    %get3A_279 = tpu.vector_load %arg13[%get3A_277, %get3A_278] {strides = array<i32>} : memref<32x64xi32, #tpu.memory_space<vmem>>, vector<16xi32>,
    %add3A_280 = arith.addi %add3A_255, %get3A_279 : vector<16xi32>
    %broadcast_in_dim3A_281 = arith.constant 11 : i32
    %broadcast_in_dim3A_282 = vector.broadcast %broadcast_in_dim3A_281 : i32 to vector<16xi32>
    %mul3A_283 = arith.constant 2 : i32
    %mul3A_284 = arith.muli %mul3A_283, %arg1 : i32
    %lt3A_285 = vector.broadcast %mul3A_284 : i32 to vector<16xi32>
    %lt3A_286 = arith.cmpi slt, %broadcast_in_dim3A_282, %lt3A_285 : vector<16xi32>
    %jit3A_287 = arith.constant 0 : i32
    %broadcast_in_dim3A_288 = vector.broadcast %jit3A_287 : i32 to vector<16xi32>
    %select_n3A_289 = arith.select %lt3A_286, %get3A_279, %broadcast_in_dim3A_288 : vector<16xi1>, vector<16xi32>
    %add3A_290 = arith.addi %add3A_265, %select_n3A_289 : vector<16xi32>
    %mul3A_291 = arith.constant 2 : i32
    %mul3A_292 = arith.muli %mul3A_291, %arg1 : i32
    %add3A_293 = arith.constant 1 : i32
    %add3A_294 = arith.addi %mul3A_292, %add3A_293 : i32
    %lt3A_295 = vector.broadcast %add3A_294 : i32 to vector<16xi32>
    %lt3A_296 = arith.cmpi slt, %broadcast_in_dim3A_282, %lt3A_295 : vector<16xi32>
    %jit3A_297 = arith.constant 0 : i32
    %broadcast_in_dim3A_298 = vector.broadcast %jit3A_297 : i32 to vector<16xi32>
    %select_n3A_299 = arith.select %lt3A_296, %get3A_279, %broadcast_in_dim3A_298 : vector<16xi1>, vector<16xi32>
    %add3A_300 = arith.addi %add3A_275, %select_n3A_299 : vector<16xi32>
    %get3A_301 = arith.constant 12 : i32
    %get3A_302 = arith.index_cast %get3A_301 : i32 to index
    %get3A_303 = arith.constant 0 : index
    %get3A_304 = tpu.vector_load %arg13[%get3A_302, %get3A_303] {strides = array<i32>} : memref<32x64xi32, #tpu.memory_space<vmem>>, vector<16xi32>,
    %add3A_305 = arith.addi %add3A_280, %get3A_304 : vector<16xi32>
    %broadcast_in_dim3A_306 = arith.constant 12 : i32
    %broadcast_in_dim3A_307 = vector.broadcast %broadcast_in_dim3A_306 : i32 to vector<16xi32>
    %mul3A_308 = arith.constant 2 : i32
    %mul3A_309 = arith.muli %mul3A_308, %arg1 : i32
    %lt3A_310 = vector.broadcast %mul3A_309 : i32 to vector<16xi32>
    %lt3A_311 = arith.cmpi slt, %broadcast_in_dim3A_307, %lt3A_310 : vector<16xi32>
    %jit3A_312 = arith.constant 0 : i32
    %broadcast_in_dim3A_313 = vector.broadcast %jit3A_312 : i32 to vector<16xi32>
    %select_n3A_314 = arith.select %lt3A_311, %get3A_304, %broadcast_in_dim3A_313 : vector<16xi1>, vector<16xi32>
    %add3A_315 = arith.addi %add3A_290, %select_n3A_314 : vector<16xi32>
    %mul3A_316 = arith.constant 2 : i32
    %mul3A_317 = arith.muli %mul3A_316, %arg1 : i32
    %add3A_318 = arith.constant 1 : i32
    %add3A_319 = arith.addi %mul3A_317, %add3A_318 : i32
    %lt3A_320 = vector.broadcast %add3A_319 : i32 to vector<16xi32>
    %lt3A_321 = arith.cmpi slt, %broadcast_in_dim3A_307, %lt3A_320 : vector<16xi32>
    %jit3A_322 = arith.constant 0 : i32
    %broadcast_in_dim3A_323 = vector.broadcast %jit3A_322 : i32 to vector<16xi32>
    %select_n3A_324 = arith.select %lt3A_321, %get3A_304, %broadcast_in_dim3A_323 : vector<16xi1>, vector<16xi32>
    %add3A_325 = arith.addi %add3A_300, %select_n3A_324 : vector<16xi32>
    %get3A_326 = arith.constant 13 : i32
    %get3A_327 = arith.index_cast %get3A_326 : i32 to index
    %get3A_328 = arith.constant 0 : index
    %get3A_329 = tpu.vector_load %arg13[%get3A_327, %get3A_328] {strides = array<i32>} : memref<32x64xi32, #tpu.memory_space<vmem>>, vector<16xi32>,
    %add3A_330 = arith.addi %add3A_305, %get3A_329 : vector<16xi32>
    %broadcast_in_dim3A_331 = arith.constant 13 : i32
    %broadcast_in_dim3A_332 = vector.broadcast %broadcast_in_dim3A_331 : i32 to vector<16xi32>
    %mul3A_333 = arith.constant 2 : i32
    %mul3A_334 = arith.muli %mul3A_333, %arg1 : i32
    %lt3A_335 = vector.broadcast %mul3A_334 : i32 to vector<16xi32>
    %lt3A_336 = arith.cmpi slt, %broadcast_in_dim3A_332, %lt3A_335 : vector<16xi32>
    %jit3A_337 = arith.constant 0 : i32
    %broadcast_in_dim3A_338 = vector.broadcast %jit3A_337 : i32 to vector<16xi32>
    %select_n3A_339 = arith.select %lt3A_336, %get3A_329, %broadcast_in_dim3A_338 : vector<16xi1>, vector<16xi32>
    %add3A_340 = arith.addi %add3A_315, %select_n3A_339 : vector<16xi32>
    %mul3A_341 = arith.constant 2 : i32
    %mul3A_342 = arith.muli %mul3A_341, %arg1 : i32
    %add3A_343 = arith.constant 1 : i32
    %add3A_344 = arith.addi %mul3A_342, %add3A_343 : i32
    %lt3A_345 = vector.broadcast %add3A_344 : i32 to vector<16xi32>
    %lt3A_346 = arith.cmpi slt, %broadcast_in_dim3A_332, %lt3A_345 : vector<16xi32>
    %jit3A_347 = arith.constant 0 : i32
    %broadcast_in_dim3A_348 = vector.broadcast %jit3A_347 : i32 to vector<16xi32>
    %select_n3A_349 = arith.select %lt3A_346, %get3A_329, %broadcast_in_dim3A_348 : vector<16xi1>, vector<16xi32>
    %add3A_350 = arith.addi %add3A_325, %select_n3A_349 : vector<16xi32>
    %get3A_351 = arith.constant 14 : i32
    %get3A_352 = arith.index_cast %get3A_351 : i32 to index
    %get3A_353 = arith.constant 0 : index
    %get3A_354 = tpu.vector_load %arg13[%get3A_352, %get3A_353] {strides = array<i32>} : memref<32x64xi32, #tpu.memory_space<vmem>>, vector<16xi32>,
    %add3A_355 = arith.addi %add3A_330, %get3A_354 : vector<16xi32>
    %broadcast_in_dim3A_356 = arith.constant 14 : i32
    %broadcast_in_dim3A_357 = vector.broadcast %broadcast_in_dim3A_356 : i32 to vector<16xi32>
    %mul3A_358 = arith.constant 2 : i32
    %mul3A_359 = arith.muli %mul3A_358, %arg1 : i32
    %lt3A_360 = vector.broadcast %mul3A_359 : i32 to vector<16xi32>
    %lt3A_361 = arith.cmpi slt, %broadcast_in_dim3A_357, %lt3A_360 : vector<16xi32>
    %jit3A_362 = arith.constant 0 : i32
    %broadcast_in_dim3A_363 = vector.broadcast %jit3A_362 : i32 to vector<16xi32>
    %select_n3A_364 = arith.select %lt3A_361, %get3A_354, %broadcast_in_dim3A_363 : vector<16xi1>, vector<16xi32>
    %add3A_365 = arith.addi %add3A_340, %select_n3A_364 : vector<16xi32>
    %mul3A_366 = arith.constant 2 : i32
    %mul3A_367 = arith.muli %mul3A_366, %arg1 : i32
    %add3A_368 = arith.constant 1 : i32
    %add3A_369 = arith.addi %mul3A_367, %add3A_368 : i32
    %lt3A_370 = vector.broadcast %add3A_369 : i32 to vector<16xi32>
    %lt3A_371 = arith.cmpi slt, %broadcast_in_dim3A_357, %lt3A_370 : vector<16xi32>
    %jit3A_372 = arith.constant 0 : i32
    %broadcast_in_dim3A_373 = vector.broadcast %jit3A_372 : i32 to vector<16xi32>
    %select_n3A_374 = arith.select %lt3A_371, %get3A_354, %broadcast_in_dim3A_373 : vector<16xi1>, vector<16xi32>
    %add3A_375 = arith.addi %add3A_350, %select_n3A_374 : vector<16xi32>
    %get3A_376 = arith.constant 15 : i32
    %get3A_377 = arith.index_cast %get3A_376 : i32 to index
    %get3A_378 = arith.constant 0 : index
    %get3A_379 = tpu.vector_load %arg13[%get3A_377, %get3A_378] {strides = array<i32>} : memref<32x64xi32, #tpu.memory_space<vmem>>, vector<16xi32>,
    %add3A_380 = arith.addi %add3A_355, %get3A_379 : vector<16xi32>
    %broadcast_in_dim3A_381 = arith.constant 15 : i32
    %broadcast_in_dim3A_382 = vector.broadcast %broadcast_in_dim3A_381 : i32 to vector<16xi32>
    %mul3A_383 = arith.constant 2 : i32
    %mul3A_384 = arith.muli %mul3A_383, %arg1 : i32
    %lt3A_385 = vector.broadcast %mul3A_384 : i32 to vector<16xi32>
    %lt3A_386 = arith.cmpi slt, %broadcast_in_dim3A_382, %lt3A_385 : vector<16xi32>
    %jit3A_387 = arith.constant 0 : i32
    %broadcast_in_dim3A_388 = vector.broadcast %jit3A_387 : i32 to vector<16xi32>
    %select_n3A_389 = arith.select %lt3A_386, %get3A_379, %broadcast_in_dim3A_388 : vector<16xi1>, vector<16xi32>
    %add3A_390 = arith.addi %add3A_365, %select_n3A_389 : vector<16xi32>
    %mul3A_391 = arith.constant 2 : i32
    %mul3A_392 = arith.muli %mul3A_391, %arg1 : i32
    %add3A_393 = arith.constant 1 : i32
    %add3A_394 = arith.addi %mul3A_392, %add3A_393 : i32
    %lt3A_395 = vector.broadcast %add3A_394 : i32 to vector<16xi32>
    %lt3A_396 = arith.cmpi slt, %broadcast_in_dim3A_382, %lt3A_395 : vector<16xi32>
    %jit3A_397 = arith.constant 0 : i32
    %broadcast_in_dim3A_398 = vector.broadcast %jit3A_397 : i32 to vector<16xi32>
    %select_n3A_399 = arith.select %lt3A_396, %get3A_379, %broadcast_in_dim3A_398 : vector<16xi1>, vector<16xi32>
    %add3A_400 = arith.addi %add3A_375, %select_n3A_399 : vector<16xi32>
    %get3A_401 = arith.constant 16 : i32
    %get3A_402 = arith.index_cast %get3A_401 : i32 to index
    %get3A_403 = arith.constant 0 : index
    %get3A_404 = tpu.vector_load %arg13[%get3A_402, %get3A_403] {strides = array<i32>} : memref<32x64xi32, #tpu.memory_space<vmem>>, vector<16xi32>,
    %add3A_405 = arith.addi %add3A_380, %get3A_404 : vector<16xi32>
    %broadcast_in_dim3A_406 = arith.constant 16 : i32
    %broadcast_in_dim3A_407 = vector.broadcast %broadcast_in_dim3A_406 : i32 to vector<16xi32>
    %mul3A_408 = arith.constant 2 : i32
    %mul3A_409 = arith.muli %mul3A_408, %arg1 : i32
    %lt3A_410 = vector.broadcast %mul3A_409 : i32 to vector<16xi32>
    %lt3A_411 = arith.cmpi slt, %broadcast_in_dim3A_407, %lt3A_410 : vector<16xi32>
    %jit3A_412 = arith.constant 0 : i32
    %broadcast_in_dim3A_413 = vector.broadcast %jit3A_412 : i32 to vector<16xi32>
    %select_n3A_414 = arith.select %lt3A_411, %get3A_404, %broadcast_in_dim3A_413 : vector<16xi1>, vector<16xi32>
    %add3A_415 = arith.addi %add3A_390, %select_n3A_414 : vector<16xi32>
    %mul3A_416 = arith.constant 2 : i32
    %mul3A_417 = arith.muli %mul3A_416, %arg1 : i32
    %add3A_418 = arith.constant 1 : i32
    %add3A_419 = arith.addi %mul3A_417, %add3A_418 : i32
    %lt3A_420 = vector.broadcast %add3A_419 : i32 to vector<16xi32>
    %lt3A_421 = arith.cmpi slt, %broadcast_in_dim3A_407, %lt3A_420 : vector<16xi32>
    %jit3A_422 = arith.constant 0 : i32
    %broadcast_in_dim3A_423 = vector.broadcast %jit3A_422 : i32 to vector<16xi32>
    %select_n3A_424 = arith.select %lt3A_421, %get3A_404, %broadcast_in_dim3A_423 : vector<16xi1>, vector<16xi32>
    %add3A_425 = arith.addi %add3A_400, %select_n3A_424 : vector<16xi32>
    %get3A_426 = arith.constant 17 : i32
    %get3A_427 = arith.index_cast %get3A_426 : i32 to index
    %get3A_428 = arith.constant 0 : index
    %get3A_429 = tpu.vector_load %arg13[%get3A_427, %get3A_428] {strides = array<i32>} : memref<32x64xi32, #tpu.memory_space<vmem>>, vector<16xi32>,
    %add3A_430 = arith.addi %add3A_405, %get3A_429 : vector<16xi32>
    %broadcast_in_dim3A_431 = arith.constant 17 : i32
    %broadcast_in_dim3A_432 = vector.broadcast %broadcast_in_dim3A_431 : i32 to vector<16xi32>
    %mul3A_433 = arith.constant 2 : i32
    %mul3A_434 = arith.muli %mul3A_433, %arg1 : i32
    %lt3A_435 = vector.broadcast %mul3A_434 : i32 to vector<16xi32>
    %lt3A_436 = arith.cmpi slt, %broadcast_in_dim3A_432, %lt3A_435 : vector<16xi32>
    %jit3A_437 = arith.constant 0 : i32
    %broadcast_in_dim3A_438 = vector.broadcast %jit3A_437 : i32 to vector<16xi32>
    %select_n3A_439 = arith.select %lt3A_436, %get3A_429, %broadcast_in_dim3A_438 : vector<16xi1>, vector<16xi32>
    %add3A_440 = arith.addi %add3A_415, %select_n3A_439 : vector<16xi32>
    %mul3A_441 = arith.constant 2 : i32
    %mul3A_442 = arith.muli %mul3A_441, %arg1 : i32
    %add3A_443 = arith.constant 1 : i32
    %add3A_444 = arith.addi %mul3A_442, %add3A_443 : i32
    %lt3A_445 = vector.broadcast %add3A_444 : i32 to vector<16xi32>
    %lt3A_446 = arith.cmpi slt, %broadcast_in_dim3A_432, %lt3A_445 : vector<16xi32>
    %jit3A_447 = arith.constant 0 : i32
    %broadcast_in_dim3A_448 = vector.broadcast %jit3A_447 : i32 to vector<16xi32>
    %select_n3A_449 = arith.select %lt3A_446, %get3A_429, %broadcast_in_dim3A_448 : vector<16xi1>, vector<16xi32>
    %add3A_450 = arith.addi %add3A_425, %select_n3A_449 : vector<16xi32>
    %get3A_451 = arith.constant 18 : i32
    %get3A_452 = arith.index_cast %get3A_451 : i32 to index
    %get3A_453 = arith.constant 0 : index
    %get3A_454 = tpu.vector_load %arg13[%get3A_452, %get3A_453] {strides = array<i32>} : memref<32x64xi32, #tpu.memory_space<vmem>>, vector<16xi32>,
    %add3A_455 = arith.addi %add3A_430, %get3A_454 : vector<16xi32>
    %broadcast_in_dim3A_456 = arith.constant 18 : i32
    %broadcast_in_dim3A_457 = vector.broadcast %broadcast_in_dim3A_456 : i32 to vector<16xi32>
    %mul3A_458 = arith.constant 2 : i32
    %mul3A_459 = arith.muli %mul3A_458, %arg1 : i32
    %lt3A_460 = vector.broadcast %mul3A_459 : i32 to vector<16xi32>
    %lt3A_461 = arith.cmpi slt, %broadcast_in_dim3A_457, %lt3A_460 : vector<16xi32>
    %jit3A_462 = arith.constant 0 : i32
    %broadcast_in_dim3A_463 = vector.broadcast %jit3A_462 : i32 to vector<16xi32>
    %select_n3A_464 = arith.select %lt3A_461, %get3A_454, %broadcast_in_dim3A_463 : vector<16xi1>, vector<16xi32>
    %add3A_465 = arith.addi %add3A_440, %select_n3A_464 : vector<16xi32>
    %mul3A_466 = arith.constant 2 : i32
    %mul3A_467 = arith.muli %mul3A_466, %arg1 : i32
    %add3A_468 = arith.constant 1 : i32
    %add3A_469 = arith.addi %mul3A_467, %add3A_468 : i32
    %lt3A_470 = vector.broadcast %add3A_469 : i32 to vector<16xi32>
    %lt3A_471 = arith.cmpi slt, %broadcast_in_dim3A_457, %lt3A_470 : vector<16xi32>
    %jit3A_472 = arith.constant 0 : i32
    %broadcast_in_dim3A_473 = vector.broadcast %jit3A_472 : i32 to vector<16xi32>
    %select_n3A_474 = arith.select %lt3A_471, %get3A_454, %broadcast_in_dim3A_473 : vector<16xi1>, vector<16xi32>
    %add3A_475 = arith.addi %add3A_450, %select_n3A_474 : vector<16xi32>
    %get3A_476 = arith.constant 19 : i32
    %get3A_477 = arith.index_cast %get3A_476 : i32 to index
    %get3A_478 = arith.constant 0 : index
    %get3A_479 = tpu.vector_load %arg13[%get3A_477, %get3A_478] {strides = array<i32>} : memref<32x64xi32, #tpu.memory_space<vmem>>, vector<16xi32>,
    %add3A_480 = arith.addi %add3A_455, %get3A_479 : vector<16xi32>
    %broadcast_in_dim3A_481 = arith.constant 19 : i32
    %broadcast_in_dim3A_482 = vector.broadcast %broadcast_in_dim3A_481 : i32 to vector<16xi32>
    %mul3A_483 = arith.constant 2 : i32
    %mul3A_484 = arith.muli %mul3A_483, %arg1 : i32
    %lt3A_485 = vector.broadcast %mul3A_484 : i32 to vector<16xi32>
    %lt3A_486 = arith.cmpi slt, %broadcast_in_dim3A_482, %lt3A_485 : vector<16xi32>
    %jit3A_487 = arith.constant 0 : i32
    %broadcast_in_dim3A_488 = vector.broadcast %jit3A_487 : i32 to vector<16xi32>
    %select_n3A_489 = arith.select %lt3A_486, %get3A_479, %broadcast_in_dim3A_488 : vector<16xi1>, vector<16xi32>
    %add3A_490 = arith.addi %add3A_465, %select_n3A_489 : vector<16xi32>
    %mul3A_491 = arith.constant 2 : i32
    %mul3A_492 = arith.muli %mul3A_491, %arg1 : i32
    %add3A_493 = arith.constant 1 : i32
    %add3A_494 = arith.addi %mul3A_492, %add3A_493 : i32
    %lt3A_495 = vector.broadcast %add3A_494 : i32 to vector<16xi32>
    %lt3A_496 = arith.cmpi slt, %broadcast_in_dim3A_482, %lt3A_495 : vector<16xi32>
    %jit3A_497 = arith.constant 0 : i32
    %broadcast_in_dim3A_498 = vector.broadcast %jit3A_497 : i32 to vector<16xi32>
    %select_n3A_499 = arith.select %lt3A_496, %get3A_479, %broadcast_in_dim3A_498 : vector<16xi1>, vector<16xi32>
    %add3A_500 = arith.addi %add3A_475, %select_n3A_499 : vector<16xi32>
    %get3A_501 = arith.constant 20 : i32
    %get3A_502 = arith.index_cast %get3A_501 : i32 to index
    %get3A_503 = arith.constant 0 : index
    %get3A_504 = tpu.vector_load %arg13[%get3A_502, %get3A_503] {strides = array<i32>} : memref<32x64xi32, #tpu.memory_space<vmem>>, vector<16xi32>,
    %add3A_505 = arith.addi %add3A_480, %get3A_504 : vector<16xi32>
    %broadcast_in_dim3A_506 = arith.constant 20 : i32
    %broadcast_in_dim3A_507 = vector.broadcast %broadcast_in_dim3A_506 : i32 to vector<16xi32>
    %mul3A_508 = arith.constant 2 : i32
    %mul3A_509 = arith.muli %mul3A_508, %arg1 : i32
    %lt3A_510 = vector.broadcast %mul3A_509 : i32 to vector<16xi32>
    %lt3A_511 = arith.cmpi slt, %broadcast_in_dim3A_507, %lt3A_510 : vector<16xi32>
    %jit3A_512 = arith.constant 0 : i32
    %broadcast_in_dim3A_513 = vector.broadcast %jit3A_512 : i32 to vector<16xi32>
    %select_n3A_514 = arith.select %lt3A_511, %get3A_504, %broadcast_in_dim3A_513 : vector<16xi1>, vector<16xi32>
    %add3A_515 = arith.addi %add3A_490, %select_n3A_514 : vector<16xi32>
    %mul3A_516 = arith.constant 2 : i32
    %mul3A_517 = arith.muli %mul3A_516, %arg1 : i32
    %add3A_518 = arith.constant 1 : i32
    %add3A_519 = arith.addi %mul3A_517, %add3A_518 : i32
    %lt3A_520 = vector.broadcast %add3A_519 : i32 to vector<16xi32>
    %lt3A_521 = arith.cmpi slt, %broadcast_in_dim3A_507, %lt3A_520 : vector<16xi32>
    %jit3A_522 = arith.constant 0 : i32
    %broadcast_in_dim3A_523 = vector.broadcast %jit3A_522 : i32 to vector<16xi32>
    %select_n3A_524 = arith.select %lt3A_521, %get3A_504, %broadcast_in_dim3A_523 : vector<16xi1>, vector<16xi32>
    %add3A_525 = arith.addi %add3A_500, %select_n3A_524 : vector<16xi32>
    %get3A_526 = arith.constant 21 : i32
    %get3A_527 = arith.index_cast %get3A_526 : i32 to index
    %get3A_528 = arith.constant 0 : index
    %get3A_529 = tpu.vector_load %arg13[%get3A_527, %get3A_528] {strides = array<i32>} : memref<32x64xi32, #tpu.memory_space<vmem>>, vector<16xi32>,
    %add3A_530 = arith.addi %add3A_505, %get3A_529 : vector<16xi32>
    %broadcast_in_dim3A_531 = arith.constant 21 : i32
    %broadcast_in_dim3A_532 = vector.broadcast %broadcast_in_dim3A_531 : i32 to vector<16xi32>
    %mul3A_533 = arith.constant 2 : i32
    %mul3A_534 = arith.muli %mul3A_533, %arg1 : i32
    %lt3A_535 = vector.broadcast %mul3A_534 : i32 to vector<16xi32>
    %lt3A_536 = arith.cmpi slt, %broadcast_in_dim3A_532, %lt3A_535 : vector<16xi32>
    %jit3A_537 = arith.constant 0 : i32
    %broadcast_in_dim3A_538 = vector.broadcast %jit3A_537 : i32 to vector<16xi32>
    %select_n3A_539 = arith.select %lt3A_536, %get3A_529, %broadcast_in_dim3A_538 : vector<16xi1>, vector<16xi32>
    %add3A_540 = arith.addi %add3A_515, %select_n3A_539 : vector<16xi32>
    %mul3A_541 = arith.constant 2 : i32
    %mul3A_542 = arith.muli %mul3A_541, %arg1 : i32
    %add3A_543 = arith.constant 1 : i32
    %add3A_544 = arith.addi %mul3A_542, %add3A_543 : i32
    %lt3A_545 = vector.broadcast %add3A_544 : i32 to vector<16xi32>
    %lt3A_546 = arith.cmpi slt, %broadcast_in_dim3A_532, %lt3A_545 : vector<16xi32>
    %jit3A_547 = arith.constant 0 : i32
    %broadcast_in_dim3A_548 = vector.broadcast %jit3A_547 : i32 to vector<16xi32>
    %select_n3A_549 = arith.select %lt3A_546, %get3A_529, %broadcast_in_dim3A_548 : vector<16xi1>, vector<16xi32>
    %add3A_550 = arith.addi %add3A_525, %select_n3A_549 : vector<16xi32>
    %get3A_551 = arith.constant 22 : i32
    %get3A_552 = arith.index_cast %get3A_551 : i32 to index
    %get3A_553 = arith.constant 0 : index
    %get3A_554 = tpu.vector_load %arg13[%get3A_552, %get3A_553] {strides = array<i32>} : memref<32x64xi32, #tpu.memory_space<vmem>>, vector<16xi32>,
    %add3A_555 = arith.addi %add3A_530, %get3A_554 : vector<16xi32>
    %broadcast_in_dim3A_556 = arith.constant 22 : i32
    %broadcast_in_dim3A_557 = vector.broadcast %broadcast_in_dim3A_556 : i32 to vector<16xi32>
    %mul3A_558 = arith.constant 2 : i32
    %mul3A_559 = arith.muli %mul3A_558, %arg1 : i32
    %lt3A_560 = vector.broadcast %mul3A_559 : i32 to vector<16xi32>
    %lt3A_561 = arith.cmpi slt, %broadcast_in_dim3A_557, %lt3A_560 : vector<16xi32>
    %jit3A_562 = arith.constant 0 : i32
    %broadcast_in_dim3A_563 = vector.broadcast %jit3A_562 : i32 to vector<16xi32>
    %select_n3A_564 = arith.select %lt3A_561, %get3A_554, %broadcast_in_dim3A_563 : vector<16xi1>, vector<16xi32>
    %add3A_565 = arith.addi %add3A_540, %select_n3A_564 : vector<16xi32>
    %mul3A_566 = arith.constant 2 : i32
    %mul3A_567 = arith.muli %mul3A_566, %arg1 : i32
    %add3A_568 = arith.constant 1 : i32
    %add3A_569 = arith.addi %mul3A_567, %add3A_568 : i32
    %lt3A_570 = vector.broadcast %add3A_569 : i32 to vector<16xi32>
    %lt3A_571 = arith.cmpi slt, %broadcast_in_dim3A_557, %lt3A_570 : vector<16xi32>
    %jit3A_572 = arith.constant 0 : i32
    %broadcast_in_dim3A_573 = vector.broadcast %jit3A_572 : i32 to vector<16xi32>
    %select_n3A_574 = arith.select %lt3A_571, %get3A_554, %broadcast_in_dim3A_573 : vector<16xi1>, vector<16xi32>
    %add3A_575 = arith.addi %add3A_550, %select_n3A_574 : vector<16xi32>
    %get3A_576 = arith.constant 23 : i32
    %get3A_577 = arith.index_cast %get3A_576 : i32 to index
    %get3A_578 = arith.constant 0 : index
    %get3A_579 = tpu.vector_load %arg13[%get3A_577, %get3A_578] {strides = array<i32>} : memref<32x64xi32, #tpu.memory_space<vmem>>, vector<16xi32>,
    %add3A_580 = arith.addi %add3A_555, %get3A_579 : vector<16xi32>
    %broadcast_in_dim3A_581 = arith.constant 23 : i32
    %broadcast_in_dim3A_582 = vector.broadcast %broadcast_in_dim3A_581 : i32 to vector<16xi32>
    %mul3A_583 = arith.constant 2 : i32
    %mul3A_584 = arith.muli %mul3A_583, %arg1 : i32
    %lt3A_585 = vector.broadcast %mul3A_584 : i32 to vector<16xi32>
    %lt3A_586 = arith.cmpi slt, %broadcast_in_dim3A_582, %lt3A_585 : vector<16xi32>
    %jit3A_587 = arith.constant 0 : i32
    %broadcast_in_dim3A_588 = vector.broadcast %jit3A_587 : i32 to vector<16xi32>
    %select_n3A_589 = arith.select %lt3A_586, %get3A_579, %broadcast_in_dim3A_588 : vector<16xi1>, vector<16xi32>
    %add3A_590 = arith.addi %add3A_565, %select_n3A_589 : vector<16xi32>
    %mul3A_591 = arith.constant 2 : i32
    %mul3A_592 = arith.muli %mul3A_591, %arg1 : i32
    %add3A_593 = arith.constant 1 : i32
    %add3A_594 = arith.addi %mul3A_592, %add3A_593 : i32
    %lt3A_595 = vector.broadcast %add3A_594 : i32 to vector<16xi32>
    %lt3A_596 = arith.cmpi slt, %broadcast_in_dim3A_582, %lt3A_595 : vector<16xi32>
    %jit3A_597 = arith.constant 0 : i32
    %broadcast_in_dim3A_598 = vector.broadcast %jit3A_597 : i32 to vector<16xi32>
    %select_n3A_599 = arith.select %lt3A_596, %get3A_579, %broadcast_in_dim3A_598 : vector<16xi1>, vector<16xi32>
    %add3A_600 = arith.addi %add3A_575, %select_n3A_599 : vector<16xi32>
    %get3A_601 = arith.constant 24 : i32
    %get3A_602 = arith.index_cast %get3A_601 : i32 to index
    %get3A_603 = arith.constant 0 : index
    %get3A_604 = tpu.vector_load %arg13[%get3A_602, %get3A_603] {strides = array<i32>} : memref<32x64xi32, #tpu.memory_space<vmem>>, vector<16xi32>,
    %add3A_605 = arith.addi %add3A_580, %get3A_604 : vector<16xi32>
    %broadcast_in_dim3A_606 = arith.constant 24 : i32
    %broadcast_in_dim3A_607 = vector.broadcast %broadcast_in_dim3A_606 : i32 to vector<16xi32>
    %mul3A_608 = arith.constant 2 : i32
    %mul3A_609 = arith.muli %mul3A_608, %arg1 : i32
    %lt3A_610 = vector.broadcast %mul3A_609 : i32 to vector<16xi32>
    %lt3A_611 = arith.cmpi slt, %broadcast_in_dim3A_607, %lt3A_610 : vector<16xi32>
    %jit3A_612 = arith.constant 0 : i32
    %broadcast_in_dim3A_613 = vector.broadcast %jit3A_612 : i32 to vector<16xi32>
    %select_n3A_614 = arith.select %lt3A_611, %get3A_604, %broadcast_in_dim3A_613 : vector<16xi1>, vector<16xi32>
    %add3A_615 = arith.addi %add3A_590, %select_n3A_614 : vector<16xi32>
    %mul3A_616 = arith.constant 2 : i32
    %mul3A_617 = arith.muli %mul3A_616, %arg1 : i32
    %add3A_618 = arith.constant 1 : i32
    %add3A_619 = arith.addi %mul3A_617, %add3A_618 : i32
    %lt3A_620 = vector.broadcast %add3A_619 : i32 to vector<16xi32>
    %lt3A_621 = arith.cmpi slt, %broadcast_in_dim3A_607, %lt3A_620 : vector<16xi32>
    %jit3A_622 = arith.constant 0 : i32
    %broadcast_in_dim3A_623 = vector.broadcast %jit3A_622 : i32 to vector<16xi32>
    %select_n3A_624 = arith.select %lt3A_621, %get3A_604, %broadcast_in_dim3A_623 : vector<16xi1>, vector<16xi32>
    %add3A_625 = arith.addi %add3A_600, %select_n3A_624 : vector<16xi32>
    %get3A_626 = arith.constant 25 : i32
    %get3A_627 = arith.index_cast %get3A_626 : i32 to index
    %get3A_628 = arith.constant 0 : index
    %get3A_629 = tpu.vector_load %arg13[%get3A_627, %get3A_628] {strides = array<i32>} : memref<32x64xi32, #tpu.memory_space<vmem>>, vector<16xi32>,
    %add3A_630 = arith.addi %add3A_605, %get3A_629 : vector<16xi32>
    %broadcast_in_dim3A_631 = arith.constant 25 : i32
    %broadcast_in_dim3A_632 = vector.broadcast %broadcast_in_dim3A_631 : i32 to vector<16xi32>
    %mul3A_633 = arith.constant 2 : i32
    %mul3A_634 = arith.muli %mul3A_633, %arg1 : i32
    %lt3A_635 = vector.broadcast %mul3A_634 : i32 to vector<16xi32>
    %lt3A_636 = arith.cmpi slt, %broadcast_in_dim3A_632, %lt3A_635 : vector<16xi32>
    %jit3A_637 = arith.constant 0 : i32
    %broadcast_in_dim3A_638 = vector.broadcast %jit3A_637 : i32 to vector<16xi32>
    %select_n3A_639 = arith.select %lt3A_636, %get3A_629, %broadcast_in_dim3A_638 : vector<16xi1>, vector<16xi32>
    %add3A_640 = arith.addi %add3A_615, %select_n3A_639 : vector<16xi32>
    %mul3A_641 = arith.constant 2 : i32
    %mul3A_642 = arith.muli %mul3A_641, %arg1 : i32
    %add3A_643 = arith.constant 1 : i32
    %add3A_644 = arith.addi %mul3A_642, %add3A_643 : i32
    %lt3A_645 = vector.broadcast %add3A_644 : i32 to vector<16xi32>
    %lt3A_646 = arith.cmpi slt, %broadcast_in_dim3A_632, %lt3A_645 : vector<16xi32>
    %jit3A_647 = arith.constant 0 : i32
    %broadcast_in_dim3A_648 = vector.broadcast %jit3A_647 : i32 to vector<16xi32>
    %select_n3A_649 = arith.select %lt3A_646, %get3A_629, %broadcast_in_dim3A_648 : vector<16xi1>, vector<16xi32>
    %add3A_650 = arith.addi %add3A_625, %select_n3A_649 : vector<16xi32>
    %get3A_651 = arith.constant 26 : i32
    %get3A_652 = arith.index_cast %get3A_651 : i32 to index
    %get3A_653 = arith.constant 0 : index
    %get3A_654 = tpu.vector_load %arg13[%get3A_652, %get3A_653] {strides = array<i32>} : memref<32x64xi32, #tpu.memory_space<vmem>>, vector<16xi32>,
    %add3A_655 = arith.addi %add3A_630, %get3A_654 : vector<16xi32>
    %broadcast_in_dim3A_656 = arith.constant 26 : i32
    %broadcast_in_dim3A_657 = vector.broadcast %broadcast_in_dim3A_656 : i32 to vector<16xi32>
    %mul3A_658 = arith.constant 2 : i32
    %mul3A_659 = arith.muli %mul3A_658, %arg1 : i32
    %lt3A_660 = vector.broadcast %mul3A_659 : i32 to vector<16xi32>
    %lt3A_661 = arith.cmpi slt, %broadcast_in_dim3A_657, %lt3A_660 : vector<16xi32>
    %jit3A_662 = arith.constant 0 : i32
    %broadcast_in_dim3A_663 = vector.broadcast %jit3A_662 : i32 to vector<16xi32>
    %select_n3A_664 = arith.select %lt3A_661, %get3A_654, %broadcast_in_dim3A_663 : vector<16xi1>, vector<16xi32>
    %add3A_665 = arith.addi %add3A_640, %select_n3A_664 : vector<16xi32>
    %mul3A_666 = arith.constant 2 : i32
    %mul3A_667 = arith.muli %mul3A_666, %arg1 : i32
    %add3A_668 = arith.constant 1 : i32
    %add3A_669 = arith.addi %mul3A_667, %add3A_668 : i32
    %lt3A_670 = vector.broadcast %add3A_669 : i32 to vector<16xi32>
    %lt3A_671 = arith.cmpi slt, %broadcast_in_dim3A_657, %lt3A_670 : vector<16xi32>
    %jit3A_672 = arith.constant 0 : i32
    %broadcast_in_dim3A_673 = vector.broadcast %jit3A_672 : i32 to vector<16xi32>
    %select_n3A_674 = arith.select %lt3A_671, %get3A_654, %broadcast_in_dim3A_673 : vector<16xi1>, vector<16xi32>
    %add3A_675 = arith.addi %add3A_650, %select_n3A_674 : vector<16xi32>
    %get3A_676 = arith.constant 27 : i32
    %get3A_677 = arith.index_cast %get3A_676 : i32 to index
    %get3A_678 = arith.constant 0 : index
    %get3A_679 = tpu.vector_load %arg13[%get3A_677, %get3A_678] {strides = array<i32>} : memref<32x64xi32, #tpu.memory_space<vmem>>, vector<16xi32>,
    %add3A_680 = arith.addi %add3A_655, %get3A_679 : vector<16xi32>
    %broadcast_in_dim3A_681 = arith.constant 27 : i32
    %broadcast_in_dim3A_682 = vector.broadcast %broadcast_in_dim3A_681 : i32 to vector<16xi32>
    %mul3A_683 = arith.constant 2 : i32
    %mul3A_684 = arith.muli %mul3A_683, %arg1 : i32
    %lt3A_685 = vector.broadcast %mul3A_684 : i32 to vector<16xi32>
    %lt3A_686 = arith.cmpi slt, %broadcast_in_dim3A_682, %lt3A_685 : vector<16xi32>
    %jit3A_687 = arith.constant 0 : i32
    %broadcast_in_dim3A_688 = vector.broadcast %jit3A_687 : i32 to vector<16xi32>
    %select_n3A_689 = arith.select %lt3A_686, %get3A_679, %broadcast_in_dim3A_688 : vector<16xi1>, vector<16xi32>
    %add3A_690 = arith.addi %add3A_665, %select_n3A_689 : vector<16xi32>
    %mul3A_691 = arith.constant 2 : i32
    %mul3A_692 = arith.muli %mul3A_691, %arg1 : i32
    %add3A_693 = arith.constant 1 : i32
    %add3A_694 = arith.addi %mul3A_692, %add3A_693 : i32
    %lt3A_695 = vector.broadcast %add3A_694 : i32 to vector<16xi32>
    %lt3A_696 = arith.cmpi slt, %broadcast_in_dim3A_682, %lt3A_695 : vector<16xi32>
    %jit3A_697 = arith.constant 0 : i32
    %broadcast_in_dim3A_698 = vector.broadcast %jit3A_697 : i32 to vector<16xi32>
    %select_n3A_699 = arith.select %lt3A_696, %get3A_679, %broadcast_in_dim3A_698 : vector<16xi1>, vector<16xi32>
    %add3A_700 = arith.addi %add3A_675, %select_n3A_699 : vector<16xi32>
    %get3A_701 = arith.constant 28 : i32
    %get3A_702 = arith.index_cast %get3A_701 : i32 to index
    %get3A_703 = arith.constant 0 : index
    %get3A_704 = tpu.vector_load %arg13[%get3A_702, %get3A_703] {strides = array<i32>} : memref<32x64xi32, #tpu.memory_space<vmem>>, vector<16xi32>,
    %add3A_705 = arith.addi %add3A_680, %get3A_704 : vector<16xi32>
    %broadcast_in_dim3A_706 = arith.constant 28 : i32
    %broadcast_in_dim3A_707 = vector.broadcast %broadcast_in_dim3A_706 : i32 to vector<16xi32>
    %mul3A_708 = arith.constant 2 : i32
    %mul3A_709 = arith.muli %mul3A_708, %arg1 : i32
    %lt3A_710 = vector.broadcast %mul3A_709 : i32 to vector<16xi32>
    %lt3A_711 = arith.cmpi slt, %broadcast_in_dim3A_707, %lt3A_710 : vector<16xi32>
    %jit3A_712 = arith.constant 0 : i32
    %broadcast_in_dim3A_713 = vector.broadcast %jit3A_712 : i32 to vector<16xi32>
    %select_n3A_714 = arith.select %lt3A_711, %get3A_704, %broadcast_in_dim3A_713 : vector<16xi1>, vector<16xi32>
    %add3A_715 = arith.addi %add3A_690, %select_n3A_714 : vector<16xi32>
    %mul3A_716 = arith.constant 2 : i32
    %mul3A_717 = arith.muli %mul3A_716, %arg1 : i32
    %add3A_718 = arith.constant 1 : i32
    %add3A_719 = arith.addi %mul3A_717, %add3A_718 : i32
    %lt3A_720 = vector.broadcast %add3A_719 : i32 to vector<16xi32>
    %lt3A_721 = arith.cmpi slt, %broadcast_in_dim3A_707, %lt3A_720 : vector<16xi32>
    %jit3A_722 = arith.constant 0 : i32
    %broadcast_in_dim3A_723 = vector.broadcast %jit3A_722 : i32 to vector<16xi32>
    %select_n3A_724 = arith.select %lt3A_721, %get3A_704, %broadcast_in_dim3A_723 : vector<16xi1>, vector<16xi32>
    %add3A_725 = arith.addi %add3A_700, %select_n3A_724 : vector<16xi32>
    %get3A_726 = arith.constant 29 : i32
    %get3A_727 = arith.index_cast %get3A_726 : i32 to index
    %get3A_728 = arith.constant 0 : index
    %get3A_729 = tpu.vector_load %arg13[%get3A_727, %get3A_728] {strides = array<i32>} : memref<32x64xi32, #tpu.memory_space<vmem>>, vector<16xi32>,
    %add3A_730 = arith.addi %add3A_705, %get3A_729 : vector<16xi32>
    %broadcast_in_dim3A_731 = arith.constant 29 : i32
    %broadcast_in_dim3A_732 = vector.broadcast %broadcast_in_dim3A_731 : i32 to vector<16xi32>
    %mul3A_733 = arith.constant 2 : i32
    %mul3A_734 = arith.muli %mul3A_733, %arg1 : i32
    %lt3A_735 = vector.broadcast %mul3A_734 : i32 to vector<16xi32>
    %lt3A_736 = arith.cmpi slt, %broadcast_in_dim3A_732, %lt3A_735 : vector<16xi32>
    %jit3A_737 = arith.constant 0 : i32
    %broadcast_in_dim3A_738 = vector.broadcast %jit3A_737 : i32 to vector<16xi32>
    %select_n3A_739 = arith.select %lt3A_736, %get3A_729, %broadcast_in_dim3A_738 : vector<16xi1>, vector<16xi32>
    %add3A_740 = arith.addi %add3A_715, %select_n3A_739 : vector<16xi32>
    %mul3A_741 = arith.constant 2 : i32
    %mul3A_742 = arith.muli %mul3A_741, %arg1 : i32
    %add3A_743 = arith.constant 1 : i32
    %add3A_744 = arith.addi %mul3A_742, %add3A_743 : i32
    %lt3A_745 = vector.broadcast %add3A_744 : i32 to vector<16xi32>
    %lt3A_746 = arith.cmpi slt, %broadcast_in_dim3A_732, %lt3A_745 : vector<16xi32>
    %jit3A_747 = arith.constant 0 : i32
    %broadcast_in_dim3A_748 = vector.broadcast %jit3A_747 : i32 to vector<16xi32>
    %select_n3A_749 = arith.select %lt3A_746, %get3A_729, %broadcast_in_dim3A_748 : vector<16xi1>, vector<16xi32>
    %add3A_750 = arith.addi %add3A_725, %select_n3A_749 : vector<16xi32>
    %get3A_751 = arith.constant 30 : i32
    %get3A_752 = arith.index_cast %get3A_751 : i32 to index
    %get3A_753 = arith.constant 0 : index
    %get3A_754 = tpu.vector_load %arg13[%get3A_752, %get3A_753] {strides = array<i32>} : memref<32x64xi32, #tpu.memory_space<vmem>>, vector<16xi32>,
    %add3A_755 = arith.addi %add3A_730, %get3A_754 : vector<16xi32>
    %broadcast_in_dim3A_756 = arith.constant 30 : i32
    %broadcast_in_dim3A_757 = vector.broadcast %broadcast_in_dim3A_756 : i32 to vector<16xi32>
    %mul3A_758 = arith.constant 2 : i32
    %mul3A_759 = arith.muli %mul3A_758, %arg1 : i32
    %lt3A_760 = vector.broadcast %mul3A_759 : i32 to vector<16xi32>
    %lt3A_761 = arith.cmpi slt, %broadcast_in_dim3A_757, %lt3A_760 : vector<16xi32>
    %jit3A_762 = arith.constant 0 : i32
    %broadcast_in_dim3A_763 = vector.broadcast %jit3A_762 : i32 to vector<16xi32>
    %select_n3A_764 = arith.select %lt3A_761, %get3A_754, %broadcast_in_dim3A_763 : vector<16xi1>, vector<16xi32>
    %add3A_765 = arith.addi %add3A_740, %select_n3A_764 : vector<16xi32>
    %mul3A_766 = arith.constant 2 : i32
    %mul3A_767 = arith.muli %mul3A_766, %arg1 : i32
    %add3A_768 = arith.constant 1 : i32
    %add3A_769 = arith.addi %mul3A_767, %add3A_768 : i32
    %lt3A_770 = vector.broadcast %add3A_769 : i32 to vector<16xi32>
    %lt3A_771 = arith.cmpi slt, %broadcast_in_dim3A_757, %lt3A_770 : vector<16xi32>
    %jit3A_772 = arith.constant 0 : i32
    %broadcast_in_dim3A_773 = vector.broadcast %jit3A_772 : i32 to vector<16xi32>
    %select_n3A_774 = arith.select %lt3A_771, %get3A_754, %broadcast_in_dim3A_773 : vector<16xi1>, vector<16xi32>
    %add3A_775 = arith.addi %add3A_750, %select_n3A_774 : vector<16xi32>
    %get3A_776 = arith.constant 31 : i32
    %get3A_777 = arith.index_cast %get3A_776 : i32 to index
    %get3A_778 = arith.constant 0 : index
    %get3A_779 = tpu.vector_load %arg13[%get3A_777, %get3A_778] {strides = array<i32>} : memref<32x64xi32, #tpu.memory_space<vmem>>, vector<16xi32>,
    %add3A_780 = arith.addi %add3A_755, %get3A_779 : vector<16xi32>
    %broadcast_in_dim3A_781 = arith.constant 31 : i32
    %broadcast_in_dim3A_782 = vector.broadcast %broadcast_in_dim3A_781 : i32 to vector<16xi32>
    %mul3A_783 = arith.constant 2 : i32
    %mul3A_784 = arith.muli %mul3A_783, %arg1 : i32
    %lt3A_785 = vector.broadcast %mul3A_784 : i32 to vector<16xi32>
    %lt3A_786 = arith.cmpi slt, %broadcast_in_dim3A_782, %lt3A_785 : vector<16xi32>
    %jit3A_787 = arith.constant 0 : i32
    %broadcast_in_dim3A_788 = vector.broadcast %jit3A_787 : i32 to vector<16xi32>
    %select_n3A_789 = arith.select %lt3A_786, %get3A_779, %broadcast_in_dim3A_788 : vector<16xi1>, vector<16xi32>
    %add3A_790 = arith.addi %add3A_765, %select_n3A_789 : vector<16xi32>
    %mul3A_791 = arith.constant 2 : i32
    %mul3A_792 = arith.muli %mul3A_791, %arg1 : i32
    %add3A_793 = arith.constant 1 : i32
    %add3A_794 = arith.addi %mul3A_792, %add3A_793 : i32
    %lt3A_795 = vector.broadcast %add3A_794 : i32 to vector<16xi32>
    %lt3A_796 = arith.cmpi slt, %broadcast_in_dim3A_782, %lt3A_795 : vector<16xi32>
    %jit3A_797 = arith.constant 0 : i32
    %broadcast_in_dim3A_798 = vector.broadcast %jit3A_797 : i32 to vector<16xi32>
    %select_n3A_799 = arith.select %lt3A_796, %get3A_779, %broadcast_in_dim3A_798 : vector<16xi1>, vector<16xi32>
    %add3A_800 = arith.addi %add3A_775, %select_n3A_799 : vector<16xi32>
    %broadcast_in_dim3A_801 = arith.constant true
    %broadcast_in_dim3A_802 = vector.broadcast %broadcast_in_dim3A_801 : i1 to vector<16xi1>
    %masked_cumsum3A = tpu.scan <sum>, %add3A_780 masked %broadcast_in_dim3A_802 : vector<16xi32>, vector<16xi1> -> vector<16xi32>
    %sub3A = arith.subi %masked_cumsum3A, %add3A_780 : vector<16xi32>
    %add3A_803 = arith.constant 0 : i32
    %add3A_804 = vector.broadcast %add3A_803 : i32 to vector<16xi32>
    %add3A_805 = arith.addi %sub3A, %add3A_804 : vector<16xi32>
    %add3A_806 = arith.addi %add3A_805, %add3A_790 : vector<16xi32>
    %swap3A = arith.constant 0 : index
    %swap3A_807 = tpu.vector_load %arg14[%swap3A] {strides = array<i32>} : memref<64xi32, #tpu.memory_space<vmem>>, vector<16xi32>,
    tpu.vector_store %arg14[%swap3A], %add3A_806 {strides = array<i32>} : memref<64xi32, #tpu.memory_space<vmem>>, vector<16xi32>,
    %add3A_808 = arith.addi %add3A_805, %add3A_800 : vector<16xi32>
    %swap3A_809 = arith.constant 0 : index
    %swap3A_810 = tpu.vector_load %arg15[%swap3A_809] {strides = array<i32>} : memref<64xi32, #tpu.memory_space<vmem>>, vector<16xi32>,
    tpu.vector_store %arg15[%swap3A_809], %add3A_808 {strides = array<i32>} : memref<64xi32, #tpu.memory_space<vmem>>, vector<16xi32>,
    %convert_element_type3A = arith.sitofp %add3A_780 : vector<16xi32> to vector<16xf32>
    %swap3A_811 = arith.constant 0 : index
    %swap3A_812 = tpu.vector_load %arg16[%swap3A_811] {strides = array<i32>} : memref<64xf32, #tpu.memory_space<vmem>>, vector<16xf32>,
    tpu.vector_store %arg16[%swap3A_811], %convert_element_type3A {strides = array<i32>} : memref<64xf32, #tpu.memory_space<vmem>>, vector<16xf32>,
    %reduce_sum3A = arith.constant true
    %reduce_sum3A_813 = vector.broadcast %reduce_sum3A : i1 to vector<16xi1>
    %reduce_sum3A_814 = tpu.scan <sum>, %add3A_780 masked %reduce_sum3A_813 : vector<16xi32>, vector<16xi1> -> vector<16xi32>
    %reduce_sum3A_815 = vector.extract %reduce_sum3A_814[15] : i32 from vector<16xi32>
    %add3A_816 = arith.constant 0 : i32
    %add3A_817 = arith.addi %add3A_816, %reduce_sum3A_815 : i32
    %broadcast_in_dim3A_818 = arith.constant 0 : i32
    %broadcast_in_dim3A_819 = vector.broadcast %broadcast_in_dim3A_818 : i32 to vector<16xi32>
    %broadcast_in_dim3A_820 = arith.constant 0 : i32
    %broadcast_in_dim3A_821 = vector.broadcast %broadcast_in_dim3A_820 : i32 to vector<16xi32>
    %broadcast_in_dim3A_822 = arith.constant 0 : i32
    %broadcast_in_dim3A_823 = vector.broadcast %broadcast_in_dim3A_822 : i32 to vector<16xi32>
    %get3A_824 = arith.constant 0 : i32
    %get3A_825 = arith.index_cast %get3A_824 : i32 to index
    %get3A_826 = arith.constant 16 : index
    %get3A_827 = tpu.vector_load %arg13[%get3A_825, %get3A_826] {strides = array<i32>} : memref<32x64xi32, #tpu.memory_space<vmem>>, vector<16xi32>,
    %add3A_828 = arith.addi %broadcast_in_dim3A_819, %get3A_827 : vector<16xi32>
    %broadcast_in_dim3A_829 = arith.constant 0 : i32
    %broadcast_in_dim3A_830 = vector.broadcast %broadcast_in_dim3A_829 : i32 to vector<16xi32>
    %mul3A_831 = arith.constant 2 : i32
    %mul3A_832 = arith.muli %mul3A_831, %arg1 : i32
    %lt3A_833 = vector.broadcast %mul3A_832 : i32 to vector<16xi32>
    %lt3A_834 = arith.cmpi slt, %broadcast_in_dim3A_830, %lt3A_833 : vector<16xi32>
    %jit3A_835 = arith.constant 0 : i32
    %broadcast_in_dim3A_836 = vector.broadcast %jit3A_835 : i32 to vector<16xi32>
    %select_n3A_837 = arith.select %lt3A_834, %get3A_827, %broadcast_in_dim3A_836 : vector<16xi1>, vector<16xi32>
    %add3A_838 = arith.addi %broadcast_in_dim3A_821, %select_n3A_837 : vector<16xi32>
    %mul3A_839 = arith.constant 2 : i32
    %mul3A_840 = arith.muli %mul3A_839, %arg1 : i32
    %add3A_841 = arith.constant 1 : i32
    %add3A_842 = arith.addi %mul3A_840, %add3A_841 : i32
    %lt3A_843 = vector.broadcast %add3A_842 : i32 to vector<16xi32>
    %lt3A_844 = arith.cmpi slt, %broadcast_in_dim3A_830, %lt3A_843 : vector<16xi32>
    %jit3A_845 = arith.constant 0 : i32
    %broadcast_in_dim3A_846 = vector.broadcast %jit3A_845 : i32 to vector<16xi32>
    %select_n3A_847 = arith.select %lt3A_844, %get3A_827, %broadcast_in_dim3A_846 : vector<16xi1>, vector<16xi32>
    %add3A_848 = arith.addi %broadcast_in_dim3A_823, %select_n3A_847 : vector<16xi32>
    %get3A_849 = arith.constant 1 : i32
    %get3A_850 = arith.index_cast %get3A_849 : i32 to index
    %get3A_851 = arith.constant 16 : index
    %get3A_852 = tpu.vector_load %arg13[%get3A_850, %get3A_851] {strides = array<i32>} : memref<32x64xi32, #tpu.memory_space<vmem>>, vector<16xi32>,
    %add3A_853 = arith.addi %add3A_828, %get3A_852 : vector<16xi32>
    %broadcast_in_dim3A_854 = arith.constant 1 : i32
    %broadcast_in_dim3A_855 = vector.broadcast %broadcast_in_dim3A_854 : i32 to vector<16xi32>
    %mul3A_856 = arith.constant 2 : i32
    %mul3A_857 = arith.muli %mul3A_856, %arg1 : i32
    %lt3A_858 = vector.broadcast %mul3A_857 : i32 to vector<16xi32>
    %lt3A_859 = arith.cmpi slt, %broadcast_in_dim3A_855, %lt3A_858 : vector<16xi32>
    %jit3A_860 = arith.constant 0 : i32
    %broadcast_in_dim3A_861 = vector.broadcast %jit3A_860 : i32 to vector<16xi32>
    %select_n3A_862 = arith.select %lt3A_859, %get3A_852, %broadcast_in_dim3A_861 : vector<16xi1>, vector<16xi32>
    %add3A_863 = arith.addi %add3A_838, %select_n3A_862 : vector<16xi32>
    %mul3A_864 = arith.constant 2 : i32
    %mul3A_865 = arith.muli %mul3A_864, %arg1 : i32
    %add3A_866 = arith.constant 1 : i32
    %add3A_867 = arith.addi %mul3A_865, %add3A_866 : i32
    %lt3A_868 = vector.broadcast %add3A_867 : i32 to vector<16xi32>
    %lt3A_869 = arith.cmpi slt, %broadcast_in_dim3A_855, %lt3A_868 : vector<16xi32>
    %jit3A_870 = arith.constant 0 : i32
    %broadcast_in_dim3A_871 = vector.broadcast %jit3A_870 : i32 to vector<16xi32>
    %select_n3A_872 = arith.select %lt3A_869, %get3A_852, %broadcast_in_dim3A_871 : vector<16xi1>, vector<16xi32>
    %add3A_873 = arith.addi %add3A_848, %select_n3A_872 : vector<16xi32>
    %get3A_874 = arith.constant 2 : i32
    %get3A_875 = arith.index_cast %get3A_874 : i32 to index
    %get3A_876 = arith.constant 16 : index
    %get3A_877 = tpu.vector_load %arg13[%get3A_875, %get3A_876] {strides = array<i32>} : memref<32x64xi32, #tpu.memory_space<vmem>>, vector<16xi32>,
    %add3A_878 = arith.addi %add3A_853, %get3A_877 : vector<16xi32>
    %broadcast_in_dim3A_879 = arith.constant 2 : i32
    %broadcast_in_dim3A_880 = vector.broadcast %broadcast_in_dim3A_879 : i32 to vector<16xi32>
    %mul3A_881 = arith.constant 2 : i32
    %mul3A_882 = arith.muli %mul3A_881, %arg1 : i32
    %lt3A_883 = vector.broadcast %mul3A_882 : i32 to vector<16xi32>
    %lt3A_884 = arith.cmpi slt, %broadcast_in_dim3A_880, %lt3A_883 : vector<16xi32>
    %jit3A_885 = arith.constant 0 : i32
    %broadcast_in_dim3A_886 = vector.broadcast %jit3A_885 : i32 to vector<16xi32>
    %select_n3A_887 = arith.select %lt3A_884, %get3A_877, %broadcast_in_dim3A_886 : vector<16xi1>, vector<16xi32>
    %add3A_888 = arith.addi %add3A_863, %select_n3A_887 : vector<16xi32>
    %mul3A_889 = arith.constant 2 : i32
    %mul3A_890 = arith.muli %mul3A_889, %arg1 : i32
    %add3A_891 = arith.constant 1 : i32
    %add3A_892 = arith.addi %mul3A_890, %add3A_891 : i32
    %lt3A_893 = vector.broadcast %add3A_892 : i32 to vector<16xi32>
    %lt3A_894 = arith.cmpi slt, %broadcast_in_dim3A_880, %lt3A_893 : vector<16xi32>
    %jit3A_895 = arith.constant 0 : i32
    %broadcast_in_dim3A_896 = vector.broadcast %jit3A_895 : i32 to vector<16xi32>
    %select_n3A_897 = arith.select %lt3A_894, %get3A_877, %broadcast_in_dim3A_896 : vector<16xi1>, vector<16xi32>
    %add3A_898 = arith.addi %add3A_873, %select_n3A_897 : vector<16xi32>
    %get3A_899 = arith.constant 3 : i32
    %get3A_900 = arith.index_cast %get3A_899 : i32 to index
    %get3A_901 = arith.constant 16 : index
    %get3A_902 = tpu.vector_load %arg13[%get3A_900, %get3A_901] {strides = array<i32>} : memref<32x64xi32, #tpu.memory_space<vmem>>, vector<16xi32>,
    %add3A_903 = arith.addi %add3A_878, %get3A_902 : vector<16xi32>
    %broadcast_in_dim3A_904 = arith.constant 3 : i32
    %broadcast_in_dim3A_905 = vector.broadcast %broadcast_in_dim3A_904 : i32 to vector<16xi32>
    %mul3A_906 = arith.constant 2 : i32
    %mul3A_907 = arith.muli %mul3A_906, %arg1 : i32
    %lt3A_908 = vector.broadcast %mul3A_907 : i32 to vector<16xi32>
    %lt3A_909 = arith.cmpi slt, %broadcast_in_dim3A_905, %lt3A_908 : vector<16xi32>
    %jit3A_910 = arith.constant 0 : i32
    %broadcast_in_dim3A_911 = vector.broadcast %jit3A_910 : i32 to vector<16xi32>
    %select_n3A_912 = arith.select %lt3A_909, %get3A_902, %broadcast_in_dim3A_911 : vector<16xi1>, vector<16xi32>
    %add3A_913 = arith.addi %add3A_888, %select_n3A_912 : vector<16xi32>
    %mul3A_914 = arith.constant 2 : i32
    %mul3A_915 = arith.muli %mul3A_914, %arg1 : i32
    %add3A_916 = arith.constant 1 : i32
    %add3A_917 = arith.addi %mul3A_915, %add3A_916 : i32
    %lt3A_918 = vector.broadcast %add3A_917 : i32 to vector<16xi32>
    %lt3A_919 = arith.cmpi slt, %broadcast_in_dim3A_905, %lt3A_918 : vector<16xi32>
    %jit3A_920 = arith.constant 0 : i32
    %broadcast_in_dim3A_921 = vector.broadcast %jit3A_920 : i32 to vector<16xi32>
    %select_n3A_922 = arith.select %lt3A_919, %get3A_902, %broadcast_in_dim3A_921 : vector<16xi1>, vector<16xi32>
    %add3A_923 = arith.addi %add3A_898, %select_n3A_922 : vector<16xi32>
    %get3A_924 = arith.constant 4 : i32
    %get3A_925 = arith.index_cast %get3A_924 : i32 to index
    %get3A_926 = arith.constant 16 : index
    %get3A_927 = tpu.vector_load %arg13[%get3A_925, %get3A_926] {strides = array<i32>} : memref<32x64xi32, #tpu.memory_space<vmem>>, vector<16xi32>,
    %add3A_928 = arith.addi %add3A_903, %get3A_927 : vector<16xi32>
    %broadcast_in_dim3A_929 = arith.constant 4 : i32
    %broadcast_in_dim3A_930 = vector.broadcast %broadcast_in_dim3A_929 : i32 to vector<16xi32>
    %mul3A_931 = arith.constant 2 : i32
    %mul3A_932 = arith.muli %mul3A_931, %arg1 : i32
    %lt3A_933 = vector.broadcast %mul3A_932 : i32 to vector<16xi32>
    %lt3A_934 = arith.cmpi slt, %broadcast_in_dim3A_930, %lt3A_933 : vector<16xi32>
    %jit3A_935 = arith.constant 0 : i32
    %broadcast_in_dim3A_936 = vector.broadcast %jit3A_935 : i32 to vector<16xi32>
    %select_n3A_937 = arith.select %lt3A_934, %get3A_927, %broadcast_in_dim3A_936 : vector<16xi1>, vector<16xi32>
    %add3A_938 = arith.addi %add3A_913, %select_n3A_937 : vector<16xi32>
    %mul3A_939 = arith.constant 2 : i32
    %mul3A_940 = arith.muli %mul3A_939, %arg1 : i32
    %add3A_941 = arith.constant 1 : i32
    %add3A_942 = arith.addi %mul3A_940, %add3A_941 : i32
    %lt3A_943 = vector.broadcast %add3A_942 : i32 to vector<16xi32>
    %lt3A_944 = arith.cmpi slt, %broadcast_in_dim3A_930, %lt3A_943 : vector<16xi32>
    %jit3A_945 = arith.constant 0 : i32
    %broadcast_in_dim3A_946 = vector.broadcast %jit3A_945 : i32 to vector<16xi32>
    %select_n3A_947 = arith.select %lt3A_944, %get3A_927, %broadcast_in_dim3A_946 : vector<16xi1>, vector<16xi32>
    %add3A_948 = arith.addi %add3A_923, %select_n3A_947 : vector<16xi32>
    %get3A_949 = arith.constant 5 : i32
    %get3A_950 = arith.index_cast %get3A_949 : i32 to index
    %get3A_951 = arith.constant 16 : index
    %get3A_952 = tpu.vector_load %arg13[%get3A_950, %get3A_951] {strides = array<i32>} : memref<32x64xi32, #tpu.memory_space<vmem>>, vector<16xi32>,
    %add3A_953 = arith.addi %add3A_928, %get3A_952 : vector<16xi32>
    %broadcast_in_dim3A_954 = arith.constant 5 : i32
    %broadcast_in_dim3A_955 = vector.broadcast %broadcast_in_dim3A_954 : i32 to vector<16xi32>
    %mul3A_956 = arith.constant 2 : i32
    %mul3A_957 = arith.muli %mul3A_956, %arg1 : i32
    %lt3A_958 = vector.broadcast %mul3A_957 : i32 to vector<16xi32>
    %lt3A_959 = arith.cmpi slt, %broadcast_in_dim3A_955, %lt3A_958 : vector<16xi32>
    %jit3A_960 = arith.constant 0 : i32
    %broadcast_in_dim3A_961 = vector.broadcast %jit3A_960 : i32 to vector<16xi32>
    %select_n3A_962 = arith.select %lt3A_959, %get3A_952, %broadcast_in_dim3A_961 : vector<16xi1>, vector<16xi32>
    %add3A_963 = arith.addi %add3A_938, %select_n3A_962 : vector<16xi32>
    %mul3A_964 = arith.constant 2 : i32
    %mul3A_965 = arith.muli %mul3A_964, %arg1 : i32
    %add3A_966 = arith.constant 1 : i32
    %add3A_967 = arith.addi %mul3A_965, %add3A_966 : i32
    %lt3A_968 = vector.broadcast %add3A_967 : i32 to vector<16xi32>
    %lt3A_969 = arith.cmpi slt, %broadcast_in_dim3A_955, %lt3A_968 : vector<16xi32>
    %jit3A_970 = arith.constant 0 : i32
    %broadcast_in_dim3A_971 = vector.broadcast %jit3A_970 : i32 to vector<16xi32>
    %select_n3A_972 = arith.select %lt3A_969, %get3A_952, %broadcast_in_dim3A_971 : vector<16xi1>, vector<16xi32>
    %add3A_973 = arith.addi %add3A_948, %select_n3A_972 : vector<16xi32>
    %get3A_974 = arith.constant 6 : i32
    %get3A_975 = arith.index_cast %get3A_974 : i32 to index
    %get3A_976 = arith.constant 16 : index
    %get3A_977 = tpu.vector_load %arg13[%get3A_975, %get3A_976] {strides = array<i32>} : memref<32x64xi32, #tpu.memory_space<vmem>>, vector<16xi32>,
    %add3A_978 = arith.addi %add3A_953, %get3A_977 : vector<16xi32>
    %broadcast_in_dim3A_979 = arith.constant 6 : i32
    %broadcast_in_dim3A_980 = vector.broadcast %broadcast_in_dim3A_979 : i32 to vector<16xi32>
    %mul3A_981 = arith.constant 2 : i32
    %mul3A_982 = arith.muli %mul3A_981, %arg1 : i32
    %lt3A_983 = vector.broadcast %mul3A_982 : i32 to vector<16xi32>
    %lt3A_984 = arith.cmpi slt, %broadcast_in_dim3A_980, %lt3A_983 : vector<16xi32>
    %jit3A_985 = arith.constant 0 : i32
    %broadcast_in_dim3A_986 = vector.broadcast %jit3A_985 : i32 to vector<16xi32>
    %select_n3A_987 = arith.select %lt3A_984, %get3A_977, %broadcast_in_dim3A_986 : vector<16xi1>, vector<16xi32>
    %add3A_988 = arith.addi %add3A_963, %select_n3A_987 : vector<16xi32>
    %mul3A_989 = arith.constant 2 : i32
    %mul3A_990 = arith.muli %mul3A_989, %arg1 : i32
    %add3A_991 = arith.constant 1 : i32
    %add3A_992 = arith.addi %mul3A_990, %add3A_991 : i32
    %lt3A_993 = vector.broadcast %add3A_992 : i32 to vector<16xi32>
    %lt3A_994 = arith.cmpi slt, %broadcast_in_dim3A_980, %lt3A_993 : vector<16xi32>
    %jit3A_995 = arith.constant 0 : i32
    %broadcast_in_dim3A_996 = vector.broadcast %jit3A_995 : i32 to vector<16xi32>
    %select_n3A_997 = arith.select %lt3A_994, %get3A_977, %broadcast_in_dim3A_996 : vector<16xi1>, vector<16xi32>
    %add3A_998 = arith.addi %add3A_973, %select_n3A_997 : vector<16xi32>
    %get3A_999 = arith.constant 7 : i32
    %get3A_1000 = arith.index_cast %get3A_999 : i32 to index
    %get3A_1001 = arith.constant 16 : index
    %get3A_1002 = tpu.vector_load %arg13[%get3A_1000, %get3A_1001] {strides = array<i32>} : memref<32x64xi32, #tpu.memory_space<vmem>>, vector<16xi32>,
    %add3A_1003 = arith.addi %add3A_978, %get3A_1002 : vector<16xi32>
    %broadcast_in_dim3A_1004 = arith.constant 7 : i32
    %broadcast_in_dim3A_1005 = vector.broadcast %broadcast_in_dim3A_1004 : i32 to vector<16xi32>
    %mul3A_1006 = arith.constant 2 : i32
    %mul3A_1007 = arith.muli %mul3A_1006, %arg1 : i32
    %lt3A_1008 = vector.broadcast %mul3A_1007 : i32 to vector<16xi32>
    %lt3A_1009 = arith.cmpi slt, %broadcast_in_dim3A_1005, %lt3A_1008 : vector<16xi32>
    %jit3A_1010 = arith.constant 0 : i32
    %broadcast_in_dim3A_1011 = vector.broadcast %jit3A_1010 : i32 to vector<16xi32>
    %select_n3A_1012 = arith.select %lt3A_1009, %get3A_1002, %broadcast_in_dim3A_1011 : vector<16xi1>, vector<16xi32>
    %add3A_1013 = arith.addi %add3A_988, %select_n3A_1012 : vector<16xi32>
    %mul3A_1014 = arith.constant 2 : i32
    %mul3A_1015 = arith.muli %mul3A_1014, %arg1 : i32
    %add3A_1016 = arith.constant 1 : i32
    %add3A_1017 = arith.addi %mul3A_1015, %add3A_1016 : i32
    %lt3A_1018 = vector.broadcast %add3A_1017 : i32 to vector<16xi32>
    %lt3A_1019 = arith.cmpi slt, %broadcast_in_dim3A_1005, %lt3A_1018 : vector<16xi32>
    %jit3A_1020 = arith.constant 0 : i32
    %broadcast_in_dim3A_1021 = vector.broadcast %jit3A_1020 : i32 to vector<16xi32>
    %select_n3A_1022 = arith.select %lt3A_1019, %get3A_1002, %broadcast_in_dim3A_1021 : vector<16xi1>, vector<16xi32>
    %add3A_1023 = arith.addi %add3A_998, %select_n3A_1022 : vector<16xi32>
    %get3A_1024 = arith.constant 8 : i32
    %get3A_1025 = arith.index_cast %get3A_1024 : i32 to index
    %get3A_1026 = arith.constant 16 : index
    %get3A_1027 = tpu.vector_load %arg13[%get3A_1025, %get3A_1026] {strides = array<i32>} : memref<32x64xi32, #tpu.memory_space<vmem>>, vector<16xi32>,
    %add3A_1028 = arith.addi %add3A_1003, %get3A_1027 : vector<16xi32>
    %broadcast_in_dim3A_1029 = arith.constant 8 : i32
    %broadcast_in_dim3A_1030 = vector.broadcast %broadcast_in_dim3A_1029 : i32 to vector<16xi32>
    %mul3A_1031 = arith.constant 2 : i32
    %mul3A_1032 = arith.muli %mul3A_1031, %arg1 : i32
    %lt3A_1033 = vector.broadcast %mul3A_1032 : i32 to vector<16xi32>
    %lt3A_1034 = arith.cmpi slt, %broadcast_in_dim3A_1030, %lt3A_1033 : vector<16xi32>
    %jit3A_1035 = arith.constant 0 : i32
    %broadcast_in_dim3A_1036 = vector.broadcast %jit3A_1035 : i32 to vector<16xi32>
    %select_n3A_1037 = arith.select %lt3A_1034, %get3A_1027, %broadcast_in_dim3A_1036 : vector<16xi1>, vector<16xi32>
    %add3A_1038 = arith.addi %add3A_1013, %select_n3A_1037 : vector<16xi32>
    %mul3A_1039 = arith.constant 2 : i32
    %mul3A_1040 = arith.muli %mul3A_1039, %arg1 : i32
    %add3A_1041 = arith.constant 1 : i32
    %add3A_1042 = arith.addi %mul3A_1040, %add3A_1041 : i32
    %lt3A_1043 = vector.broadcast %add3A_1042 : i32 to vector<16xi32>
    %lt3A_1044 = arith.cmpi slt, %broadcast_in_dim3A_1030, %lt3A_1043 : vector<16xi32>
    %jit3A_1045 = arith.constant 0 : i32
    %broadcast_in_dim3A_1046 = vector.broadcast %jit3A_1045 : i32 to vector<16xi32>
    %select_n3A_1047 = arith.select %lt3A_1044, %get3A_1027, %broadcast_in_dim3A_1046 : vector<16xi1>, vector<16xi32>
    %add3A_1048 = arith.addi %add3A_1023, %select_n3A_1047 : vector<16xi32>
    %get3A_1049 = arith.constant 9 : i32
    %get3A_1050 = arith.index_cast %get3A_1049 : i32 to index
    %get3A_1051 = arith.constant 16 : index
    %get3A_1052 = tpu.vector_load %arg13[%get3A_1050, %get3A_1051] {strides = array<i32>} : memref<32x64xi32, #tpu.memory_space<vmem>>, vector<16xi32>,
    %add3A_1053 = arith.addi %add3A_1028, %get3A_1052 : vector<16xi32>
    %broadcast_in_dim3A_1054 = arith.constant 9 : i32
    %broadcast_in_dim3A_1055 = vector.broadcast %broadcast_in_dim3A_1054 : i32 to vector<16xi32>
    %mul3A_1056 = arith.constant 2 : i32
    %mul3A_1057 = arith.muli %mul3A_1056, %arg1 : i32
    %lt3A_1058 = vector.broadcast %mul3A_1057 : i32 to vector<16xi32>
    %lt3A_1059 = arith.cmpi slt, %broadcast_in_dim3A_1055, %lt3A_1058 : vector<16xi32>
    %jit3A_1060 = arith.constant 0 : i32
    %broadcast_in_dim3A_1061 = vector.broadcast %jit3A_1060 : i32 to vector<16xi32>
    %select_n3A_1062 = arith.select %lt3A_1059, %get3A_1052, %broadcast_in_dim3A_1061 : vector<16xi1>, vector<16xi32>
    %add3A_1063 = arith.addi %add3A_1038, %select_n3A_1062 : vector<16xi32>
    %mul3A_1064 = arith.constant 2 : i32
    %mul3A_1065 = arith.muli %mul3A_1064, %arg1 : i32
    %add3A_1066 = arith.constant 1 : i32
    %add3A_1067 = arith.addi %mul3A_1065, %add3A_1066 : i32
    %lt3A_1068 = vector.broadcast %add3A_1067 : i32 to vector<16xi32>
    %lt3A_1069 = arith.cmpi slt, %broadcast_in_dim3A_1055, %lt3A_1068 : vector<16xi32>
    %jit3A_1070 = arith.constant 0 : i32
    %broadcast_in_dim3A_1071 = vector.broadcast %jit3A_1070 : i32 to vector<16xi32>
    %select_n3A_1072 = arith.select %lt3A_1069, %get3A_1052, %broadcast_in_dim3A_1071 : vector<16xi1>, vector<16xi32>
    %add3A_1073 = arith.addi %add3A_1048, %select_n3A_1072 : vector<16xi32>
    %get3A_1074 = arith.constant 10 : i32
    %get3A_1075 = arith.index_cast %get3A_1074 : i32 to index
    %get3A_1076 = arith.constant 16 : index
    %get3A_1077 = tpu.vector_load %arg13[%get3A_1075, %get3A_1076] {strides = array<i32>} : memref<32x64xi32, #tpu.memory_space<vmem>>, vector<16xi32>,
    %add3A_1078 = arith.addi %add3A_1053, %get3A_1077 : vector<16xi32>
    %broadcast_in_dim3A_1079 = arith.constant 10 : i32
    %broadcast_in_dim3A_1080 = vector.broadcast %broadcast_in_dim3A_1079 : i32 to vector<16xi32>
    %mul3A_1081 = arith.constant 2 : i32
    %mul3A_1082 = arith.muli %mul3A_1081, %arg1 : i32
    %lt3A_1083 = vector.broadcast %mul3A_1082 : i32 to vector<16xi32>
    %lt3A_1084 = arith.cmpi slt, %broadcast_in_dim3A_1080, %lt3A_1083 : vector<16xi32>
    %jit3A_1085 = arith.constant 0 : i32
    %broadcast_in_dim3A_1086 = vector.broadcast %jit3A_1085 : i32 to vector<16xi32>
    %select_n3A_1087 = arith.select %lt3A_1084, %get3A_1077, %broadcast_in_dim3A_1086 : vector<16xi1>, vector<16xi32>
    %add3A_1088 = arith.addi %add3A_1063, %select_n3A_1087 : vector<16xi32>
    %mul3A_1089 = arith.constant 2 : i32
    %mul3A_1090 = arith.muli %mul3A_1089, %arg1 : i32
    %add3A_1091 = arith.constant 1 : i32
    %add3A_1092 = arith.addi %mul3A_1090, %add3A_1091 : i32
    %lt3A_1093 = vector.broadcast %add3A_1092 : i32 to vector<16xi32>
    %lt3A_1094 = arith.cmpi slt, %broadcast_in_dim3A_1080, %lt3A_1093 : vector<16xi32>
    %jit3A_1095 = arith.constant 0 : i32
    %broadcast_in_dim3A_1096 = vector.broadcast %jit3A_1095 : i32 to vector<16xi32>
    %select_n3A_1097 = arith.select %lt3A_1094, %get3A_1077, %broadcast_in_dim3A_1096 : vector<16xi1>, vector<16xi32>
    %add3A_1098 = arith.addi %add3A_1073, %select_n3A_1097 : vector<16xi32>
    %get3A_1099 = arith.constant 11 : i32
    %get3A_1100 = arith.index_cast %get3A_1099 : i32 to index
    %get3A_1101 = arith.constant 16 : index
    %get3A_1102 = tpu.vector_load %arg13[%get3A_1100, %get3A_1101] {strides = array<i32>} : memref<32x64xi32, #tpu.memory_space<vmem>>, vector<16xi32>,
    %add3A_1103 = arith.addi %add3A_1078, %get3A_1102 : vector<16xi32>
    %broadcast_in_dim3A_1104 = arith.constant 11 : i32
    %broadcast_in_dim3A_1105 = vector.broadcast %broadcast_in_dim3A_1104 : i32 to vector<16xi32>
    %mul3A_1106 = arith.constant 2 : i32
    %mul3A_1107 = arith.muli %mul3A_1106, %arg1 : i32
    %lt3A_1108 = vector.broadcast %mul3A_1107 : i32 to vector<16xi32>
    %lt3A_1109 = arith.cmpi slt, %broadcast_in_dim3A_1105, %lt3A_1108 : vector<16xi32>
    %jit3A_1110 = arith.constant 0 : i32
    %broadcast_in_dim3A_1111 = vector.broadcast %jit3A_1110 : i32 to vector<16xi32>
    %select_n3A_1112 = arith.select %lt3A_1109, %get3A_1102, %broadcast_in_dim3A_1111 : vector<16xi1>, vector<16xi32>
    %add3A_1113 = arith.addi %add3A_1088, %select_n3A_1112 : vector<16xi32>
    %mul3A_1114 = arith.constant 2 : i32
    %mul3A_1115 = arith.muli %mul3A_1114, %arg1 : i32
    %add3A_1116 = arith.constant 1 : i32
    %add3A_1117 = arith.addi %mul3A_1115, %add3A_1116 : i32
    %lt3A_1118 = vector.broadcast %add3A_1117 : i32 to vector<16xi32>
    %lt3A_1119 = arith.cmpi slt, %broadcast_in_dim3A_1105, %lt3A_1118 : vector<16xi32>
    %jit3A_1120 = arith.constant 0 : i32
    %broadcast_in_dim3A_1121 = vector.broadcast %jit3A_1120 : i32 to vector<16xi32>
    %select_n3A_1122 = arith.select %lt3A_1119, %get3A_1102, %broadcast_in_dim3A_1121 : vector<16xi1>, vector<16xi32>
    %add3A_1123 = arith.addi %add3A_1098, %select_n3A_1122 : vector<16xi32>
    %get3A_1124 = arith.constant 12 : i32
    %get3A_1125 = arith.index_cast %get3A_1124 : i32 to index
    %get3A_1126 = arith.constant 16 : index
    %get3A_1127 = tpu.vector_load %arg13[%get3A_1125, %get3A_1126] {strides = array<i32>} : memref<32x64xi32, #tpu.memory_space<vmem>>, vector<16xi32>,
    %add3A_1128 = arith.addi %add3A_1103, %get3A_1127 : vector<16xi32>
    %broadcast_in_dim3A_1129 = arith.constant 12 : i32
    %broadcast_in_dim3A_1130 = vector.broadcast %broadcast_in_dim3A_1129 : i32 to vector<16xi32>
    %mul3A_1131 = arith.constant 2 : i32
    %mul3A_1132 = arith.muli %mul3A_1131, %arg1 : i32
    %lt3A_1133 = vector.broadcast %mul3A_1132 : i32 to vector<16xi32>
    %lt3A_1134 = arith.cmpi slt, %broadcast_in_dim3A_1130, %lt3A_1133 : vector<16xi32>
    %jit3A_1135 = arith.constant 0 : i32
    %broadcast_in_dim3A_1136 = vector.broadcast %jit3A_1135 : i32 to vector<16xi32>
    %select_n3A_1137 = arith.select %lt3A_1134, %get3A_1127, %broadcast_in_dim3A_1136 : vector<16xi1>, vector<16xi32>
    %add3A_1138 = arith.addi %add3A_1113, %select_n3A_1137 : vector<16xi32>
    %mul3A_1139 = arith.constant 2 : i32
    %mul3A_1140 = arith.muli %mul3A_1139, %arg1 : i32
    %add3A_1141 = arith.constant 1 : i32
    %add3A_1142 = arith.addi %mul3A_1140, %add3A_1141 : i32
    %lt3A_1143 = vector.broadcast %add3A_1142 : i32 to vector<16xi32>
    %lt3A_1144 = arith.cmpi slt, %broadcast_in_dim3A_1130, %lt3A_1143 : vector<16xi32>
    %jit3A_1145 = arith.constant 0 : i32
    %broadcast_in_dim3A_1146 = vector.broadcast %jit3A_1145 : i32 to vector<16xi32>
    %select_n3A_1147 = arith.select %lt3A_1144, %get3A_1127, %broadcast_in_dim3A_1146 : vector<16xi1>, vector<16xi32>
    %add3A_1148 = arith.addi %add3A_1123, %select_n3A_1147 : vector<16xi32>
    %get3A_1149 = arith.constant 13 : i32
    %get3A_1150 = arith.index_cast %get3A_1149 : i32 to index
    %get3A_1151 = arith.constant 16 : index
    %get3A_1152 = tpu.vector_load %arg13[%get3A_1150, %get3A_1151] {strides = array<i32>} : memref<32x64xi32, #tpu.memory_space<vmem>>, vector<16xi32>,
    %add3A_1153 = arith.addi %add3A_1128, %get3A_1152 : vector<16xi32>
    %broadcast_in_dim3A_1154 = arith.constant 13 : i32
    %broadcast_in_dim3A_1155 = vector.broadcast %broadcast_in_dim3A_1154 : i32 to vector<16xi32>
    %mul3A_1156 = arith.constant 2 : i32
    %mul3A_1157 = arith.muli %mul3A_1156, %arg1 : i32
    %lt3A_1158 = vector.broadcast %mul3A_1157 : i32 to vector<16xi32>
    %lt3A_1159 = arith.cmpi slt, %broadcast_in_dim3A_1155, %lt3A_1158 : vector<16xi32>
    %jit3A_1160 = arith.constant 0 : i32
    %broadcast_in_dim3A_1161 = vector.broadcast %jit3A_1160 : i32 to vector<16xi32>
    %select_n3A_1162 = arith.select %lt3A_1159, %get3A_1152, %broadcast_in_dim3A_1161 : vector<16xi1>, vector<16xi32>
    %add3A_1163 = arith.addi %add3A_1138, %select_n3A_1162 : vector<16xi32>
    %mul3A_1164 = arith.constant 2 : i32
    %mul3A_1165 = arith.muli %mul3A_1164, %arg1 : i32
    %add3A_1166 = arith.constant 1 : i32
    %add3A_1167 = arith.addi %mul3A_1165, %add3A_1166 : i32
    %lt3A_1168 = vector.broadcast %add3A_1167 : i32 to vector<16xi32>
    %lt3A_1169 = arith.cmpi slt, %broadcast_in_dim3A_1155, %lt3A_1168 : vector<16xi32>
    %jit3A_1170 = arith.constant 0 : i32
    %broadcast_in_dim3A_1171 = vector.broadcast %jit3A_1170 : i32 to vector<16xi32>
    %select_n3A_1172 = arith.select %lt3A_1169, %get3A_1152, %broadcast_in_dim3A_1171 : vector<16xi1>, vector<16xi32>
    %add3A_1173 = arith.addi %add3A_1148, %select_n3A_1172 : vector<16xi32>
    %get3A_1174 = arith.constant 14 : i32
    %get3A_1175 = arith.index_cast %get3A_1174 : i32 to index
    %get3A_1176 = arith.constant 16 : index
    %get3A_1177 = tpu.vector_load %arg13[%get3A_1175, %get3A_1176] {strides = array<i32>} : memref<32x64xi32, #tpu.memory_space<vmem>>, vector<16xi32>,
    %add3A_1178 = arith.addi %add3A_1153, %get3A_1177 : vector<16xi32>
    %broadcast_in_dim3A_1179 = arith.constant 14 : i32
    %broadcast_in_dim3A_1180 = vector.broadcast %broadcast_in_dim3A_1179 : i32 to vector<16xi32>
    %mul3A_1181 = arith.constant 2 : i32
    %mul3A_1182 = arith.muli %mul3A_1181, %arg1 : i32
    %lt3A_1183 = vector.broadcast %mul3A_1182 : i32 to vector<16xi32>
    %lt3A_1184 = arith.cmpi slt, %broadcast_in_dim3A_1180, %lt3A_1183 : vector<16xi32>
    %jit3A_1185 = arith.constant 0 : i32
    %broadcast_in_dim3A_1186 = vector.broadcast %jit3A_1185 : i32 to vector<16xi32>
    %select_n3A_1187 = arith.select %lt3A_1184, %get3A_1177, %broadcast_in_dim3A_1186 : vector<16xi1>, vector<16xi32>
    %add3A_1188 = arith.addi %add3A_1163, %select_n3A_1187 : vector<16xi32>
    %mul3A_1189 = arith.constant 2 : i32
    %mul3A_1190 = arith.muli %mul3A_1189, %arg1 : i32
    %add3A_1191 = arith.constant 1 : i32
    %add3A_1192 = arith.addi %mul3A_1190, %add3A_1191 : i32
    %lt3A_1193 = vector.broadcast %add3A_1192 : i32 to vector<16xi32>
    %lt3A_1194 = arith.cmpi slt, %broadcast_in_dim3A_1180, %lt3A_1193 : vector<16xi32>
    %jit3A_1195 = arith.constant 0 : i32
    %broadcast_in_dim3A_1196 = vector.broadcast %jit3A_1195 : i32 to vector<16xi32>
    %select_n3A_1197 = arith.select %lt3A_1194, %get3A_1177, %broadcast_in_dim3A_1196 : vector<16xi1>, vector<16xi32>
    %add3A_1198 = arith.addi %add3A_1173, %select_n3A_1197 : vector<16xi32>
    %get3A_1199 = arith.constant 15 : i32
    %get3A_1200 = arith.index_cast %get3A_1199 : i32 to index
    %get3A_1201 = arith.constant 16 : index
    %get3A_1202 = tpu.vector_load %arg13[%get3A_1200, %get3A_1201] {strides = array<i32>} : memref<32x64xi32, #tpu.memory_space<vmem>>, vector<16xi32>,
    %add3A_1203 = arith.addi %add3A_1178, %get3A_1202 : vector<16xi32>
    %broadcast_in_dim3A_1204 = arith.constant 15 : i32
    %broadcast_in_dim3A_1205 = vector.broadcast %broadcast_in_dim3A_1204 : i32 to vector<16xi32>
    %mul3A_1206 = arith.constant 2 : i32
    %mul3A_1207 = arith.muli %mul3A_1206, %arg1 : i32
    %lt3A_1208 = vector.broadcast %mul3A_1207 : i32 to vector<16xi32>
    %lt3A_1209 = arith.cmpi slt, %broadcast_in_dim3A_1205, %lt3A_1208 : vector<16xi32>
    %jit3A_1210 = arith.constant 0 : i32
    %broadcast_in_dim3A_1211 = vector.broadcast %jit3A_1210 : i32 to vector<16xi32>
    %select_n3A_1212 = arith.select %lt3A_1209, %get3A_1202, %broadcast_in_dim3A_1211 : vector<16xi1>, vector<16xi32>
    %add3A_1213 = arith.addi %add3A_1188, %select_n3A_1212 : vector<16xi32>
    %mul3A_1214 = arith.constant 2 : i32
    %mul3A_1215 = arith.muli %mul3A_1214, %arg1 : i32
    %add3A_1216 = arith.constant 1 : i32
    %add3A_1217 = arith.addi %mul3A_1215, %add3A_1216 : i32
    %lt3A_1218 = vector.broadcast %add3A_1217 : i32 to vector<16xi32>
    %lt3A_1219 = arith.cmpi slt, %broadcast_in_dim3A_1205, %lt3A_1218 : vector<16xi32>
    %jit3A_1220 = arith.constant 0 : i32
    %broadcast_in_dim3A_1221 = vector.broadcast %jit3A_1220 : i32 to vector<16xi32>
    %select_n3A_1222 = arith.select %lt3A_1219, %get3A_1202, %broadcast_in_dim3A_1221 : vector<16xi1>, vector<16xi32>
    %add3A_1223 = arith.addi %add3A_1198, %select_n3A_1222 : vector<16xi32>
    %get3A_1224 = arith.constant 16 : i32
    %get3A_1225 = arith.index_cast %get3A_1224 : i32 to index
    %get3A_1226 = arith.constant 16 : index
    %get3A_1227 = tpu.vector_load %arg13[%get3A_1225, %get3A_1226] {strides = array<i32>} : memref<32x64xi32, #tpu.memory_space<vmem>>, vector<16xi32>,
    %add3A_1228 = arith.addi %add3A_1203, %get3A_1227 : vector<16xi32>
    %broadcast_in_dim3A_1229 = arith.constant 16 : i32
    %broadcast_in_dim3A_1230 = vector.broadcast %broadcast_in_dim3A_1229 : i32 to vector<16xi32>
    %mul3A_1231 = arith.constant 2 : i32
    %mul3A_1232 = arith.muli %mul3A_1231, %arg1 : i32
    %lt3A_1233 = vector.broadcast %mul3A_1232 : i32 to vector<16xi32>
    %lt3A_1234 = arith.cmpi slt, %broadcast_in_dim3A_1230, %lt3A_1233 : vector<16xi32>
    %jit3A_1235 = arith.constant 0 : i32
    %broadcast_in_dim3A_1236 = vector.broadcast %jit3A_1235 : i32 to vector<16xi32>
    %select_n3A_1237 = arith.select %lt3A_1234, %get3A_1227, %broadcast_in_dim3A_1236 : vector<16xi1>, vector<16xi32>
    %add3A_1238 = arith.addi %add3A_1213, %select_n3A_1237 : vector<16xi32>
    %mul3A_1239 = arith.constant 2 : i32
    %mul3A_1240 = arith.muli %mul3A_1239, %arg1 : i32
    %add3A_1241 = arith.constant 1 : i32
    %add3A_1242 = arith.addi %mul3A_1240, %add3A_1241 : i32
    %lt3A_1243 = vector.broadcast %add3A_1242 : i32 to vector<16xi32>
    %lt3A_1244 = arith.cmpi slt, %broadcast_in_dim3A_1230, %lt3A_1243 : vector<16xi32>
    %jit3A_1245 = arith.constant 0 : i32
    %broadcast_in_dim3A_1246 = vector.broadcast %jit3A_1245 : i32 to vector<16xi32>
    %select_n3A_1247 = arith.select %lt3A_1244, %get3A_1227, %broadcast_in_dim3A_1246 : vector<16xi1>, vector<16xi32>
    %add3A_1248 = arith.addi %add3A_1223, %select_n3A_1247 : vector<16xi32>
    %get3A_1249 = arith.constant 17 : i32
    %get3A_1250 = arith.index_cast %get3A_1249 : i32 to index
    %get3A_1251 = arith.constant 16 : index
    %get3A_1252 = tpu.vector_load %arg13[%get3A_1250, %get3A_1251] {strides = array<i32>} : memref<32x64xi32, #tpu.memory_space<vmem>>, vector<16xi32>,
    %add3A_1253 = arith.addi %add3A_1228, %get3A_1252 : vector<16xi32>
    %broadcast_in_dim3A_1254 = arith.constant 17 : i32
    %broadcast_in_dim3A_1255 = vector.broadcast %broadcast_in_dim3A_1254 : i32 to vector<16xi32>
    %mul3A_1256 = arith.constant 2 : i32
    %mul3A_1257 = arith.muli %mul3A_1256, %arg1 : i32
    %lt3A_1258 = vector.broadcast %mul3A_1257 : i32 to vector<16xi32>
    %lt3A_1259 = arith.cmpi slt, %broadcast_in_dim3A_1255, %lt3A_1258 : vector<16xi32>
    %jit3A_1260 = arith.constant 0 : i32
    %broadcast_in_dim3A_1261 = vector.broadcast %jit3A_1260 : i32 to vector<16xi32>
    %select_n3A_1262 = arith.select %lt3A_1259, %get3A_1252, %broadcast_in_dim3A_1261 : vector<16xi1>, vector<16xi32>
    %add3A_1263 = arith.addi %add3A_1238, %select_n3A_1262 : vector<16xi32>
    %mul3A_1264 = arith.constant 2 : i32
    %mul3A_1265 = arith.muli %mul3A_1264, %arg1 : i32
    %add3A_1266 = arith.constant 1 : i32
    %add3A_1267 = arith.addi %mul3A_1265, %add3A_1266 : i32
    %lt3A_1268 = vector.broadcast %add3A_1267 : i32 to vector<16xi32>
    %lt3A_1269 = arith.cmpi slt, %broadcast_in_dim3A_1255, %lt3A_1268 : vector<16xi32>
    %jit3A_1270 = arith.constant 0 : i32
    %broadcast_in_dim3A_1271 = vector.broadcast %jit3A_1270 : i32 to vector<16xi32>
    %select_n3A_1272 = arith.select %lt3A_1269, %get3A_1252, %broadcast_in_dim3A_1271 : vector<16xi1>, vector<16xi32>
    %add3A_1273 = arith.addi %add3A_1248, %select_n3A_1272 : vector<16xi32>
    %get3A_1274 = arith.constant 18 : i32
    %get3A_1275 = arith.index_cast %get3A_1274 : i32 to index
    %get3A_1276 = arith.constant 16 : index
    %get3A_1277 = tpu.vector_load %arg13[%get3A_1275, %get3A_1276] {strides = array<i32>} : memref<32x64xi32, #tpu.memory_space<vmem>>, vector<16xi32>,
    %add3A_1278 = arith.addi %add3A_1253, %get3A_1277 : vector<16xi32>
    %broadcast_in_dim3A_1279 = arith.constant 18 : i32
    %broadcast_in_dim3A_1280 = vector.broadcast %broadcast_in_dim3A_1279 : i32 to vector<16xi32>
    %mul3A_1281 = arith.constant 2 : i32
    %mul3A_1282 = arith.muli %mul3A_1281, %arg1 : i32
    %lt3A_1283 = vector.broadcast %mul3A_1282 : i32 to vector<16xi32>
    %lt3A_1284 = arith.cmpi slt, %broadcast_in_dim3A_1280, %lt3A_1283 : vector<16xi32>
    %jit3A_1285 = arith.constant 0 : i32
    %broadcast_in_dim3A_1286 = vector.broadcast %jit3A_1285 : i32 to vector<16xi32>
    %select_n3A_1287 = arith.select %lt3A_1284, %get3A_1277, %broadcast_in_dim3A_1286 : vector<16xi1>, vector<16xi32>
    %add3A_1288 = arith.addi %add3A_1263, %select_n3A_1287 : vector<16xi32>
    %mul3A_1289 = arith.constant 2 : i32
    %mul3A_1290 = arith.muli %mul3A_1289, %arg1 : i32
    %add3A_1291 = arith.constant 1 : i32
    %add3A_1292 = arith.addi %mul3A_1290, %add3A_1291 : i32
    %lt3A_1293 = vector.broadcast %add3A_1292 : i32 to vector<16xi32>
    %lt3A_1294 = arith.cmpi slt, %broadcast_in_dim3A_1280, %lt3A_1293 : vector<16xi32>
    %jit3A_1295 = arith.constant 0 : i32
    %broadcast_in_dim3A_1296 = vector.broadcast %jit3A_1295 : i32 to vector<16xi32>
    %select_n3A_1297 = arith.select %lt3A_1294, %get3A_1277, %broadcast_in_dim3A_1296 : vector<16xi1>, vector<16xi32>
    %add3A_1298 = arith.addi %add3A_1273, %select_n3A_1297 : vector<16xi32>
    %get3A_1299 = arith.constant 19 : i32
    %get3A_1300 = arith.index_cast %get3A_1299 : i32 to index
    %get3A_1301 = arith.constant 16 : index
    %get3A_1302 = tpu.vector_load %arg13[%get3A_1300, %get3A_1301] {strides = array<i32>} : memref<32x64xi32, #tpu.memory_space<vmem>>, vector<16xi32>,
    %add3A_1303 = arith.addi %add3A_1278, %get3A_1302 : vector<16xi32>
    %broadcast_in_dim3A_1304 = arith.constant 19 : i32
    %broadcast_in_dim3A_1305 = vector.broadcast %broadcast_in_dim3A_1304 : i32 to vector<16xi32>
    %mul3A_1306 = arith.constant 2 : i32
    %mul3A_1307 = arith.muli %mul3A_1306, %arg1 : i32
    %lt3A_1308 = vector.broadcast %mul3A_1307 : i32 to vector<16xi32>
    %lt3A_1309 = arith.cmpi slt, %broadcast_in_dim3A_1305, %lt3A_1308 : vector<16xi32>
    %jit3A_1310 = arith.constant 0 : i32
    %broadcast_in_dim3A_1311 = vector.broadcast %jit3A_1310 : i32 to vector<16xi32>
    %select_n3A_1312 = arith.select %lt3A_1309, %get3A_1302, %broadcast_in_dim3A_1311 : vector<16xi1>, vector<16xi32>
    %add3A_1313 = arith.addi %add3A_1288, %select_n3A_1312 : vector<16xi32>
    %mul3A_1314 = arith.constant 2 : i32
    %mul3A_1315 = arith.muli %mul3A_1314, %arg1 : i32
    %add3A_1316 = arith.constant 1 : i32
    %add3A_1317 = arith.addi %mul3A_1315, %add3A_1316 : i32
    %lt3A_1318 = vector.broadcast %add3A_1317 : i32 to vector<16xi32>
    %lt3A_1319 = arith.cmpi slt, %broadcast_in_dim3A_1305, %lt3A_1318 : vector<16xi32>
    %jit3A_1320 = arith.constant 0 : i32
    %broadcast_in_dim3A_1321 = vector.broadcast %jit3A_1320 : i32 to vector<16xi32>
    %select_n3A_1322 = arith.select %lt3A_1319, %get3A_1302, %broadcast_in_dim3A_1321 : vector<16xi1>, vector<16xi32>
    %add3A_1323 = arith.addi %add3A_1298, %select_n3A_1322 : vector<16xi32>
    %get3A_1324 = arith.constant 20 : i32
    %get3A_1325 = arith.index_cast %get3A_1324 : i32 to index
    %get3A_1326 = arith.constant 16 : index
    %get3A_1327 = tpu.vector_load %arg13[%get3A_1325, %get3A_1326] {strides = array<i32>} : memref<32x64xi32, #tpu.memory_space<vmem>>, vector<16xi32>,
    %add3A_1328 = arith.addi %add3A_1303, %get3A_1327 : vector<16xi32>
    %broadcast_in_dim3A_1329 = arith.constant 20 : i32
    %broadcast_in_dim3A_1330 = vector.broadcast %broadcast_in_dim3A_1329 : i32 to vector<16xi32>
    %mul3A_1331 = arith.constant 2 : i32
    %mul3A_1332 = arith.muli %mul3A_1331, %arg1 : i32
    %lt3A_1333 = vector.broadcast %mul3A_1332 : i32 to vector<16xi32>
    %lt3A_1334 = arith.cmpi slt, %broadcast_in_dim3A_1330, %lt3A_1333 : vector<16xi32>
    %jit3A_1335 = arith.constant 0 : i32
    %broadcast_in_dim3A_1336 = vector.broadcast %jit3A_1335 : i32 to vector<16xi32>
    %select_n3A_1337 = arith.select %lt3A_1334, %get3A_1327, %broadcast_in_dim3A_1336 : vector<16xi1>, vector<16xi32>
    %add3A_1338 = arith.addi %add3A_1313, %select_n3A_1337 : vector<16xi32>
    %mul3A_1339 = arith.constant 2 : i32
    %mul3A_1340 = arith.muli %mul3A_1339, %arg1 : i32
    %add3A_1341 = arith.constant 1 : i32
    %add3A_1342 = arith.addi %mul3A_1340, %add3A_1341 : i32
    %lt3A_1343 = vector.broadcast %add3A_1342 : i32 to vector<16xi32>
    %lt3A_1344 = arith.cmpi slt, %broadcast_in_dim3A_1330, %lt3A_1343 : vector<16xi32>
    %jit3A_1345 = arith.constant 0 : i32
    %broadcast_in_dim3A_1346 = vector.broadcast %jit3A_1345 : i32 to vector<16xi32>
    %select_n3A_1347 = arith.select %lt3A_1344, %get3A_1327, %broadcast_in_dim3A_1346 : vector<16xi1>, vector<16xi32>
    %add3A_1348 = arith.addi %add3A_1323, %select_n3A_1347 : vector<16xi32>
    %get3A_1349 = arith.constant 21 : i32
    %get3A_1350 = arith.index_cast %get3A_1349 : i32 to index
    %get3A_1351 = arith.constant 16 : index
    %get3A_1352 = tpu.vector_load %arg13[%get3A_1350, %get3A_1351] {strides = array<i32>} : memref<32x64xi32, #tpu.memory_space<vmem>>, vector<16xi32>,
    %add3A_1353 = arith.addi %add3A_1328, %get3A_1352 : vector<16xi32>
    %broadcast_in_dim3A_1354 = arith.constant 21 : i32
    %broadcast_in_dim3A_1355 = vector.broadcast %broadcast_in_dim3A_1354 : i32 to vector<16xi32>
    %mul3A_1356 = arith.constant 2 : i32
    %mul3A_1357 = arith.muli %mul3A_1356, %arg1 : i32
    %lt3A_1358 = vector.broadcast %mul3A_1357 : i32 to vector<16xi32>
    %lt3A_1359 = arith.cmpi slt, %broadcast_in_dim3A_1355, %lt3A_1358 : vector<16xi32>
    %jit3A_1360 = arith.constant 0 : i32
    %broadcast_in_dim3A_1361 = vector.broadcast %jit3A_1360 : i32 to vector<16xi32>
    %select_n3A_1362 = arith.select %lt3A_1359, %get3A_1352, %broadcast_in_dim3A_1361 : vector<16xi1>, vector<16xi32>
    %add3A_1363 = arith.addi %add3A_1338, %select_n3A_1362 : vector<16xi32>
    %mul3A_1364 = arith.constant 2 : i32
    %mul3A_1365 = arith.muli %mul3A_1364, %arg1 : i32
    %add3A_1366 = arith.constant 1 : i32
    %add3A_1367 = arith.addi %mul3A_1365, %add3A_1366 : i32
    %lt3A_1368 = vector.broadcast %add3A_1367 : i32 to vector<16xi32>
    %lt3A_1369 = arith.cmpi slt, %broadcast_in_dim3A_1355, %lt3A_1368 : vector<16xi32>
    %jit3A_1370 = arith.constant 0 : i32
    %broadcast_in_dim3A_1371 = vector.broadcast %jit3A_1370 : i32 to vector<16xi32>
    %select_n3A_1372 = arith.select %lt3A_1369, %get3A_1352, %broadcast_in_dim3A_1371 : vector<16xi1>, vector<16xi32>
    %add3A_1373 = arith.addi %add3A_1348, %select_n3A_1372 : vector<16xi32>
    %get3A_1374 = arith.constant 22 : i32
    %get3A_1375 = arith.index_cast %get3A_1374 : i32 to index
    %get3A_1376 = arith.constant 16 : index
    %get3A_1377 = tpu.vector_load %arg13[%get3A_1375, %get3A_1376] {strides = array<i32>} : memref<32x64xi32, #tpu.memory_space<vmem>>, vector<16xi32>,
    %add3A_1378 = arith.addi %add3A_1353, %get3A_1377 : vector<16xi32>
    %broadcast_in_dim3A_1379 = arith.constant 22 : i32
    %broadcast_in_dim3A_1380 = vector.broadcast %broadcast_in_dim3A_1379 : i32 to vector<16xi32>
    %mul3A_1381 = arith.constant 2 : i32
    %mul3A_1382 = arith.muli %mul3A_1381, %arg1 : i32
    %lt3A_1383 = vector.broadcast %mul3A_1382 : i32 to vector<16xi32>
    %lt3A_1384 = arith.cmpi slt, %broadcast_in_dim3A_1380, %lt3A_1383 : vector<16xi32>
    %jit3A_1385 = arith.constant 0 : i32
    %broadcast_in_dim3A_1386 = vector.broadcast %jit3A_1385 : i32 to vector<16xi32>
    %select_n3A_1387 = arith.select %lt3A_1384, %get3A_1377, %broadcast_in_dim3A_1386 : vector<16xi1>, vector<16xi32>
    %add3A_1388 = arith.addi %add3A_1363, %select_n3A_1387 : vector<16xi32>
    %mul3A_1389 = arith.constant 2 : i32
    %mul3A_1390 = arith.muli %mul3A_1389, %arg1 : i32
    %add3A_1391 = arith.constant 1 : i32
    %add3A_1392 = arith.addi %mul3A_1390, %add3A_1391 : i32
    %lt3A_1393 = vector.broadcast %add3A_1392 : i32 to vector<16xi32>
    %lt3A_1394 = arith.cmpi slt, %broadcast_in_dim3A_1380, %lt3A_1393 : vector<16xi32>
    %jit3A_1395 = arith.constant 0 : i32
    %broadcast_in_dim3A_1396 = vector.broadcast %jit3A_1395 : i32 to vector<16xi32>
    %select_n3A_1397 = arith.select %lt3A_1394, %get3A_1377, %broadcast_in_dim3A_1396 : vector<16xi1>, vector<16xi32>
    %add3A_1398 = arith.addi %add3A_1373, %select_n3A_1397 : vector<16xi32>
    %get3A_1399 = arith.constant 23 : i32
    %get3A_1400 = arith.index_cast %get3A_1399 : i32 to index
    %get3A_1401 = arith.constant 16 : index
    %get3A_1402 = tpu.vector_load %arg13[%get3A_1400, %get3A_1401] {strides = array<i32>} : memref<32x64xi32, #tpu.memory_space<vmem>>, vector<16xi32>,
    %add3A_1403 = arith.addi %add3A_1378, %get3A_1402 : vector<16xi32>
    %broadcast_in_dim3A_1404 = arith.constant 23 : i32
    %broadcast_in_dim3A_1405 = vector.broadcast %broadcast_in_dim3A_1404 : i32 to vector<16xi32>
    %mul3A_1406 = arith.constant 2 : i32
    %mul3A_1407 = arith.muli %mul3A_1406, %arg1 : i32
    %lt3A_1408 = vector.broadcast %mul3A_1407 : i32 to vector<16xi32>
    %lt3A_1409 = arith.cmpi slt, %broadcast_in_dim3A_1405, %lt3A_1408 : vector<16xi32>
    %jit3A_1410 = arith.constant 0 : i32
    %broadcast_in_dim3A_1411 = vector.broadcast %jit3A_1410 : i32 to vector<16xi32>
    %select_n3A_1412 = arith.select %lt3A_1409, %get3A_1402, %broadcast_in_dim3A_1411 : vector<16xi1>, vector<16xi32>
    %add3A_1413 = arith.addi %add3A_1388, %select_n3A_1412 : vector<16xi32>
    %mul3A_1414 = arith.constant 2 : i32
    %mul3A_1415 = arith.muli %mul3A_1414, %arg1 : i32
    %add3A_1416 = arith.constant 1 : i32
    %add3A_1417 = arith.addi %mul3A_1415, %add3A_1416 : i32
    %lt3A_1418 = vector.broadcast %add3A_1417 : i32 to vector<16xi32>
    %lt3A_1419 = arith.cmpi slt, %broadcast_in_dim3A_1405, %lt3A_1418 : vector<16xi32>
    %jit3A_1420 = arith.constant 0 : i32
    %broadcast_in_dim3A_1421 = vector.broadcast %jit3A_1420 : i32 to vector<16xi32>
    %select_n3A_1422 = arith.select %lt3A_1419, %get3A_1402, %broadcast_in_dim3A_1421 : vector<16xi1>, vector<16xi32>
    %add3A_1423 = arith.addi %add3A_1398, %select_n3A_1422 : vector<16xi32>
    %get3A_1424 = arith.constant 24 : i32
    %get3A_1425 = arith.index_cast %get3A_1424 : i32 to index
    %get3A_1426 = arith.constant 16 : index
    %get3A_1427 = tpu.vector_load %arg13[%get3A_1425, %get3A_1426] {strides = array<i32>} : memref<32x64xi32, #tpu.memory_space<vmem>>, vector<16xi32>,
    %add3A_1428 = arith.addi %add3A_1403, %get3A_1427 : vector<16xi32>
    %broadcast_in_dim3A_1429 = arith.constant 24 : i32
    %broadcast_in_dim3A_1430 = vector.broadcast %broadcast_in_dim3A_1429 : i32 to vector<16xi32>
    %mul3A_1431 = arith.constant 2 : i32
    %mul3A_1432 = arith.muli %mul3A_1431, %arg1 : i32
    %lt3A_1433 = vector.broadcast %mul3A_1432 : i32 to vector<16xi32>
    %lt3A_1434 = arith.cmpi slt, %broadcast_in_dim3A_1430, %lt3A_1433 : vector<16xi32>
    %jit3A_1435 = arith.constant 0 : i32
    %broadcast_in_dim3A_1436 = vector.broadcast %jit3A_1435 : i32 to vector<16xi32>
    %select_n3A_1437 = arith.select %lt3A_1434, %get3A_1427, %broadcast_in_dim3A_1436 : vector<16xi1>, vector<16xi32>
    %add3A_1438 = arith.addi %add3A_1413, %select_n3A_1437 : vector<16xi32>
    %mul3A_1439 = arith.constant 2 : i32
    %mul3A_1440 = arith.muli %mul3A_1439, %arg1 : i32
    %add3A_1441 = arith.constant 1 : i32
    %add3A_1442 = arith.addi %mul3A_1440, %add3A_1441 : i32
    %lt3A_1443 = vector.broadcast %add3A_1442 : i32 to vector<16xi32>
    %lt3A_1444 = arith.cmpi slt, %broadcast_in_dim3A_1430, %lt3A_1443 : vector<16xi32>
    %jit3A_1445 = arith.constant 0 : i32
    %broadcast_in_dim3A_1446 = vector.broadcast %jit3A_1445 : i32 to vector<16xi32>
    %select_n3A_1447 = arith.select %lt3A_1444, %get3A_1427, %broadcast_in_dim3A_1446 : vector<16xi1>, vector<16xi32>
    %add3A_1448 = arith.addi %add3A_1423, %select_n3A_1447 : vector<16xi32>
    %get3A_1449 = arith.constant 25 : i32
    %get3A_1450 = arith.index_cast %get3A_1449 : i32 to index
    %get3A_1451 = arith.constant 16 : index
    %get3A_1452 = tpu.vector_load %arg13[%get3A_1450, %get3A_1451] {strides = array<i32>} : memref<32x64xi32, #tpu.memory_space<vmem>>, vector<16xi32>,
    %add3A_1453 = arith.addi %add3A_1428, %get3A_1452 : vector<16xi32>
    %broadcast_in_dim3A_1454 = arith.constant 25 : i32
    %broadcast_in_dim3A_1455 = vector.broadcast %broadcast_in_dim3A_1454 : i32 to vector<16xi32>
    %mul3A_1456 = arith.constant 2 : i32
    %mul3A_1457 = arith.muli %mul3A_1456, %arg1 : i32
    %lt3A_1458 = vector.broadcast %mul3A_1457 : i32 to vector<16xi32>
    %lt3A_1459 = arith.cmpi slt, %broadcast_in_dim3A_1455, %lt3A_1458 : vector<16xi32>
    %jit3A_1460 = arith.constant 0 : i32
    %broadcast_in_dim3A_1461 = vector.broadcast %jit3A_1460 : i32 to vector<16xi32>
    %select_n3A_1462 = arith.select %lt3A_1459, %get3A_1452, %broadcast_in_dim3A_1461 : vector<16xi1>, vector<16xi32>
    %add3A_1463 = arith.addi %add3A_1438, %select_n3A_1462 : vector<16xi32>
    %mul3A_1464 = arith.constant 2 : i32
    %mul3A_1465 = arith.muli %mul3A_1464, %arg1 : i32
    %add3A_1466 = arith.constant 1 : i32
    %add3A_1467 = arith.addi %mul3A_1465, %add3A_1466 : i32
    %lt3A_1468 = vector.broadcast %add3A_1467 : i32 to vector<16xi32>
    %lt3A_1469 = arith.cmpi slt, %broadcast_in_dim3A_1455, %lt3A_1468 : vector<16xi32>
    %jit3A_1470 = arith.constant 0 : i32
    %broadcast_in_dim3A_1471 = vector.broadcast %jit3A_1470 : i32 to vector<16xi32>
    %select_n3A_1472 = arith.select %lt3A_1469, %get3A_1452, %broadcast_in_dim3A_1471 : vector<16xi1>, vector<16xi32>
    %add3A_1473 = arith.addi %add3A_1448, %select_n3A_1472 : vector<16xi32>
    %get3A_1474 = arith.constant 26 : i32
    %get3A_1475 = arith.index_cast %get3A_1474 : i32 to index
    %get3A_1476 = arith.constant 16 : index
    %get3A_1477 = tpu.vector_load %arg13[%get3A_1475, %get3A_1476] {strides = array<i32>} : memref<32x64xi32, #tpu.memory_space<vmem>>, vector<16xi32>,
    %add3A_1478 = arith.addi %add3A_1453, %get3A_1477 : vector<16xi32>
    %broadcast_in_dim3A_1479 = arith.constant 26 : i32
    %broadcast_in_dim3A_1480 = vector.broadcast %broadcast_in_dim3A_1479 : i32 to vector<16xi32>
    %mul3A_1481 = arith.constant 2 : i32
    %mul3A_1482 = arith.muli %mul3A_1481, %arg1 : i32
    %lt3A_1483 = vector.broadcast %mul3A_1482 : i32 to vector<16xi32>
    %lt3A_1484 = arith.cmpi slt, %broadcast_in_dim3A_1480, %lt3A_1483 : vector<16xi32>
    %jit3A_1485 = arith.constant 0 : i32
    %broadcast_in_dim3A_1486 = vector.broadcast %jit3A_1485 : i32 to vector<16xi32>
    %select_n3A_1487 = arith.select %lt3A_1484, %get3A_1477, %broadcast_in_dim3A_1486 : vector<16xi1>, vector<16xi32>
    %add3A_1488 = arith.addi %add3A_1463, %select_n3A_1487 : vector<16xi32>
    %mul3A_1489 = arith.constant 2 : i32
    %mul3A_1490 = arith.muli %mul3A_1489, %arg1 : i32
    %add3A_1491 = arith.constant 1 : i32
    %add3A_1492 = arith.addi %mul3A_1490, %add3A_1491 : i32
    %lt3A_1493 = vector.broadcast %add3A_1492 : i32 to vector<16xi32>
    %lt3A_1494 = arith.cmpi slt, %broadcast_in_dim3A_1480, %lt3A_1493 : vector<16xi32>
    %jit3A_1495 = arith.constant 0 : i32
    %broadcast_in_dim3A_1496 = vector.broadcast %jit3A_1495 : i32 to vector<16xi32>
    %select_n3A_1497 = arith.select %lt3A_1494, %get3A_1477, %broadcast_in_dim3A_1496 : vector<16xi1>, vector<16xi32>
    %add3A_1498 = arith.addi %add3A_1473, %select_n3A_1497 : vector<16xi32>
    %get3A_1499 = arith.constant 27 : i32
    %get3A_1500 = arith.index_cast %get3A_1499 : i32 to index
    %get3A_1501 = arith.constant 16 : index
    %get3A_1502 = tpu.vector_load %arg13[%get3A_1500, %get3A_1501] {strides = array<i32>} : memref<32x64xi32, #tpu.memory_space<vmem>>, vector<16xi32>,
    %add3A_1503 = arith.addi %add3A_1478, %get3A_1502 : vector<16xi32>
    %broadcast_in_dim3A_1504 = arith.constant 27 : i32
    %broadcast_in_dim3A_1505 = vector.broadcast %broadcast_in_dim3A_1504 : i32 to vector<16xi32>
    %mul3A_1506 = arith.constant 2 : i32
    %mul3A_1507 = arith.muli %mul3A_1506, %arg1 : i32
    %lt3A_1508 = vector.broadcast %mul3A_1507 : i32 to vector<16xi32>
    %lt3A_1509 = arith.cmpi slt, %broadcast_in_dim3A_1505, %lt3A_1508 : vector<16xi32>
    %jit3A_1510 = arith.constant 0 : i32
    %broadcast_in_dim3A_1511 = vector.broadcast %jit3A_1510 : i32 to vector<16xi32>
    %select_n3A_1512 = arith.select %lt3A_1509, %get3A_1502, %broadcast_in_dim3A_1511 : vector<16xi1>, vector<16xi32>
    %add3A_1513 = arith.addi %add3A_1488, %select_n3A_1512 : vector<16xi32>
    %mul3A_1514 = arith.constant 2 : i32
    %mul3A_1515 = arith.muli %mul3A_1514, %arg1 : i32
    %add3A_1516 = arith.constant 1 : i32
    %add3A_1517 = arith.addi %mul3A_1515, %add3A_1516 : i32
    %lt3A_1518 = vector.broadcast %add3A_1517 : i32 to vector<16xi32>
    %lt3A_1519 = arith.cmpi slt, %broadcast_in_dim3A_1505, %lt3A_1518 : vector<16xi32>
    %jit3A_1520 = arith.constant 0 : i32
    %broadcast_in_dim3A_1521 = vector.broadcast %jit3A_1520 : i32 to vector<16xi32>
    %select_n3A_1522 = arith.select %lt3A_1519, %get3A_1502, %broadcast_in_dim3A_1521 : vector<16xi1>, vector<16xi32>
    %add3A_1523 = arith.addi %add3A_1498, %select_n3A_1522 : vector<16xi32>
    %get3A_1524 = arith.constant 28 : i32
    %get3A_1525 = arith.index_cast %get3A_1524 : i32 to index
    %get3A_1526 = arith.constant 16 : index
    %get3A_1527 = tpu.vector_load %arg13[%get3A_1525, %get3A_1526] {strides = array<i32>} : memref<32x64xi32, #tpu.memory_space<vmem>>, vector<16xi32>,
    %add3A_1528 = arith.addi %add3A_1503, %get3A_1527 : vector<16xi32>
    %broadcast_in_dim3A_1529 = arith.constant 28 : i32
    %broadcast_in_dim3A_1530 = vector.broadcast %broadcast_in_dim3A_1529 : i32 to vector<16xi32>
    %mul3A_1531 = arith.constant 2 : i32
    %mul3A_1532 = arith.muli %mul3A_1531, %arg1 : i32
    %lt3A_1533 = vector.broadcast %mul3A_1532 : i32 to vector<16xi32>
    %lt3A_1534 = arith.cmpi slt, %broadcast_in_dim3A_1530, %lt3A_1533 : vector<16xi32>
    %jit3A_1535 = arith.constant 0 : i32
    %broadcast_in_dim3A_1536 = vector.broadcast %jit3A_1535 : i32 to vector<16xi32>
    %select_n3A_1537 = arith.select %lt3A_1534, %get3A_1527, %broadcast_in_dim3A_1536 : vector<16xi1>, vector<16xi32>
    %add3A_1538 = arith.addi %add3A_1513, %select_n3A_1537 : vector<16xi32>
    %mul3A_1539 = arith.constant 2 : i32
    %mul3A_1540 = arith.muli %mul3A_1539, %arg1 : i32
    %add3A_1541 = arith.constant 1 : i32
    %add3A_1542 = arith.addi %mul3A_1540, %add3A_1541 : i32
    %lt3A_1543 = vector.broadcast %add3A_1542 : i32 to vector<16xi32>
    %lt3A_1544 = arith.cmpi slt, %broadcast_in_dim3A_1530, %lt3A_1543 : vector<16xi32>
    %jit3A_1545 = arith.constant 0 : i32
    %broadcast_in_dim3A_1546 = vector.broadcast %jit3A_1545 : i32 to vector<16xi32>
    %select_n3A_1547 = arith.select %lt3A_1544, %get3A_1527, %broadcast_in_dim3A_1546 : vector<16xi1>, vector<16xi32>
    %add3A_1548 = arith.addi %add3A_1523, %select_n3A_1547 : vector<16xi32>
    %get3A_1549 = arith.constant 29 : i32
    %get3A_1550 = arith.index_cast %get3A_1549 : i32 to index
    %get3A_1551 = arith.constant 16 : index
    %get3A_1552 = tpu.vector_load %arg13[%get3A_1550, %get3A_1551] {strides = array<i32>} : memref<32x64xi32, #tpu.memory_space<vmem>>, vector<16xi32>,
    %add3A_1553 = arith.addi %add3A_1528, %get3A_1552 : vector<16xi32>
    %broadcast_in_dim3A_1554 = arith.constant 29 : i32
    %broadcast_in_dim3A_1555 = vector.broadcast %broadcast_in_dim3A_1554 : i32 to vector<16xi32>
    %mul3A_1556 = arith.constant 2 : i32
    %mul3A_1557 = arith.muli %mul3A_1556, %arg1 : i32
    %lt3A_1558 = vector.broadcast %mul3A_1557 : i32 to vector<16xi32>
    %lt3A_1559 = arith.cmpi slt, %broadcast_in_dim3A_1555, %lt3A_1558 : vector<16xi32>
    %jit3A_1560 = arith.constant 0 : i32
    %broadcast_in_dim3A_1561 = vector.broadcast %jit3A_1560 : i32 to vector<16xi32>
    %select_n3A_1562 = arith.select %lt3A_1559, %get3A_1552, %broadcast_in_dim3A_1561 : vector<16xi1>, vector<16xi32>
    %add3A_1563 = arith.addi %add3A_1538, %select_n3A_1562 : vector<16xi32>
    %mul3A_1564 = arith.constant 2 : i32
    %mul3A_1565 = arith.muli %mul3A_1564, %arg1 : i32
    %add3A_1566 = arith.constant 1 : i32
    %add3A_1567 = arith.addi %mul3A_1565, %add3A_1566 : i32
    %lt3A_1568 = vector.broadcast %add3A_1567 : i32 to vector<16xi32>
    %lt3A_1569 = arith.cmpi slt, %broadcast_in_dim3A_1555, %lt3A_1568 : vector<16xi32>
    %jit3A_1570 = arith.constant 0 : i32
    %broadcast_in_dim3A_1571 = vector.broadcast %jit3A_1570 : i32 to vector<16xi32>
    %select_n3A_1572 = arith.select %lt3A_1569, %get3A_1552, %broadcast_in_dim3A_1571 : vector<16xi1>, vector<16xi32>
    %add3A_1573 = arith.addi %add3A_1548, %select_n3A_1572 : vector<16xi32>
    %get3A_1574 = arith.constant 30 : i32
    %get3A_1575 = arith.index_cast %get3A_1574 : i32 to index
    %get3A_1576 = arith.constant 16 : index
    %get3A_1577 = tpu.vector_load %arg13[%get3A_1575, %get3A_1576] {strides = array<i32>} : memref<32x64xi32, #tpu.memory_space<vmem>>, vector<16xi32>,
    %add3A_1578 = arith.addi %add3A_1553, %get3A_1577 : vector<16xi32>
    %broadcast_in_dim3A_1579 = arith.constant 30 : i32
    %broadcast_in_dim3A_1580 = vector.broadcast %broadcast_in_dim3A_1579 : i32 to vector<16xi32>
    %mul3A_1581 = arith.constant 2 : i32
    %mul3A_1582 = arith.muli %mul3A_1581, %arg1 : i32
    %lt3A_1583 = vector.broadcast %mul3A_1582 : i32 to vector<16xi32>
    %lt3A_1584 = arith.cmpi slt, %broadcast_in_dim3A_1580, %lt3A_1583 : vector<16xi32>
    %jit3A_1585 = arith.constant 0 : i32
    %broadcast_in_dim3A_1586 = vector.broadcast %jit3A_1585 : i32 to vector<16xi32>
    %select_n3A_1587 = arith.select %lt3A_1584, %get3A_1577, %broadcast_in_dim3A_1586 : vector<16xi1>, vector<16xi32>
    %add3A_1588 = arith.addi %add3A_1563, %select_n3A_1587 : vector<16xi32>
    %mul3A_1589 = arith.constant 2 : i32
    %mul3A_1590 = arith.muli %mul3A_1589, %arg1 : i32
    %add3A_1591 = arith.constant 1 : i32
    %add3A_1592 = arith.addi %mul3A_1590, %add3A_1591 : i32
    %lt3A_1593 = vector.broadcast %add3A_1592 : i32 to vector<16xi32>
    %lt3A_1594 = arith.cmpi slt, %broadcast_in_dim3A_1580, %lt3A_1593 : vector<16xi32>
    %jit3A_1595 = arith.constant 0 : i32
    %broadcast_in_dim3A_1596 = vector.broadcast %jit3A_1595 : i32 to vector<16xi32>
    %select_n3A_1597 = arith.select %lt3A_1594, %get3A_1577, %broadcast_in_dim3A_1596 : vector<16xi1>, vector<16xi32>
    %add3A_1598 = arith.addi %add3A_1573, %select_n3A_1597 : vector<16xi32>
    %get3A_1599 = arith.constant 31 : i32
    %get3A_1600 = arith.index_cast %get3A_1599 : i32 to index
    %get3A_1601 = arith.constant 16 : index
    %get3A_1602 = tpu.vector_load %arg13[%get3A_1600, %get3A_1601] {strides = array<i32>} : memref<32x64xi32, #tpu.memory_space<vmem>>, vector<16xi32>,
    %add3A_1603 = arith.addi %add3A_1578, %get3A_1602 : vector<16xi32>
    %broadcast_in_dim3A_1604 = arith.constant 31 : i32
    %broadcast_in_dim3A_1605 = vector.broadcast %broadcast_in_dim3A_1604 : i32 to vector<16xi32>
    %mul3A_1606 = arith.constant 2 : i32
    %mul3A_1607 = arith.muli %mul3A_1606, %arg1 : i32
    %lt3A_1608 = vector.broadcast %mul3A_1607 : i32 to vector<16xi32>
    %lt3A_1609 = arith.cmpi slt, %broadcast_in_dim3A_1605, %lt3A_1608 : vector<16xi32>
    %jit3A_1610 = arith.constant 0 : i32
    %broadcast_in_dim3A_1611 = vector.broadcast %jit3A_1610 : i32 to vector<16xi32>
    %select_n3A_1612 = arith.select %lt3A_1609, %get3A_1602, %broadcast_in_dim3A_1611 : vector<16xi1>, vector<16xi32>
    %add3A_1613 = arith.addi %add3A_1588, %select_n3A_1612 : vector<16xi32>
    %mul3A_1614 = arith.constant 2 : i32
    %mul3A_1615 = arith.muli %mul3A_1614, %arg1 : i32
    %add3A_1616 = arith.constant 1 : i32
    %add3A_1617 = arith.addi %mul3A_1615, %add3A_1616 : i32
    %lt3A_1618 = vector.broadcast %add3A_1617 : i32 to vector<16xi32>
    %lt3A_1619 = arith.cmpi slt, %broadcast_in_dim3A_1605, %lt3A_1618 : vector<16xi32>
    %jit3A_1620 = arith.constant 0 : i32
    %broadcast_in_dim3A_1621 = vector.broadcast %jit3A_1620 : i32 to vector<16xi32>
    %select_n3A_1622 = arith.select %lt3A_1619, %get3A_1602, %broadcast_in_dim3A_1621 : vector<16xi1>, vector<16xi32>
    %add3A_1623 = arith.addi %add3A_1598, %select_n3A_1622 : vector<16xi32>
    %broadcast_in_dim3A_1624 = arith.constant true
    %broadcast_in_dim3A_1625 = vector.broadcast %broadcast_in_dim3A_1624 : i1 to vector<16xi1>
    %masked_cumsum3A_1626 = tpu.scan <sum>, %add3A_1603 masked %broadcast_in_dim3A_1625 : vector<16xi32>, vector<16xi1> -> vector<16xi32>
    %sub3A_1627 = arith.subi %masked_cumsum3A_1626, %add3A_1603 : vector<16xi32>
    %add3A_1628 = vector.broadcast %add3A_817 : i32 to vector<16xi32>
    %add3A_1629 = arith.addi %sub3A_1627, %add3A_1628 : vector<16xi32>
    %add3A_1630 = arith.addi %add3A_1629, %add3A_1613 : vector<16xi32>
    %swap3A_1631 = arith.constant 16 : index
    %swap3A_1632 = tpu.vector_load %arg14[%swap3A_1631] {strides = array<i32>} : memref<64xi32, #tpu.memory_space<vmem>>, vector<16xi32>,
    tpu.vector_store %arg14[%swap3A_1631], %add3A_1630 {strides = array<i32>} : memref<64xi32, #tpu.memory_space<vmem>>, vector<16xi32>,
    %add3A_1633 = arith.addi %add3A_1629, %add3A_1623 : vector<16xi32>
    %swap3A_1634 = arith.constant 16 : index
    %swap3A_1635 = tpu.vector_load %arg15[%swap3A_1634] {strides = array<i32>} : memref<64xi32, #tpu.memory_space<vmem>>, vector<16xi32>,
    tpu.vector_store %arg15[%swap3A_1634], %add3A_1633 {strides = array<i32>} : memref<64xi32, #tpu.memory_space<vmem>>, vector<16xi32>,
    %convert_element_type3A_1636 = arith.sitofp %add3A_1603 : vector<16xi32> to vector<16xf32>
    %swap3A_1637 = arith.constant 16 : index
    %swap3A_1638 = tpu.vector_load %arg16[%swap3A_1637] {strides = array<i32>} : memref<64xf32, #tpu.memory_space<vmem>>, vector<16xf32>,
    tpu.vector_store %arg16[%swap3A_1637], %convert_element_type3A_1636 {strides = array<i32>} : memref<64xf32, #tpu.memory_space<vmem>>, vector<16xf32>,
    %reduce_sum3A_1639 = arith.constant true
    %reduce_sum3A_1640 = vector.broadcast %reduce_sum3A_1639 : i1 to vector<16xi1>
    %reduce_sum3A_1641 = tpu.scan <sum>, %add3A_1603 masked %reduce_sum3A_1640 : vector<16xi32>, vector<16xi1> -> vector<16xi32>
    %reduce_sum3A_1642 = vector.extract %reduce_sum3A_1641[15] : i32 from vector<16xi32>
    %add3A_1643 = arith.addi %add3A_817, %reduce_sum3A_1642 : i32
    %broadcast_in_dim3A_1644 = arith.constant 0 : i32
    %broadcast_in_dim3A_1645 = vector.broadcast %broadcast_in_dim3A_1644 : i32 to vector<16xi32>
    %broadcast_in_dim3A_1646 = arith.constant 0 : i32
    %broadcast_in_dim3A_1647 = vector.broadcast %broadcast_in_dim3A_1646 : i32 to vector<16xi32>
    %broadcast_in_dim3A_1648 = arith.constant 0 : i32
    %broadcast_in_dim3A_1649 = vector.broadcast %broadcast_in_dim3A_1648 : i32 to vector<16xi32>
    %get3A_1650 = arith.constant 0 : i32
    %get3A_1651 = arith.index_cast %get3A_1650 : i32 to index
    %get3A_1652 = arith.constant 32 : index
    %get3A_1653 = tpu.vector_load %arg13[%get3A_1651, %get3A_1652] {strides = array<i32>} : memref<32x64xi32, #tpu.memory_space<vmem>>, vector<16xi32>,
    %add3A_1654 = arith.addi %broadcast_in_dim3A_1645, %get3A_1653 : vector<16xi32>
    %broadcast_in_dim3A_1655 = arith.constant 0 : i32
    %broadcast_in_dim3A_1656 = vector.broadcast %broadcast_in_dim3A_1655 : i32 to vector<16xi32>
    %mul3A_1657 = arith.constant 2 : i32
    %mul3A_1658 = arith.muli %mul3A_1657, %arg1 : i32
    %lt3A_1659 = vector.broadcast %mul3A_1658 : i32 to vector<16xi32>
    %lt3A_1660 = arith.cmpi slt, %broadcast_in_dim3A_1656, %lt3A_1659 : vector<16xi32>
    %jit3A_1661 = arith.constant 0 : i32
    %broadcast_in_dim3A_1662 = vector.broadcast %jit3A_1661 : i32 to vector<16xi32>
    %select_n3A_1663 = arith.select %lt3A_1660, %get3A_1653, %broadcast_in_dim3A_1662 : vector<16xi1>, vector<16xi32>
    %add3A_1664 = arith.addi %broadcast_in_dim3A_1647, %select_n3A_1663 : vector<16xi32>
    %mul3A_1665 = arith.constant 2 : i32
    %mul3A_1666 = arith.muli %mul3A_1665, %arg1 : i32
    %add3A_1667 = arith.constant 1 : i32
    %add3A_1668 = arith.addi %mul3A_1666, %add3A_1667 : i32
    %lt3A_1669 = vector.broadcast %add3A_1668 : i32 to vector<16xi32>
    %lt3A_1670 = arith.cmpi slt, %broadcast_in_dim3A_1656, %lt3A_1669 : vector<16xi32>
    %jit3A_1671 = arith.constant 0 : i32
    %broadcast_in_dim3A_1672 = vector.broadcast %jit3A_1671 : i32 to vector<16xi32>
    %select_n3A_1673 = arith.select %lt3A_1670, %get3A_1653, %broadcast_in_dim3A_1672 : vector<16xi1>, vector<16xi32>
    %add3A_1674 = arith.addi %broadcast_in_dim3A_1649, %select_n3A_1673 : vector<16xi32>
    %get3A_1675 = arith.constant 1 : i32
    %get3A_1676 = arith.index_cast %get3A_1675 : i32 to index
    %get3A_1677 = arith.constant 32 : index
    %get3A_1678 = tpu.vector_load %arg13[%get3A_1676, %get3A_1677] {strides = array<i32>} : memref<32x64xi32, #tpu.memory_space<vmem>>, vector<16xi32>,
    %add3A_1679 = arith.addi %add3A_1654, %get3A_1678 : vector<16xi32>
    %broadcast_in_dim3A_1680 = arith.constant 1 : i32
    %broadcast_in_dim3A_1681 = vector.broadcast %broadcast_in_dim3A_1680 : i32 to vector<16xi32>
    %mul3A_1682 = arith.constant 2 : i32
    %mul3A_1683 = arith.muli %mul3A_1682, %arg1 : i32
    %lt3A_1684 = vector.broadcast %mul3A_1683 : i32 to vector<16xi32>
    %lt3A_1685 = arith.cmpi slt, %broadcast_in_dim3A_1681, %lt3A_1684 : vector<16xi32>
    %jit3A_1686 = arith.constant 0 : i32
    %broadcast_in_dim3A_1687 = vector.broadcast %jit3A_1686 : i32 to vector<16xi32>
    %select_n3A_1688 = arith.select %lt3A_1685, %get3A_1678, %broadcast_in_dim3A_1687 : vector<16xi1>, vector<16xi32>
    %add3A_1689 = arith.addi %add3A_1664, %select_n3A_1688 : vector<16xi32>
    %mul3A_1690 = arith.constant 2 : i32
    %mul3A_1691 = arith.muli %mul3A_1690, %arg1 : i32
    %add3A_1692 = arith.constant 1 : i32
    %add3A_1693 = arith.addi %mul3A_1691, %add3A_1692 : i32
    %lt3A_1694 = vector.broadcast %add3A_1693 : i32 to vector<16xi32>
    %lt3A_1695 = arith.cmpi slt, %broadcast_in_dim3A_1681, %lt3A_1694 : vector<16xi32>
    %jit3A_1696 = arith.constant 0 : i32
    %broadcast_in_dim3A_1697 = vector.broadcast %jit3A_1696 : i32 to vector<16xi32>
    %select_n3A_1698 = arith.select %lt3A_1695, %get3A_1678, %broadcast_in_dim3A_1697 : vector<16xi1>, vector<16xi32>
    %add3A_1699 = arith.addi %add3A_1674, %select_n3A_1698 : vector<16xi32>
    %get3A_1700 = arith.constant 2 : i32
    %get3A_1701 = arith.index_cast %get3A_1700 : i32 to index
    %get3A_1702 = arith.constant 32 : index
    %get3A_1703 = tpu.vector_load %arg13[%get3A_1701, %get3A_1702] {strides = array<i32>} : memref<32x64xi32, #tpu.memory_space<vmem>>, vector<16xi32>,
    %add3A_1704 = arith.addi %add3A_1679, %get3A_1703 : vector<16xi32>
    %broadcast_in_dim3A_1705 = arith.constant 2 : i32
    %broadcast_in_dim3A_1706 = vector.broadcast %broadcast_in_dim3A_1705 : i32 to vector<16xi32>
    %mul3A_1707 = arith.constant 2 : i32
    %mul3A_1708 = arith.muli %mul3A_1707, %arg1 : i32
    %lt3A_1709 = vector.broadcast %mul3A_1708 : i32 to vector<16xi32>
    %lt3A_1710 = arith.cmpi slt, %broadcast_in_dim3A_1706, %lt3A_1709 : vector<16xi32>
    %jit3A_1711 = arith.constant 0 : i32
    %broadcast_in_dim3A_1712 = vector.broadcast %jit3A_1711 : i32 to vector<16xi32>
    %select_n3A_1713 = arith.select %lt3A_1710, %get3A_1703, %broadcast_in_dim3A_1712 : vector<16xi1>, vector<16xi32>
    %add3A_1714 = arith.addi %add3A_1689, %select_n3A_1713 : vector<16xi32>
    %mul3A_1715 = arith.constant 2 : i32
    %mul3A_1716 = arith.muli %mul3A_1715, %arg1 : i32
    %add3A_1717 = arith.constant 1 : i32
    %add3A_1718 = arith.addi %mul3A_1716, %add3A_1717 : i32
    %lt3A_1719 = vector.broadcast %add3A_1718 : i32 to vector<16xi32>
    %lt3A_1720 = arith.cmpi slt, %broadcast_in_dim3A_1706, %lt3A_1719 : vector<16xi32>
    %jit3A_1721 = arith.constant 0 : i32
    %broadcast_in_dim3A_1722 = vector.broadcast %jit3A_1721 : i32 to vector<16xi32>
    %select_n3A_1723 = arith.select %lt3A_1720, %get3A_1703, %broadcast_in_dim3A_1722 : vector<16xi1>, vector<16xi32>
    %add3A_1724 = arith.addi %add3A_1699, %select_n3A_1723 : vector<16xi32>
    %get3A_1725 = arith.constant 3 : i32
    %get3A_1726 = arith.index_cast %get3A_1725 : i32 to index
    %get3A_1727 = arith.constant 32 : index
    %get3A_1728 = tpu.vector_load %arg13[%get3A_1726, %get3A_1727] {strides = array<i32>} : memref<32x64xi32, #tpu.memory_space<vmem>>, vector<16xi32>,
    %add3A_1729 = arith.addi %add3A_1704, %get3A_1728 : vector<16xi32>
    %broadcast_in_dim3A_1730 = arith.constant 3 : i32
    %broadcast_in_dim3A_1731 = vector.broadcast %broadcast_in_dim3A_1730 : i32 to vector<16xi32>
    %mul3A_1732 = arith.constant 2 : i32
    %mul3A_1733 = arith.muli %mul3A_1732, %arg1 : i32
    %lt3A_1734 = vector.broadcast %mul3A_1733 : i32 to vector<16xi32>
    %lt3A_1735 = arith.cmpi slt, %broadcast_in_dim3A_1731, %lt3A_1734 : vector<16xi32>
    %jit3A_1736 = arith.constant 0 : i32
    %broadcast_in_dim3A_1737 = vector.broadcast %jit3A_1736 : i32 to vector<16xi32>
    %select_n3A_1738 = arith.select %lt3A_1735, %get3A_1728, %broadcast_in_dim3A_1737 : vector<16xi1>, vector<16xi32>
    %add3A_1739 = arith.addi %add3A_1714, %select_n3A_1738 : vector<16xi32>
    %mul3A_1740 = arith.constant 2 : i32
    %mul3A_1741 = arith.muli %mul3A_1740, %arg1 : i32
    %add3A_1742 = arith.constant 1 : i32
    %add3A_1743 = arith.addi %mul3A_1741, %add3A_1742 : i32
    %lt3A_1744 = vector.broadcast %add3A_1743 : i32 to vector<16xi32>
    %lt3A_1745 = arith.cmpi slt, %broadcast_in_dim3A_1731, %lt3A_1744 : vector<16xi32>
    %jit3A_1746 = arith.constant 0 : i32
    %broadcast_in_dim3A_1747 = vector.broadcast %jit3A_1746 : i32 to vector<16xi32>
    %select_n3A_1748 = arith.select %lt3A_1745, %get3A_1728, %broadcast_in_dim3A_1747 : vector<16xi1>, vector<16xi32>
    %add3A_1749 = arith.addi %add3A_1724, %select_n3A_1748 : vector<16xi32>
    %get3A_1750 = arith.constant 4 : i32
    %get3A_1751 = arith.index_cast %get3A_1750 : i32 to index
    %get3A_1752 = arith.constant 32 : index
    %get3A_1753 = tpu.vector_load %arg13[%get3A_1751, %get3A_1752] {strides = array<i32>} : memref<32x64xi32, #tpu.memory_space<vmem>>, vector<16xi32>,
    %add3A_1754 = arith.addi %add3A_1729, %get3A_1753 : vector<16xi32>
    %broadcast_in_dim3A_1755 = arith.constant 4 : i32
    %broadcast_in_dim3A_1756 = vector.broadcast %broadcast_in_dim3A_1755 : i32 to vector<16xi32>
    %mul3A_1757 = arith.constant 2 : i32
    %mul3A_1758 = arith.muli %mul3A_1757, %arg1 : i32
    %lt3A_1759 = vector.broadcast %mul3A_1758 : i32 to vector<16xi32>
    %lt3A_1760 = arith.cmpi slt, %broadcast_in_dim3A_1756, %lt3A_1759 : vector<16xi32>
    %jit3A_1761 = arith.constant 0 : i32
    %broadcast_in_dim3A_1762 = vector.broadcast %jit3A_1761 : i32 to vector<16xi32>
    %select_n3A_1763 = arith.select %lt3A_1760, %get3A_1753, %broadcast_in_dim3A_1762 : vector<16xi1>, vector<16xi32>
    %add3A_1764 = arith.addi %add3A_1739, %select_n3A_1763 : vector<16xi32>
    %mul3A_1765 = arith.constant 2 : i32
    %mul3A_1766 = arith.muli %mul3A_1765, %arg1 : i32
    %add3A_1767 = arith.constant 1 : i32
    %add3A_1768 = arith.addi %mul3A_1766, %add3A_1767 : i32
    %lt3A_1769 = vector.broadcast %add3A_1768 : i32 to vector<16xi32>
    %lt3A_1770 = arith.cmpi slt, %broadcast_in_dim3A_1756, %lt3A_1769 : vector<16xi32>
    %jit3A_1771 = arith.constant 0 : i32
    %broadcast_in_dim3A_1772 = vector.broadcast %jit3A_1771 : i32 to vector<16xi32>
    %select_n3A_1773 = arith.select %lt3A_1770, %get3A_1753, %broadcast_in_dim3A_1772 : vector<16xi1>, vector<16xi32>
    %add3A_1774 = arith.addi %add3A_1749, %select_n3A_1773 : vector<16xi32>
    %get3A_1775 = arith.constant 5 : i32
    %get3A_1776 = arith.index_cast %get3A_1775 : i32 to index
    %get3A_1777 = arith.constant 32 : index
    %get3A_1778 = tpu.vector_load %arg13[%get3A_1776, %get3A_1777] {strides = array<i32>} : memref<32x64xi32, #tpu.memory_space<vmem>>, vector<16xi32>,
    %add3A_1779 = arith.addi %add3A_1754, %get3A_1778 : vector<16xi32>
    %broadcast_in_dim3A_1780 = arith.constant 5 : i32
    %broadcast_in_dim3A_1781 = vector.broadcast %broadcast_in_dim3A_1780 : i32 to vector<16xi32>
    %mul3A_1782 = arith.constant 2 : i32
    %mul3A_1783 = arith.muli %mul3A_1782, %arg1 : i32
    %lt3A_1784 = vector.broadcast %mul3A_1783 : i32 to vector<16xi32>
    %lt3A_1785 = arith.cmpi slt, %broadcast_in_dim3A_1781, %lt3A_1784 : vector<16xi32>
    %jit3A_1786 = arith.constant 0 : i32
    %broadcast_in_dim3A_1787 = vector.broadcast %jit3A_1786 : i32 to vector<16xi32>
    %select_n3A_1788 = arith.select %lt3A_1785, %get3A_1778, %broadcast_in_dim3A_1787 : vector<16xi1>, vector<16xi32>
    %add3A_1789 = arith.addi %add3A_1764, %select_n3A_1788 : vector<16xi32>
    %mul3A_1790 = arith.constant 2 : i32
    %mul3A_1791 = arith.muli %mul3A_1790, %arg1 : i32
    %add3A_1792 = arith.constant 1 : i32
    %add3A_1793 = arith.addi %mul3A_1791, %add3A_1792 : i32
    %lt3A_1794 = vector.broadcast %add3A_1793 : i32 to vector<16xi32>
    %lt3A_1795 = arith.cmpi slt, %broadcast_in_dim3A_1781, %lt3A_1794 : vector<16xi32>
    %jit3A_1796 = arith.constant 0 : i32
    %broadcast_in_dim3A_1797 = vector.broadcast %jit3A_1796 : i32 to vector<16xi32>
    %select_n3A_1798 = arith.select %lt3A_1795, %get3A_1778, %broadcast_in_dim3A_1797 : vector<16xi1>, vector<16xi32>
    %add3A_1799 = arith.addi %add3A_1774, %select_n3A_1798 : vector<16xi32>
    %get3A_1800 = arith.constant 6 : i32
    %get3A_1801 = arith.index_cast %get3A_1800 : i32 to index
    %get3A_1802 = arith.constant 32 : index
    %get3A_1803 = tpu.vector_load %arg13[%get3A_1801, %get3A_1802] {strides = array<i32>} : memref<32x64xi32, #tpu.memory_space<vmem>>, vector<16xi32>,
    %add3A_1804 = arith.addi %add3A_1779, %get3A_1803 : vector<16xi32>
    %broadcast_in_dim3A_1805 = arith.constant 6 : i32
    %broadcast_in_dim3A_1806 = vector.broadcast %broadcast_in_dim3A_1805 : i32 to vector<16xi32>
    %mul3A_1807 = arith.constant 2 : i32
    %mul3A_1808 = arith.muli %mul3A_1807, %arg1 : i32
    %lt3A_1809 = vector.broadcast %mul3A_1808 : i32 to vector<16xi32>
    %lt3A_1810 = arith.cmpi slt, %broadcast_in_dim3A_1806, %lt3A_1809 : vector<16xi32>
    %jit3A_1811 = arith.constant 0 : i32
    %broadcast_in_dim3A_1812 = vector.broadcast %jit3A_1811 : i32 to vector<16xi32>
    %select_n3A_1813 = arith.select %lt3A_1810, %get3A_1803, %broadcast_in_dim3A_1812 : vector<16xi1>, vector<16xi32>
    %add3A_1814 = arith.addi %add3A_1789, %select_n3A_1813 : vector<16xi32>
    %mul3A_1815 = arith.constant 2 : i32
    %mul3A_1816 = arith.muli %mul3A_1815, %arg1 : i32
    %add3A_1817 = arith.constant 1 : i32
    %add3A_1818 = arith.addi %mul3A_1816, %add3A_1817 : i32
    %lt3A_1819 = vector.broadcast %add3A_1818 : i32 to vector<16xi32>
    %lt3A_1820 = arith.cmpi slt, %broadcast_in_dim3A_1806, %lt3A_1819 : vector<16xi32>
    %jit3A_1821 = arith.constant 0 : i32
    %broadcast_in_dim3A_1822 = vector.broadcast %jit3A_1821 : i32 to vector<16xi32>
    %select_n3A_1823 = arith.select %lt3A_1820, %get3A_1803, %broadcast_in_dim3A_1822 : vector<16xi1>, vector<16xi32>
    %add3A_1824 = arith.addi %add3A_1799, %select_n3A_1823 : vector<16xi32>
    %get3A_1825 = arith.constant 7 : i32
    %get3A_1826 = arith.index_cast %get3A_1825 : i32 to index
    %get3A_1827 = arith.constant 32 : index
    %get3A_1828 = tpu.vector_load %arg13[%get3A_1826, %get3A_1827] {strides = array<i32>} : memref<32x64xi32, #tpu.memory_space<vmem>>, vector<16xi32>,
    %add3A_1829 = arith.addi %add3A_1804, %get3A_1828 : vector<16xi32>
    %broadcast_in_dim3A_1830 = arith.constant 7 : i32
    %broadcast_in_dim3A_1831 = vector.broadcast %broadcast_in_dim3A_1830 : i32 to vector<16xi32>
    %mul3A_1832 = arith.constant 2 : i32
    %mul3A_1833 = arith.muli %mul3A_1832, %arg1 : i32
    %lt3A_1834 = vector.broadcast %mul3A_1833 : i32 to vector<16xi32>
    %lt3A_1835 = arith.cmpi slt, %broadcast_in_dim3A_1831, %lt3A_1834 : vector<16xi32>
    %jit3A_1836 = arith.constant 0 : i32
    %broadcast_in_dim3A_1837 = vector.broadcast %jit3A_1836 : i32 to vector<16xi32>
    %select_n3A_1838 = arith.select %lt3A_1835, %get3A_1828, %broadcast_in_dim3A_1837 : vector<16xi1>, vector<16xi32>
    %add3A_1839 = arith.addi %add3A_1814, %select_n3A_1838 : vector<16xi32>
    %mul3A_1840 = arith.constant 2 : i32
    %mul3A_1841 = arith.muli %mul3A_1840, %arg1 : i32
    %add3A_1842 = arith.constant 1 : i32
    %add3A_1843 = arith.addi %mul3A_1841, %add3A_1842 : i32
    %lt3A_1844 = vector.broadcast %add3A_1843 : i32 to vector<16xi32>
    %lt3A_1845 = arith.cmpi slt, %broadcast_in_dim3A_1831, %lt3A_1844 : vector<16xi32>
    %jit3A_1846 = arith.constant 0 : i32
    %broadcast_in_dim3A_1847 = vector.broadcast %jit3A_1846 : i32 to vector<16xi32>
    %select_n3A_1848 = arith.select %lt3A_1845, %get3A_1828, %broadcast_in_dim3A_1847 : vector<16xi1>, vector<16xi32>
    %add3A_1849 = arith.addi %add3A_1824, %select_n3A_1848 : vector<16xi32>
    %get3A_1850 = arith.constant 8 : i32
    %get3A_1851 = arith.index_cast %get3A_1850 : i32 to index
    %get3A_1852 = arith.constant 32 : index
    %get3A_1853 = tpu.vector_load %arg13[%get3A_1851, %get3A_1852] {strides = array<i32>} : memref<32x64xi32, #tpu.memory_space<vmem>>, vector<16xi32>,
    %add3A_1854 = arith.addi %add3A_1829, %get3A_1853 : vector<16xi32>
    %broadcast_in_dim3A_1855 = arith.constant 8 : i32
    %broadcast_in_dim3A_1856 = vector.broadcast %broadcast_in_dim3A_1855 : i32 to vector<16xi32>
    %mul3A_1857 = arith.constant 2 : i32
    %mul3A_1858 = arith.muli %mul3A_1857, %arg1 : i32
    %lt3A_1859 = vector.broadcast %mul3A_1858 : i32 to vector<16xi32>
    %lt3A_1860 = arith.cmpi slt, %broadcast_in_dim3A_1856, %lt3A_1859 : vector<16xi32>
    %jit3A_1861 = arith.constant 0 : i32
    %broadcast_in_dim3A_1862 = vector.broadcast %jit3A_1861 : i32 to vector<16xi32>
    %select_n3A_1863 = arith.select %lt3A_1860, %get3A_1853, %broadcast_in_dim3A_1862 : vector<16xi1>, vector<16xi32>
    %add3A_1864 = arith.addi %add3A_1839, %select_n3A_1863 : vector<16xi32>
    %mul3A_1865 = arith.constant 2 : i32
    %mul3A_1866 = arith.muli %mul3A_1865, %arg1 : i32
    %add3A_1867 = arith.constant 1 : i32
    %add3A_1868 = arith.addi %mul3A_1866, %add3A_1867 : i32
    %lt3A_1869 = vector.broadcast %add3A_1868 : i32 to vector<16xi32>
    %lt3A_1870 = arith.cmpi slt, %broadcast_in_dim3A_1856, %lt3A_1869 : vector<16xi32>
    %jit3A_1871 = arith.constant 0 : i32
    %broadcast_in_dim3A_1872 = vector.broadcast %jit3A_1871 : i32 to vector<16xi32>
    %select_n3A_1873 = arith.select %lt3A_1870, %get3A_1853, %broadcast_in_dim3A_1872 : vector<16xi1>, vector<16xi32>
    %add3A_1874 = arith.addi %add3A_1849, %select_n3A_1873 : vector<16xi32>
    %get3A_1875 = arith.constant 9 : i32
    %get3A_1876 = arith.index_cast %get3A_1875 : i32 to index
    %get3A_1877 = arith.constant 32 : index
    %get3A_1878 = tpu.vector_load %arg13[%get3A_1876, %get3A_1877] {strides = array<i32>} : memref<32x64xi32, #tpu.memory_space<vmem>>, vector<16xi32>,
    %add3A_1879 = arith.addi %add3A_1854, %get3A_1878 : vector<16xi32>
    %broadcast_in_dim3A_1880 = arith.constant 9 : i32
    %broadcast_in_dim3A_1881 = vector.broadcast %broadcast_in_dim3A_1880 : i32 to vector<16xi32>
    %mul3A_1882 = arith.constant 2 : i32
    %mul3A_1883 = arith.muli %mul3A_1882, %arg1 : i32
    %lt3A_1884 = vector.broadcast %mul3A_1883 : i32 to vector<16xi32>
    %lt3A_1885 = arith.cmpi slt, %broadcast_in_dim3A_1881, %lt3A_1884 : vector<16xi32>
    %jit3A_1886 = arith.constant 0 : i32
    %broadcast_in_dim3A_1887 = vector.broadcast %jit3A_1886 : i32 to vector<16xi32>
    %select_n3A_1888 = arith.select %lt3A_1885, %get3A_1878, %broadcast_in_dim3A_1887 : vector<16xi1>, vector<16xi32>
    %add3A_1889 = arith.addi %add3A_1864, %select_n3A_1888 : vector<16xi32>
    %mul3A_1890 = arith.constant 2 : i32
    %mul3A_1891 = arith.muli %mul3A_1890, %arg1 : i32
    %add3A_1892 = arith.constant 1 : i32
    %add3A_1893 = arith.addi %mul3A_1891, %add3A_1892 : i32
    %lt3A_1894 = vector.broadcast %add3A_1893 : i32 to vector<16xi32>
    %lt3A_1895 = arith.cmpi slt, %broadcast_in_dim3A_1881, %lt3A_1894 : vector<16xi32>
    %jit3A_1896 = arith.constant 0 : i32
    %broadcast_in_dim3A_1897 = vector.broadcast %jit3A_1896 : i32 to vector<16xi32>
    %select_n3A_1898 = arith.select %lt3A_1895, %get3A_1878, %broadcast_in_dim3A_1897 : vector<16xi1>, vector<16xi32>
    %add3A_1899 = arith.addi %add3A_1874, %select_n3A_1898 : vector<16xi32>
    %get3A_1900 = arith.constant 10 : i32
    %get3A_1901 = arith.index_cast %get3A_1900 : i32 to index
    %get3A_1902 = arith.constant 32 : index
    %get3A_1903 = tpu.vector_load %arg13[%get3A_1901, %get3A_1902] {strides = array<i32>} : memref<32x64xi32, #tpu.memory_space<vmem>>, vector<16xi32>,
    %add3A_1904 = arith.addi %add3A_1879, %get3A_1903 : vector<16xi32>
    %broadcast_in_dim3A_1905 = arith.constant 10 : i32
    %broadcast_in_dim3A_1906 = vector.broadcast %broadcast_in_dim3A_1905 : i32 to vector<16xi32>
    %mul3A_1907 = arith.constant 2 : i32
    %mul3A_1908 = arith.muli %mul3A_1907, %arg1 : i32
    %lt3A_1909 = vector.broadcast %mul3A_1908 : i32 to vector<16xi32>
    %lt3A_1910 = arith.cmpi slt, %broadcast_in_dim3A_1906, %lt3A_1909 : vector<16xi32>
    %jit3A_1911 = arith.constant 0 : i32
    %broadcast_in_dim3A_1912 = vector.broadcast %jit3A_1911 : i32 to vector<16xi32>
    %select_n3A_1913 = arith.select %lt3A_1910, %get3A_1903, %broadcast_in_dim3A_1912 : vector<16xi1>, vector<16xi32>
    %add3A_1914 = arith.addi %add3A_1889, %select_n3A_1913 : vector<16xi32>
    %mul3A_1915 = arith.constant 2 : i32
    %mul3A_1916 = arith.muli %mul3A_1915, %arg1 : i32
    %add3A_1917 = arith.constant 1 : i32
    %add3A_1918 = arith.addi %mul3A_1916, %add3A_1917 : i32
    %lt3A_1919 = vector.broadcast %add3A_1918 : i32 to vector<16xi32>
    %lt3A_1920 = arith.cmpi slt, %broadcast_in_dim3A_1906, %lt3A_1919 : vector<16xi32>
    %jit3A_1921 = arith.constant 0 : i32
    %broadcast_in_dim3A_1922 = vector.broadcast %jit3A_1921 : i32 to vector<16xi32>
    %select_n3A_1923 = arith.select %lt3A_1920, %get3A_1903, %broadcast_in_dim3A_1922 : vector<16xi1>, vector<16xi32>
    %add3A_1924 = arith.addi %add3A_1899, %select_n3A_1923 : vector<16xi32>
    %get3A_1925 = arith.constant 11 : i32
    %get3A_1926 = arith.index_cast %get3A_1925 : i32 to index
    %get3A_1927 = arith.constant 32 : index
    %get3A_1928 = tpu.vector_load %arg13[%get3A_1926, %get3A_1927] {strides = array<i32>} : memref<32x64xi32, #tpu.memory_space<vmem>>, vector<16xi32>,
    %add3A_1929 = arith.addi %add3A_1904, %get3A_1928 : vector<16xi32>
    %broadcast_in_dim3A_1930 = arith.constant 11 : i32
    %broadcast_in_dim3A_1931 = vector.broadcast %broadcast_in_dim3A_1930 : i32 to vector<16xi32>
    %mul3A_1932 = arith.constant 2 : i32
    %mul3A_1933 = arith.muli %mul3A_1932, %arg1 : i32
    %lt3A_1934 = vector.broadcast %mul3A_1933 : i32 to vector<16xi32>
    %lt3A_1935 = arith.cmpi slt, %broadcast_in_dim3A_1931, %lt3A_1934 : vector<16xi32>
    %jit3A_1936 = arith.constant 0 : i32
    %broadcast_in_dim3A_1937 = vector.broadcast %jit3A_1936 : i32 to vector<16xi32>
    %select_n3A_1938 = arith.select %lt3A_1935, %get3A_1928, %broadcast_in_dim3A_1937 : vector<16xi1>, vector<16xi32>
    %add3A_1939 = arith.addi %add3A_1914, %select_n3A_1938 : vector<16xi32>
    %mul3A_1940 = arith.constant 2 : i32
    %mul3A_1941 = arith.muli %mul3A_1940, %arg1 : i32
    %add3A_1942 = arith.constant 1 : i32
    %add3A_1943 = arith.addi %mul3A_1941, %add3A_1942 : i32
    %lt3A_1944 = vector.broadcast %add3A_1943 : i32 to vector<16xi32>
    %lt3A_1945 = arith.cmpi slt, %broadcast_in_dim3A_1931, %lt3A_1944 : vector<16xi32>
    %jit3A_1946 = arith.constant 0 : i32
    %broadcast_in_dim3A_1947 = vector.broadcast %jit3A_1946 : i32 to vector<16xi32>
    %select_n3A_1948 = arith.select %lt3A_1945, %get3A_1928, %broadcast_in_dim3A_1947 : vector<16xi1>, vector<16xi32>
    %add3A_1949 = arith.addi %add3A_1924, %select_n3A_1948 : vector<16xi32>
    %get3A_1950 = arith.constant 12 : i32
    %get3A_1951 = arith.index_cast %get3A_1950 : i32 to index
    %get3A_1952 = arith.constant 32 : index
    %get3A_1953 = tpu.vector_load %arg13[%get3A_1951, %get3A_1952] {strides = array<i32>} : memref<32x64xi32, #tpu.memory_space<vmem>>, vector<16xi32>,
    %add3A_1954 = arith.addi %add3A_1929, %get3A_1953 : vector<16xi32>
    %broadcast_in_dim3A_1955 = arith.constant 12 : i32
    %broadcast_in_dim3A_1956 = vector.broadcast %broadcast_in_dim3A_1955 : i32 to vector<16xi32>
    %mul3A_1957 = arith.constant 2 : i32
    %mul3A_1958 = arith.muli %mul3A_1957, %arg1 : i32
    %lt3A_1959 = vector.broadcast %mul3A_1958 : i32 to vector<16xi32>
    %lt3A_1960 = arith.cmpi slt, %broadcast_in_dim3A_1956, %lt3A_1959 : vector<16xi32>
    %jit3A_1961 = arith.constant 0 : i32
    %broadcast_in_dim3A_1962 = vector.broadcast %jit3A_1961 : i32 to vector<16xi32>
    %select_n3A_1963 = arith.select %lt3A_1960, %get3A_1953, %broadcast_in_dim3A_1962 : vector<16xi1>, vector<16xi32>
    %add3A_1964 = arith.addi %add3A_1939, %select_n3A_1963 : vector<16xi32>
    %mul3A_1965 = arith.constant 2 : i32
    %mul3A_1966 = arith.muli %mul3A_1965, %arg1 : i32
    %add3A_1967 = arith.constant 1 : i32
    %add3A_1968 = arith.addi %mul3A_1966, %add3A_1967 : i32
    %lt3A_1969 = vector.broadcast %add3A_1968 : i32 to vector<16xi32>
    %lt3A_1970 = arith.cmpi slt, %broadcast_in_dim3A_1956, %lt3A_1969 : vector<16xi32>
    %jit3A_1971 = arith.constant 0 : i32
    %broadcast_in_dim3A_1972 = vector.broadcast %jit3A_1971 : i32 to vector<16xi32>
    %select_n3A_1973 = arith.select %lt3A_1970, %get3A_1953, %broadcast_in_dim3A_1972 : vector<16xi1>, vector<16xi32>
    %add3A_1974 = arith.addi %add3A_1949, %select_n3A_1973 : vector<16xi32>
    %get3A_1975 = arith.constant 13 : i32
    %get3A_1976 = arith.index_cast %get3A_1975 : i32 to index
    %get3A_1977 = arith.constant 32 : index
    %get3A_1978 = tpu.vector_load %arg13[%get3A_1976, %get3A_1977] {strides = array<i32>} : memref<32x64xi32, #tpu.memory_space<vmem>>, vector<16xi32>,
    %add3A_1979 = arith.addi %add3A_1954, %get3A_1978 : vector<16xi32>
    %broadcast_in_dim3A_1980 = arith.constant 13 : i32
    %broadcast_in_dim3A_1981 = vector.broadcast %broadcast_in_dim3A_1980 : i32 to vector<16xi32>
    %mul3A_1982 = arith.constant 2 : i32
    %mul3A_1983 = arith.muli %mul3A_1982, %arg1 : i32
    %lt3A_1984 = vector.broadcast %mul3A_1983 : i32 to vector<16xi32>
    %lt3A_1985 = arith.cmpi slt, %broadcast_in_dim3A_1981, %lt3A_1984 : vector<16xi32>
    %jit3A_1986 = arith.constant 0 : i32
    %broadcast_in_dim3A_1987 = vector.broadcast %jit3A_1986 : i32 to vector<16xi32>
    %select_n3A_1988 = arith.select %lt3A_1985, %get3A_1978, %broadcast_in_dim3A_1987 : vector<16xi1>, vector<16xi32>
    %add3A_1989 = arith.addi %add3A_1964, %select_n3A_1988 : vector<16xi32>
    %mul3A_1990 = arith.constant 2 : i32
    %mul3A_1991 = arith.muli %mul3A_1990, %arg1 : i32
    %add3A_1992 = arith.constant 1 : i32
    %add3A_1993 = arith.addi %mul3A_1991, %add3A_1992 : i32
    %lt3A_1994 = vector.broadcast %add3A_1993 : i32 to vector<16xi32>
    %lt3A_1995 = arith.cmpi slt, %broadcast_in_dim3A_1981, %lt3A_1994 : vector<16xi32>
    %jit3A_1996 = arith.constant 0 : i32
    %broadcast_in_dim3A_1997 = vector.broadcast %jit3A_1996 : i32 to vector<16xi32>
    %select_n3A_1998 = arith.select %lt3A_1995, %get3A_1978, %broadcast_in_dim3A_1997 : vector<16xi1>, vector<16xi32>
    %add3A_1999 = arith.addi %add3A_1974, %select_n3A_1998 : vector<16xi32>
    %get3A_2000 = arith.constant 14 : i32
    %get3A_2001 = arith.index_cast %get3A_2000 : i32 to index
    %get3A_2002 = arith.constant 32 : index
    %get3A_2003 = tpu.vector_load %arg13[%get3A_2001, %get3A_2002] {strides = array<i32>} : memref<32x64xi32, #tpu.memory_space<vmem>>, vector<16xi32>,
    %add3A_2004 = arith.addi %add3A_1979, %get3A_2003 : vector<16xi32>
    %broadcast_in_dim3A_2005 = arith.constant 14 : i32
    %broadcast_in_dim3A_2006 = vector.broadcast %broadcast_in_dim3A_2005 : i32 to vector<16xi32>
    %mul3A_2007 = arith.constant 2 : i32
    %mul3A_2008 = arith.muli %mul3A_2007, %arg1 : i32
    %lt3A_2009 = vector.broadcast %mul3A_2008 : i32 to vector<16xi32>
    %lt3A_2010 = arith.cmpi slt, %broadcast_in_dim3A_2006, %lt3A_2009 : vector<16xi32>
    %jit3A_2011 = arith.constant 0 : i32
    %broadcast_in_dim3A_2012 = vector.broadcast %jit3A_2011 : i32 to vector<16xi32>
    %select_n3A_2013 = arith.select %lt3A_2010, %get3A_2003, %broadcast_in_dim3A_2012 : vector<16xi1>, vector<16xi32>
    %add3A_2014 = arith.addi %add3A_1989, %select_n3A_2013 : vector<16xi32>
    %mul3A_2015 = arith.constant 2 : i32
    %mul3A_2016 = arith.muli %mul3A_2015, %arg1 : i32
    %add3A_2017 = arith.constant 1 : i32
    %add3A_2018 = arith.addi %mul3A_2016, %add3A_2017 : i32
    %lt3A_2019 = vector.broadcast %add3A_2018 : i32 to vector<16xi32>
    %lt3A_2020 = arith.cmpi slt, %broadcast_in_dim3A_2006, %lt3A_2019 : vector<16xi32>
    %jit3A_2021 = arith.constant 0 : i32
    %broadcast_in_dim3A_2022 = vector.broadcast %jit3A_2021 : i32 to vector<16xi32>
    %select_n3A_2023 = arith.select %lt3A_2020, %get3A_2003, %broadcast_in_dim3A_2022 : vector<16xi1>, vector<16xi32>
    %add3A_2024 = arith.addi %add3A_1999, %select_n3A_2023 : vector<16xi32>
    %get3A_2025 = arith.constant 15 : i32
    %get3A_2026 = arith.index_cast %get3A_2025 : i32 to index
    %get3A_2027 = arith.constant 32 : index
    %get3A_2028 = tpu.vector_load %arg13[%get3A_2026, %get3A_2027] {strides = array<i32>} : memref<32x64xi32, #tpu.memory_space<vmem>>, vector<16xi32>,
    %add3A_2029 = arith.addi %add3A_2004, %get3A_2028 : vector<16xi32>
    %broadcast_in_dim3A_2030 = arith.constant 15 : i32
    %broadcast_in_dim3A_2031 = vector.broadcast %broadcast_in_dim3A_2030 : i32 to vector<16xi32>
    %mul3A_2032 = arith.constant 2 : i32
    %mul3A_2033 = arith.muli %mul3A_2032, %arg1 : i32
    %lt3A_2034 = vector.broadcast %mul3A_2033 : i32 to vector<16xi32>
    %lt3A_2035 = arith.cmpi slt, %broadcast_in_dim3A_2031, %lt3A_2034 : vector<16xi32>
    %jit3A_2036 = arith.constant 0 : i32
    %broadcast_in_dim3A_2037 = vector.broadcast %jit3A_2036 : i32 to vector<16xi32>
    %select_n3A_2038 = arith.select %lt3A_2035, %get3A_2028, %broadcast_in_dim3A_2037 : vector<16xi1>, vector<16xi32>
    %add3A_2039 = arith.addi %add3A_2014, %select_n3A_2038 : vector<16xi32>
    %mul3A_2040 = arith.constant 2 : i32
    %mul3A_2041 = arith.muli %mul3A_2040, %arg1 : i32
    %add3A_2042 = arith.constant 1 : i32
    %add3A_2043 = arith.addi %mul3A_2041, %add3A_2042 : i32
    %lt3A_2044 = vector.broadcast %add3A_2043 : i32 to vector<16xi32>
    %lt3A_2045 = arith.cmpi slt, %broadcast_in_dim3A_2031, %lt3A_2044 : vector<16xi32>
    %jit3A_2046 = arith.constant 0 : i32
    %broadcast_in_dim3A_2047 = vector.broadcast %jit3A_2046 : i32 to vector<16xi32>
    %select_n3A_2048 = arith.select %lt3A_2045, %get3A_2028, %broadcast_in_dim3A_2047 : vector<16xi1>, vector<16xi32>
    %add3A_2049 = arith.addi %add3A_2024, %select_n3A_2048 : vector<16xi32>
    %get3A_2050 = arith.constant 16 : i32
    %get3A_2051 = arith.index_cast %get3A_2050 : i32 to index
    %get3A_2052 = arith.constant 32 : index
    %get3A_2053 = tpu.vector_load %arg13[%get3A_2051, %get3A_2052] {strides = array<i32>} : memref<32x64xi32, #tpu.memory_space<vmem>>, vector<16xi32>,
    %add3A_2054 = arith.addi %add3A_2029, %get3A_2053 : vector<16xi32>
    %broadcast_in_dim3A_2055 = arith.constant 16 : i32
    %broadcast_in_dim3A_2056 = vector.broadcast %broadcast_in_dim3A_2055 : i32 to vector<16xi32>
    %mul3A_2057 = arith.constant 2 : i32
    %mul3A_2058 = arith.muli %mul3A_2057, %arg1 : i32
    %lt3A_2059 = vector.broadcast %mul3A_2058 : i32 to vector<16xi32>
    %lt3A_2060 = arith.cmpi slt, %broadcast_in_dim3A_2056, %lt3A_2059 : vector<16xi32>
    %jit3A_2061 = arith.constant 0 : i32
    %broadcast_in_dim3A_2062 = vector.broadcast %jit3A_2061 : i32 to vector<16xi32>
    %select_n3A_2063 = arith.select %lt3A_2060, %get3A_2053, %broadcast_in_dim3A_2062 : vector<16xi1>, vector<16xi32>
    %add3A_2064 = arith.addi %add3A_2039, %select_n3A_2063 : vector<16xi32>
    %mul3A_2065 = arith.constant 2 : i32
    %mul3A_2066 = arith.muli %mul3A_2065, %arg1 : i32
    %add3A_2067 = arith.constant 1 : i32
    %add3A_2068 = arith.addi %mul3A_2066, %add3A_2067 : i32
    %lt3A_2069 = vector.broadcast %add3A_2068 : i32 to vector<16xi32>
    %lt3A_2070 = arith.cmpi slt, %broadcast_in_dim3A_2056, %lt3A_2069 : vector<16xi32>
    %jit3A_2071 = arith.constant 0 : i32
    %broadcast_in_dim3A_2072 = vector.broadcast %jit3A_2071 : i32 to vector<16xi32>
    %select_n3A_2073 = arith.select %lt3A_2070, %get3A_2053, %broadcast_in_dim3A_2072 : vector<16xi1>, vector<16xi32>
    %add3A_2074 = arith.addi %add3A_2049, %select_n3A_2073 : vector<16xi32>
    %get3A_2075 = arith.constant 17 : i32
    %get3A_2076 = arith.index_cast %get3A_2075 : i32 to index
    %get3A_2077 = arith.constant 32 : index
    %get3A_2078 = tpu.vector_load %arg13[%get3A_2076, %get3A_2077] {strides = array<i32>} : memref<32x64xi32, #tpu.memory_space<vmem>>, vector<16xi32>,
    %add3A_2079 = arith.addi %add3A_2054, %get3A_2078 : vector<16xi32>
    %broadcast_in_dim3A_2080 = arith.constant 17 : i32
    %broadcast_in_dim3A_2081 = vector.broadcast %broadcast_in_dim3A_2080 : i32 to vector<16xi32>
    %mul3A_2082 = arith.constant 2 : i32
    %mul3A_2083 = arith.muli %mul3A_2082, %arg1 : i32
    %lt3A_2084 = vector.broadcast %mul3A_2083 : i32 to vector<16xi32>
    %lt3A_2085 = arith.cmpi slt, %broadcast_in_dim3A_2081, %lt3A_2084 : vector<16xi32>
    %jit3A_2086 = arith.constant 0 : i32
    %broadcast_in_dim3A_2087 = vector.broadcast %jit3A_2086 : i32 to vector<16xi32>
    %select_n3A_2088 = arith.select %lt3A_2085, %get3A_2078, %broadcast_in_dim3A_2087 : vector<16xi1>, vector<16xi32>
    %add3A_2089 = arith.addi %add3A_2064, %select_n3A_2088 : vector<16xi32>
    %mul3A_2090 = arith.constant 2 : i32
    %mul3A_2091 = arith.muli %mul3A_2090, %arg1 : i32
    %add3A_2092 = arith.constant 1 : i32
    %add3A_2093 = arith.addi %mul3A_2091, %add3A_2092 : i32
    %lt3A_2094 = vector.broadcast %add3A_2093 : i32 to vector<16xi32>
    %lt3A_2095 = arith.cmpi slt, %broadcast_in_dim3A_2081, %lt3A_2094 : vector<16xi32>
    %jit3A_2096 = arith.constant 0 : i32
    %broadcast_in_dim3A_2097 = vector.broadcast %jit3A_2096 : i32 to vector<16xi32>
    %select_n3A_2098 = arith.select %lt3A_2095, %get3A_2078, %broadcast_in_dim3A_2097 : vector<16xi1>, vector<16xi32>
    %add3A_2099 = arith.addi %add3A_2074, %select_n3A_2098 : vector<16xi32>
    %get3A_2100 = arith.constant 18 : i32
    %get3A_2101 = arith.index_cast %get3A_2100 : i32 to index
    %get3A_2102 = arith.constant 32 : index
    %get3A_2103 = tpu.vector_load %arg13[%get3A_2101, %get3A_2102] {strides = array<i32>} : memref<32x64xi32, #tpu.memory_space<vmem>>, vector<16xi32>,
    %add3A_2104 = arith.addi %add3A_2079, %get3A_2103 : vector<16xi32>
    %broadcast_in_dim3A_2105 = arith.constant 18 : i32
    %broadcast_in_dim3A_2106 = vector.broadcast %broadcast_in_dim3A_2105 : i32 to vector<16xi32>
    %mul3A_2107 = arith.constant 2 : i32
    %mul3A_2108 = arith.muli %mul3A_2107, %arg1 : i32
    %lt3A_2109 = vector.broadcast %mul3A_2108 : i32 to vector<16xi32>
    %lt3A_2110 = arith.cmpi slt, %broadcast_in_dim3A_2106, %lt3A_2109 : vector<16xi32>
    %jit3A_2111 = arith.constant 0 : i32
    %broadcast_in_dim3A_2112 = vector.broadcast %jit3A_2111 : i32 to vector<16xi32>
    %select_n3A_2113 = arith.select %lt3A_2110, %get3A_2103, %broadcast_in_dim3A_2112 : vector<16xi1>, vector<16xi32>
    %add3A_2114 = arith.addi %add3A_2089, %select_n3A_2113 : vector<16xi32>
    %mul3A_2115 = arith.constant 2 : i32
    %mul3A_2116 = arith.muli %mul3A_2115, %arg1 : i32
    %add3A_2117 = arith.constant 1 : i32
    %add3A_2118 = arith.addi %mul3A_2116, %add3A_2117 : i32
    %lt3A_2119 = vector.broadcast %add3A_2118 : i32 to vector<16xi32>
    %lt3A_2120 = arith.cmpi slt, %broadcast_in_dim3A_2106, %lt3A_2119 : vector<16xi32>
    %jit3A_2121 = arith.constant 0 : i32
    %broadcast_in_dim3A_2122 = vector.broadcast %jit3A_2121 : i32 to vector<16xi32>
    %select_n3A_2123 = arith.select %lt3A_2120, %get3A_2103, %broadcast_in_dim3A_2122 : vector<16xi1>, vector<16xi32>
    %add3A_2124 = arith.addi %add3A_2099, %select_n3A_2123 : vector<16xi32>
    %get3A_2125 = arith.constant 19 : i32
    %get3A_2126 = arith.index_cast %get3A_2125 : i32 to index
    %get3A_2127 = arith.constant 32 : index
    %get3A_2128 = tpu.vector_load %arg13[%get3A_2126, %get3A_2127] {strides = array<i32>} : memref<32x64xi32, #tpu.memory_space<vmem>>, vector<16xi32>,
    %add3A_2129 = arith.addi %add3A_2104, %get3A_2128 : vector<16xi32>
    %broadcast_in_dim3A_2130 = arith.constant 19 : i32
    %broadcast_in_dim3A_2131 = vector.broadcast %broadcast_in_dim3A_2130 : i32 to vector<16xi32>
    %mul3A_2132 = arith.constant 2 : i32
    %mul3A_2133 = arith.muli %mul3A_2132, %arg1 : i32
    %lt3A_2134 = vector.broadcast %mul3A_2133 : i32 to vector<16xi32>
    %lt3A_2135 = arith.cmpi slt, %broadcast_in_dim3A_2131, %lt3A_2134 : vector<16xi32>
    %jit3A_2136 = arith.constant 0 : i32
    %broadcast_in_dim3A_2137 = vector.broadcast %jit3A_2136 : i32 to vector<16xi32>
    %select_n3A_2138 = arith.select %lt3A_2135, %get3A_2128, %broadcast_in_dim3A_2137 : vector<16xi1>, vector<16xi32>
    %add3A_2139 = arith.addi %add3A_2114, %select_n3A_2138 : vector<16xi32>
    %mul3A_2140 = arith.constant 2 : i32
    %mul3A_2141 = arith.muli %mul3A_2140, %arg1 : i32
    %add3A_2142 = arith.constant 1 : i32
    %add3A_2143 = arith.addi %mul3A_2141, %add3A_2142 : i32
    %lt3A_2144 = vector.broadcast %add3A_2143 : i32 to vector<16xi32>
    %lt3A_2145 = arith.cmpi slt, %broadcast_in_dim3A_2131, %lt3A_2144 : vector<16xi32>
    %jit3A_2146 = arith.constant 0 : i32
    %broadcast_in_dim3A_2147 = vector.broadcast %jit3A_2146 : i32 to vector<16xi32>
    %select_n3A_2148 = arith.select %lt3A_2145, %get3A_2128, %broadcast_in_dim3A_2147 : vector<16xi1>, vector<16xi32>
    %add3A_2149 = arith.addi %add3A_2124, %select_n3A_2148 : vector<16xi32>
    %get3A_2150 = arith.constant 20 : i32
    %get3A_2151 = arith.index_cast %get3A_2150 : i32 to index
    %get3A_2152 = arith.constant 32 : index
    %get3A_2153 = tpu.vector_load %arg13[%get3A_2151, %get3A_2152] {strides = array<i32>} : memref<32x64xi32, #tpu.memory_space<vmem>>, vector<16xi32>,
    %add3A_2154 = arith.addi %add3A_2129, %get3A_2153 : vector<16xi32>
    %broadcast_in_dim3A_2155 = arith.constant 20 : i32
    %broadcast_in_dim3A_2156 = vector.broadcast %broadcast_in_dim3A_2155 : i32 to vector<16xi32>
    %mul3A_2157 = arith.constant 2 : i32
    %mul3A_2158 = arith.muli %mul3A_2157, %arg1 : i32
    %lt3A_2159 = vector.broadcast %mul3A_2158 : i32 to vector<16xi32>
    %lt3A_2160 = arith.cmpi slt, %broadcast_in_dim3A_2156, %lt3A_2159 : vector<16xi32>
    %jit3A_2161 = arith.constant 0 : i32
    %broadcast_in_dim3A_2162 = vector.broadcast %jit3A_2161 : i32 to vector<16xi32>
    %select_n3A_2163 = arith.select %lt3A_2160, %get3A_2153, %broadcast_in_dim3A_2162 : vector<16xi1>, vector<16xi32>
    %add3A_2164 = arith.addi %add3A_2139, %select_n3A_2163 : vector<16xi32>
    %mul3A_2165 = arith.constant 2 : i32
    %mul3A_2166 = arith.muli %mul3A_2165, %arg1 : i32
    %add3A_2167 = arith.constant 1 : i32
    %add3A_2168 = arith.addi %mul3A_2166, %add3A_2167 : i32
    %lt3A_2169 = vector.broadcast %add3A_2168 : i32 to vector<16xi32>
    %lt3A_2170 = arith.cmpi slt, %broadcast_in_dim3A_2156, %lt3A_2169 : vector<16xi32>
    %jit3A_2171 = arith.constant 0 : i32
    %broadcast_in_dim3A_2172 = vector.broadcast %jit3A_2171 : i32 to vector<16xi32>
    %select_n3A_2173 = arith.select %lt3A_2170, %get3A_2153, %broadcast_in_dim3A_2172 : vector<16xi1>, vector<16xi32>
    %add3A_2174 = arith.addi %add3A_2149, %select_n3A_2173 : vector<16xi32>
    %get3A_2175 = arith.constant 21 : i32
    %get3A_2176 = arith.index_cast %get3A_2175 : i32 to index
    %get3A_2177 = arith.constant 32 : index
    %get3A_2178 = tpu.vector_load %arg13[%get3A_2176, %get3A_2177] {strides = array<i32>} : memref<32x64xi32, #tpu.memory_space<vmem>>, vector<16xi32>,
    %add3A_2179 = arith.addi %add3A_2154, %get3A_2178 : vector<16xi32>
    %broadcast_in_dim3A_2180 = arith.constant 21 : i32
    %broadcast_in_dim3A_2181 = vector.broadcast %broadcast_in_dim3A_2180 : i32 to vector<16xi32>
    %mul3A_2182 = arith.constant 2 : i32
    %mul3A_2183 = arith.muli %mul3A_2182, %arg1 : i32
    %lt3A_2184 = vector.broadcast %mul3A_2183 : i32 to vector<16xi32>
    %lt3A_2185 = arith.cmpi slt, %broadcast_in_dim3A_2181, %lt3A_2184 : vector<16xi32>
    %jit3A_2186 = arith.constant 0 : i32
    %broadcast_in_dim3A_2187 = vector.broadcast %jit3A_2186 : i32 to vector<16xi32>
    %select_n3A_2188 = arith.select %lt3A_2185, %get3A_2178, %broadcast_in_dim3A_2187 : vector<16xi1>, vector<16xi32>
    %add3A_2189 = arith.addi %add3A_2164, %select_n3A_2188 : vector<16xi32>
    %mul3A_2190 = arith.constant 2 : i32
    %mul3A_2191 = arith.muli %mul3A_2190, %arg1 : i32
    %add3A_2192 = arith.constant 1 : i32
    %add3A_2193 = arith.addi %mul3A_2191, %add3A_2192 : i32
    %lt3A_2194 = vector.broadcast %add3A_2193 : i32 to vector<16xi32>
    %lt3A_2195 = arith.cmpi slt, %broadcast_in_dim3A_2181, %lt3A_2194 : vector<16xi32>
    %jit3A_2196 = arith.constant 0 : i32
    %broadcast_in_dim3A_2197 = vector.broadcast %jit3A_2196 : i32 to vector<16xi32>
    %select_n3A_2198 = arith.select %lt3A_2195, %get3A_2178, %broadcast_in_dim3A_2197 : vector<16xi1>, vector<16xi32>
    %add3A_2199 = arith.addi %add3A_2174, %select_n3A_2198 : vector<16xi32>
    %get3A_2200 = arith.constant 22 : i32
    %get3A_2201 = arith.index_cast %get3A_2200 : i32 to index
    %get3A_2202 = arith.constant 32 : index
    %get3A_2203 = tpu.vector_load %arg13[%get3A_2201, %get3A_2202] {strides = array<i32>} : memref<32x64xi32, #tpu.memory_space<vmem>>, vector<16xi32>,
    %add3A_2204 = arith.addi %add3A_2179, %get3A_2203 : vector<16xi32>
    %broadcast_in_dim3A_2205 = arith.constant 22 : i32
    %broadcast_in_dim3A_2206 = vector.broadcast %broadcast_in_dim3A_2205 : i32 to vector<16xi32>
    %mul3A_2207 = arith.constant 2 : i32
    %mul3A_2208 = arith.muli %mul3A_2207, %arg1 : i32
    %lt3A_2209 = vector.broadcast %mul3A_2208 : i32 to vector<16xi32>
    %lt3A_2210 = arith.cmpi slt, %broadcast_in_dim3A_2206, %lt3A_2209 : vector<16xi32>
    %jit3A_2211 = arith.constant 0 : i32
    %broadcast_in_dim3A_2212 = vector.broadcast %jit3A_2211 : i32 to vector<16xi32>
    %select_n3A_2213 = arith.select %lt3A_2210, %get3A_2203, %broadcast_in_dim3A_2212 : vector<16xi1>, vector<16xi32>
    %add3A_2214 = arith.addi %add3A_2189, %select_n3A_2213 : vector<16xi32>
    %mul3A_2215 = arith.constant 2 : i32
    %mul3A_2216 = arith.muli %mul3A_2215, %arg1 : i32
    %add3A_2217 = arith.constant 1 : i32
    %add3A_2218 = arith.addi %mul3A_2216, %add3A_2217 : i32
    %lt3A_2219 = vector.broadcast %add3A_2218 : i32 to vector<16xi32>
    %lt3A_2220 = arith.cmpi slt, %broadcast_in_dim3A_2206, %lt3A_2219 : vector<16xi32>
    %jit3A_2221 = arith.constant 0 : i32
    %broadcast_in_dim3A_2222 = vector.broadcast %jit3A_2221 : i32 to vector<16xi32>
    %select_n3A_2223 = arith.select %lt3A_2220, %get3A_2203, %broadcast_in_dim3A_2222 : vector<16xi1>, vector<16xi32>
    %add3A_2224 = arith.addi %add3A_2199, %select_n3A_2223 : vector<16xi32>
    %get3A_2225 = arith.constant 23 : i32
    %get3A_2226 = arith.index_cast %get3A_2225 : i32 to index
    %get3A_2227 = arith.constant 32 : index
    %get3A_2228 = tpu.vector_load %arg13[%get3A_2226, %get3A_2227] {strides = array<i32>} : memref<32x64xi32, #tpu.memory_space<vmem>>, vector<16xi32>,
    %add3A_2229 = arith.addi %add3A_2204, %get3A_2228 : vector<16xi32>
    %broadcast_in_dim3A_2230 = arith.constant 23 : i32
    %broadcast_in_dim3A_2231 = vector.broadcast %broadcast_in_dim3A_2230 : i32 to vector<16xi32>
    %mul3A_2232 = arith.constant 2 : i32
    %mul3A_2233 = arith.muli %mul3A_2232, %arg1 : i32
    %lt3A_2234 = vector.broadcast %mul3A_2233 : i32 to vector<16xi32>
    %lt3A_2235 = arith.cmpi slt, %broadcast_in_dim3A_2231, %lt3A_2234 : vector<16xi32>
    %jit3A_2236 = arith.constant 0 : i32
    %broadcast_in_dim3A_2237 = vector.broadcast %jit3A_2236 : i32 to vector<16xi32>
    %select_n3A_2238 = arith.select %lt3A_2235, %get3A_2228, %broadcast_in_dim3A_2237 : vector<16xi1>, vector<16xi32>
    %add3A_2239 = arith.addi %add3A_2214, %select_n3A_2238 : vector<16xi32>
    %mul3A_2240 = arith.constant 2 : i32
    %mul3A_2241 = arith.muli %mul3A_2240, %arg1 : i32
    %add3A_2242 = arith.constant 1 : i32
    %add3A_2243 = arith.addi %mul3A_2241, %add3A_2242 : i32
    %lt3A_2244 = vector.broadcast %add3A_2243 : i32 to vector<16xi32>
    %lt3A_2245 = arith.cmpi slt, %broadcast_in_dim3A_2231, %lt3A_2244 : vector<16xi32>
    %jit3A_2246 = arith.constant 0 : i32
    %broadcast_in_dim3A_2247 = vector.broadcast %jit3A_2246 : i32 to vector<16xi32>
    %select_n3A_2248 = arith.select %lt3A_2245, %get3A_2228, %broadcast_in_dim3A_2247 : vector<16xi1>, vector<16xi32>
    %add3A_2249 = arith.addi %add3A_2224, %select_n3A_2248 : vector<16xi32>
    %get3A_2250 = arith.constant 24 : i32
    %get3A_2251 = arith.index_cast %get3A_2250 : i32 to index
    %get3A_2252 = arith.constant 32 : index
    %get3A_2253 = tpu.vector_load %arg13[%get3A_2251, %get3A_2252] {strides = array<i32>} : memref<32x64xi32, #tpu.memory_space<vmem>>, vector<16xi32>,
    %add3A_2254 = arith.addi %add3A_2229, %get3A_2253 : vector<16xi32>
    %broadcast_in_dim3A_2255 = arith.constant 24 : i32
    %broadcast_in_dim3A_2256 = vector.broadcast %broadcast_in_dim3A_2255 : i32 to vector<16xi32>
    %mul3A_2257 = arith.constant 2 : i32
    %mul3A_2258 = arith.muli %mul3A_2257, %arg1 : i32
    %lt3A_2259 = vector.broadcast %mul3A_2258 : i32 to vector<16xi32>
    %lt3A_2260 = arith.cmpi slt, %broadcast_in_dim3A_2256, %lt3A_2259 : vector<16xi32>
    %jit3A_2261 = arith.constant 0 : i32
    %broadcast_in_dim3A_2262 = vector.broadcast %jit3A_2261 : i32 to vector<16xi32>
    %select_n3A_2263 = arith.select %lt3A_2260, %get3A_2253, %broadcast_in_dim3A_2262 : vector<16xi1>, vector<16xi32>
    %add3A_2264 = arith.addi %add3A_2239, %select_n3A_2263 : vector<16xi32>
    %mul3A_2265 = arith.constant 2 : i32
    %mul3A_2266 = arith.muli %mul3A_2265, %arg1 : i32
    %add3A_2267 = arith.constant 1 : i32
    %add3A_2268 = arith.addi %mul3A_2266, %add3A_2267 : i32
    %lt3A_2269 = vector.broadcast %add3A_2268 : i32 to vector<16xi32>
    %lt3A_2270 = arith.cmpi slt, %broadcast_in_dim3A_2256, %lt3A_2269 : vector<16xi32>
    %jit3A_2271 = arith.constant 0 : i32
    %broadcast_in_dim3A_2272 = vector.broadcast %jit3A_2271 : i32 to vector<16xi32>
    %select_n3A_2273 = arith.select %lt3A_2270, %get3A_2253, %broadcast_in_dim3A_2272 : vector<16xi1>, vector<16xi32>
    %add3A_2274 = arith.addi %add3A_2249, %select_n3A_2273 : vector<16xi32>
    %get3A_2275 = arith.constant 25 : i32
    %get3A_2276 = arith.index_cast %get3A_2275 : i32 to index
    %get3A_2277 = arith.constant 32 : index
    %get3A_2278 = tpu.vector_load %arg13[%get3A_2276, %get3A_2277] {strides = array<i32>} : memref<32x64xi32, #tpu.memory_space<vmem>>, vector<16xi32>,
    %add3A_2279 = arith.addi %add3A_2254, %get3A_2278 : vector<16xi32>
    %broadcast_in_dim3A_2280 = arith.constant 25 : i32
    %broadcast_in_dim3A_2281 = vector.broadcast %broadcast_in_dim3A_2280 : i32 to vector<16xi32>
    %mul3A_2282 = arith.constant 2 : i32
    %mul3A_2283 = arith.muli %mul3A_2282, %arg1 : i32
    %lt3A_2284 = vector.broadcast %mul3A_2283 : i32 to vector<16xi32>
    %lt3A_2285 = arith.cmpi slt, %broadcast_in_dim3A_2281, %lt3A_2284 : vector<16xi32>
    %jit3A_2286 = arith.constant 0 : i32
    %broadcast_in_dim3A_2287 = vector.broadcast %jit3A_2286 : i32 to vector<16xi32>
    %select_n3A_2288 = arith.select %lt3A_2285, %get3A_2278, %broadcast_in_dim3A_2287 : vector<16xi1>, vector<16xi32>
    %add3A_2289 = arith.addi %add3A_2264, %select_n3A_2288 : vector<16xi32>
    %mul3A_2290 = arith.constant 2 : i32
    %mul3A_2291 = arith.muli %mul3A_2290, %arg1 : i32
    %add3A_2292 = arith.constant 1 : i32
    %add3A_2293 = arith.addi %mul3A_2291, %add3A_2292 : i32
    %lt3A_2294 = vector.broadcast %add3A_2293 : i32 to vector<16xi32>
    %lt3A_2295 = arith.cmpi slt, %broadcast_in_dim3A_2281, %lt3A_2294 : vector<16xi32>
    %jit3A_2296 = arith.constant 0 : i32
    %broadcast_in_dim3A_2297 = vector.broadcast %jit3A_2296 : i32 to vector<16xi32>
    %select_n3A_2298 = arith.select %lt3A_2295, %get3A_2278, %broadcast_in_dim3A_2297 : vector<16xi1>, vector<16xi32>
    %add3A_2299 = arith.addi %add3A_2274, %select_n3A_2298 : vector<16xi32>
    %get3A_2300 = arith.constant 26 : i32
    %get3A_2301 = arith.index_cast %get3A_2300 : i32 to index
    %get3A_2302 = arith.constant 32 : index
    %get3A_2303 = tpu.vector_load %arg13[%get3A_2301, %get3A_2302] {strides = array<i32>} : memref<32x64xi32, #tpu.memory_space<vmem>>, vector<16xi32>,
    %add3A_2304 = arith.addi %add3A_2279, %get3A_2303 : vector<16xi32>
    %broadcast_in_dim3A_2305 = arith.constant 26 : i32
    %broadcast_in_dim3A_2306 = vector.broadcast %broadcast_in_dim3A_2305 : i32 to vector<16xi32>
    %mul3A_2307 = arith.constant 2 : i32
    %mul3A_2308 = arith.muli %mul3A_2307, %arg1 : i32
    %lt3A_2309 = vector.broadcast %mul3A_2308 : i32 to vector<16xi32>
    %lt3A_2310 = arith.cmpi slt, %broadcast_in_dim3A_2306, %lt3A_2309 : vector<16xi32>
    %jit3A_2311 = arith.constant 0 : i32
    %broadcast_in_dim3A_2312 = vector.broadcast %jit3A_2311 : i32 to vector<16xi32>
    %select_n3A_2313 = arith.select %lt3A_2310, %get3A_2303, %broadcast_in_dim3A_2312 : vector<16xi1>, vector<16xi32>
    %add3A_2314 = arith.addi %add3A_2289, %select_n3A_2313 : vector<16xi32>
    %mul3A_2315 = arith.constant 2 : i32
    %mul3A_2316 = arith.muli %mul3A_2315, %arg1 : i32
    %add3A_2317 = arith.constant 1 : i32
    %add3A_2318 = arith.addi %mul3A_2316, %add3A_2317 : i32
    %lt3A_2319 = vector.broadcast %add3A_2318 : i32 to vector<16xi32>
    %lt3A_2320 = arith.cmpi slt, %broadcast_in_dim3A_2306, %lt3A_2319 : vector<16xi32>
    %jit3A_2321 = arith.constant 0 : i32
    %broadcast_in_dim3A_2322 = vector.broadcast %jit3A_2321 : i32 to vector<16xi32>
    %select_n3A_2323 = arith.select %lt3A_2320, %get3A_2303, %broadcast_in_dim3A_2322 : vector<16xi1>, vector<16xi32>
    %add3A_2324 = arith.addi %add3A_2299, %select_n3A_2323 : vector<16xi32>
    %get3A_2325 = arith.constant 27 : i32
    %get3A_2326 = arith.index_cast %get3A_2325 : i32 to index
    %get3A_2327 = arith.constant 32 : index
    %get3A_2328 = tpu.vector_load %arg13[%get3A_2326, %get3A_2327] {strides = array<i32>} : memref<32x64xi32, #tpu.memory_space<vmem>>, vector<16xi32>,
    %add3A_2329 = arith.addi %add3A_2304, %get3A_2328 : vector<16xi32>
    %broadcast_in_dim3A_2330 = arith.constant 27 : i32
    %broadcast_in_dim3A_2331 = vector.broadcast %broadcast_in_dim3A_2330 : i32 to vector<16xi32>
    %mul3A_2332 = arith.constant 2 : i32
    %mul3A_2333 = arith.muli %mul3A_2332, %arg1 : i32
    %lt3A_2334 = vector.broadcast %mul3A_2333 : i32 to vector<16xi32>
    %lt3A_2335 = arith.cmpi slt, %broadcast_in_dim3A_2331, %lt3A_2334 : vector<16xi32>
    %jit3A_2336 = arith.constant 0 : i32
    %broadcast_in_dim3A_2337 = vector.broadcast %jit3A_2336 : i32 to vector<16xi32>
    %select_n3A_2338 = arith.select %lt3A_2335, %get3A_2328, %broadcast_in_dim3A_2337 : vector<16xi1>, vector<16xi32>
    %add3A_2339 = arith.addi %add3A_2314, %select_n3A_2338 : vector<16xi32>
    %mul3A_2340 = arith.constant 2 : i32
    %mul3A_2341 = arith.muli %mul3A_2340, %arg1 : i32
    %add3A_2342 = arith.constant 1 : i32
    %add3A_2343 = arith.addi %mul3A_2341, %add3A_2342 : i32
    %lt3A_2344 = vector.broadcast %add3A_2343 : i32 to vector<16xi32>
    %lt3A_2345 = arith.cmpi slt, %broadcast_in_dim3A_2331, %lt3A_2344 : vector<16xi32>
    %jit3A_2346 = arith.constant 0 : i32
    %broadcast_in_dim3A_2347 = vector.broadcast %jit3A_2346 : i32 to vector<16xi32>
    %select_n3A_2348 = arith.select %lt3A_2345, %get3A_2328, %broadcast_in_dim3A_2347 : vector<16xi1>, vector<16xi32>
    %add3A_2349 = arith.addi %add3A_2324, %select_n3A_2348 : vector<16xi32>
    %get3A_2350 = arith.constant 28 : i32
    %get3A_2351 = arith.index_cast %get3A_2350 : i32 to index
    %get3A_2352 = arith.constant 32 : index
    %get3A_2353 = tpu.vector_load %arg13[%get3A_2351, %get3A_2352] {strides = array<i32>} : memref<32x64xi32, #tpu.memory_space<vmem>>, vector<16xi32>,
    %add3A_2354 = arith.addi %add3A_2329, %get3A_2353 : vector<16xi32>
    %broadcast_in_dim3A_2355 = arith.constant 28 : i32
    %broadcast_in_dim3A_2356 = vector.broadcast %broadcast_in_dim3A_2355 : i32 to vector<16xi32>
    %mul3A_2357 = arith.constant 2 : i32
    %mul3A_2358 = arith.muli %mul3A_2357, %arg1 : i32
    %lt3A_2359 = vector.broadcast %mul3A_2358 : i32 to vector<16xi32>
    %lt3A_2360 = arith.cmpi slt, %broadcast_in_dim3A_2356, %lt3A_2359 : vector<16xi32>
    %jit3A_2361 = arith.constant 0 : i32
    %broadcast_in_dim3A_2362 = vector.broadcast %jit3A_2361 : i32 to vector<16xi32>
    %select_n3A_2363 = arith.select %lt3A_2360, %get3A_2353, %broadcast_in_dim3A_2362 : vector<16xi1>, vector<16xi32>
    %add3A_2364 = arith.addi %add3A_2339, %select_n3A_2363 : vector<16xi32>
    %mul3A_2365 = arith.constant 2 : i32
    %mul3A_2366 = arith.muli %mul3A_2365, %arg1 : i32
    %add3A_2367 = arith.constant 1 : i32
    %add3A_2368 = arith.addi %mul3A_2366, %add3A_2367 : i32
    %lt3A_2369 = vector.broadcast %add3A_2368 : i32 to vector<16xi32>
    %lt3A_2370 = arith.cmpi slt, %broadcast_in_dim3A_2356, %lt3A_2369 : vector<16xi32>
    %jit3A_2371 = arith.constant 0 : i32
    %broadcast_in_dim3A_2372 = vector.broadcast %jit3A_2371 : i32 to vector<16xi32>
    %select_n3A_2373 = arith.select %lt3A_2370, %get3A_2353, %broadcast_in_dim3A_2372 : vector<16xi1>, vector<16xi32>
    %add3A_2374 = arith.addi %add3A_2349, %select_n3A_2373 : vector<16xi32>
    %get3A_2375 = arith.constant 29 : i32
    %get3A_2376 = arith.index_cast %get3A_2375 : i32 to index
    %get3A_2377 = arith.constant 32 : index
    %get3A_2378 = tpu.vector_load %arg13[%get3A_2376, %get3A_2377] {strides = array<i32>} : memref<32x64xi32, #tpu.memory_space<vmem>>, vector<16xi32>,
    %add3A_2379 = arith.addi %add3A_2354, %get3A_2378 : vector<16xi32>
    %broadcast_in_dim3A_2380 = arith.constant 29 : i32
    %broadcast_in_dim3A_2381 = vector.broadcast %broadcast_in_dim3A_2380 : i32 to vector<16xi32>
    %mul3A_2382 = arith.constant 2 : i32
    %mul3A_2383 = arith.muli %mul3A_2382, %arg1 : i32
    %lt3A_2384 = vector.broadcast %mul3A_2383 : i32 to vector<16xi32>
    %lt3A_2385 = arith.cmpi slt, %broadcast_in_dim3A_2381, %lt3A_2384 : vector<16xi32>
    %jit3A_2386 = arith.constant 0 : i32
    %broadcast_in_dim3A_2387 = vector.broadcast %jit3A_2386 : i32 to vector<16xi32>
    %select_n3A_2388 = arith.select %lt3A_2385, %get3A_2378, %broadcast_in_dim3A_2387 : vector<16xi1>, vector<16xi32>
    %add3A_2389 = arith.addi %add3A_2364, %select_n3A_2388 : vector<16xi32>
    %mul3A_2390 = arith.constant 2 : i32
    %mul3A_2391 = arith.muli %mul3A_2390, %arg1 : i32
    %add3A_2392 = arith.constant 1 : i32
    %add3A_2393 = arith.addi %mul3A_2391, %add3A_2392 : i32
    %lt3A_2394 = vector.broadcast %add3A_2393 : i32 to vector<16xi32>
    %lt3A_2395 = arith.cmpi slt, %broadcast_in_dim3A_2381, %lt3A_2394 : vector<16xi32>
    %jit3A_2396 = arith.constant 0 : i32
    %broadcast_in_dim3A_2397 = vector.broadcast %jit3A_2396 : i32 to vector<16xi32>
    %select_n3A_2398 = arith.select %lt3A_2395, %get3A_2378, %broadcast_in_dim3A_2397 : vector<16xi1>, vector<16xi32>
    %add3A_2399 = arith.addi %add3A_2374, %select_n3A_2398 : vector<16xi32>
    %get3A_2400 = arith.constant 30 : i32
    %get3A_2401 = arith.index_cast %get3A_2400 : i32 to index
    %get3A_2402 = arith.constant 32 : index
    %get3A_2403 = tpu.vector_load %arg13[%get3A_2401, %get3A_2402] {strides = array<i32>} : memref<32x64xi32, #tpu.memory_space<vmem>>, vector<16xi32>,
    %add3A_2404 = arith.addi %add3A_2379, %get3A_2403 : vector<16xi32>
    %broadcast_in_dim3A_2405 = arith.constant 30 : i32
    %broadcast_in_dim3A_2406 = vector.broadcast %broadcast_in_dim3A_2405 : i32 to vector<16xi32>
    %mul3A_2407 = arith.constant 2 : i32
    %mul3A_2408 = arith.muli %mul3A_2407, %arg1 : i32
    %lt3A_2409 = vector.broadcast %mul3A_2408 : i32 to vector<16xi32>
    %lt3A_2410 = arith.cmpi slt, %broadcast_in_dim3A_2406, %lt3A_2409 : vector<16xi32>
    %jit3A_2411 = arith.constant 0 : i32
    %broadcast_in_dim3A_2412 = vector.broadcast %jit3A_2411 : i32 to vector<16xi32>
    %select_n3A_2413 = arith.select %lt3A_2410, %get3A_2403, %broadcast_in_dim3A_2412 : vector<16xi1>, vector<16xi32>
    %add3A_2414 = arith.addi %add3A_2389, %select_n3A_2413 : vector<16xi32>
    %mul3A_2415 = arith.constant 2 : i32
    %mul3A_2416 = arith.muli %mul3A_2415, %arg1 : i32
    %add3A_2417 = arith.constant 1 : i32
    %add3A_2418 = arith.addi %mul3A_2416, %add3A_2417 : i32
    %lt3A_2419 = vector.broadcast %add3A_2418 : i32 to vector<16xi32>
    %lt3A_2420 = arith.cmpi slt, %broadcast_in_dim3A_2406, %lt3A_2419 : vector<16xi32>
    %jit3A_2421 = arith.constant 0 : i32
    %broadcast_in_dim3A_2422 = vector.broadcast %jit3A_2421 : i32 to vector<16xi32>
    %select_n3A_2423 = arith.select %lt3A_2420, %get3A_2403, %broadcast_in_dim3A_2422 : vector<16xi1>, vector<16xi32>
    %add3A_2424 = arith.addi %add3A_2399, %select_n3A_2423 : vector<16xi32>
    %get3A_2425 = arith.constant 31 : i32
    %get3A_2426 = arith.index_cast %get3A_2425 : i32 to index
    %get3A_2427 = arith.constant 32 : index
    %get3A_2428 = tpu.vector_load %arg13[%get3A_2426, %get3A_2427] {strides = array<i32>} : memref<32x64xi32, #tpu.memory_space<vmem>>, vector<16xi32>,
    %add3A_2429 = arith.addi %add3A_2404, %get3A_2428 : vector<16xi32>
    %broadcast_in_dim3A_2430 = arith.constant 31 : i32
    %broadcast_in_dim3A_2431 = vector.broadcast %broadcast_in_dim3A_2430 : i32 to vector<16xi32>
    %mul3A_2432 = arith.constant 2 : i32
    %mul3A_2433 = arith.muli %mul3A_2432, %arg1 : i32
    %lt3A_2434 = vector.broadcast %mul3A_2433 : i32 to vector<16xi32>
    %lt3A_2435 = arith.cmpi slt, %broadcast_in_dim3A_2431, %lt3A_2434 : vector<16xi32>
    %jit3A_2436 = arith.constant 0 : i32
    %broadcast_in_dim3A_2437 = vector.broadcast %jit3A_2436 : i32 to vector<16xi32>
    %select_n3A_2438 = arith.select %lt3A_2435, %get3A_2428, %broadcast_in_dim3A_2437 : vector<16xi1>, vector<16xi32>
    %add3A_2439 = arith.addi %add3A_2414, %select_n3A_2438 : vector<16xi32>
    %mul3A_2440 = arith.constant 2 : i32
    %mul3A_2441 = arith.muli %mul3A_2440, %arg1 : i32
    %add3A_2442 = arith.constant 1 : i32
    %add3A_2443 = arith.addi %mul3A_2441, %add3A_2442 : i32
    %lt3A_2444 = vector.broadcast %add3A_2443 : i32 to vector<16xi32>
    %lt3A_2445 = arith.cmpi slt, %broadcast_in_dim3A_2431, %lt3A_2444 : vector<16xi32>
    %jit3A_2446 = arith.constant 0 : i32
    %broadcast_in_dim3A_2447 = vector.broadcast %jit3A_2446 : i32 to vector<16xi32>
    %select_n3A_2448 = arith.select %lt3A_2445, %get3A_2428, %broadcast_in_dim3A_2447 : vector<16xi1>, vector<16xi32>
    %add3A_2449 = arith.addi %add3A_2424, %select_n3A_2448 : vector<16xi32>
    %broadcast_in_dim3A_2450 = arith.constant true
    %broadcast_in_dim3A_2451 = vector.broadcast %broadcast_in_dim3A_2450 : i1 to vector<16xi1>
    %masked_cumsum3A_2452 = tpu.scan <sum>, %add3A_2429 masked %broadcast_in_dim3A_2451 : vector<16xi32>, vector<16xi1> -> vector<16xi32>
    %sub3A_2453 = arith.subi %masked_cumsum3A_2452, %add3A_2429 : vector<16xi32>
    %add3A_2454 = vector.broadcast %add3A_1643 : i32 to vector<16xi32>
    %add3A_2455 = arith.addi %sub3A_2453, %add3A_2454 : vector<16xi32>
    %add3A_2456 = arith.addi %add3A_2455, %add3A_2439 : vector<16xi32>
    %swap3A_2457 = arith.constant 32 : index
    %swap3A_2458 = tpu.vector_load %arg14[%swap3A_2457] {strides = array<i32>} : memref<64xi32, #tpu.memory_space<vmem>>, vector<16xi32>,
    tpu.vector_store %arg14[%swap3A_2457], %add3A_2456 {strides = array<i32>} : memref<64xi32, #tpu.memory_space<vmem>>, vector<16xi32>,
    %add3A_2459 = arith.addi %add3A_2455, %add3A_2449 : vector<16xi32>
    %swap3A_2460 = arith.constant 32 : index
    %swap3A_2461 = tpu.vector_load %arg15[%swap3A_2460] {strides = array<i32>} : memref<64xi32, #tpu.memory_space<vmem>>, vector<16xi32>,
    tpu.vector_store %arg15[%swap3A_2460], %add3A_2459 {strides = array<i32>} : memref<64xi32, #tpu.memory_space<vmem>>, vector<16xi32>,
    %convert_element_type3A_2462 = arith.sitofp %add3A_2429 : vector<16xi32> to vector<16xf32>
    %swap3A_2463 = arith.constant 32 : index
    %swap3A_2464 = tpu.vector_load %arg16[%swap3A_2463] {strides = array<i32>} : memref<64xf32, #tpu.memory_space<vmem>>, vector<16xf32>,
    tpu.vector_store %arg16[%swap3A_2463], %convert_element_type3A_2462 {strides = array<i32>} : memref<64xf32, #tpu.memory_space<vmem>>, vector<16xf32>,
    %reduce_sum3A_2465 = arith.constant true
    %reduce_sum3A_2466 = vector.broadcast %reduce_sum3A_2465 : i1 to vector<16xi1>
    %reduce_sum3A_2467 = tpu.scan <sum>, %add3A_2429 masked %reduce_sum3A_2466 : vector<16xi32>, vector<16xi1> -> vector<16xi32>
    %reduce_sum3A_2468 = vector.extract %reduce_sum3A_2467[15] : i32 from vector<16xi32>
    %add3A_2469 = arith.addi %add3A_1643, %reduce_sum3A_2468 : i32
    %broadcast_in_dim3A_2470 = arith.constant 0 : i32
    %broadcast_in_dim3A_2471 = vector.broadcast %broadcast_in_dim3A_2470 : i32 to vector<16xi32>
    %broadcast_in_dim3A_2472 = arith.constant 0 : i32
    %broadcast_in_dim3A_2473 = vector.broadcast %broadcast_in_dim3A_2472 : i32 to vector<16xi32>
    %broadcast_in_dim3A_2474 = arith.constant 0 : i32
    %broadcast_in_dim3A_2475 = vector.broadcast %broadcast_in_dim3A_2474 : i32 to vector<16xi32>
    %get3A_2476 = arith.constant 0 : i32
    %get3A_2477 = arith.index_cast %get3A_2476 : i32 to index
    %get3A_2478 = arith.constant 48 : index
    %get3A_2479 = tpu.vector_load %arg13[%get3A_2477, %get3A_2478] {strides = array<i32>} : memref<32x64xi32, #tpu.memory_space<vmem>>, vector<16xi32>,
    %add3A_2480 = arith.addi %broadcast_in_dim3A_2471, %get3A_2479 : vector<16xi32>
    %broadcast_in_dim3A_2481 = arith.constant 0 : i32
    %broadcast_in_dim3A_2482 = vector.broadcast %broadcast_in_dim3A_2481 : i32 to vector<16xi32>
    %mul3A_2483 = arith.constant 2 : i32
    %mul3A_2484 = arith.muli %mul3A_2483, %arg1 : i32
    %lt3A_2485 = vector.broadcast %mul3A_2484 : i32 to vector<16xi32>
    %lt3A_2486 = arith.cmpi slt, %broadcast_in_dim3A_2482, %lt3A_2485 : vector<16xi32>
    %jit3A_2487 = arith.constant 0 : i32
    %broadcast_in_dim3A_2488 = vector.broadcast %jit3A_2487 : i32 to vector<16xi32>
    %select_n3A_2489 = arith.select %lt3A_2486, %get3A_2479, %broadcast_in_dim3A_2488 : vector<16xi1>, vector<16xi32>
    %add3A_2490 = arith.addi %broadcast_in_dim3A_2473, %select_n3A_2489 : vector<16xi32>
    %mul3A_2491 = arith.constant 2 : i32
    %mul3A_2492 = arith.muli %mul3A_2491, %arg1 : i32
    %add3A_2493 = arith.constant 1 : i32
    %add3A_2494 = arith.addi %mul3A_2492, %add3A_2493 : i32
    %lt3A_2495 = vector.broadcast %add3A_2494 : i32 to vector<16xi32>
    %lt3A_2496 = arith.cmpi slt, %broadcast_in_dim3A_2482, %lt3A_2495 : vector<16xi32>
    %jit3A_2497 = arith.constant 0 : i32
    %broadcast_in_dim3A_2498 = vector.broadcast %jit3A_2497 : i32 to vector<16xi32>
    %select_n3A_2499 = arith.select %lt3A_2496, %get3A_2479, %broadcast_in_dim3A_2498 : vector<16xi1>, vector<16xi32>
    %add3A_2500 = arith.addi %broadcast_in_dim3A_2475, %select_n3A_2499 : vector<16xi32>
    %get3A_2501 = arith.constant 1 : i32
    %get3A_2502 = arith.index_cast %get3A_2501 : i32 to index
    %get3A_2503 = arith.constant 48 : index
    %get3A_2504 = tpu.vector_load %arg13[%get3A_2502, %get3A_2503] {strides = array<i32>} : memref<32x64xi32, #tpu.memory_space<vmem>>, vector<16xi32>,
    %add3A_2505 = arith.addi %add3A_2480, %get3A_2504 : vector<16xi32>
    %broadcast_in_dim3A_2506 = arith.constant 1 : i32
    %broadcast_in_dim3A_2507 = vector.broadcast %broadcast_in_dim3A_2506 : i32 to vector<16xi32>
    %mul3A_2508 = arith.constant 2 : i32
    %mul3A_2509 = arith.muli %mul3A_2508, %arg1 : i32
    %lt3A_2510 = vector.broadcast %mul3A_2509 : i32 to vector<16xi32>
    %lt3A_2511 = arith.cmpi slt, %broadcast_in_dim3A_2507, %lt3A_2510 : vector<16xi32>
    %jit3A_2512 = arith.constant 0 : i32
    %broadcast_in_dim3A_2513 = vector.broadcast %jit3A_2512 : i32 to vector<16xi32>
    %select_n3A_2514 = arith.select %lt3A_2511, %get3A_2504, %broadcast_in_dim3A_2513 : vector<16xi1>, vector<16xi32>
    %add3A_2515 = arith.addi %add3A_2490, %select_n3A_2514 : vector<16xi32>
    %mul3A_2516 = arith.constant 2 : i32
    %mul3A_2517 = arith.muli %mul3A_2516, %arg1 : i32
    %add3A_2518 = arith.constant 1 : i32
    %add3A_2519 = arith.addi %mul3A_2517, %add3A_2518 : i32
    %lt3A_2520 = vector.broadcast %add3A_2519 : i32 to vector<16xi32>
    %lt3A_2521 = arith.cmpi slt, %broadcast_in_dim3A_2507, %lt3A_2520 : vector<16xi32>
    %jit3A_2522 = arith.constant 0 : i32
    %broadcast_in_dim3A_2523 = vector.broadcast %jit3A_2522 : i32 to vector<16xi32>
    %select_n3A_2524 = arith.select %lt3A_2521, %get3A_2504, %broadcast_in_dim3A_2523 : vector<16xi1>, vector<16xi32>
    %add3A_2525 = arith.addi %add3A_2500, %select_n3A_2524 : vector<16xi32>
    %get3A_2526 = arith.constant 2 : i32
    %get3A_2527 = arith.index_cast %get3A_2526 : i32 to index
    %get3A_2528 = arith.constant 48 : index
    %get3A_2529 = tpu.vector_load %arg13[%get3A_2527, %get3A_2528] {strides = array<i32>} : memref<32x64xi32, #tpu.memory_space<vmem>>, vector<16xi32>,
    %add3A_2530 = arith.addi %add3A_2505, %get3A_2529 : vector<16xi32>
    %broadcast_in_dim3A_2531 = arith.constant 2 : i32
    %broadcast_in_dim3A_2532 = vector.broadcast %broadcast_in_dim3A_2531 : i32 to vector<16xi32>
    %mul3A_2533 = arith.constant 2 : i32
    %mul3A_2534 = arith.muli %mul3A_2533, %arg1 : i32
    %lt3A_2535 = vector.broadcast %mul3A_2534 : i32 to vector<16xi32>
    %lt3A_2536 = arith.cmpi slt, %broadcast_in_dim3A_2532, %lt3A_2535 : vector<16xi32>
    %jit3A_2537 = arith.constant 0 : i32
    %broadcast_in_dim3A_2538 = vector.broadcast %jit3A_2537 : i32 to vector<16xi32>
    %select_n3A_2539 = arith.select %lt3A_2536, %get3A_2529, %broadcast_in_dim3A_2538 : vector<16xi1>, vector<16xi32>
    %add3A_2540 = arith.addi %add3A_2515, %select_n3A_2539 : vector<16xi32>
    %mul3A_2541 = arith.constant 2 : i32
    %mul3A_2542 = arith.muli %mul3A_2541, %arg1 : i32
    %add3A_2543 = arith.constant 1 : i32
    %add3A_2544 = arith.addi %mul3A_2542, %add3A_2543 : i32
    %lt3A_2545 = vector.broadcast %add3A_2544 : i32 to vector<16xi32>
    %lt3A_2546 = arith.cmpi slt, %broadcast_in_dim3A_2532, %lt3A_2545 : vector<16xi32>
    %jit3A_2547 = arith.constant 0 : i32
    %broadcast_in_dim3A_2548 = vector.broadcast %jit3A_2547 : i32 to vector<16xi32>
    %select_n3A_2549 = arith.select %lt3A_2546, %get3A_2529, %broadcast_in_dim3A_2548 : vector<16xi1>, vector<16xi32>
    %add3A_2550 = arith.addi %add3A_2525, %select_n3A_2549 : vector<16xi32>
    %get3A_2551 = arith.constant 3 : i32
    %get3A_2552 = arith.index_cast %get3A_2551 : i32 to index
    %get3A_2553 = arith.constant 48 : index
    %get3A_2554 = tpu.vector_load %arg13[%get3A_2552, %get3A_2553] {strides = array<i32>} : memref<32x64xi32, #tpu.memory_space<vmem>>, vector<16xi32>,
    %add3A_2555 = arith.addi %add3A_2530, %get3A_2554 : vector<16xi32>
    %broadcast_in_dim3A_2556 = arith.constant 3 : i32
    %broadcast_in_dim3A_2557 = vector.broadcast %broadcast_in_dim3A_2556 : i32 to vector<16xi32>
    %mul3A_2558 = arith.constant 2 : i32
    %mul3A_2559 = arith.muli %mul3A_2558, %arg1 : i32
    %lt3A_2560 = vector.broadcast %mul3A_2559 : i32 to vector<16xi32>
    %lt3A_2561 = arith.cmpi slt, %broadcast_in_dim3A_2557, %lt3A_2560 : vector<16xi32>
    %jit3A_2562 = arith.constant 0 : i32
    %broadcast_in_dim3A_2563 = vector.broadcast %jit3A_2562 : i32 to vector<16xi32>
    %select_n3A_2564 = arith.select %lt3A_2561, %get3A_2554, %broadcast_in_dim3A_2563 : vector<16xi1>, vector<16xi32>
    %add3A_2565 = arith.addi %add3A_2540, %select_n3A_2564 : vector<16xi32>
    %mul3A_2566 = arith.constant 2 : i32
    %mul3A_2567 = arith.muli %mul3A_2566, %arg1 : i32
    %add3A_2568 = arith.constant 1 : i32
    %add3A_2569 = arith.addi %mul3A_2567, %add3A_2568 : i32
    %lt3A_2570 = vector.broadcast %add3A_2569 : i32 to vector<16xi32>
    %lt3A_2571 = arith.cmpi slt, %broadcast_in_dim3A_2557, %lt3A_2570 : vector<16xi32>
    %jit3A_2572 = arith.constant 0 : i32
    %broadcast_in_dim3A_2573 = vector.broadcast %jit3A_2572 : i32 to vector<16xi32>
    %select_n3A_2574 = arith.select %lt3A_2571, %get3A_2554, %broadcast_in_dim3A_2573 : vector<16xi1>, vector<16xi32>
    %add3A_2575 = arith.addi %add3A_2550, %select_n3A_2574 : vector<16xi32>
    %get3A_2576 = arith.constant 4 : i32
    %get3A_2577 = arith.index_cast %get3A_2576 : i32 to index
    %get3A_2578 = arith.constant 48 : index
    %get3A_2579 = tpu.vector_load %arg13[%get3A_2577, %get3A_2578] {strides = array<i32>} : memref<32x64xi32, #tpu.memory_space<vmem>>, vector<16xi32>,
    %add3A_2580 = arith.addi %add3A_2555, %get3A_2579 : vector<16xi32>
    %broadcast_in_dim3A_2581 = arith.constant 4 : i32
    %broadcast_in_dim3A_2582 = vector.broadcast %broadcast_in_dim3A_2581 : i32 to vector<16xi32>
    %mul3A_2583 = arith.constant 2 : i32
    %mul3A_2584 = arith.muli %mul3A_2583, %arg1 : i32
    %lt3A_2585 = vector.broadcast %mul3A_2584 : i32 to vector<16xi32>
    %lt3A_2586 = arith.cmpi slt, %broadcast_in_dim3A_2582, %lt3A_2585 : vector<16xi32>
    %jit3A_2587 = arith.constant 0 : i32
    %broadcast_in_dim3A_2588 = vector.broadcast %jit3A_2587 : i32 to vector<16xi32>
    %select_n3A_2589 = arith.select %lt3A_2586, %get3A_2579, %broadcast_in_dim3A_2588 : vector<16xi1>, vector<16xi32>
    %add3A_2590 = arith.addi %add3A_2565, %select_n3A_2589 : vector<16xi32>
    %mul3A_2591 = arith.constant 2 : i32
    %mul3A_2592 = arith.muli %mul3A_2591, %arg1 : i32
    %add3A_2593 = arith.constant 1 : i32
    %add3A_2594 = arith.addi %mul3A_2592, %add3A_2593 : i32
    %lt3A_2595 = vector.broadcast %add3A_2594 : i32 to vector<16xi32>
    %lt3A_2596 = arith.cmpi slt, %broadcast_in_dim3A_2582, %lt3A_2595 : vector<16xi32>
    %jit3A_2597 = arith.constant 0 : i32
    %broadcast_in_dim3A_2598 = vector.broadcast %jit3A_2597 : i32 to vector<16xi32>
    %select_n3A_2599 = arith.select %lt3A_2596, %get3A_2579, %broadcast_in_dim3A_2598 : vector<16xi1>, vector<16xi32>
    %add3A_2600 = arith.addi %add3A_2575, %select_n3A_2599 : vector<16xi32>
    %get3A_2601 = arith.constant 5 : i32
    %get3A_2602 = arith.index_cast %get3A_2601 : i32 to index
    %get3A_2603 = arith.constant 48 : index
    %get3A_2604 = tpu.vector_load %arg13[%get3A_2602, %get3A_2603] {strides = array<i32>} : memref<32x64xi32, #tpu.memory_space<vmem>>, vector<16xi32>,
    %add3A_2605 = arith.addi %add3A_2580, %get3A_2604 : vector<16xi32>
    %broadcast_in_dim3A_2606 = arith.constant 5 : i32
    %broadcast_in_dim3A_2607 = vector.broadcast %broadcast_in_dim3A_2606 : i32 to vector<16xi32>
    %mul3A_2608 = arith.constant 2 : i32
    %mul3A_2609 = arith.muli %mul3A_2608, %arg1 : i32
    %lt3A_2610 = vector.broadcast %mul3A_2609 : i32 to vector<16xi32>
    %lt3A_2611 = arith.cmpi slt, %broadcast_in_dim3A_2607, %lt3A_2610 : vector<16xi32>
    %jit3A_2612 = arith.constant 0 : i32
    %broadcast_in_dim3A_2613 = vector.broadcast %jit3A_2612 : i32 to vector<16xi32>
    %select_n3A_2614 = arith.select %lt3A_2611, %get3A_2604, %broadcast_in_dim3A_2613 : vector<16xi1>, vector<16xi32>
    %add3A_2615 = arith.addi %add3A_2590, %select_n3A_2614 : vector<16xi32>
    %mul3A_2616 = arith.constant 2 : i32
    %mul3A_2617 = arith.muli %mul3A_2616, %arg1 : i32
    %add3A_2618 = arith.constant 1 : i32
    %add3A_2619 = arith.addi %mul3A_2617, %add3A_2618 : i32
    %lt3A_2620 = vector.broadcast %add3A_2619 : i32 to vector<16xi32>
    %lt3A_2621 = arith.cmpi slt, %broadcast_in_dim3A_2607, %lt3A_2620 : vector<16xi32>
    %jit3A_2622 = arith.constant 0 : i32
    %broadcast_in_dim3A_2623 = vector.broadcast %jit3A_2622 : i32 to vector<16xi32>
    %select_n3A_2624 = arith.select %lt3A_2621, %get3A_2604, %broadcast_in_dim3A_2623 : vector<16xi1>, vector<16xi32>
    %add3A_2625 = arith.addi %add3A_2600, %select_n3A_2624 : vector<16xi32>
    %get3A_2626 = arith.constant 6 : i32
    %get3A_2627 = arith.index_cast %get3A_2626 : i32 to index
    %get3A_2628 = arith.constant 48 : index
    %get3A_2629 = tpu.vector_load %arg13[%get3A_2627, %get3A_2628] {strides = array<i32>} : memref<32x64xi32, #tpu.memory_space<vmem>>, vector<16xi32>,
    %add3A_2630 = arith.addi %add3A_2605, %get3A_2629 : vector<16xi32>
    %broadcast_in_dim3A_2631 = arith.constant 6 : i32
    %broadcast_in_dim3A_2632 = vector.broadcast %broadcast_in_dim3A_2631 : i32 to vector<16xi32>
    %mul3A_2633 = arith.constant 2 : i32
    %mul3A_2634 = arith.muli %mul3A_2633, %arg1 : i32
    %lt3A_2635 = vector.broadcast %mul3A_2634 : i32 to vector<16xi32>
    %lt3A_2636 = arith.cmpi slt, %broadcast_in_dim3A_2632, %lt3A_2635 : vector<16xi32>
    %jit3A_2637 = arith.constant 0 : i32
    %broadcast_in_dim3A_2638 = vector.broadcast %jit3A_2637 : i32 to vector<16xi32>
    %select_n3A_2639 = arith.select %lt3A_2636, %get3A_2629, %broadcast_in_dim3A_2638 : vector<16xi1>, vector<16xi32>
    %add3A_2640 = arith.addi %add3A_2615, %select_n3A_2639 : vector<16xi32>
    %mul3A_2641 = arith.constant 2 : i32
    %mul3A_2642 = arith.muli %mul3A_2641, %arg1 : i32
    %add3A_2643 = arith.constant 1 : i32
    %add3A_2644 = arith.addi %mul3A_2642, %add3A_2643 : i32
    %lt3A_2645 = vector.broadcast %add3A_2644 : i32 to vector<16xi32>
    %lt3A_2646 = arith.cmpi slt, %broadcast_in_dim3A_2632, %lt3A_2645 : vector<16xi32>
    %jit3A_2647 = arith.constant 0 : i32
    %broadcast_in_dim3A_2648 = vector.broadcast %jit3A_2647 : i32 to vector<16xi32>
    %select_n3A_2649 = arith.select %lt3A_2646, %get3A_2629, %broadcast_in_dim3A_2648 : vector<16xi1>, vector<16xi32>
    %add3A_2650 = arith.addi %add3A_2625, %select_n3A_2649 : vector<16xi32>
    %get3A_2651 = arith.constant 7 : i32
    %get3A_2652 = arith.index_cast %get3A_2651 : i32 to index
    %get3A_2653 = arith.constant 48 : index
    %get3A_2654 = tpu.vector_load %arg13[%get3A_2652, %get3A_2653] {strides = array<i32>} : memref<32x64xi32, #tpu.memory_space<vmem>>, vector<16xi32>,
    %add3A_2655 = arith.addi %add3A_2630, %get3A_2654 : vector<16xi32>
    %broadcast_in_dim3A_2656 = arith.constant 7 : i32
    %broadcast_in_dim3A_2657 = vector.broadcast %broadcast_in_dim3A_2656 : i32 to vector<16xi32>
    %mul3A_2658 = arith.constant 2 : i32
    %mul3A_2659 = arith.muli %mul3A_2658, %arg1 : i32
    %lt3A_2660 = vector.broadcast %mul3A_2659 : i32 to vector<16xi32>
    %lt3A_2661 = arith.cmpi slt, %broadcast_in_dim3A_2657, %lt3A_2660 : vector<16xi32>
    %jit3A_2662 = arith.constant 0 : i32
    %broadcast_in_dim3A_2663 = vector.broadcast %jit3A_2662 : i32 to vector<16xi32>
    %select_n3A_2664 = arith.select %lt3A_2661, %get3A_2654, %broadcast_in_dim3A_2663 : vector<16xi1>, vector<16xi32>
    %add3A_2665 = arith.addi %add3A_2640, %select_n3A_2664 : vector<16xi32>
    %mul3A_2666 = arith.constant 2 : i32
    %mul3A_2667 = arith.muli %mul3A_2666, %arg1 : i32
    %add3A_2668 = arith.constant 1 : i32
    %add3A_2669 = arith.addi %mul3A_2667, %add3A_2668 : i32
    %lt3A_2670 = vector.broadcast %add3A_2669 : i32 to vector<16xi32>
    %lt3A_2671 = arith.cmpi slt, %broadcast_in_dim3A_2657, %lt3A_2670 : vector<16xi32>
    %jit3A_2672 = arith.constant 0 : i32
    %broadcast_in_dim3A_2673 = vector.broadcast %jit3A_2672 : i32 to vector<16xi32>
    %select_n3A_2674 = arith.select %lt3A_2671, %get3A_2654, %broadcast_in_dim3A_2673 : vector<16xi1>, vector<16xi32>
    %add3A_2675 = arith.addi %add3A_2650, %select_n3A_2674 : vector<16xi32>
    %get3A_2676 = arith.constant 8 : i32
    %get3A_2677 = arith.index_cast %get3A_2676 : i32 to index
    %get3A_2678 = arith.constant 48 : index
    %get3A_2679 = tpu.vector_load %arg13[%get3A_2677, %get3A_2678] {strides = array<i32>} : memref<32x64xi32, #tpu.memory_space<vmem>>, vector<16xi32>,
    %add3A_2680 = arith.addi %add3A_2655, %get3A_2679 : vector<16xi32>
    %broadcast_in_dim3A_2681 = arith.constant 8 : i32
    %broadcast_in_dim3A_2682 = vector.broadcast %broadcast_in_dim3A_2681 : i32 to vector<16xi32>
    %mul3A_2683 = arith.constant 2 : i32
    %mul3A_2684 = arith.muli %mul3A_2683, %arg1 : i32
    %lt3A_2685 = vector.broadcast %mul3A_2684 : i32 to vector<16xi32>
    %lt3A_2686 = arith.cmpi slt, %broadcast_in_dim3A_2682, %lt3A_2685 : vector<16xi32>
    %jit3A_2687 = arith.constant 0 : i32
    %broadcast_in_dim3A_2688 = vector.broadcast %jit3A_2687 : i32 to vector<16xi32>
    %select_n3A_2689 = arith.select %lt3A_2686, %get3A_2679, %broadcast_in_dim3A_2688 : vector<16xi1>, vector<16xi32>
    %add3A_2690 = arith.addi %add3A_2665, %select_n3A_2689 : vector<16xi32>
    %mul3A_2691 = arith.constant 2 : i32
    %mul3A_2692 = arith.muli %mul3A_2691, %arg1 : i32
    %add3A_2693 = arith.constant 1 : i32
    %add3A_2694 = arith.addi %mul3A_2692, %add3A_2693 : i32
    %lt3A_2695 = vector.broadcast %add3A_2694 : i32 to vector<16xi32>
    %lt3A_2696 = arith.cmpi slt, %broadcast_in_dim3A_2682, %lt3A_2695 : vector<16xi32>
    %jit3A_2697 = arith.constant 0 : i32
    %broadcast_in_dim3A_2698 = vector.broadcast %jit3A_2697 : i32 to vector<16xi32>
    %select_n3A_2699 = arith.select %lt3A_2696, %get3A_2679, %broadcast_in_dim3A_2698 : vector<16xi1>, vector<16xi32>
    %add3A_2700 = arith.addi %add3A_2675, %select_n3A_2699 : vector<16xi32>
    %get3A_2701 = arith.constant 9 : i32
    %get3A_2702 = arith.index_cast %get3A_2701 : i32 to index
    %get3A_2703 = arith.constant 48 : index
    %get3A_2704 = tpu.vector_load %arg13[%get3A_2702, %get3A_2703] {strides = array<i32>} : memref<32x64xi32, #tpu.memory_space<vmem>>, vector<16xi32>,
    %add3A_2705 = arith.addi %add3A_2680, %get3A_2704 : vector<16xi32>
    %broadcast_in_dim3A_2706 = arith.constant 9 : i32
    %broadcast_in_dim3A_2707 = vector.broadcast %broadcast_in_dim3A_2706 : i32 to vector<16xi32>
    %mul3A_2708 = arith.constant 2 : i32
    %mul3A_2709 = arith.muli %mul3A_2708, %arg1 : i32
    %lt3A_2710 = vector.broadcast %mul3A_2709 : i32 to vector<16xi32>
    %lt3A_2711 = arith.cmpi slt, %broadcast_in_dim3A_2707, %lt3A_2710 : vector<16xi32>
    %jit3A_2712 = arith.constant 0 : i32
    %broadcast_in_dim3A_2713 = vector.broadcast %jit3A_2712 : i32 to vector<16xi32>
    %select_n3A_2714 = arith.select %lt3A_2711, %get3A_2704, %broadcast_in_dim3A_2713 : vector<16xi1>, vector<16xi32>
    %add3A_2715 = arith.addi %add3A_2690, %select_n3A_2714 : vector<16xi32>
    %mul3A_2716 = arith.constant 2 : i32
    %mul3A_2717 = arith.muli %mul3A_2716, %arg1 : i32
    %add3A_2718 = arith.constant 1 : i32
    %add3A_2719 = arith.addi %mul3A_2717, %add3A_2718 : i32
    %lt3A_2720 = vector.broadcast %add3A_2719 : i32 to vector<16xi32>
    %lt3A_2721 = arith.cmpi slt, %broadcast_in_dim3A_2707, %lt3A_2720 : vector<16xi32>
    %jit3A_2722 = arith.constant 0 : i32
    %broadcast_in_dim3A_2723 = vector.broadcast %jit3A_2722 : i32 to vector<16xi32>
    %select_n3A_2724 = arith.select %lt3A_2721, %get3A_2704, %broadcast_in_dim3A_2723 : vector<16xi1>, vector<16xi32>
    %add3A_2725 = arith.addi %add3A_2700, %select_n3A_2724 : vector<16xi32>
    %get3A_2726 = arith.constant 10 : i32
    %get3A_2727 = arith.index_cast %get3A_2726 : i32 to index
    %get3A_2728 = arith.constant 48 : index
    %get3A_2729 = tpu.vector_load %arg13[%get3A_2727, %get3A_2728] {strides = array<i32>} : memref<32x64xi32, #tpu.memory_space<vmem>>, vector<16xi32>,
    %add3A_2730 = arith.addi %add3A_2705, %get3A_2729 : vector<16xi32>
    %broadcast_in_dim3A_2731 = arith.constant 10 : i32
    %broadcast_in_dim3A_2732 = vector.broadcast %broadcast_in_dim3A_2731 : i32 to vector<16xi32>
    %mul3A_2733 = arith.constant 2 : i32
    %mul3A_2734 = arith.muli %mul3A_2733, %arg1 : i32
    %lt3A_2735 = vector.broadcast %mul3A_2734 : i32 to vector<16xi32>
    %lt3A_2736 = arith.cmpi slt, %broadcast_in_dim3A_2732, %lt3A_2735 : vector<16xi32>
    %jit3A_2737 = arith.constant 0 : i32
    %broadcast_in_dim3A_2738 = vector.broadcast %jit3A_2737 : i32 to vector<16xi32>
    %select_n3A_2739 = arith.select %lt3A_2736, %get3A_2729, %broadcast_in_dim3A_2738 : vector<16xi1>, vector<16xi32>
    %add3A_2740 = arith.addi %add3A_2715, %select_n3A_2739 : vector<16xi32>
    %mul3A_2741 = arith.constant 2 : i32
    %mul3A_2742 = arith.muli %mul3A_2741, %arg1 : i32
    %add3A_2743 = arith.constant 1 : i32
    %add3A_2744 = arith.addi %mul3A_2742, %add3A_2743 : i32
    %lt3A_2745 = vector.broadcast %add3A_2744 : i32 to vector<16xi32>
    %lt3A_2746 = arith.cmpi slt, %broadcast_in_dim3A_2732, %lt3A_2745 : vector<16xi32>
    %jit3A_2747 = arith.constant 0 : i32
    %broadcast_in_dim3A_2748 = vector.broadcast %jit3A_2747 : i32 to vector<16xi32>
    %select_n3A_2749 = arith.select %lt3A_2746, %get3A_2729, %broadcast_in_dim3A_2748 : vector<16xi1>, vector<16xi32>
    %add3A_2750 = arith.addi %add3A_2725, %select_n3A_2749 : vector<16xi32>
    %get3A_2751 = arith.constant 11 : i32
    %get3A_2752 = arith.index_cast %get3A_2751 : i32 to index
    %get3A_2753 = arith.constant 48 : index
    %get3A_2754 = tpu.vector_load %arg13[%get3A_2752, %get3A_2753] {strides = array<i32>} : memref<32x64xi32, #tpu.memory_space<vmem>>, vector<16xi32>,
    %add3A_2755 = arith.addi %add3A_2730, %get3A_2754 : vector<16xi32>
    %broadcast_in_dim3A_2756 = arith.constant 11 : i32
    %broadcast_in_dim3A_2757 = vector.broadcast %broadcast_in_dim3A_2756 : i32 to vector<16xi32>
    %mul3A_2758 = arith.constant 2 : i32
    %mul3A_2759 = arith.muli %mul3A_2758, %arg1 : i32
    %lt3A_2760 = vector.broadcast %mul3A_2759 : i32 to vector<16xi32>
    %lt3A_2761 = arith.cmpi slt, %broadcast_in_dim3A_2757, %lt3A_2760 : vector<16xi32>
    %jit3A_2762 = arith.constant 0 : i32
    %broadcast_in_dim3A_2763 = vector.broadcast %jit3A_2762 : i32 to vector<16xi32>
    %select_n3A_2764 = arith.select %lt3A_2761, %get3A_2754, %broadcast_in_dim3A_2763 : vector<16xi1>, vector<16xi32>
    %add3A_2765 = arith.addi %add3A_2740, %select_n3A_2764 : vector<16xi32>
    %mul3A_2766 = arith.constant 2 : i32
    %mul3A_2767 = arith.muli %mul3A_2766, %arg1 : i32
    %add3A_2768 = arith.constant 1 : i32
    %add3A_2769 = arith.addi %mul3A_2767, %add3A_2768 : i32
    %lt3A_2770 = vector.broadcast %add3A_2769 : i32 to vector<16xi32>
    %lt3A_2771 = arith.cmpi slt, %broadcast_in_dim3A_2757, %lt3A_2770 : vector<16xi32>
    %jit3A_2772 = arith.constant 0 : i32
    %broadcast_in_dim3A_2773 = vector.broadcast %jit3A_2772 : i32 to vector<16xi32>
    %select_n3A_2774 = arith.select %lt3A_2771, %get3A_2754, %broadcast_in_dim3A_2773 : vector<16xi1>, vector<16xi32>
    %add3A_2775 = arith.addi %add3A_2750, %select_n3A_2774 : vector<16xi32>
    %get3A_2776 = arith.constant 12 : i32
    %get3A_2777 = arith.index_cast %get3A_2776 : i32 to index
    %get3A_2778 = arith.constant 48 : index
    %get3A_2779 = tpu.vector_load %arg13[%get3A_2777, %get3A_2778] {strides = array<i32>} : memref<32x64xi32, #tpu.memory_space<vmem>>, vector<16xi32>,
    %add3A_2780 = arith.addi %add3A_2755, %get3A_2779 : vector<16xi32>
    %broadcast_in_dim3A_2781 = arith.constant 12 : i32
    %broadcast_in_dim3A_2782 = vector.broadcast %broadcast_in_dim3A_2781 : i32 to vector<16xi32>
    %mul3A_2783 = arith.constant 2 : i32
    %mul3A_2784 = arith.muli %mul3A_2783, %arg1 : i32
    %lt3A_2785 = vector.broadcast %mul3A_2784 : i32 to vector<16xi32>
    %lt3A_2786 = arith.cmpi slt, %broadcast_in_dim3A_2782, %lt3A_2785 : vector<16xi32>
    %jit3A_2787 = arith.constant 0 : i32
    %broadcast_in_dim3A_2788 = vector.broadcast %jit3A_2787 : i32 to vector<16xi32>
    %select_n3A_2789 = arith.select %lt3A_2786, %get3A_2779, %broadcast_in_dim3A_2788 : vector<16xi1>, vector<16xi32>
    %add3A_2790 = arith.addi %add3A_2765, %select_n3A_2789 : vector<16xi32>
    %mul3A_2791 = arith.constant 2 : i32
    %mul3A_2792 = arith.muli %mul3A_2791, %arg1 : i32
    %add3A_2793 = arith.constant 1 : i32
    %add3A_2794 = arith.addi %mul3A_2792, %add3A_2793 : i32
    %lt3A_2795 = vector.broadcast %add3A_2794 : i32 to vector<16xi32>
    %lt3A_2796 = arith.cmpi slt, %broadcast_in_dim3A_2782, %lt3A_2795 : vector<16xi32>
    %jit3A_2797 = arith.constant 0 : i32
    %broadcast_in_dim3A_2798 = vector.broadcast %jit3A_2797 : i32 to vector<16xi32>
    %select_n3A_2799 = arith.select %lt3A_2796, %get3A_2779, %broadcast_in_dim3A_2798 : vector<16xi1>, vector<16xi32>
    %add3A_2800 = arith.addi %add3A_2775, %select_n3A_2799 : vector<16xi32>
    %get3A_2801 = arith.constant 13 : i32
    %get3A_2802 = arith.index_cast %get3A_2801 : i32 to index
    %get3A_2803 = arith.constant 48 : index
    %get3A_2804 = tpu.vector_load %arg13[%get3A_2802, %get3A_2803] {strides = array<i32>} : memref<32x64xi32, #tpu.memory_space<vmem>>, vector<16xi32>,
    %add3A_2805 = arith.addi %add3A_2780, %get3A_2804 : vector<16xi32>
    %broadcast_in_dim3A_2806 = arith.constant 13 : i32
    %broadcast_in_dim3A_2807 = vector.broadcast %broadcast_in_dim3A_2806 : i32 to vector<16xi32>
    %mul3A_2808 = arith.constant 2 : i32
    %mul3A_2809 = arith.muli %mul3A_2808, %arg1 : i32
    %lt3A_2810 = vector.broadcast %mul3A_2809 : i32 to vector<16xi32>
    %lt3A_2811 = arith.cmpi slt, %broadcast_in_dim3A_2807, %lt3A_2810 : vector<16xi32>
    %jit3A_2812 = arith.constant 0 : i32
    %broadcast_in_dim3A_2813 = vector.broadcast %jit3A_2812 : i32 to vector<16xi32>
    %select_n3A_2814 = arith.select %lt3A_2811, %get3A_2804, %broadcast_in_dim3A_2813 : vector<16xi1>, vector<16xi32>
    %add3A_2815 = arith.addi %add3A_2790, %select_n3A_2814 : vector<16xi32>
    %mul3A_2816 = arith.constant 2 : i32
    %mul3A_2817 = arith.muli %mul3A_2816, %arg1 : i32
    %add3A_2818 = arith.constant 1 : i32
    %add3A_2819 = arith.addi %mul3A_2817, %add3A_2818 : i32
    %lt3A_2820 = vector.broadcast %add3A_2819 : i32 to vector<16xi32>
    %lt3A_2821 = arith.cmpi slt, %broadcast_in_dim3A_2807, %lt3A_2820 : vector<16xi32>
    %jit3A_2822 = arith.constant 0 : i32
    %broadcast_in_dim3A_2823 = vector.broadcast %jit3A_2822 : i32 to vector<16xi32>
    %select_n3A_2824 = arith.select %lt3A_2821, %get3A_2804, %broadcast_in_dim3A_2823 : vector<16xi1>, vector<16xi32>
    %add3A_2825 = arith.addi %add3A_2800, %select_n3A_2824 : vector<16xi32>
    %get3A_2826 = arith.constant 14 : i32
    %get3A_2827 = arith.index_cast %get3A_2826 : i32 to index
    %get3A_2828 = arith.constant 48 : index
    %get3A_2829 = tpu.vector_load %arg13[%get3A_2827, %get3A_2828] {strides = array<i32>} : memref<32x64xi32, #tpu.memory_space<vmem>>, vector<16xi32>,
    %add3A_2830 = arith.addi %add3A_2805, %get3A_2829 : vector<16xi32>
    %broadcast_in_dim3A_2831 = arith.constant 14 : i32
    %broadcast_in_dim3A_2832 = vector.broadcast %broadcast_in_dim3A_2831 : i32 to vector<16xi32>
    %mul3A_2833 = arith.constant 2 : i32
    %mul3A_2834 = arith.muli %mul3A_2833, %arg1 : i32
    %lt3A_2835 = vector.broadcast %mul3A_2834 : i32 to vector<16xi32>
    %lt3A_2836 = arith.cmpi slt, %broadcast_in_dim3A_2832, %lt3A_2835 : vector<16xi32>
    %jit3A_2837 = arith.constant 0 : i32
    %broadcast_in_dim3A_2838 = vector.broadcast %jit3A_2837 : i32 to vector<16xi32>
    %select_n3A_2839 = arith.select %lt3A_2836, %get3A_2829, %broadcast_in_dim3A_2838 : vector<16xi1>, vector<16xi32>
    %add3A_2840 = arith.addi %add3A_2815, %select_n3A_2839 : vector<16xi32>
    %mul3A_2841 = arith.constant 2 : i32
    %mul3A_2842 = arith.muli %mul3A_2841, %arg1 : i32
    %add3A_2843 = arith.constant 1 : i32
    %add3A_2844 = arith.addi %mul3A_2842, %add3A_2843 : i32
    %lt3A_2845 = vector.broadcast %add3A_2844 : i32 to vector<16xi32>
    %lt3A_2846 = arith.cmpi slt, %broadcast_in_dim3A_2832, %lt3A_2845 : vector<16xi32>
    %jit3A_2847 = arith.constant 0 : i32
    %broadcast_in_dim3A_2848 = vector.broadcast %jit3A_2847 : i32 to vector<16xi32>
    %select_n3A_2849 = arith.select %lt3A_2846, %get3A_2829, %broadcast_in_dim3A_2848 : vector<16xi1>, vector<16xi32>
    %add3A_2850 = arith.addi %add3A_2825, %select_n3A_2849 : vector<16xi32>
    %get3A_2851 = arith.constant 15 : i32
    %get3A_2852 = arith.index_cast %get3A_2851 : i32 to index
    %get3A_2853 = arith.constant 48 : index
    %get3A_2854 = tpu.vector_load %arg13[%get3A_2852, %get3A_2853] {strides = array<i32>} : memref<32x64xi32, #tpu.memory_space<vmem>>, vector<16xi32>,
    %add3A_2855 = arith.addi %add3A_2830, %get3A_2854 : vector<16xi32>
    %broadcast_in_dim3A_2856 = arith.constant 15 : i32
    %broadcast_in_dim3A_2857 = vector.broadcast %broadcast_in_dim3A_2856 : i32 to vector<16xi32>
    %mul3A_2858 = arith.constant 2 : i32
    %mul3A_2859 = arith.muli %mul3A_2858, %arg1 : i32
    %lt3A_2860 = vector.broadcast %mul3A_2859 : i32 to vector<16xi32>
    %lt3A_2861 = arith.cmpi slt, %broadcast_in_dim3A_2857, %lt3A_2860 : vector<16xi32>
    %jit3A_2862 = arith.constant 0 : i32
    %broadcast_in_dim3A_2863 = vector.broadcast %jit3A_2862 : i32 to vector<16xi32>
    %select_n3A_2864 = arith.select %lt3A_2861, %get3A_2854, %broadcast_in_dim3A_2863 : vector<16xi1>, vector<16xi32>
    %add3A_2865 = arith.addi %add3A_2840, %select_n3A_2864 : vector<16xi32>
    %mul3A_2866 = arith.constant 2 : i32
    %mul3A_2867 = arith.muli %mul3A_2866, %arg1 : i32
    %add3A_2868 = arith.constant 1 : i32
    %add3A_2869 = arith.addi %mul3A_2867, %add3A_2868 : i32
    %lt3A_2870 = vector.broadcast %add3A_2869 : i32 to vector<16xi32>
    %lt3A_2871 = arith.cmpi slt, %broadcast_in_dim3A_2857, %lt3A_2870 : vector<16xi32>
    %jit3A_2872 = arith.constant 0 : i32
    %broadcast_in_dim3A_2873 = vector.broadcast %jit3A_2872 : i32 to vector<16xi32>
    %select_n3A_2874 = arith.select %lt3A_2871, %get3A_2854, %broadcast_in_dim3A_2873 : vector<16xi1>, vector<16xi32>
    %add3A_2875 = arith.addi %add3A_2850, %select_n3A_2874 : vector<16xi32>
    %get3A_2876 = arith.constant 16 : i32
    %get3A_2877 = arith.index_cast %get3A_2876 : i32 to index
    %get3A_2878 = arith.constant 48 : index
    %get3A_2879 = tpu.vector_load %arg13[%get3A_2877, %get3A_2878] {strides = array<i32>} : memref<32x64xi32, #tpu.memory_space<vmem>>, vector<16xi32>,
    %add3A_2880 = arith.addi %add3A_2855, %get3A_2879 : vector<16xi32>
    %broadcast_in_dim3A_2881 = arith.constant 16 : i32
    %broadcast_in_dim3A_2882 = vector.broadcast %broadcast_in_dim3A_2881 : i32 to vector<16xi32>
    %mul3A_2883 = arith.constant 2 : i32
    %mul3A_2884 = arith.muli %mul3A_2883, %arg1 : i32
    %lt3A_2885 = vector.broadcast %mul3A_2884 : i32 to vector<16xi32>
    %lt3A_2886 = arith.cmpi slt, %broadcast_in_dim3A_2882, %lt3A_2885 : vector<16xi32>
    %jit3A_2887 = arith.constant 0 : i32
    %broadcast_in_dim3A_2888 = vector.broadcast %jit3A_2887 : i32 to vector<16xi32>
    %select_n3A_2889 = arith.select %lt3A_2886, %get3A_2879, %broadcast_in_dim3A_2888 : vector<16xi1>, vector<16xi32>
    %add3A_2890 = arith.addi %add3A_2865, %select_n3A_2889 : vector<16xi32>
    %mul3A_2891 = arith.constant 2 : i32
    %mul3A_2892 = arith.muli %mul3A_2891, %arg1 : i32
    %add3A_2893 = arith.constant 1 : i32
    %add3A_2894 = arith.addi %mul3A_2892, %add3A_2893 : i32
    %lt3A_2895 = vector.broadcast %add3A_2894 : i32 to vector<16xi32>
    %lt3A_2896 = arith.cmpi slt, %broadcast_in_dim3A_2882, %lt3A_2895 : vector<16xi32>
    %jit3A_2897 = arith.constant 0 : i32
    %broadcast_in_dim3A_2898 = vector.broadcast %jit3A_2897 : i32 to vector<16xi32>
    %select_n3A_2899 = arith.select %lt3A_2896, %get3A_2879, %broadcast_in_dim3A_2898 : vector<16xi1>, vector<16xi32>
    %add3A_2900 = arith.addi %add3A_2875, %select_n3A_2899 : vector<16xi32>
    %get3A_2901 = arith.constant 17 : i32
    %get3A_2902 = arith.index_cast %get3A_2901 : i32 to index
    %get3A_2903 = arith.constant 48 : index
    %get3A_2904 = tpu.vector_load %arg13[%get3A_2902, %get3A_2903] {strides = array<i32>} : memref<32x64xi32, #tpu.memory_space<vmem>>, vector<16xi32>,
    %add3A_2905 = arith.addi %add3A_2880, %get3A_2904 : vector<16xi32>
    %broadcast_in_dim3A_2906 = arith.constant 17 : i32
    %broadcast_in_dim3A_2907 = vector.broadcast %broadcast_in_dim3A_2906 : i32 to vector<16xi32>
    %mul3A_2908 = arith.constant 2 : i32
    %mul3A_2909 = arith.muli %mul3A_2908, %arg1 : i32
    %lt3A_2910 = vector.broadcast %mul3A_2909 : i32 to vector<16xi32>
    %lt3A_2911 = arith.cmpi slt, %broadcast_in_dim3A_2907, %lt3A_2910 : vector<16xi32>
    %jit3A_2912 = arith.constant 0 : i32
    %broadcast_in_dim3A_2913 = vector.broadcast %jit3A_2912 : i32 to vector<16xi32>
    %select_n3A_2914 = arith.select %lt3A_2911, %get3A_2904, %broadcast_in_dim3A_2913 : vector<16xi1>, vector<16xi32>
    %add3A_2915 = arith.addi %add3A_2890, %select_n3A_2914 : vector<16xi32>
    %mul3A_2916 = arith.constant 2 : i32
    %mul3A_2917 = arith.muli %mul3A_2916, %arg1 : i32
    %add3A_2918 = arith.constant 1 : i32
    %add3A_2919 = arith.addi %mul3A_2917, %add3A_2918 : i32
    %lt3A_2920 = vector.broadcast %add3A_2919 : i32 to vector<16xi32>
    %lt3A_2921 = arith.cmpi slt, %broadcast_in_dim3A_2907, %lt3A_2920 : vector<16xi32>
    %jit3A_2922 = arith.constant 0 : i32
    %broadcast_in_dim3A_2923 = vector.broadcast %jit3A_2922 : i32 to vector<16xi32>
    %select_n3A_2924 = arith.select %lt3A_2921, %get3A_2904, %broadcast_in_dim3A_2923 : vector<16xi1>, vector<16xi32>
    %add3A_2925 = arith.addi %add3A_2900, %select_n3A_2924 : vector<16xi32>
    %get3A_2926 = arith.constant 18 : i32
    %get3A_2927 = arith.index_cast %get3A_2926 : i32 to index
    %get3A_2928 = arith.constant 48 : index
    %get3A_2929 = tpu.vector_load %arg13[%get3A_2927, %get3A_2928] {strides = array<i32>} : memref<32x64xi32, #tpu.memory_space<vmem>>, vector<16xi32>,
    %add3A_2930 = arith.addi %add3A_2905, %get3A_2929 : vector<16xi32>
    %broadcast_in_dim3A_2931 = arith.constant 18 : i32
    %broadcast_in_dim3A_2932 = vector.broadcast %broadcast_in_dim3A_2931 : i32 to vector<16xi32>
    %mul3A_2933 = arith.constant 2 : i32
    %mul3A_2934 = arith.muli %mul3A_2933, %arg1 : i32
    %lt3A_2935 = vector.broadcast %mul3A_2934 : i32 to vector<16xi32>
    %lt3A_2936 = arith.cmpi slt, %broadcast_in_dim3A_2932, %lt3A_2935 : vector<16xi32>
    %jit3A_2937 = arith.constant 0 : i32
    %broadcast_in_dim3A_2938 = vector.broadcast %jit3A_2937 : i32 to vector<16xi32>
    %select_n3A_2939 = arith.select %lt3A_2936, %get3A_2929, %broadcast_in_dim3A_2938 : vector<16xi1>, vector<16xi32>
    %add3A_2940 = arith.addi %add3A_2915, %select_n3A_2939 : vector<16xi32>
    %mul3A_2941 = arith.constant 2 : i32
    %mul3A_2942 = arith.muli %mul3A_2941, %arg1 : i32
    %add3A_2943 = arith.constant 1 : i32
    %add3A_2944 = arith.addi %mul3A_2942, %add3A_2943 : i32
    %lt3A_2945 = vector.broadcast %add3A_2944 : i32 to vector<16xi32>
    %lt3A_2946 = arith.cmpi slt, %broadcast_in_dim3A_2932, %lt3A_2945 : vector<16xi32>
    %jit3A_2947 = arith.constant 0 : i32
    %broadcast_in_dim3A_2948 = vector.broadcast %jit3A_2947 : i32 to vector<16xi32>
    %select_n3A_2949 = arith.select %lt3A_2946, %get3A_2929, %broadcast_in_dim3A_2948 : vector<16xi1>, vector<16xi32>
    %add3A_2950 = arith.addi %add3A_2925, %select_n3A_2949 : vector<16xi32>
    %get3A_2951 = arith.constant 19 : i32
    %get3A_2952 = arith.index_cast %get3A_2951 : i32 to index
    %get3A_2953 = arith.constant 48 : index
    %get3A_2954 = tpu.vector_load %arg13[%get3A_2952, %get3A_2953] {strides = array<i32>} : memref<32x64xi32, #tpu.memory_space<vmem>>, vector<16xi32>,
    %add3A_2955 = arith.addi %add3A_2930, %get3A_2954 : vector<16xi32>
    %broadcast_in_dim3A_2956 = arith.constant 19 : i32
    %broadcast_in_dim3A_2957 = vector.broadcast %broadcast_in_dim3A_2956 : i32 to vector<16xi32>
    %mul3A_2958 = arith.constant 2 : i32
    %mul3A_2959 = arith.muli %mul3A_2958, %arg1 : i32
    %lt3A_2960 = vector.broadcast %mul3A_2959 : i32 to vector<16xi32>
    %lt3A_2961 = arith.cmpi slt, %broadcast_in_dim3A_2957, %lt3A_2960 : vector<16xi32>
    %jit3A_2962 = arith.constant 0 : i32
    %broadcast_in_dim3A_2963 = vector.broadcast %jit3A_2962 : i32 to vector<16xi32>
    %select_n3A_2964 = arith.select %lt3A_2961, %get3A_2954, %broadcast_in_dim3A_2963 : vector<16xi1>, vector<16xi32>
    %add3A_2965 = arith.addi %add3A_2940, %select_n3A_2964 : vector<16xi32>
    %mul3A_2966 = arith.constant 2 : i32
    %mul3A_2967 = arith.muli %mul3A_2966, %arg1 : i32
    %add3A_2968 = arith.constant 1 : i32
    %add3A_2969 = arith.addi %mul3A_2967, %add3A_2968 : i32
    %lt3A_2970 = vector.broadcast %add3A_2969 : i32 to vector<16xi32>
    %lt3A_2971 = arith.cmpi slt, %broadcast_in_dim3A_2957, %lt3A_2970 : vector<16xi32>
    %jit3A_2972 = arith.constant 0 : i32
    %broadcast_in_dim3A_2973 = vector.broadcast %jit3A_2972 : i32 to vector<16xi32>
    %select_n3A_2974 = arith.select %lt3A_2971, %get3A_2954, %broadcast_in_dim3A_2973 : vector<16xi1>, vector<16xi32>
    %add3A_2975 = arith.addi %add3A_2950, %select_n3A_2974 : vector<16xi32>
    %get3A_2976 = arith.constant 20 : i32
    %get3A_2977 = arith.index_cast %get3A_2976 : i32 to index
    %get3A_2978 = arith.constant 48 : index
    %get3A_2979 = tpu.vector_load %arg13[%get3A_2977, %get3A_2978] {strides = array<i32>} : memref<32x64xi32, #tpu.memory_space<vmem>>, vector<16xi32>,
    %add3A_2980 = arith.addi %add3A_2955, %get3A_2979 : vector<16xi32>
    %broadcast_in_dim3A_2981 = arith.constant 20 : i32
    %broadcast_in_dim3A_2982 = vector.broadcast %broadcast_in_dim3A_2981 : i32 to vector<16xi32>
    %mul3A_2983 = arith.constant 2 : i32
    %mul3A_2984 = arith.muli %mul3A_2983, %arg1 : i32
    %lt3A_2985 = vector.broadcast %mul3A_2984 : i32 to vector<16xi32>
    %lt3A_2986 = arith.cmpi slt, %broadcast_in_dim3A_2982, %lt3A_2985 : vector<16xi32>
    %jit3A_2987 = arith.constant 0 : i32
    %broadcast_in_dim3A_2988 = vector.broadcast %jit3A_2987 : i32 to vector<16xi32>
    %select_n3A_2989 = arith.select %lt3A_2986, %get3A_2979, %broadcast_in_dim3A_2988 : vector<16xi1>, vector<16xi32>
    %add3A_2990 = arith.addi %add3A_2965, %select_n3A_2989 : vector<16xi32>
    %mul3A_2991 = arith.constant 2 : i32
    %mul3A_2992 = arith.muli %mul3A_2991, %arg1 : i32
    %add3A_2993 = arith.constant 1 : i32
    %add3A_2994 = arith.addi %mul3A_2992, %add3A_2993 : i32
    %lt3A_2995 = vector.broadcast %add3A_2994 : i32 to vector<16xi32>
    %lt3A_2996 = arith.cmpi slt, %broadcast_in_dim3A_2982, %lt3A_2995 : vector<16xi32>
    %jit3A_2997 = arith.constant 0 : i32
    %broadcast_in_dim3A_2998 = vector.broadcast %jit3A_2997 : i32 to vector<16xi32>
    %select_n3A_2999 = arith.select %lt3A_2996, %get3A_2979, %broadcast_in_dim3A_2998 : vector<16xi1>, vector<16xi32>
    %add3A_3000 = arith.addi %add3A_2975, %select_n3A_2999 : vector<16xi32>
    %get3A_3001 = arith.constant 21 : i32
    %get3A_3002 = arith.index_cast %get3A_3001 : i32 to index
    %get3A_3003 = arith.constant 48 : index
    %get3A_3004 = tpu.vector_load %arg13[%get3A_3002, %get3A_3003] {strides = array<i32>} : memref<32x64xi32, #tpu.memory_space<vmem>>, vector<16xi32>,
    %add3A_3005 = arith.addi %add3A_2980, %get3A_3004 : vector<16xi32>
    %broadcast_in_dim3A_3006 = arith.constant 21 : i32
    %broadcast_in_dim3A_3007 = vector.broadcast %broadcast_in_dim3A_3006 : i32 to vector<16xi32>
    %mul3A_3008 = arith.constant 2 : i32
    %mul3A_3009 = arith.muli %mul3A_3008, %arg1 : i32
    %lt3A_3010 = vector.broadcast %mul3A_3009 : i32 to vector<16xi32>
    %lt3A_3011 = arith.cmpi slt, %broadcast_in_dim3A_3007, %lt3A_3010 : vector<16xi32>
    %jit3A_3012 = arith.constant 0 : i32
    %broadcast_in_dim3A_3013 = vector.broadcast %jit3A_3012 : i32 to vector<16xi32>
    %select_n3A_3014 = arith.select %lt3A_3011, %get3A_3004, %broadcast_in_dim3A_3013 : vector<16xi1>, vector<16xi32>
    %add3A_3015 = arith.addi %add3A_2990, %select_n3A_3014 : vector<16xi32>
    %mul3A_3016 = arith.constant 2 : i32
    %mul3A_3017 = arith.muli %mul3A_3016, %arg1 : i32
    %add3A_3018 = arith.constant 1 : i32
    %add3A_3019 = arith.addi %mul3A_3017, %add3A_3018 : i32
    %lt3A_3020 = vector.broadcast %add3A_3019 : i32 to vector<16xi32>
    %lt3A_3021 = arith.cmpi slt, %broadcast_in_dim3A_3007, %lt3A_3020 : vector<16xi32>
    %jit3A_3022 = arith.constant 0 : i32
    %broadcast_in_dim3A_3023 = vector.broadcast %jit3A_3022 : i32 to vector<16xi32>
    %select_n3A_3024 = arith.select %lt3A_3021, %get3A_3004, %broadcast_in_dim3A_3023 : vector<16xi1>, vector<16xi32>
    %add3A_3025 = arith.addi %add3A_3000, %select_n3A_3024 : vector<16xi32>
    %get3A_3026 = arith.constant 22 : i32
    %get3A_3027 = arith.index_cast %get3A_3026 : i32 to index
    %get3A_3028 = arith.constant 48 : index
    %get3A_3029 = tpu.vector_load %arg13[%get3A_3027, %get3A_3028] {strides = array<i32>} : memref<32x64xi32, #tpu.memory_space<vmem>>, vector<16xi32>,
    %add3A_3030 = arith.addi %add3A_3005, %get3A_3029 : vector<16xi32>
    %broadcast_in_dim3A_3031 = arith.constant 22 : i32
    %broadcast_in_dim3A_3032 = vector.broadcast %broadcast_in_dim3A_3031 : i32 to vector<16xi32>
    %mul3A_3033 = arith.constant 2 : i32
    %mul3A_3034 = arith.muli %mul3A_3033, %arg1 : i32
    %lt3A_3035 = vector.broadcast %mul3A_3034 : i32 to vector<16xi32>
    %lt3A_3036 = arith.cmpi slt, %broadcast_in_dim3A_3032, %lt3A_3035 : vector<16xi32>
    %jit3A_3037 = arith.constant 0 : i32
    %broadcast_in_dim3A_3038 = vector.broadcast %jit3A_3037 : i32 to vector<16xi32>
    %select_n3A_3039 = arith.select %lt3A_3036, %get3A_3029, %broadcast_in_dim3A_3038 : vector<16xi1>, vector<16xi32>
    %add3A_3040 = arith.addi %add3A_3015, %select_n3A_3039 : vector<16xi32>
    %mul3A_3041 = arith.constant 2 : i32
    %mul3A_3042 = arith.muli %mul3A_3041, %arg1 : i32
    %add3A_3043 = arith.constant 1 : i32
    %add3A_3044 = arith.addi %mul3A_3042, %add3A_3043 : i32
    %lt3A_3045 = vector.broadcast %add3A_3044 : i32 to vector<16xi32>
    %lt3A_3046 = arith.cmpi slt, %broadcast_in_dim3A_3032, %lt3A_3045 : vector<16xi32>
    %jit3A_3047 = arith.constant 0 : i32
    %broadcast_in_dim3A_3048 = vector.broadcast %jit3A_3047 : i32 to vector<16xi32>
    %select_n3A_3049 = arith.select %lt3A_3046, %get3A_3029, %broadcast_in_dim3A_3048 : vector<16xi1>, vector<16xi32>
    %add3A_3050 = arith.addi %add3A_3025, %select_n3A_3049 : vector<16xi32>
    %get3A_3051 = arith.constant 23 : i32
    %get3A_3052 = arith.index_cast %get3A_3051 : i32 to index
    %get3A_3053 = arith.constant 48 : index
    %get3A_3054 = tpu.vector_load %arg13[%get3A_3052, %get3A_3053] {strides = array<i32>} : memref<32x64xi32, #tpu.memory_space<vmem>>, vector<16xi32>,
    %add3A_3055 = arith.addi %add3A_3030, %get3A_3054 : vector<16xi32>
    %broadcast_in_dim3A_3056 = arith.constant 23 : i32
    %broadcast_in_dim3A_3057 = vector.broadcast %broadcast_in_dim3A_3056 : i32 to vector<16xi32>
    %mul3A_3058 = arith.constant 2 : i32
    %mul3A_3059 = arith.muli %mul3A_3058, %arg1 : i32
    %lt3A_3060 = vector.broadcast %mul3A_3059 : i32 to vector<16xi32>
    %lt3A_3061 = arith.cmpi slt, %broadcast_in_dim3A_3057, %lt3A_3060 : vector<16xi32>
    %jit3A_3062 = arith.constant 0 : i32
    %broadcast_in_dim3A_3063 = vector.broadcast %jit3A_3062 : i32 to vector<16xi32>
    %select_n3A_3064 = arith.select %lt3A_3061, %get3A_3054, %broadcast_in_dim3A_3063 : vector<16xi1>, vector<16xi32>
    %add3A_3065 = arith.addi %add3A_3040, %select_n3A_3064 : vector<16xi32>
    %mul3A_3066 = arith.constant 2 : i32
    %mul3A_3067 = arith.muli %mul3A_3066, %arg1 : i32
    %add3A_3068 = arith.constant 1 : i32
    %add3A_3069 = arith.addi %mul3A_3067, %add3A_3068 : i32
    %lt3A_3070 = vector.broadcast %add3A_3069 : i32 to vector<16xi32>
    %lt3A_3071 = arith.cmpi slt, %broadcast_in_dim3A_3057, %lt3A_3070 : vector<16xi32>
    %jit3A_3072 = arith.constant 0 : i32
    %broadcast_in_dim3A_3073 = vector.broadcast %jit3A_3072 : i32 to vector<16xi32>
    %select_n3A_3074 = arith.select %lt3A_3071, %get3A_3054, %broadcast_in_dim3A_3073 : vector<16xi1>, vector<16xi32>
    %add3A_3075 = arith.addi %add3A_3050, %select_n3A_3074 : vector<16xi32>
    %get3A_3076 = arith.constant 24 : i32
    %get3A_3077 = arith.index_cast %get3A_3076 : i32 to index
    %get3A_3078 = arith.constant 48 : index
    %get3A_3079 = tpu.vector_load %arg13[%get3A_3077, %get3A_3078] {strides = array<i32>} : memref<32x64xi32, #tpu.memory_space<vmem>>, vector<16xi32>,
    %add3A_3080 = arith.addi %add3A_3055, %get3A_3079 : vector<16xi32>
    %broadcast_in_dim3A_3081 = arith.constant 24 : i32
    %broadcast_in_dim3A_3082 = vector.broadcast %broadcast_in_dim3A_3081 : i32 to vector<16xi32>
    %mul3A_3083 = arith.constant 2 : i32
    %mul3A_3084 = arith.muli %mul3A_3083, %arg1 : i32
    %lt3A_3085 = vector.broadcast %mul3A_3084 : i32 to vector<16xi32>
    %lt3A_3086 = arith.cmpi slt, %broadcast_in_dim3A_3082, %lt3A_3085 : vector<16xi32>
    %jit3A_3087 = arith.constant 0 : i32
    %broadcast_in_dim3A_3088 = vector.broadcast %jit3A_3087 : i32 to vector<16xi32>
    %select_n3A_3089 = arith.select %lt3A_3086, %get3A_3079, %broadcast_in_dim3A_3088 : vector<16xi1>, vector<16xi32>
    %add3A_3090 = arith.addi %add3A_3065, %select_n3A_3089 : vector<16xi32>
    %mul3A_3091 = arith.constant 2 : i32
    %mul3A_3092 = arith.muli %mul3A_3091, %arg1 : i32
    %add3A_3093 = arith.constant 1 : i32
    %add3A_3094 = arith.addi %mul3A_3092, %add3A_3093 : i32
    %lt3A_3095 = vector.broadcast %add3A_3094 : i32 to vector<16xi32>
    %lt3A_3096 = arith.cmpi slt, %broadcast_in_dim3A_3082, %lt3A_3095 : vector<16xi32>
    %jit3A_3097 = arith.constant 0 : i32
    %broadcast_in_dim3A_3098 = vector.broadcast %jit3A_3097 : i32 to vector<16xi32>
    %select_n3A_3099 = arith.select %lt3A_3096, %get3A_3079, %broadcast_in_dim3A_3098 : vector<16xi1>, vector<16xi32>
    %add3A_3100 = arith.addi %add3A_3075, %select_n3A_3099 : vector<16xi32>
    %get3A_3101 = arith.constant 25 : i32
    %get3A_3102 = arith.index_cast %get3A_3101 : i32 to index
    %get3A_3103 = arith.constant 48 : index
    %get3A_3104 = tpu.vector_load %arg13[%get3A_3102, %get3A_3103] {strides = array<i32>} : memref<32x64xi32, #tpu.memory_space<vmem>>, vector<16xi32>,
    %add3A_3105 = arith.addi %add3A_3080, %get3A_3104 : vector<16xi32>
    %broadcast_in_dim3A_3106 = arith.constant 25 : i32
    %broadcast_in_dim3A_3107 = vector.broadcast %broadcast_in_dim3A_3106 : i32 to vector<16xi32>
    %mul3A_3108 = arith.constant 2 : i32
    %mul3A_3109 = arith.muli %mul3A_3108, %arg1 : i32
    %lt3A_3110 = vector.broadcast %mul3A_3109 : i32 to vector<16xi32>
    %lt3A_3111 = arith.cmpi slt, %broadcast_in_dim3A_3107, %lt3A_3110 : vector<16xi32>
    %jit3A_3112 = arith.constant 0 : i32
    %broadcast_in_dim3A_3113 = vector.broadcast %jit3A_3112 : i32 to vector<16xi32>
    %select_n3A_3114 = arith.select %lt3A_3111, %get3A_3104, %broadcast_in_dim3A_3113 : vector<16xi1>, vector<16xi32>
    %add3A_3115 = arith.addi %add3A_3090, %select_n3A_3114 : vector<16xi32>
    %mul3A_3116 = arith.constant 2 : i32
    %mul3A_3117 = arith.muli %mul3A_3116, %arg1 : i32
    %add3A_3118 = arith.constant 1 : i32
    %add3A_3119 = arith.addi %mul3A_3117, %add3A_3118 : i32
    %lt3A_3120 = vector.broadcast %add3A_3119 : i32 to vector<16xi32>
    %lt3A_3121 = arith.cmpi slt, %broadcast_in_dim3A_3107, %lt3A_3120 : vector<16xi32>
    %jit3A_3122 = arith.constant 0 : i32
    %broadcast_in_dim3A_3123 = vector.broadcast %jit3A_3122 : i32 to vector<16xi32>
    %select_n3A_3124 = arith.select %lt3A_3121, %get3A_3104, %broadcast_in_dim3A_3123 : vector<16xi1>, vector<16xi32>
    %add3A_3125 = arith.addi %add3A_3100, %select_n3A_3124 : vector<16xi32>
    %get3A_3126 = arith.constant 26 : i32
    %get3A_3127 = arith.index_cast %get3A_3126 : i32 to index
    %get3A_3128 = arith.constant 48 : index
    %get3A_3129 = tpu.vector_load %arg13[%get3A_3127, %get3A_3128] {strides = array<i32>} : memref<32x64xi32, #tpu.memory_space<vmem>>, vector<16xi32>,
    %add3A_3130 = arith.addi %add3A_3105, %get3A_3129 : vector<16xi32>
    %broadcast_in_dim3A_3131 = arith.constant 26 : i32
    %broadcast_in_dim3A_3132 = vector.broadcast %broadcast_in_dim3A_3131 : i32 to vector<16xi32>
    %mul3A_3133 = arith.constant 2 : i32
    %mul3A_3134 = arith.muli %mul3A_3133, %arg1 : i32
    %lt3A_3135 = vector.broadcast %mul3A_3134 : i32 to vector<16xi32>
    %lt3A_3136 = arith.cmpi slt, %broadcast_in_dim3A_3132, %lt3A_3135 : vector<16xi32>
    %jit3A_3137 = arith.constant 0 : i32
    %broadcast_in_dim3A_3138 = vector.broadcast %jit3A_3137 : i32 to vector<16xi32>
    %select_n3A_3139 = arith.select %lt3A_3136, %get3A_3129, %broadcast_in_dim3A_3138 : vector<16xi1>, vector<16xi32>
    %add3A_3140 = arith.addi %add3A_3115, %select_n3A_3139 : vector<16xi32>
    %mul3A_3141 = arith.constant 2 : i32
    %mul3A_3142 = arith.muli %mul3A_3141, %arg1 : i32
    %add3A_3143 = arith.constant 1 : i32
    %add3A_3144 = arith.addi %mul3A_3142, %add3A_3143 : i32
    %lt3A_3145 = vector.broadcast %add3A_3144 : i32 to vector<16xi32>
    %lt3A_3146 = arith.cmpi slt, %broadcast_in_dim3A_3132, %lt3A_3145 : vector<16xi32>
    %jit3A_3147 = arith.constant 0 : i32
    %broadcast_in_dim3A_3148 = vector.broadcast %jit3A_3147 : i32 to vector<16xi32>
    %select_n3A_3149 = arith.select %lt3A_3146, %get3A_3129, %broadcast_in_dim3A_3148 : vector<16xi1>, vector<16xi32>
    %add3A_3150 = arith.addi %add3A_3125, %select_n3A_3149 : vector<16xi32>
    %get3A_3151 = arith.constant 27 : i32
    %get3A_3152 = arith.index_cast %get3A_3151 : i32 to index
    %get3A_3153 = arith.constant 48 : index
    %get3A_3154 = tpu.vector_load %arg13[%get3A_3152, %get3A_3153] {strides = array<i32>} : memref<32x64xi32, #tpu.memory_space<vmem>>, vector<16xi32>,
    %add3A_3155 = arith.addi %add3A_3130, %get3A_3154 : vector<16xi32>
    %broadcast_in_dim3A_3156 = arith.constant 27 : i32
    %broadcast_in_dim3A_3157 = vector.broadcast %broadcast_in_dim3A_3156 : i32 to vector<16xi32>
    %mul3A_3158 = arith.constant 2 : i32
    %mul3A_3159 = arith.muli %mul3A_3158, %arg1 : i32
    %lt3A_3160 = vector.broadcast %mul3A_3159 : i32 to vector<16xi32>
    %lt3A_3161 = arith.cmpi slt, %broadcast_in_dim3A_3157, %lt3A_3160 : vector<16xi32>
    %jit3A_3162 = arith.constant 0 : i32
    %broadcast_in_dim3A_3163 = vector.broadcast %jit3A_3162 : i32 to vector<16xi32>
    %select_n3A_3164 = arith.select %lt3A_3161, %get3A_3154, %broadcast_in_dim3A_3163 : vector<16xi1>, vector<16xi32>
    %add3A_3165 = arith.addi %add3A_3140, %select_n3A_3164 : vector<16xi32>
    %mul3A_3166 = arith.constant 2 : i32
    %mul3A_3167 = arith.muli %mul3A_3166, %arg1 : i32
    %add3A_3168 = arith.constant 1 : i32
    %add3A_3169 = arith.addi %mul3A_3167, %add3A_3168 : i32
    %lt3A_3170 = vector.broadcast %add3A_3169 : i32 to vector<16xi32>
    %lt3A_3171 = arith.cmpi slt, %broadcast_in_dim3A_3157, %lt3A_3170 : vector<16xi32>
    %jit3A_3172 = arith.constant 0 : i32
    %broadcast_in_dim3A_3173 = vector.broadcast %jit3A_3172 : i32 to vector<16xi32>
    %select_n3A_3174 = arith.select %lt3A_3171, %get3A_3154, %broadcast_in_dim3A_3173 : vector<16xi1>, vector<16xi32>
    %add3A_3175 = arith.addi %add3A_3150, %select_n3A_3174 : vector<16xi32>
    %get3A_3176 = arith.constant 28 : i32
    %get3A_3177 = arith.index_cast %get3A_3176 : i32 to index
    %get3A_3178 = arith.constant 48 : index
    %get3A_3179 = tpu.vector_load %arg13[%get3A_3177, %get3A_3178] {strides = array<i32>} : memref<32x64xi32, #tpu.memory_space<vmem>>, vector<16xi32>,
    %add3A_3180 = arith.addi %add3A_3155, %get3A_3179 : vector<16xi32>
    %broadcast_in_dim3A_3181 = arith.constant 28 : i32
    %broadcast_in_dim3A_3182 = vector.broadcast %broadcast_in_dim3A_3181 : i32 to vector<16xi32>
    %mul3A_3183 = arith.constant 2 : i32
    %mul3A_3184 = arith.muli %mul3A_3183, %arg1 : i32
    %lt3A_3185 = vector.broadcast %mul3A_3184 : i32 to vector<16xi32>
    %lt3A_3186 = arith.cmpi slt, %broadcast_in_dim3A_3182, %lt3A_3185 : vector<16xi32>
    %jit3A_3187 = arith.constant 0 : i32
    %broadcast_in_dim3A_3188 = vector.broadcast %jit3A_3187 : i32 to vector<16xi32>
    %select_n3A_3189 = arith.select %lt3A_3186, %get3A_3179, %broadcast_in_dim3A_3188 : vector<16xi1>, vector<16xi32>
    %add3A_3190 = arith.addi %add3A_3165, %select_n3A_3189 : vector<16xi32>
    %mul3A_3191 = arith.constant 2 : i32
    %mul3A_3192 = arith.muli %mul3A_3191, %arg1 : i32
    %add3A_3193 = arith.constant 1 : i32
    %add3A_3194 = arith.addi %mul3A_3192, %add3A_3193 : i32
    %lt3A_3195 = vector.broadcast %add3A_3194 : i32 to vector<16xi32>
    %lt3A_3196 = arith.cmpi slt, %broadcast_in_dim3A_3182, %lt3A_3195 : vector<16xi32>
    %jit3A_3197 = arith.constant 0 : i32
    %broadcast_in_dim3A_3198 = vector.broadcast %jit3A_3197 : i32 to vector<16xi32>
    %select_n3A_3199 = arith.select %lt3A_3196, %get3A_3179, %broadcast_in_dim3A_3198 : vector<16xi1>, vector<16xi32>
    %add3A_3200 = arith.addi %add3A_3175, %select_n3A_3199 : vector<16xi32>
    %get3A_3201 = arith.constant 29 : i32
    %get3A_3202 = arith.index_cast %get3A_3201 : i32 to index
    %get3A_3203 = arith.constant 48 : index
    %get3A_3204 = tpu.vector_load %arg13[%get3A_3202, %get3A_3203] {strides = array<i32>} : memref<32x64xi32, #tpu.memory_space<vmem>>, vector<16xi32>,
    %add3A_3205 = arith.addi %add3A_3180, %get3A_3204 : vector<16xi32>
    %broadcast_in_dim3A_3206 = arith.constant 29 : i32
    %broadcast_in_dim3A_3207 = vector.broadcast %broadcast_in_dim3A_3206 : i32 to vector<16xi32>
    %mul3A_3208 = arith.constant 2 : i32
    %mul3A_3209 = arith.muli %mul3A_3208, %arg1 : i32
    %lt3A_3210 = vector.broadcast %mul3A_3209 : i32 to vector<16xi32>
    %lt3A_3211 = arith.cmpi slt, %broadcast_in_dim3A_3207, %lt3A_3210 : vector<16xi32>
    %jit3A_3212 = arith.constant 0 : i32
    %broadcast_in_dim3A_3213 = vector.broadcast %jit3A_3212 : i32 to vector<16xi32>
    %select_n3A_3214 = arith.select %lt3A_3211, %get3A_3204, %broadcast_in_dim3A_3213 : vector<16xi1>, vector<16xi32>
    %add3A_3215 = arith.addi %add3A_3190, %select_n3A_3214 : vector<16xi32>
    %mul3A_3216 = arith.constant 2 : i32
    %mul3A_3217 = arith.muli %mul3A_3216, %arg1 : i32
    %add3A_3218 = arith.constant 1 : i32
    %add3A_3219 = arith.addi %mul3A_3217, %add3A_3218 : i32
    %lt3A_3220 = vector.broadcast %add3A_3219 : i32 to vector<16xi32>
    %lt3A_3221 = arith.cmpi slt, %broadcast_in_dim3A_3207, %lt3A_3220 : vector<16xi32>
    %jit3A_3222 = arith.constant 0 : i32
    %broadcast_in_dim3A_3223 = vector.broadcast %jit3A_3222 : i32 to vector<16xi32>
    %select_n3A_3224 = arith.select %lt3A_3221, %get3A_3204, %broadcast_in_dim3A_3223 : vector<16xi1>, vector<16xi32>
    %add3A_3225 = arith.addi %add3A_3200, %select_n3A_3224 : vector<16xi32>
    %get3A_3226 = arith.constant 30 : i32
    %get3A_3227 = arith.index_cast %get3A_3226 : i32 to index
    %get3A_3228 = arith.constant 48 : index
    %get3A_3229 = tpu.vector_load %arg13[%get3A_3227, %get3A_3228] {strides = array<i32>} : memref<32x64xi32, #tpu.memory_space<vmem>>, vector<16xi32>,
    %add3A_3230 = arith.addi %add3A_3205, %get3A_3229 : vector<16xi32>
    %broadcast_in_dim3A_3231 = arith.constant 30 : i32
    %broadcast_in_dim3A_3232 = vector.broadcast %broadcast_in_dim3A_3231 : i32 to vector<16xi32>
    %mul3A_3233 = arith.constant 2 : i32
    %mul3A_3234 = arith.muli %mul3A_3233, %arg1 : i32
    %lt3A_3235 = vector.broadcast %mul3A_3234 : i32 to vector<16xi32>
    %lt3A_3236 = arith.cmpi slt, %broadcast_in_dim3A_3232, %lt3A_3235 : vector<16xi32>
    %jit3A_3237 = arith.constant 0 : i32
    %broadcast_in_dim3A_3238 = vector.broadcast %jit3A_3237 : i32 to vector<16xi32>
    %select_n3A_3239 = arith.select %lt3A_3236, %get3A_3229, %broadcast_in_dim3A_3238 : vector<16xi1>, vector<16xi32>
    %add3A_3240 = arith.addi %add3A_3215, %select_n3A_3239 : vector<16xi32>
    %mul3A_3241 = arith.constant 2 : i32
    %mul3A_3242 = arith.muli %mul3A_3241, %arg1 : i32
    %add3A_3243 = arith.constant 1 : i32
    %add3A_3244 = arith.addi %mul3A_3242, %add3A_3243 : i32
    %lt3A_3245 = vector.broadcast %add3A_3244 : i32 to vector<16xi32>
    %lt3A_3246 = arith.cmpi slt, %broadcast_in_dim3A_3232, %lt3A_3245 : vector<16xi32>
    %jit3A_3247 = arith.constant 0 : i32
    %broadcast_in_dim3A_3248 = vector.broadcast %jit3A_3247 : i32 to vector<16xi32>
    %select_n3A_3249 = arith.select %lt3A_3246, %get3A_3229, %broadcast_in_dim3A_3248 : vector<16xi1>, vector<16xi32>
    %add3A_3250 = arith.addi %add3A_3225, %select_n3A_3249 : vector<16xi32>
    %get3A_3251 = arith.constant 31 : i32
    %get3A_3252 = arith.index_cast %get3A_3251 : i32 to index
    %get3A_3253 = arith.constant 48 : index
    %get3A_3254 = tpu.vector_load %arg13[%get3A_3252, %get3A_3253] {strides = array<i32>} : memref<32x64xi32, #tpu.memory_space<vmem>>, vector<16xi32>,
    %add3A_3255 = arith.addi %add3A_3230, %get3A_3254 : vector<16xi32>
    %broadcast_in_dim3A_3256 = arith.constant 31 : i32
    %broadcast_in_dim3A_3257 = vector.broadcast %broadcast_in_dim3A_3256 : i32 to vector<16xi32>
    %mul3A_3258 = arith.constant 2 : i32
    %mul3A_3259 = arith.muli %mul3A_3258, %arg1 : i32
    %lt3A_3260 = vector.broadcast %mul3A_3259 : i32 to vector<16xi32>
    %lt3A_3261 = arith.cmpi slt, %broadcast_in_dim3A_3257, %lt3A_3260 : vector<16xi32>
    %jit3A_3262 = arith.constant 0 : i32
    %broadcast_in_dim3A_3263 = vector.broadcast %jit3A_3262 : i32 to vector<16xi32>
    %select_n3A_3264 = arith.select %lt3A_3261, %get3A_3254, %broadcast_in_dim3A_3263 : vector<16xi1>, vector<16xi32>
    %add3A_3265 = arith.addi %add3A_3240, %select_n3A_3264 : vector<16xi32>
    %mul3A_3266 = arith.constant 2 : i32
    %mul3A_3267 = arith.muli %mul3A_3266, %arg1 : i32
    %add3A_3268 = arith.constant 1 : i32
    %add3A_3269 = arith.addi %mul3A_3267, %add3A_3268 : i32
    %lt3A_3270 = vector.broadcast %add3A_3269 : i32 to vector<16xi32>
    %lt3A_3271 = arith.cmpi slt, %broadcast_in_dim3A_3257, %lt3A_3270 : vector<16xi32>
    %jit3A_3272 = arith.constant 0 : i32
    %broadcast_in_dim3A_3273 = vector.broadcast %jit3A_3272 : i32 to vector<16xi32>
    %select_n3A_3274 = arith.select %lt3A_3271, %get3A_3254, %broadcast_in_dim3A_3273 : vector<16xi1>, vector<16xi32>
    %add3A_3275 = arith.addi %add3A_3250, %select_n3A_3274 : vector<16xi32>
    %broadcast_in_dim3A_3276 = arith.constant true
    %broadcast_in_dim3A_3277 = vector.broadcast %broadcast_in_dim3A_3276 : i1 to vector<16xi1>
    %masked_cumsum3A_3278 = tpu.scan <sum>, %add3A_3255 masked %broadcast_in_dim3A_3277 : vector<16xi32>, vector<16xi1> -> vector<16xi32>
    %sub3A_3279 = arith.subi %masked_cumsum3A_3278, %add3A_3255 : vector<16xi32>
    %add3A_3280 = vector.broadcast %add3A_2469 : i32 to vector<16xi32>
    %add3A_3281 = arith.addi %sub3A_3279, %add3A_3280 : vector<16xi32>
    %add3A_3282 = arith.addi %add3A_3281, %add3A_3265 : vector<16xi32>
    %swap3A_3283 = arith.constant 48 : index
    %swap3A_3284 = tpu.vector_load %arg14[%swap3A_3283] {strides = array<i32>} : memref<64xi32, #tpu.memory_space<vmem>>, vector<16xi32>,
    tpu.vector_store %arg14[%swap3A_3283], %add3A_3282 {strides = array<i32>} : memref<64xi32, #tpu.memory_space<vmem>>, vector<16xi32>,
    %add3A_3285 = arith.addi %add3A_3281, %add3A_3275 : vector<16xi32>
    %swap3A_3286 = arith.constant 48 : index
    %swap3A_3287 = tpu.vector_load %arg15[%swap3A_3286] {strides = array<i32>} : memref<64xi32, #tpu.memory_space<vmem>>, vector<16xi32>,
    tpu.vector_store %arg15[%swap3A_3286], %add3A_3285 {strides = array<i32>} : memref<64xi32, #tpu.memory_space<vmem>>, vector<16xi32>,
    %convert_element_type3A_3288 = arith.sitofp %add3A_3255 : vector<16xi32> to vector<16xf32>
    %swap3A_3289 = arith.constant 48 : index
    %swap3A_3290 = tpu.vector_load %arg16[%swap3A_3289] {strides = array<i32>} : memref<64xf32, #tpu.memory_space<vmem>>, vector<16xf32>,
    tpu.vector_store %arg16[%swap3A_3289], %convert_element_type3A_3288 {strides = array<i32>} : memref<64xf32, #tpu.memory_space<vmem>>, vector<16xf32>,
    %reduce_sum3A_3291 = arith.constant true
    %reduce_sum3A_3292 = vector.broadcast %reduce_sum3A_3291 : i1 to vector<16xi1>
    %reduce_sum3A_3293 = tpu.scan <sum>, %add3A_3255 masked %reduce_sum3A_3292 : vector<16xi32>, vector<16xi1> -> vector<16xi32>
    %reduce_sum3A_3294 = vector.extract %reduce_sum3A_3293[15] : i32 from vector<16xi32>
    %add3A_3295 = arith.addi %add3A_2469, %reduce_sum3A_3294 : i32
    %eq3A = arith.constant 0 : i32
    %eq3A_3296 = arith.cmpi eq, %arg1, %eq3A : i32
    %convert_element_type3A_3297 = arith.extui %eq3A_3296 : i1 to i32
    %cond3A = arith.constant 0 : i32
    %cond3A_3298 = arith.cmpi ne, %convert_element_type3A_3297, %cond3A : i32
    scf.if %cond3A_3298 {
      "tpu.region"() ({
        %run_scoped3A = tpu.sem_alloc : memref<!tpu.dma_semaphore, #tpu.memory_space<semaphore_mem>>
        tpu.enqueue_dma source(%arg16 : memref<64xf32, #tpu.memory_space<vmem>>) target(%arg7 : memref<64xf32, #tpu.memory_space<hbm>>) target_semaphore(%run_scoped3A : memref<!tpu.dma_semaphore, #tpu.memory_space<semaphore_mem>>)
        tpu.wait_dma2 semaphore(%run_scoped3A : memref<!tpu.dma_semaphore, #tpu.memory_space<semaphore_mem>>) src(%arg16 : memref<64xf32, #tpu.memory_space<vmem>>) dst(%arg7 : memref<64xf32, #tpu.memory_space<hbm>>)
        tpu.yield
      }) : () -> ()
    } else {
    }
    %add3A_3299 = arith.constant 0 : i32
    %add3A_3300 = arith.addi %mul3A_0, %add3A_3299 : i32
    %parallel_loop3A = arith.constant 0 : i32
    %parallel_loop3A_3301 = arith.constant 512 : i32
    %parallel_loop3A_3302 = arith.constant 1 : i32
    scf.for %parallel_loop3A_3312 = %parallel_loop3A to %parallel_loop3A_3301 step %parallel_loop3A_3302  : i32 {
      %parallel_loop3A_3313 = arith.constant 16 : i32
      %parallel_loop3A_3314 = arith.muli %parallel_loop3A_3312, %parallel_loop3A_3313 : i32
      %parallel_loop3A_3315 = arith.constant 0 : i32
      %parallel_loop3A_3316 = arith.addi %parallel_loop3A_3315, %parallel_loop3A_3314 : i32
      %parallel_loop3A_3317 = arith.index_cast %parallel_loop3A_3316 : i32 to index
      %parallel_loop3A_3318 = tpu.vector_load %arg9[%parallel_loop3A_3317] {strides = array<i32>} : memref<16384xi32, #tpu.memory_space<vmem>>, vector<16xi32>,
      %parallel_loop3A_3319 = arith.constant 18 : i32
      %parallel_loop3A_3320 = vector.broadcast %parallel_loop3A_3319 : i32 to vector<16xi32>
      %parallel_loop3A_3321 = arith.shrsi %parallel_loop3A_3318, %parallel_loop3A_3320 : vector<16xi32>
      %parallel_loop3A_3322 = arith.constant 4 : i32
      %parallel_loop3A_3323 = vector.broadcast %parallel_loop3A_3322 : i32 to vector<16xi32>
      %parallel_loop3A_3324 = arith.shrsi %parallel_loop3A_3318, %parallel_loop3A_3323 : vector<16xi32>
      %parallel_loop3A_3325 = arith.constant 16383 : i32
      %parallel_loop3A_3326 = vector.broadcast %parallel_loop3A_3325 : i32 to vector<16xi32>
      %parallel_loop3A_3327 = arith.andi %parallel_loop3A_3324, %parallel_loop3A_3326 : vector<16xi32>
      %parallel_loop3A_3328 = arith.constant 15 : i32
      %parallel_loop3A_3329 = vector.broadcast %parallel_loop3A_3328 : i32 to vector<16xi32>
      %parallel_loop3A_3330 = arith.andi %parallel_loop3A_3318, %parallel_loop3A_3329 : vector<16xi32>
      %parallel_loop3A_3331 = tpu.vector_load_idx %arg14[%parallel_loop3A_3321] : memref<64xi32, #tpu.memory_space<vmem>>[vector<16xi32>], vector<16xi32>,
      %parallel_loop3A_3332 = arith.addi %parallel_loop3A_3331, %parallel_loop3A_3327 : vector<16xi32>
      %parallel_loop3A_3333 = arith.index_cast %parallel_loop3A_3316 : i32 to index
      %parallel_loop3A_3334 = tpu.vector_load %arg10[%parallel_loop3A_3333] {strides = array<i32>} : memref<16384xi32, #tpu.memory_space<vmem>>, vector<16xi32>,
      tpu.vector_store %arg10[%parallel_loop3A_3333], %parallel_loop3A_3332 {strides = array<i32>} : memref<16384xi32, #tpu.memory_space<vmem>>, vector<16xi32>,
      %parallel_loop3A_3335 = arith.constant 16 : i32
      %parallel_loop3A_3336 = arith.muli %parallel_loop3A_3312, %parallel_loop3A_3335 : i32
      %parallel_loop3A_3337 = arith.constant 0 : i32
      %parallel_loop3A_3338 = arith.addi %parallel_loop3A_3337, %parallel_loop3A_3336 : i32
      %parallel_loop3A_3339 = vector.broadcast %parallel_loop3A_3338 : i32 to vector<16xi32>
      %parallel_loop3A_3340 = arith.addi %parallel_loop3A_3339, %parallel_loop3A_3330 : vector<16xi32>
      %parallel_loop3A_3341 = tpu.vector_load_idx %arg8[%parallel_loop3A_3340] : memref<16384xf32, #tpu.memory_space<vmem>>[vector<16xi32>], vector<16xf32>,
      %parallel_loop3A_3342 = arith.index_cast %parallel_loop3A_3316 : i32 to index
      %parallel_loop3A_3343 = tpu.vector_load %arg11[%parallel_loop3A_3342] {strides = array<i32>} : memref<16384xf32, #tpu.memory_space<vmem>>, vector<16xf32>,
      tpu.vector_store %arg11[%parallel_loop3A_3342], %parallel_loop3A_3341 {strides = array<i32>} : memref<16384xf32, #tpu.memory_space<vmem>>, vector<16xf32>,
      %parallel_loop3A_3344 = arith.constant 16 : i32
      %parallel_loop3A_3345 = arith.muli %parallel_loop3A_3312, %parallel_loop3A_3344 : i32
      %parallel_loop3A_3346 = arith.addi %add3A_3300, %parallel_loop3A_3345 : i32
      %parallel_loop3A_3347 = vector.broadcast %parallel_loop3A_3346 : i32 to vector<16xi32>
      %parallel_loop3A_3348 = arith.addi %parallel_loop3A_3347, %parallel_loop3A_3330 : vector<16xi32>
      %parallel_loop3A_3349 = arith.constant 3 : i32
      %parallel_loop3A_3350 = vector.broadcast %parallel_loop3A_3349 : i32 to vector<16xi32>
      %parallel_loop3A_3351 = arith.shrsi %parallel_loop3A_3348, %parallel_loop3A_3350 : vector<16xi32>
      %parallel_loop3A_3352 = arith.index_cast %parallel_loop3A_3316 : i32 to index
      %parallel_loop3A_3353 = tpu.vector_load %arg12[%parallel_loop3A_3352] {strides = array<i32>} : memref<16384xi32, #tpu.memory_space<vmem>>, vector<16xi32>,
      tpu.vector_store %arg12[%parallel_loop3A_3352], %parallel_loop3A_3351 {strides = array<i32>} : memref<16384xi32, #tpu.memory_space<vmem>>, vector<16xi32>,
    } {sc.loop_unroll_factor = 8 : i64, sc.parallel_access}
    %add3A_3303 = arith.constant 8192 : i32
    %add3A_3304 = arith.addi %mul3A_0, %add3A_3303 : i32
    %parallel_loop3A_3305 = arith.constant 0 : i32
    %parallel_loop3A_3306 = arith.constant 512 : i32
    %parallel_loop3A_3307 = arith.constant 1 : i32
    scf.for %parallel_loop3A_3312 = %parallel_loop3A_3305 to %parallel_loop3A_3306 step %parallel_loop3A_3307  : i32 {
      %parallel_loop3A_3313 = arith.constant 16 : i32
      %parallel_loop3A_3314 = arith.muli %parallel_loop3A_3312, %parallel_loop3A_3313 : i32
      %parallel_loop3A_3315 = arith.constant 8192 : i32
      %parallel_loop3A_3316 = arith.addi %parallel_loop3A_3315, %parallel_loop3A_3314 : i32
      %parallel_loop3A_3317 = arith.index_cast %parallel_loop3A_3316 : i32 to index
      %parallel_loop3A_3318 = tpu.vector_load %arg9[%parallel_loop3A_3317] {strides = array<i32>} : memref<16384xi32, #tpu.memory_space<vmem>>, vector<16xi32>,
      %parallel_loop3A_3319 = arith.constant 18 : i32
      %parallel_loop3A_3320 = vector.broadcast %parallel_loop3A_3319 : i32 to vector<16xi32>
      %parallel_loop3A_3321 = arith.shrsi %parallel_loop3A_3318, %parallel_loop3A_3320 : vector<16xi32>
      %parallel_loop3A_3322 = arith.constant 4 : i32
      %parallel_loop3A_3323 = vector.broadcast %parallel_loop3A_3322 : i32 to vector<16xi32>
      %parallel_loop3A_3324 = arith.shrsi %parallel_loop3A_3318, %parallel_loop3A_3323 : vector<16xi32>
      %parallel_loop3A_3325 = arith.constant 16383 : i32
      %parallel_loop3A_3326 = vector.broadcast %parallel_loop3A_3325 : i32 to vector<16xi32>
      %parallel_loop3A_3327 = arith.andi %parallel_loop3A_3324, %parallel_loop3A_3326 : vector<16xi32>
      %parallel_loop3A_3328 = arith.constant 15 : i32
      %parallel_loop3A_3329 = vector.broadcast %parallel_loop3A_3328 : i32 to vector<16xi32>
      %parallel_loop3A_3330 = arith.andi %parallel_loop3A_3318, %parallel_loop3A_3329 : vector<16xi32>
      %parallel_loop3A_3331 = tpu.vector_load_idx %arg15[%parallel_loop3A_3321] : memref<64xi32, #tpu.memory_space<vmem>>[vector<16xi32>], vector<16xi32>,
      %parallel_loop3A_3332 = arith.addi %parallel_loop3A_3331, %parallel_loop3A_3327 : vector<16xi32>
      %parallel_loop3A_3333 = arith.index_cast %parallel_loop3A_3316 : i32 to index
      %parallel_loop3A_3334 = tpu.vector_load %arg10[%parallel_loop3A_3333] {strides = array<i32>} : memref<16384xi32, #tpu.memory_space<vmem>>, vector<16xi32>,
      tpu.vector_store %arg10[%parallel_loop3A_3333], %parallel_loop3A_3332 {strides = array<i32>} : memref<16384xi32, #tpu.memory_space<vmem>>, vector<16xi32>,
      %parallel_loop3A_3335 = arith.constant 16 : i32
      %parallel_loop3A_3336 = arith.muli %parallel_loop3A_3312, %parallel_loop3A_3335 : i32
      %parallel_loop3A_3337 = arith.constant 8192 : i32
      %parallel_loop3A_3338 = arith.addi %parallel_loop3A_3337, %parallel_loop3A_3336 : i32
      %parallel_loop3A_3339 = vector.broadcast %parallel_loop3A_3338 : i32 to vector<16xi32>
      %parallel_loop3A_3340 = arith.addi %parallel_loop3A_3339, %parallel_loop3A_3330 : vector<16xi32>
      %parallel_loop3A_3341 = tpu.vector_load_idx %arg8[%parallel_loop3A_3340] : memref<16384xf32, #tpu.memory_space<vmem>>[vector<16xi32>], vector<16xf32>,
      %parallel_loop3A_3342 = arith.index_cast %parallel_loop3A_3316 : i32 to index
      %parallel_loop3A_3343 = tpu.vector_load %arg11[%parallel_loop3A_3342] {strides = array<i32>} : memref<16384xf32, #tpu.memory_space<vmem>>, vector<16xf32>,
      tpu.vector_store %arg11[%parallel_loop3A_3342], %parallel_loop3A_3341 {strides = array<i32>} : memref<16384xf32, #tpu.memory_space<vmem>>, vector<16xf32>,
      %parallel_loop3A_3344 = arith.constant 16 : i32
      %parallel_loop3A_3345 = arith.muli %parallel_loop3A_3312, %parallel_loop3A_3344 : i32
      %parallel_loop3A_3346 = arith.addi %add3A_3304, %parallel_loop3A_3345 : i32
      %parallel_loop3A_3347 = vector.broadcast %parallel_loop3A_3346 : i32 to vector<16xi32>
      %parallel_loop3A_3348 = arith.addi %parallel_loop3A_3347, %parallel_loop3A_3330 : vector<16xi32>
      %parallel_loop3A_3349 = arith.constant 3 : i32
      %parallel_loop3A_3350 = vector.broadcast %parallel_loop3A_3349 : i32 to vector<16xi32>
      %parallel_loop3A_3351 = arith.shrsi %parallel_loop3A_3348, %parallel_loop3A_3350 : vector<16xi32>
      %parallel_loop3A_3352 = arith.index_cast %parallel_loop3A_3316 : i32 to index
      %parallel_loop3A_3353 = tpu.vector_load %arg12[%parallel_loop3A_3352] {strides = array<i32>} : memref<16384xi32, #tpu.memory_space<vmem>>, vector<16xi32>,
      tpu.vector_store %arg12[%parallel_loop3A_3352], %parallel_loop3A_3351 {strides = array<i32>} : memref<16384xi32, #tpu.memory_space<vmem>>, vector<16xi32>,
    } {sc.loop_unroll_factor = 8 : i64, sc.parallel_access}
    %scan3A = arith.constant 0 : i32
    %scan3A_3308 = arith.constant 16 : i32
    %scan3A_3309 = arith.addi %scan3A, %scan3A_3308 : i32
    %scan3A_3310 = arith.constant 1 : i32
    scf.for %scan3A_3312 = %scan3A to %scan3A_3309 step %scan3A_3310  : i32 {
      %mul3A_3313 = arith.constant 8 : i32
      %mul3A_3314 = arith.muli %scan3A_3312, %mul3A_3313 : i32
      %add3A_3315 = arith.constant 0 : i32
      %add3A_3316 = arith.addi %add3A_3315, %mul3A_3314 : i32
      %add3A_3317 = arith.constant 0 : i32
      %add3A_3318 = arith.addi %add3A_3316, %add3A_3317 : i32
      %mul3A_3319 = arith.constant 128 : i32
      %mul3A_3320 = arith.muli %add3A_3318, %mul3A_3319 : i32
      %add3A_3321 = arith.constant 0 : i32
      %add3A_3322 = arith.addi %mul3A_3320, %add3A_3321 : i32
      %get3A_3323 = arith.index_cast %add3A_3322 : i32 to index
      %get3A_3324 = tpu.vector_load %arg10[%get3A_3323] {strides = array<i32>} : memref<16384xi32, #tpu.memory_space<vmem>>, vector<16xi32>,
      %swap3A_3325 = arith.constant 0 : index
      %swap3A_3326 = tpu.vector_load %arg17[%swap3A_3325] {strides = array<i32>} : memref<128xi32, #tpu.memory_space<vmem>>, vector<16xi32>,
      tpu.vector_store %arg17[%swap3A_3325], %get3A_3324 {strides = array<i32>} : memref<128xi32, #tpu.memory_space<vmem>>, vector<16xi32>,
      %mul3A_3327 = arith.constant 128 : i32
      %mul3A_3328 = arith.muli %add3A_3318, %mul3A_3327 : i32
      %add3A_3329 = arith.constant 16 : i32
      %add3A_3330 = arith.addi %mul3A_3328, %add3A_3329 : i32
      %get3A_3331 = arith.index_cast %add3A_3330 : i32 to index
      %get3A_3332 = tpu.vector_load %arg10[%get3A_3331] {strides = array<i32>} : memref<16384xi32, #tpu.memory_space<vmem>>, vector<16xi32>,
      %swap3A_3333 = arith.constant 16 : index
      %swap3A_3334 = tpu.vector_load %arg17[%swap3A_3333] {strides = array<i32>} : memref<128xi32, #tpu.memory_space<vmem>>, vector<16xi32>,
      tpu.vector_store %arg17[%swap3A_3333], %get3A_3332 {strides = array<i32>} : memref<128xi32, #tpu.memory_space<vmem>>, vector<16xi32>,
      %mul3A_3335 = arith.constant 128 : i32
      %mul3A_3336 = arith.muli %add3A_3318, %mul3A_3335 : i32
      %add3A_3337 = arith.constant 32 : i32
      %add3A_3338 = arith.addi %mul3A_3336, %add3A_3337 : i32
      %get3A_3339 = arith.index_cast %add3A_3338 : i32 to index
      %get3A_3340 = tpu.vector_load %arg10[%get3A_3339] {strides = array<i32>} : memref<16384xi32, #tpu.memory_space<vmem>>, vector<16xi32>,
      %swap3A_3341 = arith.constant 32 : index
      %swap3A_3342 = tpu.vector_load %arg17[%swap3A_3341] {strides = array<i32>} : memref<128xi32, #tpu.memory_space<vmem>>, vector<16xi32>,
      tpu.vector_store %arg17[%swap3A_3341], %get3A_3340 {strides = array<i32>} : memref<128xi32, #tpu.memory_space<vmem>>, vector<16xi32>,
      %mul3A_3343 = arith.constant 128 : i32
      %mul3A_3344 = arith.muli %add3A_3318, %mul3A_3343 : i32
      %add3A_3345 = arith.constant 48 : i32
      %add3A_3346 = arith.addi %mul3A_3344, %add3A_3345 : i32
      %get3A_3347 = arith.index_cast %add3A_3346 : i32 to index
      %get3A_3348 = tpu.vector_load %arg10[%get3A_3347] {strides = array<i32>} : memref<16384xi32, #tpu.memory_space<vmem>>, vector<16xi32>,
      %swap3A_3349 = arith.constant 48 : index
      %swap3A_3350 = tpu.vector_load %arg17[%swap3A_3349] {strides = array<i32>} : memref<128xi32, #tpu.memory_space<vmem>>, vector<16xi32>,
      tpu.vector_store %arg17[%swap3A_3349], %get3A_3348 {strides = array<i32>} : memref<128xi32, #tpu.memory_space<vmem>>, vector<16xi32>,
      %mul3A_3351 = arith.constant 128 : i32
      %mul3A_3352 = arith.muli %add3A_3318, %mul3A_3351 : i32
      %add3A_3353 = arith.constant 64 : i32
      %add3A_3354 = arith.addi %mul3A_3352, %add3A_3353 : i32
      %get3A_3355 = arith.index_cast %add3A_3354 : i32 to index
      %get3A_3356 = tpu.vector_load %arg10[%get3A_3355] {strides = array<i32>} : memref<16384xi32, #tpu.memory_space<vmem>>, vector<16xi32>,
      %swap3A_3357 = arith.constant 64 : index
      %swap3A_3358 = tpu.vector_load %arg17[%swap3A_3357] {strides = array<i32>} : memref<128xi32, #tpu.memory_space<vmem>>, vector<16xi32>,
      tpu.vector_store %arg17[%swap3A_3357], %get3A_3356 {strides = array<i32>} : memref<128xi32, #tpu.memory_space<vmem>>, vector<16xi32>,
      %mul3A_3359 = arith.constant 128 : i32
      %mul3A_3360 = arith.muli %add3A_3318, %mul3A_3359 : i32
      %add3A_3361 = arith.constant 80 : i32
      %add3A_3362 = arith.addi %mul3A_3360, %add3A_3361 : i32
      %get3A_3363 = arith.index_cast %add3A_3362 : i32 to index
      %get3A_3364 = tpu.vector_load %arg10[%get3A_3363] {strides = array<i32>} : memref<16384xi32, #tpu.memory_space<vmem>>, vector<16xi32>,
      %swap3A_3365 = arith.constant 80 : index
      %swap3A_3366 = tpu.vector_load %arg17[%swap3A_3365] {strides = array<i32>} : memref<128xi32, #tpu.memory_space<vmem>>, vector<16xi32>,
      tpu.vector_store %arg17[%swap3A_3365], %get3A_3364 {strides = array<i32>} : memref<128xi32, #tpu.memory_space<vmem>>, vector<16xi32>,
      %mul3A_3367 = arith.constant 128 : i32
      %mul3A_3368 = arith.muli %add3A_3318, %mul3A_3367 : i32
      %add3A_3369 = arith.constant 96 : i32
      %add3A_3370 = arith.addi %mul3A_3368, %add3A_3369 : i32
      %get3A_3371 = arith.index_cast %add3A_3370 : i32 to index
      %get3A_3372 = tpu.vector_load %arg10[%get3A_3371] {strides = array<i32>} : memref<16384xi32, #tpu.memory_space<vmem>>, vector<16xi32>,
      %swap3A_3373 = arith.constant 96 : index
      %swap3A_3374 = tpu.vector_load %arg17[%swap3A_3373] {strides = array<i32>} : memref<128xi32, #tpu.memory_space<vmem>>, vector<16xi32>,
      tpu.vector_store %arg17[%swap3A_3373], %get3A_3372 {strides = array<i32>} : memref<128xi32, #tpu.memory_space<vmem>>, vector<16xi32>,
      %mul3A_3375 = arith.constant 128 : i32
      %mul3A_3376 = arith.muli %add3A_3318, %mul3A_3375 : i32
      %add3A_3377 = arith.constant 112 : i32
      %add3A_3378 = arith.addi %mul3A_3376, %add3A_3377 : i32
      %get3A_3379 = arith.index_cast %add3A_3378 : i32 to index
      %get3A_3380 = tpu.vector_load %arg10[%get3A_3379] {strides = array<i32>} : memref<16384xi32, #tpu.memory_space<vmem>>, vector<16xi32>,
      %swap3A_3381 = arith.constant 112 : index
      %swap3A_3382 = tpu.vector_load %arg17[%swap3A_3381] {strides = array<i32>} : memref<128xi32, #tpu.memory_space<vmem>>, vector<16xi32>,
      tpu.vector_store %arg17[%swap3A_3381], %get3A_3380 {strides = array<i32>} : memref<128xi32, #tpu.memory_space<vmem>>, vector<16xi32>,
      %add3A_3383 = arith.constant 0 : i32
      %add3A_3384 = arith.addi %add3A_3316, %add3A_3383 : i32
      %mul3A_3385 = arith.constant 128 : i32
      %mul3A_3386 = arith.muli %add3A_3384, %mul3A_3385 : i32
      %dma_start3A = tpu.memref_slice %arg11[%mul3A_3386] : memref<16384xf32, #tpu.memory_space<vmem>> -> memref<128xf32, #tpu.memory_space<vmem>>
      %dma_start3A_3387 = arith.constant 0 : i32
      %dma_start3A_3388 = tpu.memref_slice %arg25[%dma_start3A_3387] : memref<262144xf32, #tpu.memory_space<vmem_shared>> -> memref<262144xf32, #tpu.memory_space<vmem_shared>>
      tpu.enqueue_indirect_dma source(%dma_start3A : memref<128xf32, #tpu.memory_space<vmem>>) target(%dma_start3A_3388 : memref<262144xf32, #tpu.memory_space<vmem_shared>>) offsets(%arg17 : memref<128xi32, #tpu.memory_space<vmem>>) semaphore(%arg27 : memref<!tpu.dma_semaphore, #tpu.memory_space<semaphore_mem>>)
      %mul3A_3389 = arith.constant 128 : i32
      %mul3A_3390 = arith.muli %add3A_3384, %mul3A_3389 : i32
      %dma_start3A_3391 = tpu.memref_slice %arg12[%mul3A_3390] : memref<16384xi32, #tpu.memory_space<vmem>> -> memref<128xi32, #tpu.memory_space<vmem>>
      %dma_start3A_3392 = arith.constant 0 : i32
      %dma_start3A_3393 = tpu.memref_slice %arg26[%dma_start3A_3392] : memref<262144xi32, #tpu.memory_space<vmem_shared>> -> memref<262144xi32, #tpu.memory_space<vmem_shared>>
      tpu.enqueue_indirect_dma source(%dma_start3A_3391 : memref<128xi32, #tpu.memory_space<vmem>>) target(%dma_start3A_3393 : memref<262144xi32, #tpu.memory_space<vmem_shared>>) offsets(%arg17 : memref<128xi32, #tpu.memory_space<vmem>>) semaphore(%arg28 : memref<!tpu.dma_semaphore, #tpu.memory_space<semaphore_mem>>)
      %add3A_3394 = arith.constant 1 : i32
      %add3A_3395 = arith.addi %add3A_3316, %add3A_3394 : i32
      %mul3A_3396 = arith.constant 128 : i32
      %mul3A_3397 = arith.muli %add3A_3395, %mul3A_3396 : i32
      %add3A_3398 = arith.constant 0 : i32
      %add3A_3399 = arith.addi %mul3A_3397, %add3A_3398 : i32
      %get3A_3400 = arith.index_cast %add3A_3399 : i32 to index
      %get3A_3401 = tpu.vector_load %arg10[%get3A_3400] {strides = array<i32>} : memref<16384xi32, #tpu.memory_space<vmem>>, vector<16xi32>,
      %swap3A_3402 = arith.constant 0 : index
      %swap3A_3403 = tpu.vector_load %arg18[%swap3A_3402] {strides = array<i32>} : memref<128xi32, #tpu.memory_space<vmem>>, vector<16xi32>,
      tpu.vector_store %arg18[%swap3A_3402], %get3A_3401 {strides = array<i32>} : memref<128xi32, #tpu.memory_space<vmem>>, vector<16xi32>,
      %mul3A_3404 = arith.constant 128 : i32
      %mul3A_3405 = arith.muli %add3A_3395, %mul3A_3404 : i32
      %add3A_3406 = arith.constant 16 : i32
      %add3A_3407 = arith.addi %mul3A_3405, %add3A_3406 : i32
      %get3A_3408 = arith.index_cast %add3A_3407 : i32 to index
      %get3A_3409 = tpu.vector_load %arg10[%get3A_3408] {strides = array<i32>} : memref<16384xi32, #tpu.memory_space<vmem>>, vector<16xi32>,
      %swap3A_3410 = arith.constant 16 : index
      %swap3A_3411 = tpu.vector_load %arg18[%swap3A_3410] {strides = array<i32>} : memref<128xi32, #tpu.memory_space<vmem>>, vector<16xi32>,
      tpu.vector_store %arg18[%swap3A_3410], %get3A_3409 {strides = array<i32>} : memref<128xi32, #tpu.memory_space<vmem>>, vector<16xi32>,
      %mul3A_3412 = arith.constant 128 : i32
      %mul3A_3413 = arith.muli %add3A_3395, %mul3A_3412 : i32
      %add3A_3414 = arith.constant 32 : i32
      %add3A_3415 = arith.addi %mul3A_3413, %add3A_3414 : i32
      %get3A_3416 = arith.index_cast %add3A_3415 : i32 to index
      %get3A_3417 = tpu.vector_load %arg10[%get3A_3416] {strides = array<i32>} : memref<16384xi32, #tpu.memory_space<vmem>>, vector<16xi32>,
      %swap3A_3418 = arith.constant 32 : index
      %swap3A_3419 = tpu.vector_load %arg18[%swap3A_3418] {strides = array<i32>} : memref<128xi32, #tpu.memory_space<vmem>>, vector<16xi32>,
      tpu.vector_store %arg18[%swap3A_3418], %get3A_3417 {strides = array<i32>} : memref<128xi32, #tpu.memory_space<vmem>>, vector<16xi32>,
      %mul3A_3420 = arith.constant 128 : i32
      %mul3A_3421 = arith.muli %add3A_3395, %mul3A_3420 : i32
      %add3A_3422 = arith.constant 48 : i32
      %add3A_3423 = arith.addi %mul3A_3421, %add3A_3422 : i32
      %get3A_3424 = arith.index_cast %add3A_3423 : i32 to index
      %get3A_3425 = tpu.vector_load %arg10[%get3A_3424] {strides = array<i32>} : memref<16384xi32, #tpu.memory_space<vmem>>, vector<16xi32>,
      %swap3A_3426 = arith.constant 48 : index
      %swap3A_3427 = tpu.vector_load %arg18[%swap3A_3426] {strides = array<i32>} : memref<128xi32, #tpu.memory_space<vmem>>, vector<16xi32>,
      tpu.vector_store %arg18[%swap3A_3426], %get3A_3425 {strides = array<i32>} : memref<128xi32, #tpu.memory_space<vmem>>, vector<16xi32>,
      %mul3A_3428 = arith.constant 128 : i32
      %mul3A_3429 = arith.muli %add3A_3395, %mul3A_3428 : i32
      %add3A_3430 = arith.constant 64 : i32
      %add3A_3431 = arith.addi %mul3A_3429, %add3A_3430 : i32
      %get3A_3432 = arith.index_cast %add3A_3431 : i32 to index
      %get3A_3433 = tpu.vector_load %arg10[%get3A_3432] {strides = array<i32>} : memref<16384xi32, #tpu.memory_space<vmem>>, vector<16xi32>,
      %swap3A_3434 = arith.constant 64 : index
      %swap3A_3435 = tpu.vector_load %arg18[%swap3A_3434] {strides = array<i32>} : memref<128xi32, #tpu.memory_space<vmem>>, vector<16xi32>,
      tpu.vector_store %arg18[%swap3A_3434], %get3A_3433 {strides = array<i32>} : memref<128xi32, #tpu.memory_space<vmem>>, vector<16xi32>,
      %mul3A_3436 = arith.constant 128 : i32
      %mul3A_3437 = arith.muli %add3A_3395, %mul3A_3436 : i32
      %add3A_3438 = arith.constant 80 : i32
      %add3A_3439 = arith.addi %mul3A_3437, %add3A_3438 : i32
      %get3A_3440 = arith.index_cast %add3A_3439 : i32 to index
      %get3A_3441 = tpu.vector_load %arg10[%get3A_3440] {strides = array<i32>} : memref<16384xi32, #tpu.memory_space<vmem>>, vector<16xi32>,
      %swap3A_3442 = arith.constant 80 : index
      %swap3A_3443 = tpu.vector_load %arg18[%swap3A_3442] {strides = array<i32>} : memref<128xi32, #tpu.memory_space<vmem>>, vector<16xi32>,
      tpu.vector_store %arg18[%swap3A_3442], %get3A_3441 {strides = array<i32>} : memref<128xi32, #tpu.memory_space<vmem>>, vector<16xi32>,
      %mul3A_3444 = arith.constant 128 : i32
      %mul3A_3445 = arith.muli %add3A_3395, %mul3A_3444 : i32
      %add3A_3446 = arith.constant 96 : i32
      %add3A_3447 = arith.addi %mul3A_3445, %add3A_3446 : i32
      %get3A_3448 = arith.index_cast %add3A_3447 : i32 to index
      %get3A_3449 = tpu.vector_load %arg10[%get3A_3448] {strides = array<i32>} : memref<16384xi32, #tpu.memory_space<vmem>>, vector<16xi32>,
      %swap3A_3450 = arith.constant 96 : index
      %swap3A_3451 = tpu.vector_load %arg18[%swap3A_3450] {strides = array<i32>} : memref<128xi32, #tpu.memory_space<vmem>>, vector<16xi32>,
      tpu.vector_store %arg18[%swap3A_3450], %get3A_3449 {strides = array<i32>} : memref<128xi32, #tpu.memory_space<vmem>>, vector<16xi32>,
      %mul3A_3452 = arith.constant 128 : i32
      %mul3A_3453 = arith.muli %add3A_3395, %mul3A_3452 : i32
      %add3A_3454 = arith.constant 112 : i32
      %add3A_3455 = arith.addi %mul3A_3453, %add3A_3454 : i32
      %get3A_3456 = arith.index_cast %add3A_3455 : i32 to index
      %get3A_3457 = tpu.vector_load %arg10[%get3A_3456] {strides = array<i32>} : memref<16384xi32, #tpu.memory_space<vmem>>, vector<16xi32>,
      %swap3A_3458 = arith.constant 112 : index
      %swap3A_3459 = tpu.vector_load %arg18[%swap3A_3458] {strides = array<i32>} : memref<128xi32, #tpu.memory_space<vmem>>, vector<16xi32>,
      tpu.vector_store %arg18[%swap3A_3458], %get3A_3457 {strides = array<i32>} : memref<128xi32, #tpu.memory_space<vmem>>, vector<16xi32>,
      %add3A_3460 = arith.constant 1 : i32
      %add3A_3461 = arith.addi %add3A_3316, %add3A_3460 : i32
      %mul3A_3462 = arith.constant 128 : i32
      %mul3A_3463 = arith.muli %add3A_3461, %mul3A_3462 : i32
      %dma_start3A_3464 = tpu.memref_slice %arg11[%mul3A_3463] : memref<16384xf32, #tpu.memory_space<vmem>> -> memref<128xf32, #tpu.memory_space<vmem>>
      %dma_start3A_3465 = arith.constant 0 : i32
      %dma_start3A_3466 = tpu.memref_slice %arg25[%dma_start3A_3465] : memref<262144xf32, #tpu.memory_space<vmem_shared>> -> memref<262144xf32, #tpu.memory_space<vmem_shared>>
      tpu.enqueue_indirect_dma source(%dma_start3A_3464 : memref<128xf32, #tpu.memory_space<vmem>>) target(%dma_start3A_3466 : memref<262144xf32, #tpu.memory_space<vmem_shared>>) offsets(%arg18 : memref<128xi32, #tpu.memory_space<vmem>>) semaphore(%arg27 : memref<!tpu.dma_semaphore, #tpu.memory_space<semaphore_mem>>)
      %mul3A_3467 = arith.constant 128 : i32
      %mul3A_3468 = arith.muli %add3A_3461, %mul3A_3467 : i32
      %dma_start3A_3469 = tpu.memref_slice %arg12[%mul3A_3468] : memref<16384xi32, #tpu.memory_space<vmem>> -> memref<128xi32, #tpu.memory_space<vmem>>
      %dma_start3A_3470 = arith.constant 0 : i32
      %dma_start3A_3471 = tpu.memref_slice %arg26[%dma_start3A_3470] : memref<262144xi32, #tpu.memory_space<vmem_shared>> -> memref<262144xi32, #tpu.memory_space<vmem_shared>>
      tpu.enqueue_indirect_dma source(%dma_start3A_3469 : memref<128xi32, #tpu.memory_space<vmem>>) target(%dma_start3A_3471 : memref<262144xi32, #tpu.memory_space<vmem_shared>>) offsets(%arg18 : memref<128xi32, #tpu.memory_space<vmem>>) semaphore(%arg28 : memref<!tpu.dma_semaphore, #tpu.memory_space<semaphore_mem>>)
      %add3A_3472 = arith.constant 2 : i32
      %add3A_3473 = arith.addi %add3A_3316, %add3A_3472 : i32
      %mul3A_3474 = arith.constant 128 : i32
      %mul3A_3475 = arith.muli %add3A_3473, %mul3A_3474 : i32
      %add3A_3476 = arith.constant 0 : i32
      %add3A_3477 = arith.addi %mul3A_3475, %add3A_3476 : i32
      %get3A_3478 = arith.index_cast %add3A_3477 : i32 to index
      %get3A_3479 = tpu.vector_load %arg10[%get3A_3478] {strides = array<i32>} : memref<16384xi32, #tpu.memory_space<vmem>>, vector<16xi32>,
      %swap3A_3480 = arith.constant 0 : index
      %swap3A_3481 = tpu.vector_load %arg19[%swap3A_3480] {strides = array<i32>} : memref<128xi32, #tpu.memory_space<vmem>>, vector<16xi32>,
      tpu.vector_store %arg19[%swap3A_3480], %get3A_3479 {strides = array<i32>} : memref<128xi32, #tpu.memory_space<vmem>>, vector<16xi32>,
      %mul3A_3482 = arith.constant 128 : i32
      %mul3A_3483 = arith.muli %add3A_3473, %mul3A_3482 : i32
      %add3A_3484 = arith.constant 16 : i32
      %add3A_3485 = arith.addi %mul3A_3483, %add3A_3484 : i32
      %get3A_3486 = arith.index_cast %add3A_3485 : i32 to index
      %get3A_3487 = tpu.vector_load %arg10[%get3A_3486] {strides = array<i32>} : memref<16384xi32, #tpu.memory_space<vmem>>, vector<16xi32>,
      %swap3A_3488 = arith.constant 16 : index
      %swap3A_3489 = tpu.vector_load %arg19[%swap3A_3488] {strides = array<i32>} : memref<128xi32, #tpu.memory_space<vmem>>, vector<16xi32>,
      tpu.vector_store %arg19[%swap3A_3488], %get3A_3487 {strides = array<i32>} : memref<128xi32, #tpu.memory_space<vmem>>, vector<16xi32>,
      %mul3A_3490 = arith.constant 128 : i32
      %mul3A_3491 = arith.muli %add3A_3473, %mul3A_3490 : i32
      %add3A_3492 = arith.constant 32 : i32
      %add3A_3493 = arith.addi %mul3A_3491, %add3A_3492 : i32
      %get3A_3494 = arith.index_cast %add3A_3493 : i32 to index
      %get3A_3495 = tpu.vector_load %arg10[%get3A_3494] {strides = array<i32>} : memref<16384xi32, #tpu.memory_space<vmem>>, vector<16xi32>,
      %swap3A_3496 = arith.constant 32 : index
      %swap3A_3497 = tpu.vector_load %arg19[%swap3A_3496] {strides = array<i32>} : memref<128xi32, #tpu.memory_space<vmem>>, vector<16xi32>,
      tpu.vector_store %arg19[%swap3A_3496], %get3A_3495 {strides = array<i32>} : memref<128xi32, #tpu.memory_space<vmem>>, vector<16xi32>,
      %mul3A_3498 = arith.constant 128 : i32
      %mul3A_3499 = arith.muli %add3A_3473, %mul3A_3498 : i32
      %add3A_3500 = arith.constant 48 : i32
      %add3A_3501 = arith.addi %mul3A_3499, %add3A_3500 : i32
      %get3A_3502 = arith.index_cast %add3A_3501 : i32 to index
      %get3A_3503 = tpu.vector_load %arg10[%get3A_3502] {strides = array<i32>} : memref<16384xi32, #tpu.memory_space<vmem>>, vector<16xi32>,
      %swap3A_3504 = arith.constant 48 : index
      %swap3A_3505 = tpu.vector_load %arg19[%swap3A_3504] {strides = array<i32>} : memref<128xi32, #tpu.memory_space<vmem>>, vector<16xi32>,
      tpu.vector_store %arg19[%swap3A_3504], %get3A_3503 {strides = array<i32>} : memref<128xi32, #tpu.memory_space<vmem>>, vector<16xi32>,
      %mul3A_3506 = arith.constant 128 : i32
      %mul3A_3507 = arith.muli %add3A_3473, %mul3A_3506 : i32
      %add3A_3508 = arith.constant 64 : i32
      %add3A_3509 = arith.addi %mul3A_3507, %add3A_3508 : i32
      %get3A_3510 = arith.index_cast %add3A_3509 : i32 to index
      %get3A_3511 = tpu.vector_load %arg10[%get3A_3510] {strides = array<i32>} : memref<16384xi32, #tpu.memory_space<vmem>>, vector<16xi32>,
      %swap3A_3512 = arith.constant 64 : index
      %swap3A_3513 = tpu.vector_load %arg19[%swap3A_3512] {strides = array<i32>} : memref<128xi32, #tpu.memory_space<vmem>>, vector<16xi32>,
      tpu.vector_store %arg19[%swap3A_3512], %get3A_3511 {strides = array<i32>} : memref<128xi32, #tpu.memory_space<vmem>>, vector<16xi32>,
      %mul3A_3514 = arith.constant 128 : i32
      %mul3A_3515 = arith.muli %add3A_3473, %mul3A_3514 : i32
      %add3A_3516 = arith.constant 80 : i32
      %add3A_3517 = arith.addi %mul3A_3515, %add3A_3516 : i32
      %get3A_3518 = arith.index_cast %add3A_3517 : i32 to index
      %get3A_3519 = tpu.vector_load %arg10[%get3A_3518] {strides = array<i32>} : memref<16384xi32, #tpu.memory_space<vmem>>, vector<16xi32>,
      %swap3A_3520 = arith.constant 80 : index
      %swap3A_3521 = tpu.vector_load %arg19[%swap3A_3520] {strides = array<i32>} : memref<128xi32, #tpu.memory_space<vmem>>, vector<16xi32>,
      tpu.vector_store %arg19[%swap3A_3520], %get3A_3519 {strides = array<i32>} : memref<128xi32, #tpu.memory_space<vmem>>, vector<16xi32>,
      %mul3A_3522 = arith.constant 128 : i32
      %mul3A_3523 = arith.muli %add3A_3473, %mul3A_3522 : i32
      %add3A_3524 = arith.constant 96 : i32
      %add3A_3525 = arith.addi %mul3A_3523, %add3A_3524 : i32
      %get3A_3526 = arith.index_cast %add3A_3525 : i32 to index
      %get3A_3527 = tpu.vector_load %arg10[%get3A_3526] {strides = array<i32>} : memref<16384xi32, #tpu.memory_space<vmem>>, vector<16xi32>,
      %swap3A_3528 = arith.constant 96 : index
      %swap3A_3529 = tpu.vector_load %arg19[%swap3A_3528] {strides = array<i32>} : memref<128xi32, #tpu.memory_space<vmem>>, vector<16xi32>,
      tpu.vector_store %arg19[%swap3A_3528], %get3A_3527 {strides = array<i32>} : memref<128xi32, #tpu.memory_space<vmem>>, vector<16xi32>,
      %mul3A_3530 = arith.constant 128 : i32
      %mul3A_3531 = arith.muli %add3A_3473, %mul3A_3530 : i32
      %add3A_3532 = arith.constant 112 : i32
      %add3A_3533 = arith.addi %mul3A_3531, %add3A_3532 : i32
      %get3A_3534 = arith.index_cast %add3A_3533 : i32 to index
      %get3A_3535 = tpu.vector_load %arg10[%get3A_3534] {strides = array<i32>} : memref<16384xi32, #tpu.memory_space<vmem>>, vector<16xi32>,
      %swap3A_3536 = arith.constant 112 : index
      %swap3A_3537 = tpu.vector_load %arg19[%swap3A_3536] {strides = array<i32>} : memref<128xi32, #tpu.memory_space<vmem>>, vector<16xi32>,
      tpu.vector_store %arg19[%swap3A_3536], %get3A_3535 {strides = array<i32>} : memref<128xi32, #tpu.memory_space<vmem>>, vector<16xi32>,
      %add3A_3538 = arith.constant 2 : i32
      %add3A_3539 = arith.addi %add3A_3316, %add3A_3538 : i32
      %mul3A_3540 = arith.constant 128 : i32
      %mul3A_3541 = arith.muli %add3A_3539, %mul3A_3540 : i32
      %dma_start3A_3542 = tpu.memref_slice %arg11[%mul3A_3541] : memref<16384xf32, #tpu.memory_space<vmem>> -> memref<128xf32, #tpu.memory_space<vmem>>
      %dma_start3A_3543 = arith.constant 0 : i32
      %dma_start3A_3544 = tpu.memref_slice %arg25[%dma_start3A_3543] : memref<262144xf32, #tpu.memory_space<vmem_shared>> -> memref<262144xf32, #tpu.memory_space<vmem_shared>>
      tpu.enqueue_indirect_dma source(%dma_start3A_3542 : memref<128xf32, #tpu.memory_space<vmem>>) target(%dma_start3A_3544 : memref<262144xf32, #tpu.memory_space<vmem_shared>>) offsets(%arg19 : memref<128xi32, #tpu.memory_space<vmem>>) semaphore(%arg27 : memref<!tpu.dma_semaphore, #tpu.memory_space<semaphore_mem>>)
      %mul3A_3545 = arith.constant 128 : i32
      %mul3A_3546 = arith.muli %add3A_3539, %mul3A_3545 : i32
      %dma_start3A_3547 = tpu.memref_slice %arg12[%mul3A_3546] : memref<16384xi32, #tpu.memory_space<vmem>> -> memref<128xi32, #tpu.memory_space<vmem>>
      %dma_start3A_3548 = arith.constant 0 : i32
      %dma_start3A_3549 = tpu.memref_slice %arg26[%dma_start3A_3548] : memref<262144xi32, #tpu.memory_space<vmem_shared>> -> memref<262144xi32, #tpu.memory_space<vmem_shared>>
      tpu.enqueue_indirect_dma source(%dma_start3A_3547 : memref<128xi32, #tpu.memory_space<vmem>>) target(%dma_start3A_3549 : memref<262144xi32, #tpu.memory_space<vmem_shared>>) offsets(%arg19 : memref<128xi32, #tpu.memory_space<vmem>>) semaphore(%arg28 : memref<!tpu.dma_semaphore, #tpu.memory_space<semaphore_mem>>)
      %add3A_3550 = arith.constant 3 : i32
      %add3A_3551 = arith.addi %add3A_3316, %add3A_3550 : i32
      %mul3A_3552 = arith.constant 128 : i32
      %mul3A_3553 = arith.muli %add3A_3551, %mul3A_3552 : i32
      %add3A_3554 = arith.constant 0 : i32
      %add3A_3555 = arith.addi %mul3A_3553, %add3A_3554 : i32
      %get3A_3556 = arith.index_cast %add3A_3555 : i32 to index
      %get3A_3557 = tpu.vector_load %arg10[%get3A_3556] {strides = array<i32>} : memref<16384xi32, #tpu.memory_space<vmem>>, vector<16xi32>,
      %swap3A_3558 = arith.constant 0 : index
      %swap3A_3559 = tpu.vector_load %arg20[%swap3A_3558] {strides = array<i32>} : memref<128xi32, #tpu.memory_space<vmem>>, vector<16xi32>,
      tpu.vector_store %arg20[%swap3A_3558], %get3A_3557 {strides = array<i32>} : memref<128xi32, #tpu.memory_space<vmem>>, vector<16xi32>,
      %mul3A_3560 = arith.constant 128 : i32
      %mul3A_3561 = arith.muli %add3A_3551, %mul3A_3560 : i32
      %add3A_3562 = arith.constant 16 : i32
      %add3A_3563 = arith.addi %mul3A_3561, %add3A_3562 : i32
      %get3A_3564 = arith.index_cast %add3A_3563 : i32 to index
      %get3A_3565 = tpu.vector_load %arg10[%get3A_3564] {strides = array<i32>} : memref<16384xi32, #tpu.memory_space<vmem>>, vector<16xi32>,
      %swap3A_3566 = arith.constant 16 : index
      %swap3A_3567 = tpu.vector_load %arg20[%swap3A_3566] {strides = array<i32>} : memref<128xi32, #tpu.memory_space<vmem>>, vector<16xi32>,
      tpu.vector_store %arg20[%swap3A_3566], %get3A_3565 {strides = array<i32>} : memref<128xi32, #tpu.memory_space<vmem>>, vector<16xi32>,
      %mul3A_3568 = arith.constant 128 : i32
      %mul3A_3569 = arith.muli %add3A_3551, %mul3A_3568 : i32
      %add3A_3570 = arith.constant 32 : i32
      %add3A_3571 = arith.addi %mul3A_3569, %add3A_3570 : i32
      %get3A_3572 = arith.index_cast %add3A_3571 : i32 to index
      %get3A_3573 = tpu.vector_load %arg10[%get3A_3572] {strides = array<i32>} : memref<16384xi32, #tpu.memory_space<vmem>>, vector<16xi32>,
      %swap3A_3574 = arith.constant 32 : index
      %swap3A_3575 = tpu.vector_load %arg20[%swap3A_3574] {strides = array<i32>} : memref<128xi32, #tpu.memory_space<vmem>>, vector<16xi32>,
      tpu.vector_store %arg20[%swap3A_3574], %get3A_3573 {strides = array<i32>} : memref<128xi32, #tpu.memory_space<vmem>>, vector<16xi32>,
      %mul3A_3576 = arith.constant 128 : i32
      %mul3A_3577 = arith.muli %add3A_3551, %mul3A_3576 : i32
      %add3A_3578 = arith.constant 48 : i32
      %add3A_3579 = arith.addi %mul3A_3577, %add3A_3578 : i32
      %get3A_3580 = arith.index_cast %add3A_3579 : i32 to index
      %get3A_3581 = tpu.vector_load %arg10[%get3A_3580] {strides = array<i32>} : memref<16384xi32, #tpu.memory_space<vmem>>, vector<16xi32>,
      %swap3A_3582 = arith.constant 48 : index
      %swap3A_3583 = tpu.vector_load %arg20[%swap3A_3582] {strides = array<i32>} : memref<128xi32, #tpu.memory_space<vmem>>, vector<16xi32>,
      tpu.vector_store %arg20[%swap3A_3582], %get3A_3581 {strides = array<i32>} : memref<128xi32, #tpu.memory_space<vmem>>, vector<16xi32>,
      %mul3A_3584 = arith.constant 128 : i32
      %mul3A_3585 = arith.muli %add3A_3551, %mul3A_3584 : i32
      %add3A_3586 = arith.constant 64 : i32
      %add3A_3587 = arith.addi %mul3A_3585, %add3A_3586 : i32
      %get3A_3588 = arith.index_cast %add3A_3587 : i32 to index
      %get3A_3589 = tpu.vector_load %arg10[%get3A_3588] {strides = array<i32>} : memref<16384xi32, #tpu.memory_space<vmem>>, vector<16xi32>,
      %swap3A_3590 = arith.constant 64 : index
      %swap3A_3591 = tpu.vector_load %arg20[%swap3A_3590] {strides = array<i32>} : memref<128xi32, #tpu.memory_space<vmem>>, vector<16xi32>,
      tpu.vector_store %arg20[%swap3A_3590], %get3A_3589 {strides = array<i32>} : memref<128xi32, #tpu.memory_space<vmem>>, vector<16xi32>,
      %mul3A_3592 = arith.constant 128 : i32
      %mul3A_3593 = arith.muli %add3A_3551, %mul3A_3592 : i32
      %add3A_3594 = arith.constant 80 : i32
      %add3A_3595 = arith.addi %mul3A_3593, %add3A_3594 : i32
      %get3A_3596 = arith.index_cast %add3A_3595 : i32 to index
      %get3A_3597 = tpu.vector_load %arg10[%get3A_3596] {strides = array<i32>} : memref<16384xi32, #tpu.memory_space<vmem>>, vector<16xi32>,
      %swap3A_3598 = arith.constant 80 : index
      %swap3A_3599 = tpu.vector_load %arg20[%swap3A_3598] {strides = array<i32>} : memref<128xi32, #tpu.memory_space<vmem>>, vector<16xi32>,
      tpu.vector_store %arg20[%swap3A_3598], %get3A_3597 {strides = array<i32>} : memref<128xi32, #tpu.memory_space<vmem>>, vector<16xi32>,
      %mul3A_3600 = arith.constant 128 : i32
      %mul3A_3601 = arith.muli %add3A_3551, %mul3A_3600 : i32
      %add3A_3602 = arith.constant 96 : i32
      %add3A_3603 = arith.addi %mul3A_3601, %add3A_3602 : i32
      %get3A_3604 = arith.index_cast %add3A_3603 : i32 to index
      %get3A_3605 = tpu.vector_load %arg10[%get3A_3604] {strides = array<i32>} : memref<16384xi32, #tpu.memory_space<vmem>>, vector<16xi32>,
      %swap3A_3606 = arith.constant 96 : index
      %swap3A_3607 = tpu.vector_load %arg20[%swap3A_3606] {strides = array<i32>} : memref<128xi32, #tpu.memory_space<vmem>>, vector<16xi32>,
      tpu.vector_store %arg20[%swap3A_3606], %get3A_3605 {strides = array<i32>} : memref<128xi32, #tpu.memory_space<vmem>>, vector<16xi32>,
      %mul3A_3608 = arith.constant 128 : i32
      %mul3A_3609 = arith.muli %add3A_3551, %mul3A_3608 : i32
      %add3A_3610 = arith.constant 112 : i32
      %add3A_3611 = arith.addi %mul3A_3609, %add3A_3610 : i32
      %get3A_3612 = arith.index_cast %add3A_3611 : i32 to index
      %get3A_3613 = tpu.vector_load %arg10[%get3A_3612] {strides = array<i32>} : memref<16384xi32, #tpu.memory_space<vmem>>, vector<16xi32>,
      %swap3A_3614 = arith.constant 112 : index
      %swap3A_3615 = tpu.vector_load %arg20[%swap3A_3614] {strides = array<i32>} : memref<128xi32, #tpu.memory_space<vmem>>, vector<16xi32>,
      tpu.vector_store %arg20[%swap3A_3614], %get3A_3613 {strides = array<i32>} : memref<128xi32, #tpu.memory_space<vmem>>, vector<16xi32>,
      %add3A_3616 = arith.constant 3 : i32
      %add3A_3617 = arith.addi %add3A_3316, %add3A_3616 : i32
      %mul3A_3618 = arith.constant 128 : i32
      %mul3A_3619 = arith.muli %add3A_3617, %mul3A_3618 : i32
      %dma_start3A_3620 = tpu.memref_slice %arg11[%mul3A_3619] : memref<16384xf32, #tpu.memory_space<vmem>> -> memref<128xf32, #tpu.memory_space<vmem>>
      %dma_start3A_3621 = arith.constant 0 : i32
      %dma_start3A_3622 = tpu.memref_slice %arg25[%dma_start3A_3621] : memref<262144xf32, #tpu.memory_space<vmem_shared>> -> memref<262144xf32, #tpu.memory_space<vmem_shared>>
      tpu.enqueue_indirect_dma source(%dma_start3A_3620 : memref<128xf32, #tpu.memory_space<vmem>>) target(%dma_start3A_3622 : memref<262144xf32, #tpu.memory_space<vmem_shared>>) offsets(%arg20 : memref<128xi32, #tpu.memory_space<vmem>>) semaphore(%arg27 : memref<!tpu.dma_semaphore, #tpu.memory_space<semaphore_mem>>)
      %mul3A_3623 = arith.constant 128 : i32
      %mul3A_3624 = arith.muli %add3A_3617, %mul3A_3623 : i32
      %dma_start3A_3625 = tpu.memref_slice %arg12[%mul3A_3624] : memref<16384xi32, #tpu.memory_space<vmem>> -> memref<128xi32, #tpu.memory_space<vmem>>
      %dma_start3A_3626 = arith.constant 0 : i32
      %dma_start3A_3627 = tpu.memref_slice %arg26[%dma_start3A_3626] : memref<262144xi32, #tpu.memory_space<vmem_shared>> -> memref<262144xi32, #tpu.memory_space<vmem_shared>>
      tpu.enqueue_indirect_dma source(%dma_start3A_3625 : memref<128xi32, #tpu.memory_space<vmem>>) target(%dma_start3A_3627 : memref<262144xi32, #tpu.memory_space<vmem_shared>>) offsets(%arg20 : memref<128xi32, #tpu.memory_space<vmem>>) semaphore(%arg28 : memref<!tpu.dma_semaphore, #tpu.memory_space<semaphore_mem>>)
      %add3A_3628 = arith.constant 4 : i32
      %add3A_3629 = arith.addi %add3A_3316, %add3A_3628 : i32
      %mul3A_3630 = arith.constant 128 : i32
      %mul3A_3631 = arith.muli %add3A_3629, %mul3A_3630 : i32
      %add3A_3632 = arith.constant 0 : i32
      %add3A_3633 = arith.addi %mul3A_3631, %add3A_3632 : i32
      %get3A_3634 = arith.index_cast %add3A_3633 : i32 to index
      %get3A_3635 = tpu.vector_load %arg10[%get3A_3634] {strides = array<i32>} : memref<16384xi32, #tpu.memory_space<vmem>>, vector<16xi32>,
      %swap3A_3636 = arith.constant 0 : index
      %swap3A_3637 = tpu.vector_load %arg21[%swap3A_3636] {strides = array<i32>} : memref<128xi32, #tpu.memory_space<vmem>>, vector<16xi32>,
      tpu.vector_store %arg21[%swap3A_3636], %get3A_3635 {strides = array<i32>} : memref<128xi32, #tpu.memory_space<vmem>>, vector<16xi32>,
      %mul3A_3638 = arith.constant 128 : i32
      %mul3A_3639 = arith.muli %add3A_3629, %mul3A_3638 : i32
      %add3A_3640 = arith.constant 16 : i32
      %add3A_3641 = arith.addi %mul3A_3639, %add3A_3640 : i32
      %get3A_3642 = arith.index_cast %add3A_3641 : i32 to index
      %get3A_3643 = tpu.vector_load %arg10[%get3A_3642] {strides = array<i32>} : memref<16384xi32, #tpu.memory_space<vmem>>, vector<16xi32>,
      %swap3A_3644 = arith.constant 16 : index
      %swap3A_3645 = tpu.vector_load %arg21[%swap3A_3644] {strides = array<i32>} : memref<128xi32, #tpu.memory_space<vmem>>, vector<16xi32>,
      tpu.vector_store %arg21[%swap3A_3644], %get3A_3643 {strides = array<i32>} : memref<128xi32, #tpu.memory_space<vmem>>, vector<16xi32>,
      %mul3A_3646 = arith.constant 128 : i32
      %mul3A_3647 = arith.muli %add3A_3629, %mul3A_3646 : i32
      %add3A_3648 = arith.constant 32 : i32
      %add3A_3649 = arith.addi %mul3A_3647, %add3A_3648 : i32
      %get3A_3650 = arith.index_cast %add3A_3649 : i32 to index
      %get3A_3651 = tpu.vector_load %arg10[%get3A_3650] {strides = array<i32>} : memref<16384xi32, #tpu.memory_space<vmem>>, vector<16xi32>,
      %swap3A_3652 = arith.constant 32 : index
      %swap3A_3653 = tpu.vector_load %arg21[%swap3A_3652] {strides = array<i32>} : memref<128xi32, #tpu.memory_space<vmem>>, vector<16xi32>,
      tpu.vector_store %arg21[%swap3A_3652], %get3A_3651 {strides = array<i32>} : memref<128xi32, #tpu.memory_space<vmem>>, vector<16xi32>,
      %mul3A_3654 = arith.constant 128 : i32
      %mul3A_3655 = arith.muli %add3A_3629, %mul3A_3654 : i32
      %add3A_3656 = arith.constant 48 : i32
      %add3A_3657 = arith.addi %mul3A_3655, %add3A_3656 : i32
      %get3A_3658 = arith.index_cast %add3A_3657 : i32 to index
      %get3A_3659 = tpu.vector_load %arg10[%get3A_3658] {strides = array<i32>} : memref<16384xi32, #tpu.memory_space<vmem>>, vector<16xi32>,
      %swap3A_3660 = arith.constant 48 : index
      %swap3A_3661 = tpu.vector_load %arg21[%swap3A_3660] {strides = array<i32>} : memref<128xi32, #tpu.memory_space<vmem>>, vector<16xi32>,
      tpu.vector_store %arg21[%swap3A_3660], %get3A_3659 {strides = array<i32>} : memref<128xi32, #tpu.memory_space<vmem>>, vector<16xi32>,
      %mul3A_3662 = arith.constant 128 : i32
      %mul3A_3663 = arith.muli %add3A_3629, %mul3A_3662 : i32
      %add3A_3664 = arith.constant 64 : i32
      %add3A_3665 = arith.addi %mul3A_3663, %add3A_3664 : i32
      %get3A_3666 = arith.index_cast %add3A_3665 : i32 to index
      %get3A_3667 = tpu.vector_load %arg10[%get3A_3666] {strides = array<i32>} : memref<16384xi32, #tpu.memory_space<vmem>>, vector<16xi32>,
      %swap3A_3668 = arith.constant 64 : index
      %swap3A_3669 = tpu.vector_load %arg21[%swap3A_3668] {strides = array<i32>} : memref<128xi32, #tpu.memory_space<vmem>>, vector<16xi32>,
      tpu.vector_store %arg21[%swap3A_3668], %get3A_3667 {strides = array<i32>} : memref<128xi32, #tpu.memory_space<vmem>>, vector<16xi32>,
      %mul3A_3670 = arith.constant 128 : i32
      %mul3A_3671 = arith.muli %add3A_3629, %mul3A_3670 : i32
      %add3A_3672 = arith.constant 80 : i32
      %add3A_3673 = arith.addi %mul3A_3671, %add3A_3672 : i32
      %get3A_3674 = arith.index_cast %add3A_3673 : i32 to index
      %get3A_3675 = tpu.vector_load %arg10[%get3A_3674] {strides = array<i32>} : memref<16384xi32, #tpu.memory_space<vmem>>, vector<16xi32>,
      %swap3A_3676 = arith.constant 80 : index
      %swap3A_3677 = tpu.vector_load %arg21[%swap3A_3676] {strides = array<i32>} : memref<128xi32, #tpu.memory_space<vmem>>, vector<16xi32>,
      tpu.vector_store %arg21[%swap3A_3676], %get3A_3675 {strides = array<i32>} : memref<128xi32, #tpu.memory_space<vmem>>, vector<16xi32>,
      %mul3A_3678 = arith.constant 128 : i32
      %mul3A_3679 = arith.muli %add3A_3629, %mul3A_3678 : i32
      %add3A_3680 = arith.constant 96 : i32
      %add3A_3681 = arith.addi %mul3A_3679, %add3A_3680 : i32
      %get3A_3682 = arith.index_cast %add3A_3681 : i32 to index
      %get3A_3683 = tpu.vector_load %arg10[%get3A_3682] {strides = array<i32>} : memref<16384xi32, #tpu.memory_space<vmem>>, vector<16xi32>,
      %swap3A_3684 = arith.constant 96 : index
      %swap3A_3685 = tpu.vector_load %arg21[%swap3A_3684] {strides = array<i32>} : memref<128xi32, #tpu.memory_space<vmem>>, vector<16xi32>,
      tpu.vector_store %arg21[%swap3A_3684], %get3A_3683 {strides = array<i32>} : memref<128xi32, #tpu.memory_space<vmem>>, vector<16xi32>,
      %mul3A_3686 = arith.constant 128 : i32
      %mul3A_3687 = arith.muli %add3A_3629, %mul3A_3686 : i32
      %add3A_3688 = arith.constant 112 : i32
      %add3A_3689 = arith.addi %mul3A_3687, %add3A_3688 : i32
      %get3A_3690 = arith.index_cast %add3A_3689 : i32 to index
      %get3A_3691 = tpu.vector_load %arg10[%get3A_3690] {strides = array<i32>} : memref<16384xi32, #tpu.memory_space<vmem>>, vector<16xi32>,
      %swap3A_3692 = arith.constant 112 : index
      %swap3A_3693 = tpu.vector_load %arg21[%swap3A_3692] {strides = array<i32>} : memref<128xi32, #tpu.memory_space<vmem>>, vector<16xi32>,
      tpu.vector_store %arg21[%swap3A_3692], %get3A_3691 {strides = array<i32>} : memref<128xi32, #tpu.memory_space<vmem>>, vector<16xi32>,
      %add3A_3694 = arith.constant 4 : i32
      %add3A_3695 = arith.addi %add3A_3316, %add3A_3694 : i32
      %mul3A_3696 = arith.constant 128 : i32
      %mul3A_3697 = arith.muli %add3A_3695, %mul3A_3696 : i32
      %dma_start3A_3698 = tpu.memref_slice %arg11[%mul3A_3697] : memref<16384xf32, #tpu.memory_space<vmem>> -> memref<128xf32, #tpu.memory_space<vmem>>
      %dma_start3A_3699 = arith.constant 0 : i32
      %dma_start3A_3700 = tpu.memref_slice %arg25[%dma_start3A_3699] : memref<262144xf32, #tpu.memory_space<vmem_shared>> -> memref<262144xf32, #tpu.memory_space<vmem_shared>>
      tpu.enqueue_indirect_dma source(%dma_start3A_3698 : memref<128xf32, #tpu.memory_space<vmem>>) target(%dma_start3A_3700 : memref<262144xf32, #tpu.memory_space<vmem_shared>>) offsets(%arg21 : memref<128xi32, #tpu.memory_space<vmem>>) semaphore(%arg27 : memref<!tpu.dma_semaphore, #tpu.memory_space<semaphore_mem>>)
      %mul3A_3701 = arith.constant 128 : i32
      %mul3A_3702 = arith.muli %add3A_3695, %mul3A_3701 : i32
      %dma_start3A_3703 = tpu.memref_slice %arg12[%mul3A_3702] : memref<16384xi32, #tpu.memory_space<vmem>> -> memref<128xi32, #tpu.memory_space<vmem>>
      %dma_start3A_3704 = arith.constant 0 : i32
      %dma_start3A_3705 = tpu.memref_slice %arg26[%dma_start3A_3704] : memref<262144xi32, #tpu.memory_space<vmem_shared>> -> memref<262144xi32, #tpu.memory_space<vmem_shared>>
      tpu.enqueue_indirect_dma source(%dma_start3A_3703 : memref<128xi32, #tpu.memory_space<vmem>>) target(%dma_start3A_3705 : memref<262144xi32, #tpu.memory_space<vmem_shared>>) offsets(%arg21 : memref<128xi32, #tpu.memory_space<vmem>>) semaphore(%arg28 : memref<!tpu.dma_semaphore, #tpu.memory_space<semaphore_mem>>)
      %add3A_3706 = arith.constant 5 : i32
      %add3A_3707 = arith.addi %add3A_3316, %add3A_3706 : i32
      %mul3A_3708 = arith.constant 128 : i32
      %mul3A_3709 = arith.muli %add3A_3707, %mul3A_3708 : i32
      %add3A_3710 = arith.constant 0 : i32
      %add3A_3711 = arith.addi %mul3A_3709, %add3A_3710 : i32
      %get3A_3712 = arith.index_cast %add3A_3711 : i32 to index
      %get3A_3713 = tpu.vector_load %arg10[%get3A_3712] {strides = array<i32>} : memref<16384xi32, #tpu.memory_space<vmem>>, vector<16xi32>,
      %swap3A_3714 = arith.constant 0 : index
      %swap3A_3715 = tpu.vector_load %arg22[%swap3A_3714] {strides = array<i32>} : memref<128xi32, #tpu.memory_space<vmem>>, vector<16xi32>,
      tpu.vector_store %arg22[%swap3A_3714], %get3A_3713 {strides = array<i32>} : memref<128xi32, #tpu.memory_space<vmem>>, vector<16xi32>,
      %mul3A_3716 = arith.constant 128 : i32
      %mul3A_3717 = arith.muli %add3A_3707, %mul3A_3716 : i32
      %add3A_3718 = arith.constant 16 : i32
      %add3A_3719 = arith.addi %mul3A_3717, %add3A_3718 : i32
      %get3A_3720 = arith.index_cast %add3A_3719 : i32 to index
      %get3A_3721 = tpu.vector_load %arg10[%get3A_3720] {strides = array<i32>} : memref<16384xi32, #tpu.memory_space<vmem>>, vector<16xi32>,
      %swap3A_3722 = arith.constant 16 : index
      %swap3A_3723 = tpu.vector_load %arg22[%swap3A_3722] {strides = array<i32>} : memref<128xi32, #tpu.memory_space<vmem>>, vector<16xi32>,
      tpu.vector_store %arg22[%swap3A_3722], %get3A_3721 {strides = array<i32>} : memref<128xi32, #tpu.memory_space<vmem>>, vector<16xi32>,
      %mul3A_3724 = arith.constant 128 : i32
      %mul3A_3725 = arith.muli %add3A_3707, %mul3A_3724 : i32
      %add3A_3726 = arith.constant 32 : i32
      %add3A_3727 = arith.addi %mul3A_3725, %add3A_3726 : i32
      %get3A_3728 = arith.index_cast %add3A_3727 : i32 to index
      %get3A_3729 = tpu.vector_load %arg10[%get3A_3728] {strides = array<i32>} : memref<16384xi32, #tpu.memory_space<vmem>>, vector<16xi32>,
      %swap3A_3730 = arith.constant 32 : index
      %swap3A_3731 = tpu.vector_load %arg22[%swap3A_3730] {strides = array<i32>} : memref<128xi32, #tpu.memory_space<vmem>>, vector<16xi32>,
      tpu.vector_store %arg22[%swap3A_3730], %get3A_3729 {strides = array<i32>} : memref<128xi32, #tpu.memory_space<vmem>>, vector<16xi32>,
      %mul3A_3732 = arith.constant 128 : i32
      %mul3A_3733 = arith.muli %add3A_3707, %mul3A_3732 : i32
      %add3A_3734 = arith.constant 48 : i32
      %add3A_3735 = arith.addi %mul3A_3733, %add3A_3734 : i32
      %get3A_3736 = arith.index_cast %add3A_3735 : i32 to index
      %get3A_3737 = tpu.vector_load %arg10[%get3A_3736] {strides = array<i32>} : memref<16384xi32, #tpu.memory_space<vmem>>, vector<16xi32>,
      %swap3A_3738 = arith.constant 48 : index
      %swap3A_3739 = tpu.vector_load %arg22[%swap3A_3738] {strides = array<i32>} : memref<128xi32, #tpu.memory_space<vmem>>, vector<16xi32>,
      tpu.vector_store %arg22[%swap3A_3738], %get3A_3737 {strides = array<i32>} : memref<128xi32, #tpu.memory_space<vmem>>, vector<16xi32>,
      %mul3A_3740 = arith.constant 128 : i32
      %mul3A_3741 = arith.muli %add3A_3707, %mul3A_3740 : i32
      %add3A_3742 = arith.constant 64 : i32
      %add3A_3743 = arith.addi %mul3A_3741, %add3A_3742 : i32
      %get3A_3744 = arith.index_cast %add3A_3743 : i32 to index
      %get3A_3745 = tpu.vector_load %arg10[%get3A_3744] {strides = array<i32>} : memref<16384xi32, #tpu.memory_space<vmem>>, vector<16xi32>,
      %swap3A_3746 = arith.constant 64 : index
      %swap3A_3747 = tpu.vector_load %arg22[%swap3A_3746] {strides = array<i32>} : memref<128xi32, #tpu.memory_space<vmem>>, vector<16xi32>,
      tpu.vector_store %arg22[%swap3A_3746], %get3A_3745 {strides = array<i32>} : memref<128xi32, #tpu.memory_space<vmem>>, vector<16xi32>,
      %mul3A_3748 = arith.constant 128 : i32
      %mul3A_3749 = arith.muli %add3A_3707, %mul3A_3748 : i32
      %add3A_3750 = arith.constant 80 : i32
      %add3A_3751 = arith.addi %mul3A_3749, %add3A_3750 : i32
      %get3A_3752 = arith.index_cast %add3A_3751 : i32 to index
      %get3A_3753 = tpu.vector_load %arg10[%get3A_3752] {strides = array<i32>} : memref<16384xi32, #tpu.memory_space<vmem>>, vector<16xi32>,
      %swap3A_3754 = arith.constant 80 : index
      %swap3A_3755 = tpu.vector_load %arg22[%swap3A_3754] {strides = array<i32>} : memref<128xi32, #tpu.memory_space<vmem>>, vector<16xi32>,
      tpu.vector_store %arg22[%swap3A_3754], %get3A_3753 {strides = array<i32>} : memref<128xi32, #tpu.memory_space<vmem>>, vector<16xi32>,
      %mul3A_3756 = arith.constant 128 : i32
      %mul3A_3757 = arith.muli %add3A_3707, %mul3A_3756 : i32
      %add3A_3758 = arith.constant 96 : i32
      %add3A_3759 = arith.addi %mul3A_3757, %add3A_3758 : i32
      %get3A_3760 = arith.index_cast %add3A_3759 : i32 to index
      %get3A_3761 = tpu.vector_load %arg10[%get3A_3760] {strides = array<i32>} : memref<16384xi32, #tpu.memory_space<vmem>>, vector<16xi32>,
      %swap3A_3762 = arith.constant 96 : index
      %swap3A_3763 = tpu.vector_load %arg22[%swap3A_3762] {strides = array<i32>} : memref<128xi32, #tpu.memory_space<vmem>>, vector<16xi32>,
      tpu.vector_store %arg22[%swap3A_3762], %get3A_3761 {strides = array<i32>} : memref<128xi32, #tpu.memory_space<vmem>>, vector<16xi32>,
      %mul3A_3764 = arith.constant 128 : i32
      %mul3A_3765 = arith.muli %add3A_3707, %mul3A_3764 : i32
      %add3A_3766 = arith.constant 112 : i32
      %add3A_3767 = arith.addi %mul3A_3765, %add3A_3766 : i32
      %get3A_3768 = arith.index_cast %add3A_3767 : i32 to index
      %get3A_3769 = tpu.vector_load %arg10[%get3A_3768] {strides = array<i32>} : memref<16384xi32, #tpu.memory_space<vmem>>, vector<16xi32>,
      %swap3A_3770 = arith.constant 112 : index
      %swap3A_3771 = tpu.vector_load %arg22[%swap3A_3770] {strides = array<i32>} : memref<128xi32, #tpu.memory_space<vmem>>, vector<16xi32>,
      tpu.vector_store %arg22[%swap3A_3770], %get3A_3769 {strides = array<i32>} : memref<128xi32, #tpu.memory_space<vmem>>, vector<16xi32>,
      %add3A_3772 = arith.constant 5 : i32
      %add3A_3773 = arith.addi %add3A_3316, %add3A_3772 : i32
      %mul3A_3774 = arith.constant 128 : i32
      %mul3A_3775 = arith.muli %add3A_3773, %mul3A_3774 : i32
      %dma_start3A_3776 = tpu.memref_slice %arg11[%mul3A_3775] : memref<16384xf32, #tpu.memory_space<vmem>> -> memref<128xf32, #tpu.memory_space<vmem>>
      %dma_start3A_3777 = arith.constant 0 : i32
      %dma_start3A_3778 = tpu.memref_slice %arg25[%dma_start3A_3777] : memref<262144xf32, #tpu.memory_space<vmem_shared>> -> memref<262144xf32, #tpu.memory_space<vmem_shared>>
      tpu.enqueue_indirect_dma source(%dma_start3A_3776 : memref<128xf32, #tpu.memory_space<vmem>>) target(%dma_start3A_3778 : memref<262144xf32, #tpu.memory_space<vmem_shared>>) offsets(%arg22 : memref<128xi32, #tpu.memory_space<vmem>>) semaphore(%arg27 : memref<!tpu.dma_semaphore, #tpu.memory_space<semaphore_mem>>)
      %mul3A_3779 = arith.constant 128 : i32
      %mul3A_3780 = arith.muli %add3A_3773, %mul3A_3779 : i32
      %dma_start3A_3781 = tpu.memref_slice %arg12[%mul3A_3780] : memref<16384xi32, #tpu.memory_space<vmem>> -> memref<128xi32, #tpu.memory_space<vmem>>
      %dma_start3A_3782 = arith.constant 0 : i32
      %dma_start3A_3783 = tpu.memref_slice %arg26[%dma_start3A_3782] : memref<262144xi32, #tpu.memory_space<vmem_shared>> -> memref<262144xi32, #tpu.memory_space<vmem_shared>>
      tpu.enqueue_indirect_dma source(%dma_start3A_3781 : memref<128xi32, #tpu.memory_space<vmem>>) target(%dma_start3A_3783 : memref<262144xi32, #tpu.memory_space<vmem_shared>>) offsets(%arg22 : memref<128xi32, #tpu.memory_space<vmem>>) semaphore(%arg28 : memref<!tpu.dma_semaphore, #tpu.memory_space<semaphore_mem>>)
      %add3A_3784 = arith.constant 6 : i32
      %add3A_3785 = arith.addi %add3A_3316, %add3A_3784 : i32
      %mul3A_3786 = arith.constant 128 : i32
      %mul3A_3787 = arith.muli %add3A_3785, %mul3A_3786 : i32
      %add3A_3788 = arith.constant 0 : i32
      %add3A_3789 = arith.addi %mul3A_3787, %add3A_3788 : i32
      %get3A_3790 = arith.index_cast %add3A_3789 : i32 to index
      %get3A_3791 = tpu.vector_load %arg10[%get3A_3790] {strides = array<i32>} : memref<16384xi32, #tpu.memory_space<vmem>>, vector<16xi32>,
      %swap3A_3792 = arith.constant 0 : index
      %swap3A_3793 = tpu.vector_load %arg23[%swap3A_3792] {strides = array<i32>} : memref<128xi32, #tpu.memory_space<vmem>>, vector<16xi32>,
      tpu.vector_store %arg23[%swap3A_3792], %get3A_3791 {strides = array<i32>} : memref<128xi32, #tpu.memory_space<vmem>>, vector<16xi32>,
      %mul3A_3794 = arith.constant 128 : i32
      %mul3A_3795 = arith.muli %add3A_3785, %mul3A_3794 : i32
      %add3A_3796 = arith.constant 16 : i32
      %add3A_3797 = arith.addi %mul3A_3795, %add3A_3796 : i32
      %get3A_3798 = arith.index_cast %add3A_3797 : i32 to index
      %get3A_3799 = tpu.vector_load %arg10[%get3A_3798] {strides = array<i32>} : memref<16384xi32, #tpu.memory_space<vmem>>, vector<16xi32>,
      %swap3A_3800 = arith.constant 16 : index
      %swap3A_3801 = tpu.vector_load %arg23[%swap3A_3800] {strides = array<i32>} : memref<128xi32, #tpu.memory_space<vmem>>, vector<16xi32>,
      tpu.vector_store %arg23[%swap3A_3800], %get3A_3799 {strides = array<i32>} : memref<128xi32, #tpu.memory_space<vmem>>, vector<16xi32>,
      %mul3A_3802 = arith.constant 128 : i32
      %mul3A_3803 = arith.muli %add3A_3785, %mul3A_3802 : i32
      %add3A_3804 = arith.constant 32 : i32
      %add3A_3805 = arith.addi %mul3A_3803, %add3A_3804 : i32
      %get3A_3806 = arith.index_cast %add3A_3805 : i32 to index
      %get3A_3807 = tpu.vector_load %arg10[%get3A_3806] {strides = array<i32>} : memref<16384xi32, #tpu.memory_space<vmem>>, vector<16xi32>,
      %swap3A_3808 = arith.constant 32 : index
      %swap3A_3809 = tpu.vector_load %arg23[%swap3A_3808] {strides = array<i32>} : memref<128xi32, #tpu.memory_space<vmem>>, vector<16xi32>,
      tpu.vector_store %arg23[%swap3A_3808], %get3A_3807 {strides = array<i32>} : memref<128xi32, #tpu.memory_space<vmem>>, vector<16xi32>,
      %mul3A_3810 = arith.constant 128 : i32
      %mul3A_3811 = arith.muli %add3A_3785, %mul3A_3810 : i32
      %add3A_3812 = arith.constant 48 : i32
      %add3A_3813 = arith.addi %mul3A_3811, %add3A_3812 : i32
      %get3A_3814 = arith.index_cast %add3A_3813 : i32 to index
      %get3A_3815 = tpu.vector_load %arg10[%get3A_3814] {strides = array<i32>} : memref<16384xi32, #tpu.memory_space<vmem>>, vector<16xi32>,
      %swap3A_3816 = arith.constant 48 : index
      %swap3A_3817 = tpu.vector_load %arg23[%swap3A_3816] {strides = array<i32>} : memref<128xi32, #tpu.memory_space<vmem>>, vector<16xi32>,
      tpu.vector_store %arg23[%swap3A_3816], %get3A_3815 {strides = array<i32>} : memref<128xi32, #tpu.memory_space<vmem>>, vector<16xi32>,
      %mul3A_3818 = arith.constant 128 : i32
      %mul3A_3819 = arith.muli %add3A_3785, %mul3A_3818 : i32
      %add3A_3820 = arith.constant 64 : i32
      %add3A_3821 = arith.addi %mul3A_3819, %add3A_3820 : i32
      %get3A_3822 = arith.index_cast %add3A_3821 : i32 to index
      %get3A_3823 = tpu.vector_load %arg10[%get3A_3822] {strides = array<i32>} : memref<16384xi32, #tpu.memory_space<vmem>>, vector<16xi32>,
      %swap3A_3824 = arith.constant 64 : index
      %swap3A_3825 = tpu.vector_load %arg23[%swap3A_3824] {strides = array<i32>} : memref<128xi32, #tpu.memory_space<vmem>>, vector<16xi32>,
      tpu.vector_store %arg23[%swap3A_3824], %get3A_3823 {strides = array<i32>} : memref<128xi32, #tpu.memory_space<vmem>>, vector<16xi32>,
      %mul3A_3826 = arith.constant 128 : i32
      %mul3A_3827 = arith.muli %add3A_3785, %mul3A_3826 : i32
      %add3A_3828 = arith.constant 80 : i32
      %add3A_3829 = arith.addi %mul3A_3827, %add3A_3828 : i32
      %get3A_3830 = arith.index_cast %add3A_3829 : i32 to index
      %get3A_3831 = tpu.vector_load %arg10[%get3A_3830] {strides = array<i32>} : memref<16384xi32, #tpu.memory_space<vmem>>, vector<16xi32>,
      %swap3A_3832 = arith.constant 80 : index
      %swap3A_3833 = tpu.vector_load %arg23[%swap3A_3832] {strides = array<i32>} : memref<128xi32, #tpu.memory_space<vmem>>, vector<16xi32>,
      tpu.vector_store %arg23[%swap3A_3832], %get3A_3831 {strides = array<i32>} : memref<128xi32, #tpu.memory_space<vmem>>, vector<16xi32>,
      %mul3A_3834 = arith.constant 128 : i32
      %mul3A_3835 = arith.muli %add3A_3785, %mul3A_3834 : i32
      %add3A_3836 = arith.constant 96 : i32
      %add3A_3837 = arith.addi %mul3A_3835, %add3A_3836 : i32
      %get3A_3838 = arith.index_cast %add3A_3837 : i32 to index
      %get3A_3839 = tpu.vector_load %arg10[%get3A_3838] {strides = array<i32>} : memref<16384xi32, #tpu.memory_space<vmem>>, vector<16xi32>,
      %swap3A_3840 = arith.constant 96 : index
      %swap3A_3841 = tpu.vector_load %arg23[%swap3A_3840] {strides = array<i32>} : memref<128xi32, #tpu.memory_space<vmem>>, vector<16xi32>,
      tpu.vector_store %arg23[%swap3A_3840], %get3A_3839 {strides = array<i32>} : memref<128xi32, #tpu.memory_space<vmem>>, vector<16xi32>,
      %mul3A_3842 = arith.constant 128 : i32
      %mul3A_3843 = arith.muli %add3A_3785, %mul3A_3842 : i32
      %add3A_3844 = arith.constant 112 : i32
      %add3A_3845 = arith.addi %mul3A_3843, %add3A_3844 : i32
      %get3A_3846 = arith.index_cast %add3A_3845 : i32 to index
      %get3A_3847 = tpu.vector_load %arg10[%get3A_3846] {strides = array<i32>} : memref<16384xi32, #tpu.memory_space<vmem>>, vector<16xi32>,
      %swap3A_3848 = arith.constant 112 : index
      %swap3A_3849 = tpu.vector_load %arg23[%swap3A_3848] {strides = array<i32>} : memref<128xi32, #tpu.memory_space<vmem>>, vector<16xi32>,
      tpu.vector_store %arg23[%swap3A_3848], %get3A_3847 {strides = array<i32>} : memref<128xi32, #tpu.memory_space<vmem>>, vector<16xi32>,
      %add3A_3850 = arith.constant 6 : i32
      %add3A_3851 = arith.addi %add3A_3316, %add3A_3850 : i32
      %mul3A_3852 = arith.constant 128 : i32
      %mul3A_3853 = arith.muli %add3A_3851, %mul3A_3852 : i32
      %dma_start3A_3854 = tpu.memref_slice %arg11[%mul3A_3853] : memref<16384xf32, #tpu.memory_space<vmem>> -> memref<128xf32, #tpu.memory_space<vmem>>
      %dma_start3A_3855 = arith.constant 0 : i32
      %dma_start3A_3856 = tpu.memref_slice %arg25[%dma_start3A_3855] : memref<262144xf32, #tpu.memory_space<vmem_shared>> -> memref<262144xf32, #tpu.memory_space<vmem_shared>>
      tpu.enqueue_indirect_dma source(%dma_start3A_3854 : memref<128xf32, #tpu.memory_space<vmem>>) target(%dma_start3A_3856 : memref<262144xf32, #tpu.memory_space<vmem_shared>>) offsets(%arg23 : memref<128xi32, #tpu.memory_space<vmem>>) semaphore(%arg27 : memref<!tpu.dma_semaphore, #tpu.memory_space<semaphore_mem>>)
      %mul3A_3857 = arith.constant 128 : i32
      %mul3A_3858 = arith.muli %add3A_3851, %mul3A_3857 : i32
      %dma_start3A_3859 = tpu.memref_slice %arg12[%mul3A_3858] : memref<16384xi32, #tpu.memory_space<vmem>> -> memref<128xi32, #tpu.memory_space<vmem>>
      %dma_start3A_3860 = arith.constant 0 : i32
      %dma_start3A_3861 = tpu.memref_slice %arg26[%dma_start3A_3860] : memref<262144xi32, #tpu.memory_space<vmem_shared>> -> memref<262144xi32, #tpu.memory_space<vmem_shared>>
      tpu.enqueue_indirect_dma source(%dma_start3A_3859 : memref<128xi32, #tpu.memory_space<vmem>>) target(%dma_start3A_3861 : memref<262144xi32, #tpu.memory_space<vmem_shared>>) offsets(%arg23 : memref<128xi32, #tpu.memory_space<vmem>>) semaphore(%arg28 : memref<!tpu.dma_semaphore, #tpu.memory_space<semaphore_mem>>)
      %add3A_3862 = arith.constant 7 : i32
      %add3A_3863 = arith.addi %add3A_3316, %add3A_3862 : i32
      %mul3A_3864 = arith.constant 128 : i32
      %mul3A_3865 = arith.muli %add3A_3863, %mul3A_3864 : i32
      %add3A_3866 = arith.constant 0 : i32
      %add3A_3867 = arith.addi %mul3A_3865, %add3A_3866 : i32
      %get3A_3868 = arith.index_cast %add3A_3867 : i32 to index
      %get3A_3869 = tpu.vector_load %arg10[%get3A_3868] {strides = array<i32>} : memref<16384xi32, #tpu.memory_space<vmem>>, vector<16xi32>,
      %swap3A_3870 = arith.constant 0 : index
      %swap3A_3871 = tpu.vector_load %arg24[%swap3A_3870] {strides = array<i32>} : memref<128xi32, #tpu.memory_space<vmem>>, vector<16xi32>,
      tpu.vector_store %arg24[%swap3A_3870], %get3A_3869 {strides = array<i32>} : memref<128xi32, #tpu.memory_space<vmem>>, vector<16xi32>,
      %mul3A_3872 = arith.constant 128 : i32
      %mul3A_3873 = arith.muli %add3A_3863, %mul3A_3872 : i32
      %add3A_3874 = arith.constant 16 : i32
      %add3A_3875 = arith.addi %mul3A_3873, %add3A_3874 : i32
      %get3A_3876 = arith.index_cast %add3A_3875 : i32 to index
      %get3A_3877 = tpu.vector_load %arg10[%get3A_3876] {strides = array<i32>} : memref<16384xi32, #tpu.memory_space<vmem>>, vector<16xi32>,
      %swap3A_3878 = arith.constant 16 : index
      %swap3A_3879 = tpu.vector_load %arg24[%swap3A_3878] {strides = array<i32>} : memref<128xi32, #tpu.memory_space<vmem>>, vector<16xi32>,
      tpu.vector_store %arg24[%swap3A_3878], %get3A_3877 {strides = array<i32>} : memref<128xi32, #tpu.memory_space<vmem>>, vector<16xi32>,
      %mul3A_3880 = arith.constant 128 : i32
      %mul3A_3881 = arith.muli %add3A_3863, %mul3A_3880 : i32
      %add3A_3882 = arith.constant 32 : i32
      %add3A_3883 = arith.addi %mul3A_3881, %add3A_3882 : i32
      %get3A_3884 = arith.index_cast %add3A_3883 : i32 to index
      %get3A_3885 = tpu.vector_load %arg10[%get3A_3884] {strides = array<i32>} : memref<16384xi32, #tpu.memory_space<vmem>>, vector<16xi32>,
      %swap3A_3886 = arith.constant 32 : index
      %swap3A_3887 = tpu.vector_load %arg24[%swap3A_3886] {strides = array<i32>} : memref<128xi32, #tpu.memory_space<vmem>>, vector<16xi32>,
      tpu.vector_store %arg24[%swap3A_3886], %get3A_3885 {strides = array<i32>} : memref<128xi32, #tpu.memory_space<vmem>>, vector<16xi32>,
      %mul3A_3888 = arith.constant 128 : i32
      %mul3A_3889 = arith.muli %add3A_3863, %mul3A_3888 : i32
      %add3A_3890 = arith.constant 48 : i32
      %add3A_3891 = arith.addi %mul3A_3889, %add3A_3890 : i32
      %get3A_3892 = arith.index_cast %add3A_3891 : i32 to index
      %get3A_3893 = tpu.vector_load %arg10[%get3A_3892] {strides = array<i32>} : memref<16384xi32, #tpu.memory_space<vmem>>, vector<16xi32>,
      %swap3A_3894 = arith.constant 48 : index
      %swap3A_3895 = tpu.vector_load %arg24[%swap3A_3894] {strides = array<i32>} : memref<128xi32, #tpu.memory_space<vmem>>, vector<16xi32>,
      tpu.vector_store %arg24[%swap3A_3894], %get3A_3893 {strides = array<i32>} : memref<128xi32, #tpu.memory_space<vmem>>, vector<16xi32>,
      %mul3A_3896 = arith.constant 128 : i32
      %mul3A_3897 = arith.muli %add3A_3863, %mul3A_3896 : i32
      %add3A_3898 = arith.constant 64 : i32
      %add3A_3899 = arith.addi %mul3A_3897, %add3A_3898 : i32
      %get3A_3900 = arith.index_cast %add3A_3899 : i32 to index
      %get3A_3901 = tpu.vector_load %arg10[%get3A_3900] {strides = array<i32>} : memref<16384xi32, #tpu.memory_space<vmem>>, vector<16xi32>,
      %swap3A_3902 = arith.constant 64 : index
      %swap3A_3903 = tpu.vector_load %arg24[%swap3A_3902] {strides = array<i32>} : memref<128xi32, #tpu.memory_space<vmem>>, vector<16xi32>,
      tpu.vector_store %arg24[%swap3A_3902], %get3A_3901 {strides = array<i32>} : memref<128xi32, #tpu.memory_space<vmem>>, vector<16xi32>,
      %mul3A_3904 = arith.constant 128 : i32
      %mul3A_3905 = arith.muli %add3A_3863, %mul3A_3904 : i32
      %add3A_3906 = arith.constant 80 : i32
      %add3A_3907 = arith.addi %mul3A_3905, %add3A_3906 : i32
      %get3A_3908 = arith.index_cast %add3A_3907 : i32 to index
      %get3A_3909 = tpu.vector_load %arg10[%get3A_3908] {strides = array<i32>} : memref<16384xi32, #tpu.memory_space<vmem>>, vector<16xi32>,
      %swap3A_3910 = arith.constant 80 : index
      %swap3A_3911 = tpu.vector_load %arg24[%swap3A_3910] {strides = array<i32>} : memref<128xi32, #tpu.memory_space<vmem>>, vector<16xi32>,
      tpu.vector_store %arg24[%swap3A_3910], %get3A_3909 {strides = array<i32>} : memref<128xi32, #tpu.memory_space<vmem>>, vector<16xi32>,
      %mul3A_3912 = arith.constant 128 : i32
      %mul3A_3913 = arith.muli %add3A_3863, %mul3A_3912 : i32
      %add3A_3914 = arith.constant 96 : i32
      %add3A_3915 = arith.addi %mul3A_3913, %add3A_3914 : i32
      %get3A_3916 = arith.index_cast %add3A_3915 : i32 to index
      %get3A_3917 = tpu.vector_load %arg10[%get3A_3916] {strides = array<i32>} : memref<16384xi32, #tpu.memory_space<vmem>>, vector<16xi32>,
      %swap3A_3918 = arith.constant 96 : index
      %swap3A_3919 = tpu.vector_load %arg24[%swap3A_3918] {strides = array<i32>} : memref<128xi32, #tpu.memory_space<vmem>>, vector<16xi32>,
      tpu.vector_store %arg24[%swap3A_3918], %get3A_3917 {strides = array<i32>} : memref<128xi32, #tpu.memory_space<vmem>>, vector<16xi32>,
      %mul3A_3920 = arith.constant 128 : i32
      %mul3A_3921 = arith.muli %add3A_3863, %mul3A_3920 : i32
      %add3A_3922 = arith.constant 112 : i32
      %add3A_3923 = arith.addi %mul3A_3921, %add3A_3922 : i32
      %get3A_3924 = arith.index_cast %add3A_3923 : i32 to index
      %get3A_3925 = tpu.vector_load %arg10[%get3A_3924] {strides = array<i32>} : memref<16384xi32, #tpu.memory_space<vmem>>, vector<16xi32>,
      %swap3A_3926 = arith.constant 112 : index
      %swap3A_3927 = tpu.vector_load %arg24[%swap3A_3926] {strides = array<i32>} : memref<128xi32, #tpu.memory_space<vmem>>, vector<16xi32>,
      tpu.vector_store %arg24[%swap3A_3926], %get3A_3925 {strides = array<i32>} : memref<128xi32, #tpu.memory_space<vmem>>, vector<16xi32>,
      %add3A_3928 = arith.constant 7 : i32
      %add3A_3929 = arith.addi %add3A_3316, %add3A_3928 : i32
      %mul3A_3930 = arith.constant 128 : i32
      %mul3A_3931 = arith.muli %add3A_3929, %mul3A_3930 : i32
      %dma_start3A_3932 = tpu.memref_slice %arg11[%mul3A_3931] : memref<16384xf32, #tpu.memory_space<vmem>> -> memref<128xf32, #tpu.memory_space<vmem>>
      %dma_start3A_3933 = arith.constant 0 : i32
      %dma_start3A_3934 = tpu.memref_slice %arg25[%dma_start3A_3933] : memref<262144xf32, #tpu.memory_space<vmem_shared>> -> memref<262144xf32, #tpu.memory_space<vmem_shared>>
      tpu.enqueue_indirect_dma source(%dma_start3A_3932 : memref<128xf32, #tpu.memory_space<vmem>>) target(%dma_start3A_3934 : memref<262144xf32, #tpu.memory_space<vmem_shared>>) offsets(%arg24 : memref<128xi32, #tpu.memory_space<vmem>>) semaphore(%arg27 : memref<!tpu.dma_semaphore, #tpu.memory_space<semaphore_mem>>)
      %mul3A_3935 = arith.constant 128 : i32
      %mul3A_3936 = arith.muli %add3A_3929, %mul3A_3935 : i32
      %dma_start3A_3937 = tpu.memref_slice %arg12[%mul3A_3936] : memref<16384xi32, #tpu.memory_space<vmem>> -> memref<128xi32, #tpu.memory_space<vmem>>
      %dma_start3A_3938 = arith.constant 0 : i32
      %dma_start3A_3939 = tpu.memref_slice %arg26[%dma_start3A_3938] : memref<262144xi32, #tpu.memory_space<vmem_shared>> -> memref<262144xi32, #tpu.memory_space<vmem_shared>>
      tpu.enqueue_indirect_dma source(%dma_start3A_3937 : memref<128xi32, #tpu.memory_space<vmem>>) target(%dma_start3A_3939 : memref<262144xi32, #tpu.memory_space<vmem_shared>>) offsets(%arg24 : memref<128xi32, #tpu.memory_space<vmem>>) semaphore(%arg28 : memref<!tpu.dma_semaphore, #tpu.memory_space<semaphore_mem>>)
      %dma_wait3A = tpu.memref_slice %arg11[%mul3A_3386] : memref<16384xf32, #tpu.memory_space<vmem>> -> memref<128xf32, #tpu.memory_space<vmem>>
      %dma_wait3A_3940 = arith.constant 0 : i32
      %dma_wait3A_3941 = tpu.memref_slice %arg25[%dma_wait3A_3940] : memref<262144xf32, #tpu.memory_space<vmem_shared>> -> memref<262144xf32, #tpu.memory_space<vmem_shared>>
      tpu.wait_indirect_dma semaphore(%arg27 : memref<!tpu.dma_semaphore, #tpu.memory_space<semaphore_mem>>) src(%dma_wait3A : memref<128xf32, #tpu.memory_space<vmem>>) dst(%dma_wait3A_3941 : memref<262144xf32, #tpu.memory_space<vmem_shared>>)
      %dma_wait3A_3942 = tpu.memref_slice %arg12[%mul3A_3390] : memref<16384xi32, #tpu.memory_space<vmem>> -> memref<128xi32, #tpu.memory_space<vmem>>
      %dma_wait3A_3943 = arith.constant 0 : i32
      %dma_wait3A_3944 = tpu.memref_slice %arg26[%dma_wait3A_3943] : memref<262144xi32, #tpu.memory_space<vmem_shared>> -> memref<262144xi32, #tpu.memory_space<vmem_shared>>
      tpu.wait_indirect_dma semaphore(%arg28 : memref<!tpu.dma_semaphore, #tpu.memory_space<semaphore_mem>>) src(%dma_wait3A_3942 : memref<128xi32, #tpu.memory_space<vmem>>) dst(%dma_wait3A_3944 : memref<262144xi32, #tpu.memory_space<vmem_shared>>)
      %dma_wait3A_3945 = tpu.memref_slice %arg11[%mul3A_3463] : memref<16384xf32, #tpu.memory_space<vmem>> -> memref<128xf32, #tpu.memory_space<vmem>>
      %dma_wait3A_3946 = arith.constant 0 : i32
      %dma_wait3A_3947 = tpu.memref_slice %arg25[%dma_wait3A_3946] : memref<262144xf32, #tpu.memory_space<vmem_shared>> -> memref<262144xf32, #tpu.memory_space<vmem_shared>>
      tpu.wait_indirect_dma semaphore(%arg27 : memref<!tpu.dma_semaphore, #tpu.memory_space<semaphore_mem>>) src(%dma_wait3A_3945 : memref<128xf32, #tpu.memory_space<vmem>>) dst(%dma_wait3A_3947 : memref<262144xf32, #tpu.memory_space<vmem_shared>>)
      %dma_wait3A_3948 = tpu.memref_slice %arg12[%mul3A_3468] : memref<16384xi32, #tpu.memory_space<vmem>> -> memref<128xi32, #tpu.memory_space<vmem>>
      %dma_wait3A_3949 = arith.constant 0 : i32
      %dma_wait3A_3950 = tpu.memref_slice %arg26[%dma_wait3A_3949] : memref<262144xi32, #tpu.memory_space<vmem_shared>> -> memref<262144xi32, #tpu.memory_space<vmem_shared>>
      tpu.wait_indirect_dma semaphore(%arg28 : memref<!tpu.dma_semaphore, #tpu.memory_space<semaphore_mem>>) src(%dma_wait3A_3948 : memref<128xi32, #tpu.memory_space<vmem>>) dst(%dma_wait3A_3950 : memref<262144xi32, #tpu.memory_space<vmem_shared>>)
      %dma_wait3A_3951 = tpu.memref_slice %arg11[%mul3A_3541] : memref<16384xf32, #tpu.memory_space<vmem>> -> memref<128xf32, #tpu.memory_space<vmem>>
      %dma_wait3A_3952 = arith.constant 0 : i32
      %dma_wait3A_3953 = tpu.memref_slice %arg25[%dma_wait3A_3952] : memref<262144xf32, #tpu.memory_space<vmem_shared>> -> memref<262144xf32, #tpu.memory_space<vmem_shared>>
      tpu.wait_indirect_dma semaphore(%arg27 : memref<!tpu.dma_semaphore, #tpu.memory_space<semaphore_mem>>) src(%dma_wait3A_3951 : memref<128xf32, #tpu.memory_space<vmem>>) dst(%dma_wait3A_3953 : memref<262144xf32, #tpu.memory_space<vmem_shared>>)
      %dma_wait3A_3954 = tpu.memref_slice %arg12[%mul3A_3546] : memref<16384xi32, #tpu.memory_space<vmem>> -> memref<128xi32, #tpu.memory_space<vmem>>
      %dma_wait3A_3955 = arith.constant 0 : i32
      %dma_wait3A_3956 = tpu.memref_slice %arg26[%dma_wait3A_3955] : memref<262144xi32, #tpu.memory_space<vmem_shared>> -> memref<262144xi32, #tpu.memory_space<vmem_shared>>
      tpu.wait_indirect_dma semaphore(%arg28 : memref<!tpu.dma_semaphore, #tpu.memory_space<semaphore_mem>>) src(%dma_wait3A_3954 : memref<128xi32, #tpu.memory_space<vmem>>) dst(%dma_wait3A_3956 : memref<262144xi32, #tpu.memory_space<vmem_shared>>)
      %dma_wait3A_3957 = tpu.memref_slice %arg11[%mul3A_3619] : memref<16384xf32, #tpu.memory_space<vmem>> -> memref<128xf32, #tpu.memory_space<vmem>>
      %dma_wait3A_3958 = arith.constant 0 : i32
      %dma_wait3A_3959 = tpu.memref_slice %arg25[%dma_wait3A_3958] : memref<262144xf32, #tpu.memory_space<vmem_shared>> -> memref<262144xf32, #tpu.memory_space<vmem_shared>>
      tpu.wait_indirect_dma semaphore(%arg27 : memref<!tpu.dma_semaphore, #tpu.memory_space<semaphore_mem>>) src(%dma_wait3A_3957 : memref<128xf32, #tpu.memory_space<vmem>>) dst(%dma_wait3A_3959 : memref<262144xf32, #tpu.memory_space<vmem_shared>>)
      %dma_wait3A_3960 = tpu.memref_slice %arg12[%mul3A_3624] : memref<16384xi32, #tpu.memory_space<vmem>> -> memref<128xi32, #tpu.memory_space<vmem>>
      %dma_wait3A_3961 = arith.constant 0 : i32
      %dma_wait3A_3962 = tpu.memref_slice %arg26[%dma_wait3A_3961] : memref<262144xi32, #tpu.memory_space<vmem_shared>> -> memref<262144xi32, #tpu.memory_space<vmem_shared>>
      tpu.wait_indirect_dma semaphore(%arg28 : memref<!tpu.dma_semaphore, #tpu.memory_space<semaphore_mem>>) src(%dma_wait3A_3960 : memref<128xi32, #tpu.memory_space<vmem>>) dst(%dma_wait3A_3962 : memref<262144xi32, #tpu.memory_space<vmem_shared>>)
      %dma_wait3A_3963 = tpu.memref_slice %arg11[%mul3A_3697] : memref<16384xf32, #tpu.memory_space<vmem>> -> memref<128xf32, #tpu.memory_space<vmem>>
      %dma_wait3A_3964 = arith.constant 0 : i32
      %dma_wait3A_3965 = tpu.memref_slice %arg25[%dma_wait3A_3964] : memref<262144xf32, #tpu.memory_space<vmem_shared>> -> memref<262144xf32, #tpu.memory_space<vmem_shared>>
      tpu.wait_indirect_dma semaphore(%arg27 : memref<!tpu.dma_semaphore, #tpu.memory_space<semaphore_mem>>) src(%dma_wait3A_3963 : memref<128xf32, #tpu.memory_space<vmem>>) dst(%dma_wait3A_3965 : memref<262144xf32, #tpu.memory_space<vmem_shared>>)
      %dma_wait3A_3966 = tpu.memref_slice %arg12[%mul3A_3702] : memref<16384xi32, #tpu.memory_space<vmem>> -> memref<128xi32, #tpu.memory_space<vmem>>
      %dma_wait3A_3967 = arith.constant 0 : i32
      %dma_wait3A_3968 = tpu.memref_slice %arg26[%dma_wait3A_3967] : memref<262144xi32, #tpu.memory_space<vmem_shared>> -> memref<262144xi32, #tpu.memory_space<vmem_shared>>
      tpu.wait_indirect_dma semaphore(%arg28 : memref<!tpu.dma_semaphore, #tpu.memory_space<semaphore_mem>>) src(%dma_wait3A_3966 : memref<128xi32, #tpu.memory_space<vmem>>) dst(%dma_wait3A_3968 : memref<262144xi32, #tpu.memory_space<vmem_shared>>)
      %dma_wait3A_3969 = tpu.memref_slice %arg11[%mul3A_3775] : memref<16384xf32, #tpu.memory_space<vmem>> -> memref<128xf32, #tpu.memory_space<vmem>>
      %dma_wait3A_3970 = arith.constant 0 : i32
      %dma_wait3A_3971 = tpu.memref_slice %arg25[%dma_wait3A_3970] : memref<262144xf32, #tpu.memory_space<vmem_shared>> -> memref<262144xf32, #tpu.memory_space<vmem_shared>>
      tpu.wait_indirect_dma semaphore(%arg27 : memref<!tpu.dma_semaphore, #tpu.memory_space<semaphore_mem>>) src(%dma_wait3A_3969 : memref<128xf32, #tpu.memory_space<vmem>>) dst(%dma_wait3A_3971 : memref<262144xf32, #tpu.memory_space<vmem_shared>>)
      %dma_wait3A_3972 = tpu.memref_slice %arg12[%mul3A_3780] : memref<16384xi32, #tpu.memory_space<vmem>> -> memref<128xi32, #tpu.memory_space<vmem>>
      %dma_wait3A_3973 = arith.constant 0 : i32
      %dma_wait3A_3974 = tpu.memref_slice %arg26[%dma_wait3A_3973] : memref<262144xi32, #tpu.memory_space<vmem_shared>> -> memref<262144xi32, #tpu.memory_space<vmem_shared>>
      tpu.wait_indirect_dma semaphore(%arg28 : memref<!tpu.dma_semaphore, #tpu.memory_space<semaphore_mem>>) src(%dma_wait3A_3972 : memref<128xi32, #tpu.memory_space<vmem>>) dst(%dma_wait3A_3974 : memref<262144xi32, #tpu.memory_space<vmem_shared>>)
      %dma_wait3A_3975 = tpu.memref_slice %arg11[%mul3A_3853] : memref<16384xf32, #tpu.memory_space<vmem>> -> memref<128xf32, #tpu.memory_space<vmem>>
      %dma_wait3A_3976 = arith.constant 0 : i32
      %dma_wait3A_3977 = tpu.memref_slice %arg25[%dma_wait3A_3976] : memref<262144xf32, #tpu.memory_space<vmem_shared>> -> memref<262144xf32, #tpu.memory_space<vmem_shared>>
      tpu.wait_indirect_dma semaphore(%arg27 : memref<!tpu.dma_semaphore, #tpu.memory_space<semaphore_mem>>) src(%dma_wait3A_3975 : memref<128xf32, #tpu.memory_space<vmem>>) dst(%dma_wait3A_3977 : memref<262144xf32, #tpu.memory_space<vmem_shared>>)
      %dma_wait3A_3978 = tpu.memref_slice %arg12[%mul3A_3858] : memref<16384xi32, #tpu.memory_space<vmem>> -> memref<128xi32, #tpu.memory_space<vmem>>
      %dma_wait3A_3979 = arith.constant 0 : i32
      %dma_wait3A_3980 = tpu.memref_slice %arg26[%dma_wait3A_3979] : memref<262144xi32, #tpu.memory_space<vmem_shared>> -> memref<262144xi32, #tpu.memory_space<vmem_shared>>
      tpu.wait_indirect_dma semaphore(%arg28 : memref<!tpu.dma_semaphore, #tpu.memory_space<semaphore_mem>>) src(%dma_wait3A_3978 : memref<128xi32, #tpu.memory_space<vmem>>) dst(%dma_wait3A_3980 : memref<262144xi32, #tpu.memory_space<vmem_shared>>)
      %dma_wait3A_3981 = tpu.memref_slice %arg11[%mul3A_3931] : memref<16384xf32, #tpu.memory_space<vmem>> -> memref<128xf32, #tpu.memory_space<vmem>>
      %dma_wait3A_3982 = arith.constant 0 : i32
      %dma_wait3A_3983 = tpu.memref_slice %arg25[%dma_wait3A_3982] : memref<262144xf32, #tpu.memory_space<vmem_shared>> -> memref<262144xf32, #tpu.memory_space<vmem_shared>>
      tpu.wait_indirect_dma semaphore(%arg27 : memref<!tpu.dma_semaphore, #tpu.memory_space<semaphore_mem>>) src(%dma_wait3A_3981 : memref<128xf32, #tpu.memory_space<vmem>>) dst(%dma_wait3A_3983 : memref<262144xf32, #tpu.memory_space<vmem_shared>>)
      %dma_wait3A_3984 = tpu.memref_slice %arg12[%mul3A_3936] : memref<16384xi32, #tpu.memory_space<vmem>> -> memref<128xi32, #tpu.memory_space<vmem>>
      %dma_wait3A_3985 = arith.constant 0 : i32
      %dma_wait3A_3986 = tpu.memref_slice %arg26[%dma_wait3A_3985] : memref<262144xi32, #tpu.memory_space<vmem_shared>> -> memref<262144xi32, #tpu.memory_space<vmem_shared>>
      tpu.wait_indirect_dma semaphore(%arg28 : memref<!tpu.dma_semaphore, #tpu.memory_space<semaphore_mem>>) src(%dma_wait3A_3984 : memref<128xi32, #tpu.memory_space<vmem>>) dst(%dma_wait3A_3986 : memref<262144xi32, #tpu.memory_space<vmem_shared>>)
    }
    %scan3A_3311 = arith.constant 16 : i32
    %barrier3A = arith.constant 0 : index
    tpu.barrier barrier_id(%barrier3A)
    "tpu.region"() ({
      %run_scoped3A = tpu.sem_alloc : memref<!tpu.dma_semaphore, #tpu.memory_space<semaphore_mem>>
      %dma_start3A = tpu.memref_slice %arg5[%mul3A_0] : memref<262144xf32, #tpu.memory_space<hbm>> -> memref<16384xf32, #tpu.memory_space<hbm>>
      %dma_start3A_3312 = tpu.memref_slice %arg25[%mul3A_0] : memref<262144xf32, #tpu.memory_space<vmem_shared>> -> memref<16384xf32, #tpu.memory_space<vmem_shared>>
      tpu.enqueue_dma source(%dma_start3A_3312 : memref<16384xf32, #tpu.memory_space<vmem_shared>>) target(%dma_start3A : memref<16384xf32, #tpu.memory_space<hbm>>) target_semaphore(%run_scoped3A : memref<!tpu.dma_semaphore, #tpu.memory_space<semaphore_mem>>)
      %dma_wait3A = tpu.memref_slice %arg5[%mul3A_0] : memref<262144xf32, #tpu.memory_space<hbm>> -> memref<16384xf32, #tpu.memory_space<hbm>>
      %dma_wait3A_3313 = tpu.memref_slice %arg25[%mul3A_0] : memref<262144xf32, #tpu.memory_space<vmem_shared>> -> memref<16384xf32, #tpu.memory_space<vmem_shared>>
      tpu.wait_dma2 semaphore(%run_scoped3A : memref<!tpu.dma_semaphore, #tpu.memory_space<semaphore_mem>>) src(%dma_wait3A_3313 : memref<16384xf32, #tpu.memory_space<vmem_shared>>) dst(%dma_wait3A : memref<16384xf32, #tpu.memory_space<hbm>>)
      tpu.yield
    }) : () -> ()
    "tpu.region"() ({
      %run_scoped3A = tpu.sem_alloc : memref<!tpu.dma_semaphore, #tpu.memory_space<semaphore_mem>>
      %dma_start3A = tpu.memref_slice %arg6[%mul3A_0] : memref<262144xi32, #tpu.memory_space<hbm>> -> memref<16384xi32, #tpu.memory_space<hbm>>
      %dma_start3A_3312 = tpu.memref_slice %arg26[%mul3A_0] : memref<262144xi32, #tpu.memory_space<vmem_shared>> -> memref<16384xi32, #tpu.memory_space<vmem_shared>>
      tpu.enqueue_dma source(%dma_start3A_3312 : memref<16384xi32, #tpu.memory_space<vmem_shared>>) target(%dma_start3A : memref<16384xi32, #tpu.memory_space<hbm>>) target_semaphore(%run_scoped3A : memref<!tpu.dma_semaphore, #tpu.memory_space<semaphore_mem>>)
      %dma_wait3A = tpu.memref_slice %arg6[%mul3A_0] : memref<262144xi32, #tpu.memory_space<hbm>> -> memref<16384xi32, #tpu.memory_space<hbm>>
      %dma_wait3A_3313 = tpu.memref_slice %arg26[%mul3A_0] : memref<262144xi32, #tpu.memory_space<vmem_shared>> -> memref<16384xi32, #tpu.memory_space<vmem_shared>>
      tpu.wait_dma2 semaphore(%run_scoped3A : memref<!tpu.dma_semaphore, #tpu.memory_space<semaphore_mem>>) src(%dma_wait3A_3313 : memref<16384xi32, #tpu.memory_space<vmem_shared>>) dst(%dma_wait3A : memref<16384xi32, #tpu.memory_space<hbm>>)
      tpu.yield
    }) : () -> ()
    return
  }
}

</mosaic_0001>

<sc_bundles>
// kernel: _reorder.4.cloned.1.call-start
scs
__scs_entry_jumppad:
0x0: {  	(pc) =	sbr.rel $0x88, $3  }
0x1: {  	(tag) =	ssettag $0x0;
	lr =	simm.s32 $0x1  }
0x2: {  	[smem:$0x3F9F] =	sst lr;
	_ =	strace $0xD0000000  }
0x3: {  	_ = 	snop  }
0x4: {  	_ = 	snop  }
0x5: {  	_ = 	snop  }
0x6: {  	_ = 	snop  }
0x7: {  	_ = 	snop  }
__scs_overlays_trampoline_lowered:
0x8: {  	[smem:$0x3FAE] =	sst s0  }
0x9: {  	[smem:$0x3FAF] =	sst s1  }
0xa: {  	[smem:$0x3FB0] =	sst s2  }
0xb: {  	[smem:$0x3FB1] =	sst s3  }
0xc: {  	[smem:$0x3FB2] =	sst s4  }
0xd: {  	[smem:$0x3FB3] =	sst s5  }
0xe: {  	[smem:$0x3FB4] =	sst s6  }
0xf: {  	[smem:$0x3FB5] =	sst s7  }
0x10: {  	[smem:$0x3FB6] =	sst s8  }
0x11: {  	[smem:$0x3FB7] =	sst s9;
	s0 =	simm.s32 @!p0 $0x0  }
0x12: {  	s1 =	sld [smem:$0x3F9D];
	s0 =	simm.s32 @p0 $0x1  }
0x13: {  	[smem:$0x3FB8] =	sst s0;
	s0 =	simm.s32 @!p1 $0x0  }
0x14: {  	s2 =	sld [smem:$0x3F9C];
	s0 =	simm.s32 @p1 $0x1  }
0x15: {  	[smem:$0x3FB9] =	sst s0;
	s0 =	simm.s32 @!p2 $0x0  }
0x16: {  	s3 =	sld [smem:$0x3FDB];
	s0 =	simm.s32 @p2 $0x1  }
0x17: {  	s4 =	simm.s32 $0x1BF5;
	[smem:$0x3FBB] =	sst s0  }
0x18: {  	s0 =	sld [smem:$0x3F9E];
	_ =	swait.ge [sflag:s4], $0x0  }
0x19: {  	s7 =	sld [smem:$0x3F9F]  }
0x1a: {  	s8 =	sadd.s32 $0xFFFFE003, lr  }
0x1b: {  	s9 =	sadd.s32 $0xFFFFFEF7, lr;
	s5 =	simm.s32 $0xFFFFFFFF;
	p2 =	slt.u32 s8, $0xFFFFF086  }
0x1c: {  	p1 =	slt.u32 s9, $0xF7A;
	s5 =	simm.s32 @!p2 $0x0  }
0x1d: {  	s5 =	simm.s32 @p1 $0x1;
	p0 =	seq.s32 s7, s2  }
0x1e: {  	s7 =	smul.u32 @!p0 $0xF7A, s2;
	p2 =	seq.s32 @!p0 s5, $0x0  }
0x1f: {  	s9 =	smul.u32 $0xF7A, s1;
	s8 =	simm.s32 @!p0 $0x1BF5;
	p2 =	por !p2, p0  }
0x20: {  	[sflag:s8] =	ssyncset.s32 @!p0 $0xFFFFF086;
	s6 =	sadd.s32 @!p0 s3, s7;
	s7 =	simm.s32 @!p0 $0x108  }
0x21: {  	s3 =	sadd.s32 s3, s9;
	s6 =	sadd.s32 @!p0 $0x88, s6;
	s7 =	simm.s32 @p2 $0x1082  }
0x22: {  	[simem:s7], [sflag:s8] =	dma.local @!p0 [hbm:s6], $0xF7A  }
0x23: {  	s9 =	sor.u32 $0xD0000000, s2;
	s6 =	simm.s32 $0x108;
	_ =	swait.ge @!p0 [sflag:s8], $0x0  }
0x24: {  	s3 =	sadd.s32 $0x88, s3;
	s6 =	simm.s32 @!p1 $0x1082;
	[sflag:s4] =	ssyncset.s32 $0xFFFFF086  }
0x25: {  	[simem:s6], [sflag:s4] =	dma.local [hbm:s3], $0xF7A  }
0x26: {  	[smem:$0x3F9F] =	sst s1;
	(tag) =	ssettag s2;
	_ =	strace s9  }
0x27: {  	s1 =	sld [smem:$0x3FAF]  }
0x28: {  	s2 =	sld [smem:$0x3FB0]  }
0x29: {  	s4 =	sld [smem:$0x3FB2]  }
0x2a: {  	p0 =	seq.s32 s5, $0x0;
	s5 =	sld [smem:$0x3FB3]  }
0x2b: {  	s6 =	sld [smem:$0x3FB4]  }
0x2c: {  	s7 =	sld [smem:$0x3FB5]  }
0x2d: {  	s3 =	simm.s32 $0x108;
	s8 =	sld [smem:$0x3FB6]  }
0x2e: {  	s3 =	simm.s32 @!p0 $0x1082;
	s9 =	sld [smem:$0x3FB7]  }
0x2f: {  	lr =	sadd.s32 s0, s3;
	s0 =	sld [smem:$0x3FAE]  }
0x30: {  	s3 =	sld [smem:$0x3FB1]  }
0x31: {  	[smem:$0x3FBA] =	sst s10  }
0x32: {  	s10 =	sld [smem:$0x3FB8];
	_ =	sdelay $0x3  }
0x33: {  	p0 =	seq.s32 s10, $0x1;
	s10 =	sld [smem:$0x3FBA];
	_ =	sdelay $0x3  }
0x34: {  	[smem:$0x3FBA] =	sst s10  }
0x35: {  	s10 =	sld [smem:$0x3FB9];
	_ =	sdelay $0x3  }
0x36: {  	p1 =	seq.s32 s10, $0x1;
	s10 =	sld [smem:$0x3FBA];
	_ =	sdelay $0x3  }
0x37: {  	[smem:$0x3FBA] =	sst s10  }
0x38: {  	s10 =	sld [smem:$0x3FBB]  }
0x39: {  	_ = 	snop;
	(pc) =	sbr.ind lr, $3  }
0x3a: {  	_ = 	snop  }
0x3b: {  	_ = 	snop  }
0x3c: {  	p2 =	seq.s32 s10, $0x1;
	s10 =	sld [smem:$0x3FBA]  }
0x3d: {  	_ =	shalt  }
0x3e: {  	_ =	shalt  }
0x3f: {  	_ =	shalt  }
0x40: {  	_ =	shalt  }
0x41: {  	_ =	shalt  }
0x42: {  	_ =	shalt  }
0x43: {  	_ =	shalt  }
0x44: {  	_ =	shalt  }
0x45: {  	_ =	shalt  }
0x46: {  	_ =	shalt  }
0x47: {  	_ =	shalt  }
0x48: {  	_ =	shalt  }
0x49: {  	_ =	shalt  }
0x4a: {  	_ =	shalt  }
0x4b: {  	_ =	shalt  }
0x4c: {  	_ =	shalt  }
0x4d: {  	_ =	shalt  }
0x4e: {  	_ =	shalt  }
0x4f: {  	_ =	shalt  }
0x50: {  	_ =	shalt  }
0x51: {  	_ =	shalt  }
0x52: {  	_ =	shalt  }
0x53: {  	_ =	shalt  }
0x54: {  	_ =	shalt  }
0x55: {  	_ =	shalt  }
0x56: {  	_ =	shalt  }
0x57: {  	_ =	shalt  }
0x58: {  	_ =	shalt  }
0x59: {  	_ =	shalt  }
0x5a: {  	_ =	shalt  }
0x5b: {  	_ =	shalt  }
0x5c: {  	_ =	shalt  }
0x5d: {  	_ =	shalt  }
0x5e: {  	_ =	shalt  }
0x5f: {  	_ =	shalt  }
0x60: {  	_ =	shalt  }
0x61: {  	_ =	shalt  }
0x62: {  	_ =	shalt  }
0x63: {  	_ =	shalt  }
0x64: {  	_ =	shalt  }
0x65: {  	_ =	shalt  }
0x66: {  	_ =	shalt  }
0x67: {  	_ =	shalt  }
0x68: {  	_ =	shalt  }
0x69: {  	_ =	shalt  }
0x6a: {  	_ =	shalt  }
0x6b: {  	_ =	shalt  }
0x6c: {  	_ =	shalt  }
0x6d: {  	_ =	shalt  }
0x6e: {  	_ =	shalt  }
0x6f: {  	_ =	shalt  }
0x70: {  	_ =	shalt  }
0x71: {  	_ =	shalt  }
0x72: {  	_ =	shalt  }
0x73: {  	_ =	shalt  }
0x74: {  	_ =	shalt  }
0x75: {  	_ =	shalt  }
0x76: {  	_ =	shalt  }
0x77: {  	_ =	shalt  }
0x78: {  	_ =	shalt  }
0x79: {  	_ =	shalt  }
0x7a: {  	_ =	shalt  }
0x7b: {  	_ =	shalt  }
0x7c: {  	_ =	shalt  }
0x7d: {  	_ =	shalt  }
0x7e: {  	_ =	shalt  }
0x7f: {  	_ =	shalt  }
0x80: {  	_ =	shalt  }
0x81: {  	_ =	shalt  }
0x82: {  	_ =	shalt  }
0x83: {  	_ =	shalt  }
0x84: {  	_ =	shalt  }
0x85: {  	_ =	shalt  }
0x86: {  	_ =	shalt  }
0x87: {  	_ =	shalt  }
.Lfunc_end0:
.L_simem_size_0:
called_computation_lowered:
.L_overlay_start_0:
0x88: {  	s2 =	sld [smem:$0x3FD9]  }
0x89: {  	s3 =	sld [smem:$0x3FFE];
	_ =	sdelay $0x1  }
0x8a: {  	s1 =	srdreg.scid  }
0x8b: {  	s0 =	sand.u32 $0x1, s1  }
0x8c: {  	s17 =	sshll.u32 s0, $0xA;
	s2 =	sadd.s32 s3, s2  }
0x8d: {  	s2 =	sadd.s32 s2, s17  }
0x8e: {  	[smem:$0x3FC6] =	sst s2  }
0x8f: {  	_ = 	snop  }
0x90: {  	s2 =	sld [smem:$0x3FC8];
	(tm) =	ssettm $0x1  }
0x91: {  	s18 =	sld [smem:$0x3FFB];
	_ =	sdelay $0x3  }
0x92: {  	_ =	strace s18  }
0x93: {  	s3 =	sld [smem:$0x3FFC];
	_ =	sdelay $0x3  }
0x94: {  	_ =	strace s3  }
0x95: {  	s3 =	sld [smem:$0x3FFD];
	_ =	sdelay $0x3  }
0x96: {  	_ =	strace s3  }
0x97: {  	_ =	strace $0x8FFFFFFF  }
0x98: {  	s19 =	sld [smem:$0x3FDB];
	_ =	sdelay $0x1  }
0x99: {  	s4 =	simm.s32 $_scs_section_size  }
0x9a: {  	s5 =	simm.s32 $_size__tile_overlayer_lowered;
	s6 =	simm.s32 $_tile_overlayer_lowered  }
0x9b: {  	s22 =	simm.s32 $0x1BFF;
	s21 =	sshll.u32 s6, $0x1;
	s3 =	sadd.s32 s4, s19  }
0x9c: {  	s7 =	simm.s32 $0x0;
	s20 =	sshll.u32 s5, $0x1;
	s5 =	sadd.s32 s21, s3  }
0x9d: {  	[timem:s7], [sflag:s22] =	dma.local [hbm:s5], s20  }
0x9e: {  	_ =	swait.ge [sflag:s22], s20  }
0x9f: {  	s4 =	ssub.s32 $0x0, s20;
	[sflag:s22] =	ssyncset.done $0x0  }
0xa0: {  	[sflag:s22] =	ssyncadd.s32 s4;
	_ =	sdelay $0x1  }
0xa1: {  	s23 =	simm.s32 $0x1B8B  }
0xa2: {  	_ =	swait.ge [sflag:s23], $0x1  }
0xa3: {  	[sflag:s23] =	ssyncset.done $0x0  }
0xa4: {  	s25 =	simm.s32 $0x1B8E;
	s24 =	sld [smem:$0x3FFE];
	[sflag:s23] =	ssyncadd.s32 $0xFFFFFFFF  }
0xa5: {  	s26 =	simm.s32 $execute0_lowered;
	[smem:$0x3FD2] =	sst s25  }
0xa6: {  	s5 =	sshll.u32 s26, $0x1;
	_ =	strace $0x80000046;
	[dreg:$0x1] =	wrdreg $0xFFFFFFFF  }
0xa7: {  	s28 =	simm.s32 $_size_execute0_lowered;
	s3 =	sadd.s32 s3, s5;
	[dreg:$0x0] =	wrdreg $0x0  }
0xa8: {  	s5 =	sshll.u32 s28, $0x1;
	[dreg:$0x2] =	wrdreg s3  }
0xa9: {  	[dreg:$0x3] =	wrdreg s5  }
0xaa: {  	[dreg:$0x4] =	wrdreg $0xC0  }
0xab: {  	_ =	task [dreg:s7], $0x5FFFF  }
0xac: {  	[dreg:$0x1] =	wrdreg $0xFFFFFFFF  }
0xad: {  	[dreg:$0x0] =	wrdreg $0x60  }
0xae: {  	[dreg:$0x2] =	wrdreg s2  }
0xaf: {  	[dreg:$0x3] =	wrdreg s24  }
0xb0: {  	[dreg:$0x4] =	wrdreg $0x9  }
0xb1: {  	_ =	task.clear_ibuf [dreg:s7], $0x5FFFF;
	_ =	strace $0x90000046  }
0xb2: {  	s29 =	simm.s32 $0x9;
	_ =	strace $0x80000048  }
0xb3: {  	_ =	swait.ge [sflag:s29], $0x1  }
0xb4: {  	[sflag:s29] =	ssyncadd.s32 $0xFFFFFFFF  }
0xb5: {  	_ =	strace $0x90000048  }
0xb6: {  	_ =	sfence  }
0xb7: {  	s30 =	sld [smem:$0x0];
	_ =	sdelay $0x2  }
0xb8: {  	s31 =	sshll.u32 s1, $0xD;
	s1 =	sshrl.u32 s1, $0x2  }
0xb9: {  	s3 =	sand.u32 $0x4000, s31;
	s1 =	sadd.s32 s1, s30  }
0xba: {  	s0 =	sor.u32 s3, s0;
	s1 =	sshll.u32 s1, $0x11  }
0xbb: {  	s0 =	sor.u32 s1, s0  }
0xbc: {  	s0 =	sadd.s32 $0x8F2B, s0  }
0xbd: {  	[sflag:s0] =	ssyncadd.remote.s32 $0x1  }
0xbe: {  	_ =	sfence.sel $0xFFFF  }
0xbf: {  	[dreg:$0x0] =	wrdreg $0xFFFFFFFF;
	(pc) =	sbr.abs _section_cstart, $3  }
0xc0: {  	[dreg:$0x1] =	wrdreg $0xFFFFFFFF  }
0xc1: {  	_ =	task.clear_ibuf [dreg:s7], $0x2FFFF;
	_ =	strace $0x9FFFFFFF  }
0xc2: {  	(tm) =	ssettm $0x7FFFFFFF  }
0xc3: {  	_ =	shalt  }
tec
execute0_lowered:
.L_overlay_start_1:
0x0: {  	(tag) =	ssettag $0x1  }
0x1: {  	s3 =	rddreg [dreg:$0x0]  }
0x2: {  	s4 =	rddreg [dreg:$0x1];
	s1 =	srdreg.scid  }
0x3: {  	s2 =	simm.s32 $0x0;
	s10 =	simm.s32 $0x8000;
	s11 =	simm.s32 $0x0  }
0x4: {  	s5 =	sand.u32 $0x1, s1;
	s1 =	stileid.u32;
	[smem:$0x7FF] =	sst s2  }
0x5: {  	s6 =	sshll.u32 s5, $0x4;
	_ =	strace $0x80000047;
	s8 =	sshll.u32 s1, $0x4  }
0x6: {  	s5 =	ssub.s32 $0x2, s5;
	s6 =	sor.u32 s1, s6;
	s8 =	sand.u32 $0x70, s8  }
0x7: {  	s9 =	sshrl.u32 s5, $0x1;
	s7 =	sshll.u32 s6, $0xA;
	s6 =	sshll.u32 s6, $0x4  }
0x8: {  	s8 =	sadd.s32 s8, s4;
	s9 =	ssub.s32 s5, s9;
	s6 =	sand.u32 $0x180, s6  }
0x9: {  	s4 =	sadd.s32 s7, s4;
	s3 =	sadd.s32 s3, s7;
	s7 =	simm.s32 $0x1  }
0xa: {  	v0 =	vlaneseq.u32;
	vm0 =	vcmask $0x3F3C;
	v4 =	vimm.s32 $0x0;
	s31 =	sadd.s32 s6, s8;
	s4 =	sadd.s32 $0xE00, s4;
	s6 =	smax.u32 s9, $0x1  }
0xb: {  	v1 =	vor.u32 $0x80000000, v0;
	v2 =	vadd.s32 $0xFFFFFFFF, v0;
	v3 =	vadd.s32 $0x1, v0;
	s8 =	simm.s32 $0x2000;
	s9 =	simm.s32 $0xA000;
	s5 =	sadd.s32 $0x8E00, s31  }
.LBB2_1:
0xc: {  	[tilespmem:s2], [sflag:$0x1] =	stream.linear.gather [hbm4b:s3+s2], $0x2000, $0x38;
	[tilespmem:$0xA080] =	vst v63  }
0xd: {  	_ =	swait.ge [sflag:s7], $0x2000  }
0xe: {  	[sflag:s7] =	ssyncset.done $0x0  }
0xf: {  	s13 =	simm.s32 $0x40;
	[sflag:s7] =	ssyncadd.s32 $0xFFFFE000  }
0x10: {  	v5 =	vld [tilespmem:s13+$0xFFFFFFC0];
	_ =	sdelay $0x3  }
0x11: {  	v6 =	vld [tilespmem:s13+$0x30]  }
0x12: {  	v7 =	vld [tilespmem:s13+$0xFFFFFFE0];
	v5 =	vshll.u32 v5, $0x4  }
0x13: {  	v5 =	vxor.u32 v1, v5  }
0x14: {  	(xrf1) =	vsort.ascd.msk.u32 $0xffff, v5, v0  }
0x15: {  	v8 =	vld [tilespmem:s13+$0x10]  }
0x16: {  	v9 =	vld [tilespmem:s13+$0xFFFFFFF0];
	v6 =	vshll.u32 v6, $0x4  }
0x17: {  	v10 =	vld [tilespmem:s13+$0x20];
	v7 =	vshll.u32 v7, $0x4;
	v5 =	vxor.u32 v1, v6  }
0x18: {  	v7 =	vxor.u32 v1, v7;
	(xrf1) =	vsort.ascd.msk.u32 $0xffff, v5, v0;
	v5 =	vld [tilespmem:s13+$0xFFFFFFD0]  }
0x19: {  	v12 =	vld [tilespmem:s13+$0x0];
	(xrf1) =	vsort.ascd.msk.u32 $0xffff, v7, v0  }
0x1a: {  	s12 =	simm.s32 $0x0;
	v8 =	vshll.u32 v8, $0x4  }
0x1b: {  	s14 =	simm.s32 $0x10;
	v11 =	vor.u32 s12, v3;
	v9 =	vshll.u32 v9, $0x4;
	v8 =	vxor.u32 v1, v8  }
0x1c: {  	s17 =	simm.s32 $0x50;
	v14 =	vadd.s32 s14, v3;
	v7 =	vxor.u32 v1, v9;
	v9 =	vshll.u32 v10, $0x4;
	(xrf1) =	vsort.ascd.msk.u32 $0xffff, v8, v0  }
0x1d: {  	s15 =	simm.s32 $0x40;
	v15 =	vadd.s32 s17, v2;
	v9 =	vxor.u32 v1, v9;
	(xrf1) =	vsort.ascd.msk.u32 $0xffff, v7, v0;
	v5 =	vshll.u32 v5, $0x4  }
0x1e: {  	s16 =	simm.s32 $0x30;
	s19 =	simm.s32 $0x70;
	v16 =	vadd.s32 s15, v2;
	v12 =	vshll.u32 v12, $0x4;
	(xrf1) =	vsort.ascd.msk.u32 $0xffff, v9, v0;
	v5 =	vxor.u32 v1, v5  }
0x1f: {  	s20 =	simm.s32 $0x60;
	v17 =	vadd.s32 s19, v3;
	v8 =	vadd.s32 s16, v2;
	(xrf1) =	vsort.ascd.msk.u32 $0xffff, v5, v0;
	v5 =	vxor.u32 v1, v12  }
0x20: {  	v19 =	vadd.s32 s20, v2;
	v21 =	vadd.s32 s17, v3;
	(xrf1) =	vsort.ascd.msk.u32 $0xffff, v5, v0;
	v5 =	vadd.s32 s19, v2  }
0x21: {  	s18 =	simm.s32 $0x20;
	v23 =	vadd.s32 s16, v3;
	vm2 =	vgt.s32 v8, s16;
	vm5 =	vgt.s32 v5, s19  }
0x22: {  	s26 =	simm.s32 $0x1F;
	v7 =	vadd.s32 s18, v2;
	v18 =	vnsel vm5, s19, v5;
	v5 =	vnsel vm2, s16, v8;
	v8, v13, _ =	vpop (xrf1)  }
0x23: {  	s21 =	simm.s32 $0xF;
	s22 =	simm.s32 $0x7F;
	vm1 =	vlt.s32 v14, s26;
	v6 =	vadd.s32 s12, v2;
	v8 =	vshra.s32 v8, $0x4  }
0x24: {  	vm4 =	vlt.s32 v11, s21;
	vm6 =	vlt.s32 v17, s22;
	vm3 =	vgt.s32 v6, s12  }
0x25: {  	s30 =	simm.s32 $0x5F;
	v11 =	vnsel vm4, s21, v11;
	v6 =	vnsel vm3, s12, v6;
	vm7 =	vgt.s32 v7, s18  }
0x26: {  	s28 =	simm.s32 $0x2F;
	vm3 =	vlt.s32 v21, s30;
	v9 =	vor.u32 s18, v3;
	v20 =	vnsel vm7, s18, v7;
	v22, v7, _ =	vpop (xrf1)  }
0x27: {  	v24 =	vnsel vm3, s30, v21;
	vm15 =	vlt.s32 v9, s28;
	v25 =	vxor.u32 $0xF8000000, v8;
	v21, v8, _ =	vpop (xrf1)  }
0x28: {  	s13 =	simm.s32 $0xC0;
	s12 =	simm.s32 $0x2040;
	v26 =	vnsel vm15, s28, v9;
	v22 =	vshra.s32 v22, $0x4;
	v9 =	vshra.s32 v21, $0x4  }
0x29: {  	vm8 =	vgt.s32 v15, s17;
	vm10 =	vgt.s32 v16, s15;
	v37 =	vld [tilespmem:s13+$0x10];
	v22 =	vxor.u32 $0xF8000000, v22;
	[tilespmem:s12+$0xFFFFFFC0] =	vst v25  }
0x2a: {  	v62 =	vor.u32 s15, v3;
	v15 =	vnsel vm8, s17, v15;
	v16 =	vnsel vm10, s15, v16;
	[tilespmem:s12+$0x30] =	vst v22;
	v30 =	vld.idx.msk [tilespmem:v6+s8+$0x0], $0xffff;
	v27, v21, _ =	vpop (xrf1)  }
0x2b: {  	s31 =	simm.s32 $0x3F;
	v10 =	vadd.s32 s14, v2;
	vm3 =	vgt.s32 v19, s20;
	v28 =	vld.idx.msk [tilespmem:v18+s8+$0x0], $0xffff;
	v29 =	vxor.u32 $0xF8000000, v9;
	v9, v18, _ =	vpop (xrf1)  }
0x2c: {  	v31 =	vnsel vm3, s20, v19;
	vm3 =	vlt.s32 v23, s31;
	v32 =	vld.idx.msk [tilespmem:v11+s8+$0x0], $0xffff;
	v19 =	vshra.s32 v27, $0x4;
	[tilespmem:s12+$0xFFFFFFE0] =	vst v29;
	v27, v6, _ =	vpop (xrf1)  }
0x2d: {  	s15 =	simm.s32 $0xC0;
	vm9 =	vgt.s32 v10, s14;
	v20 =	vld.idx.msk [tilespmem:v20+s8+$0x0], $0xffff;
	v11 =	vshra.s32 v27, $0x4;
	v27 =	vnsel vm3, s31, v23  }
0x2e: {  	v17 =	vnsel vm6, s22, v17;
	v41 =	vadd.s32 s15, v2;
	s30 =	simm.s32 $0xA0;
	v10 =	vnsel vm9, s14, v10  }
0x2f: {  	s29 =	simm.s32 $0x6F;
	v40 =	vld [tilespmem:s13+$0x0];
	v39 =	vadd.s32 s30, v2;
	s18 =	simm.s32 $0xD0;
	v12 =	vor.u32 s20, v3;
	v9 =	vshra.s32 v9, $0x4  }
0x30: {  	s0 =	simm.s32 $0x4F;
	v48 =	vadd.s32 s18, v2;
	vm2 =	vlt.s32 v12, s29;
	v26 =	vld.idx.msk [tilespmem:v26+s8+$0x0], $0xffff;
	v9 =	vxor.u32 $0xF8000000, v9  }
0x31: {  	v44 =	vld [tilespmem:s13+$0x20];
	v51 =	vshll.u32 v37, $0x4;
	v12 =	vnsel vm2, s29, v12;
	vm2 =	vlt.s32 v62, s0;
	[tilespmem:s12+$0xFFFFFFF0] =	vst v9  }
0x32: {  	v33 =	vxor.u32 $0xF8000000, v19;
	vm3 =	vne.s32 v25, v32;
	vm11 =	veq.s32 v29, v20;
	v20 =	vld.idx.msk [tilespmem:v27+s8+$0x0], $0xffff  }
0x33: {  	v47 =	vld [tilespmem:s13+$0xFFFFFFE0];
	v34 =	vxor.u32 $0xF8000000, v11;
	v35, v19, _ =	vpop (xrf1);
	v11 =	vnsel vm1, s26, v14;
	vm1 =	veq.s32 v22, v28  }
0x34: {  	v17 =	vld.idx.msk [tilespmem:v17+s8+$0x0], $0xffff;
	[tilespmem:s12+$0x20] =	vst v34;
	v28 =	vshra.s32 v35, $0x4;
	v27 =	vnsel vm2, s0, v62;
	vm2 =	veq.s32 v25, v30  }
0x35: {  	v31 =	vld.idx.msk [tilespmem:v31+s8+$0x0], $0xffff;
	v25 =	vxor.u32 $0xF8000000, v28;
	v28 =	vsel vm2, $0x80000000, v1;
	vm2 =	vne.s32 v29, v26  }
0x36: {  	v54 =	vshll.u32 v40, $0x4;
	v56 =	vshll.u32 v44, $0x4;
	v36, v23, _ =	vpop (xrf1);
	v30 =	vld.idx.msk [tilespmem:v12+s8+$0x0], $0xffff;
	vm2 =	vmor vm2, vm0  }
0x37: {  	v14 =	vshra.s32 v36, $0x4;
	v12 =	vsel vm2, $0x1, v4;
	vm2 =	vne.s32 v9, v20;
	v20 =	vld [tilespmem:s13+$0xFFFFFFC0]  }
0x38: {  	v52 =	vxor.u32 v1, v51;
	s16 =	simm.s32 $0x90;
	s29 =	simm.s32 $0xB0;
	[tilespmem:s12+$0x10] =	vst v33;
	v63 =	vxor.u32 $0xF8000000, v14;
	v14 =	vsel vm11, $0x80000000, v1  }
0x39: {  	v40 =	vxor.u32 v1, v56;
	v38 =	vadd.s32 s16, v2;
	v50 =	vadd.s32 s29, v2;
	v15 =	vld.idx.msk [tilespmem:v15+s8+$0x0], $0xffff;
	(xrf0) =	vmax.scan.msk.u32 $0xffff, v14  }
0x3a: {  	vm12 =	vne.s32 v22, v17;
	v24 =	vld.idx.msk [tilespmem:v24+s8+$0x0], $0xffff;
	s31 =	simm.s32 $0xF0;
	v32 =	vshll.u32 v47, $0x4;
	[tilespmem:s12+$0x0] =	vst v63;
	(xrf0) =	vmax.scan.msk.u32 $0xffff, v28  }
0x3b: {  	vm3 =	vmor vm3, vm0;
	v22 =	vadd.s32 s16, v3;
	v57 =	vadd.s32 s31, v2;
	v26 =	vld.idx.msk [tilespmem:v16+s8+$0x0], $0xffff  }
0x3c: {  	v14 =	vsel vm3, $0x1, v4;
	vm3 =	veq.s32 v34, v31;
	v31 =	vld [tilespmem:s13+$0x30];
	v20 =	vshll.u32 v20, $0x4  }
0x3d: {  	v42 =	vadd.s32 s31, v3;
	vm10 =	vgt.s32 v57, s31;
	v20 =	vxor.u32 v1, v20  }
0x3e: {  	s23 =	simm.s32 $0xFF;
	v43 =	vld [tilespmem:s13+$0xFFFFFFF0];
	vm13 =	veq.s32 v33, v15;
	v15 =	vsel vm3, $0x80000000, v1;
	vm3 =	vmor vm12, vm0;
	(xrf1) =	vsort.ascd.msk.u32 $0xffff, v20, v0  }
0x3f: {  	vm8 =	vlt.s32 v42, s23;
	v16 =	vsel vm3, $0x1, v4;
	v28 =	vld.idx.msk [tilespmem:v27+s8+$0x0], $0xffff;
	vm3 =	vne.s32 v33, v24;
	v24, _, _ =	vpop (xrf0)  }
0x40: {  	v42 =	vnsel vm8, s23, v42;
	v17 =	vsel vm13, $0x80000000, v1;
	vm15 =	veq.s32 v63, v26;
	v26, _, _ =	vpop (xrf0);
	(xrf0) =	vmax.scan.msk.u32 $0xffff, v15  }
0x41: {  	v27 =	vsel vm1, $0x80000000, v1;
	v15 =	vld [tilespmem:s13+$0xFFFFFFD0];
	v31 =	vshll.u32 v31, $0x4;
	v49 =	vsub.s32 v0, v26;
	(xrf0) =	vmax.scan.msk.u32 $0xffff, v17  }
0x42: {  	vm11 =	vgt.s32 v39, s30;
	(xrf0) =	vmax.scan.msk.u32 $0xffff, v27;
	v20 =	vxor.u32 v1, v31;
	v31 =	vshll.u32 v49, $0x4  }
0x43: {  	vm3 =	vmor vm3, vm0;
	(xrf1) =	vsort.ascd.msk.u32 $0xffff, v20, v0;
	v31 =	vor.u32 v13, v31;
	v13 =	vxor.u32 v1, v32  }
0x44: {  	s17 =	simm.s32 $0x80;
	v27 =	vsel vm3, $0x1, v4;
	vm3 =	vne.s32 v63, v28;
	v28 =	vshll.u32 v43, $0x4;
	(xrf1) =	vsort.ascd.msk.u32 $0xffff, v13, v0  }
0x45: {  	s0 =	simm.s32 $0xE0;
	v39 =	vnsel vm11, s30, v39;
	v29 =	vadd.s32 s17, v2;
	v28 =	vxor.u32 v1, v28;
	(xrf1) =	vsort.ascd.msk.u32 $0xffff, v52, v0  }
0x46: {  	v55 =	vadd.s32 s0, v2;
	vm13 =	vgt.s32 v29, s17;
	v15 =	vshll.u32 v15, $0x4;
	v20, _, _ =	vpop (xrf0);
	(xrf1) =	vsort.ascd.msk.u32 $0xffff, v28, v0  }
0x47: {  	vm7 =	vgt.s32 v55, s0;
	v29 =	vnsel vm13, s17, v29;
	v15 =	vxor.u32 v1, v15;
	v53, _, _ =	vpop (xrf0);
	(xrf1) =	vsort.ascd.msk.u32 $0xffff, v40, v0  }
0x48: {  	vm13 =	vgt.s32 v38, s16;
	v37 =	vnsel vm7, s0, v55;
	v13, _, _ =	vpop (xrf0);
	(xrf1) =	vsort.ascd.msk.u32 $0xffff, v15, v0;
	v15 =	vxor.u32 v1, v54  }
0x49: {  	s14 =	simm.s32 $0x9F;
	vm12 =	vgt.s32 v50, s29;
	vm14 =	vne.s32 v34, v30;
	v13 =	vsub.s32 v0, v13  }
0x4a: {  	s24 =	simm.s32 $0x8F;
	[tilespmem:s12+$0xFFFFFFD0] =	vst v25;
	v30 =	vor.u32 s17, v3;
	vm1 =	vlt.s32 v22, s14;
	v13 =	vshll.u32 v13, $0x4  }
0x4b: {  	vm9 =	vlt.s32 v30, s24;
	(xrf1) =	vsort.ascd.msk.u32 $0xffff, v15, v0;
	v28 =	vor.u32 v7, v13;
	v13 =	vsel vm15, $0x80000000, v1  }
0x4c: {  	vm14 =	vmor vm14, vm0;
	vm5 =	vmor vm2, vm0;
	(xrf0) =	vmax.scan.msk.u32 $0xffff, v13;
	v13 =	vsub.s32 v0, v24;
	v24, v15, _ =	vpop (xrf1)  }
0x4d: {  	v60 =	vld.idx.msk [tilespmem:v10+s8+$0x0], $0xffff;
	v30 =	vnsel vm9, s24, v30;
	v10 =	vshll.u32 v13, $0x4;
	v13 =	vshra.s32 v24, $0x4  }
0x4e: {  	v59 =	vsel vm14, $0x1, v4;
	v17 =	vor.u32 s30, v3;
	v20 =	vsub.s32 v0, v20  }
0x4f: {  	s28 =	simm.s32 $0xDF;
	s26 =	simm.s32 $0xEF;
	v26 =	vor.u32 s0, v3;
	v58 =	vshll.u32 v20, $0x4;
	v20 =	vadd.s32 s18, v3  }
0x50: {  	vm4 =	vlt.s32 v26, s26;
	v32 =	vnsel vm10, s31, v57;
	vm11 =	vlt.s32 v20, s28  }
0x51: {  	v43 =	vnsel vm11, s28, v20;
	v20 =	vor.u32 v8, v10;
	v44 =	vxor.u32 $0xF8000000, v13;
	v8, v13, _ =	vpop (xrf1)  }
0x52: {  	s12 =	simm.s32 $0x4040;
	vm10 =	vgt.s32 v48, s18;
	v57 =	vnsel vm4, s26, v26;
	v24 =	vld.idx.msk [tilespmem:v5+s8+$0x0], $0xffff;
	v5 =	vshra.s32 v8, $0x4  }
0x53: {  	s25 =	simm.s32 $0xAF;
	v33 =	vnsel vm10, s18, v48;
	[tilespmem:s12+$0xFFFFFFC0] =	vst v31;
	v31 =	vadd.s32 s29, v3;
	v35 =	vor.u32 v6, v58  }
0x54: {  	s30 =	simm.s32 $0x20C0;
	v54 =	vor.u32 s15, v3;
	vm15 =	vlt.s32 v17, s25;
	v7 =	vnsel vm12, s29, v50  }
0x55: {  	s29 =	simm.s32 $0xBF;
	vm12 =	veq.s32 v25, v60;
	v45 =	vnsel vm15, s25, v17;
	[tilespmem:s30+$0xFFFFFFC0] =	vst v44;
	v46 =	vxor.u32 $0xF8000000, v5;
	v5, v10, _ =	vpop (xrf1)  }
0x56: {  	s13 =	simm.s32 $0x6040;
	vm2 =	vlt.s32 v31, s29;
	v17 =	vnsel vm13, s16, v38;
	[tilespmem:s12+$0xFFFFFFE0] =	vst v20;
	v30 =	vld.idx.msk [tilespmem:v30+s8+$0x0], $0xffff;
	v5 =	vshra.s32 v5, $0x4  }
0x57: {  	vm15 =	vgt.s32 v41, s15;
	v31 =	vnsel vm2, s29, v31;
	[tilespmem:s13+$0xFFFFFFE0] =	vst v12;
	v12 =	vsub.s32 v0, v53  }
0x58: {  	s31 =	simm.s32 $0xCF;
	[tilespmem:s13+$0xFFFFFFC0] =	vst v14;
	v41 =	vnsel vm15, s15, v41;
	vm2 =	vmor vm3, vm0;
	v48 =	vshll.u32 v12, $0x4  }
0x59: {  	v55 =	vld.idx.msk [tilespmem:v11+s8+$0x0], $0xffff;
	[tilespmem:s12+$0x30] =	vst v28;
	v12 =	vnsel vm1, s14, v22;
	vm1 =	vlt.s32 v54, s31;
	v28 =	vxor.u32 $0xF8000000, v5;
	v5, v8, _ =	vpop (xrf1)  }
0x5a: {  	v47 =	vsel vm2, $0x1, v4;
	v53 =	vsel vm12, $0x80000000, v1;
	v14, _, _ =	vpop (xrf0);
	v60 =	vnsel vm1, s31, v54;
	v29 =	vld.idx.msk [tilespmem:v29+s8+$0x0], $0xffff;
	[tilespmem:s30+$0x30] =	vst v46  }
0x5b: {  	[tilespmem:s13+$0x30] =	vst v16;
	v61 =	vsub.s32 v0, v14;
	v32 =	vld.idx.msk [tilespmem:v32+s8+$0x0], $0xffff;
	vm3 =	vne.s32 v44, v30;
	v14 =	vshra.s32 v5, $0x4;
	v16, v5, _ =	vpop (xrf1)  }
0x5c: {  	v52 =	vshll.u32 v61, $0x4;
	vm14 =	veq.s32 v9, v24;
	v61 =	vld.idx.msk [tilespmem:v42+s8+$0x0], $0xffff;
	vm3 =	vmor vm3, vm0;
	[tilespmem:s30+$0xFFFFFFE0] =	vst v28;
	v24, v9, _ =	vpop (xrf1)  }
0x5d: {  	[tilespmem:s12+$0x20] =	vst v35;
	v39 =	vld.idx.msk [tilespmem:v39+s8+$0x0], $0xffff;
	v20 =	vxor.u32 $0xF8000000, v14;
	v14 =	vsel vm14, $0x80000000, v1;
	v24 =	vshra.s32 v24, $0x4  }
0x5e: {  	v51 =	vld.idx.msk [tilespmem:v45+s8+$0x0], $0xffff;
	(xrf0) =	vmax.scan.msk.u32 $0xffff, v14;
	v14 =	vshra.s32 v16, $0x4;
	[tilespmem:s30+$0x10] =	vst v20;
	v24 =	vxor.u32 $0xF8000000, v24  }
0x5f: {  	v26 =	vsel vm3, $0x1, v4;
	vm3 =	vne.s32 v25, v55;
	(xrf0) =	vmax.scan.msk.u32 $0xffff, v53;
	v58 =	vld.idx.msk [tilespmem:v33+s8+$0x0], $0xffff;
	[tilespmem:s30+$0x20] =	vst v24  }
0x60: {  	[tilespmem:s13+$0x20] =	vst v59;
	v23 =	vor.u32 v23, v52;
	vm1 =	veq.s32 v44, v29;
	vm3 =	vmor vm3, vm0;
	v37 =	vld.idx.msk [tilespmem:v37+s8+$0x0], $0xffff  }
0x61: {  	[tilespmem:s12+$0x0] =	vst v23;
	v29 =	vsel vm1, $0x80000000, v1;
	v34 =	vsel vm3, $0x1, v4;
	v62, v6, _ =	vpop (xrf1);
	v16 =	vxor.u32 $0xF8000000, v14  }
0x62: {  	vm2 =	veq.s32 v46, v32;
	vm15 =	vne.s32 v46, v61;
	vm12 =	veq.s32 v28, v39;
	[tilespmem:s30+$0xFFFFFFF0] =	vst v16;
	v63, v14, _ =	vpop (xrf1)  }
0x63: {  	[tilespmem:s13+$0x0] =	vst v47;
	v11 =	vshra.s32 v62, $0x4;
	v59 =	vsel vm12, $0x80000000, v1;
	v62 =	vld.idx.msk [tilespmem:v31+s8+$0x0], $0xffff;
	v22 =	vshra.s32 v63, $0x4  }
0x64: {  	vm1 =	vne.s32 v28, v51;
	v28 =	vor.u32 v21, v48;
	(xrf0) =	vmax.scan.msk.u32 $0xffff, v59;
	v25 =	vld.idx.msk [tilespmem:v57+s8+$0x0], $0xffff;
	v22 =	vxor.u32 $0xF8000000, v22;
	v56, _, _ =	vpop (xrf0)  }
0x65: {  	vm14 =	veq.s32 v20, v58;
	v30 =	vsub.s32 v0, v56;
	[tilespmem:s30+$0x0] =	vst v22;
	v21, _, _ =	vpop (xrf0);
	vm13 =	veq.s32 v24, v37  }
0x66: {  	(xrf0) =	vmax.scan.msk.u32 $0xffff, v29;
	v30 =	vshll.u32 v30, $0x4;
	v31 =	vsub.s32 v0, v21;
	v21 =	vld.idx.msk [tilespmem:v43+s8+$0x0], $0xffff;
	v23 =	vsel vm13, $0x80000000, v1  }
0x67: {  	v63 =	vsel vm14, $0x80000000, v1;
	v32 =	vor.u32 v18, v30;
	v18 =	vshll.u32 v31, $0x4;
	v31 =	vld.idx.msk [tilespmem:v41+s8+$0x0], $0xffff;
	(xrf0) =	vmax.scan.msk.u32 $0xffff, v23  }
0x68: {  	s21 =	simm.s32 $0x2140;
	s20 =	simm.s32 $0x140;
	vm4 =	vmor vm15, vm0;
	v11 =	vxor.u32 $0xF8000000, v11;
	[tilespmem:s12+$0x10] =	vst v28;
	(xrf0) =	vmax.scan.msk.u32 $0xffff, v63  }
0x69: {  	s19 =	simm.s32 $0x17F;
	s17 =	simm.s32 $0x6140;
	s18 =	simm.s32 $0x4140;
	vm1 =	vmor vm1, vm0;
	[tilespmem:s30+$0xFFFFFFD0] =	vst v11;
	v29 =	vsel vm5, $0x1, v4;
	v33 =	vor.u32 v19, v18  }
0x6a: {  	s16 =	simm.s32 $0x8;
	s15 =	simm.s32 $0x40C0;
	s14 =	simm.s32 $0x60C0;
	[tilespmem:s13+$0x10] =	vst v27;
	v30 =	vld.idx.msk [tilespmem:v60+s8+$0x0], $0xffff;
	v19 =	vsel vm1, $0x1, v4;
	vm1 =	vne.s32 v16, v62;
	v28, _, _ =	vpop (xrf0);
	v23 =	vsel vm4, $0x1, v4  }
.LBB2_2:
0x6b: {  	s28 =	sadd.s32 $0xFFFFFF81, s19;
	v18 =	vld [tilespmem:s20+$0xFFFFFFC0];
	s25 =	sadd.s32 $0xFFFFFF91, s19;
	s26 =	sadd.s32 $0xFFFFFFB1, s19;
	vm3 =	vne.s32 v20, v21;
	vm4 =	vne.s32 v24, v25;
	v25 =	vsel vm2, $0x80000000, v1;
	[tilespmem:s12+$0xFFFFFFF0] =	vst v32  }
0x6c: {  	s22 =	sadd.s32 $0xFFFFFFC1, s19;
	s29 =	sadd.s32 $0xFFFFFFD1, s19;
	s24 =	sadd.s32 $0xFFFFFFE1, s19;
	vm5 =	veq.s32 v22, v31;
	v20 =	vadd.s32 s28, v2;
	v32 =	vor.u32 s28, v3;
	v35 =	vld [tilespmem:s20+$0x30];
	v24, _, _ =	vpop (xrf0);
	[tilespmem:s13+$0xFFFFFFF0] =	vst v29  }
0x6d: {  	s23 =	sadd.s32 $0xFFFFFFA0, s19;
	s16 =	sadd.s32 $0x8, s16;
	v21 =	vadd.s32 s25, v3;
	v36 =	vadd.s32 s29, v2;
	v31 =	vld [tilespmem:s20+$0xFFFFFFE0];
	v37 =	vsub.s32 v0, v24;
	v38, _, _ =	vpop (xrf0);
	[tilespmem:s12+$0xFFFFFFD0] =	vst v33;
	s12 =	smov.u32 s15  }
0x6e: {  	s30 =	sadd.s32 $0xFFFFFFA1, s19;
	p0 =	slt.u32 s16, $0x1F8;
	vm3 =	vmor vm3, vm0;
	vm2 =	vlt.s32 v21, s23;
	v33 =	vadd.s32 s26, v2;
	v39 =	vld [tilespmem:s20+$0x10];
	v27, _, _ =	vpop (xrf0);
	[tilespmem:s13+$0xFFFFFFD0] =	vst v34;
	s13 =	smov.u32 s14  }
0x6f: {  	s31 =	sadd.s32 $0xFFFFFFF1, s19;
	v40 =	vadd.s32 s30, v2;
	v41 =	vor.u32 s30, v3;
	v24 =	vadd.s32 s25, v2;
	s15 =	smov.u32 s18;
	s14 =	smov.u32 s17;
	v34 =	vld [tilespmem:s20+$0xFFFFFFD0]  }
0x70: {  	v29 =	vadd.s32 s22, v2;
	v43 =	vadd.s32 s31, v3;
	v18 =	vshll.u32 v18, $0x4;
	v42 =	vld [tilespmem:s20+$0x0];
	(xrf0) =	vmax.scan.msk.u32 $0xffff, v25  }
0x71: {  	vm7 =	vgt.s32 v33, s26;
	v44 =	vxor.u32 v1, v18;
	v45 =	vld [tilespmem:s20+$0xFFFFFFF0];
	v18 =	vsel vm3, $0x1, v4  }
0x72: {  	v25 =	vor.u32 s24, v3;
	v35 =	vshll.u32 v35, $0x4;
	v31 =	vshll.u32 v31, $0x4;
	v46 =	vld [tilespmem:s20+$0x20];
	(xrf1) =	vsort.ascd.msk.u32 $0xffff, v44, v0  }
0x73: {  	vm6 =	vgt.s32 v20, s28;
	v37 =	vshll.u32 v37, $0x4;
	v35 =	vxor.u32 v1, v35  }
0x74: {  	v15 =	vor.u32 v15, v37;
	v39 =	vshll.u32 v39, $0x4;
	v34 =	vshll.u32 v34, $0x4;
	(xrf1) =	vsort.ascd.msk.u32 $0xffff, v35, v0  }
0x75: {  	vm3 =	vne.s32 v22, v30;
	v37 =	vxor.u32 v1, v31;
	v35 =	vxor.u32 v1, v39;
	[tilespmem:s12+$0xFFFFFFC0] =	vst v15  }
0x76: {  	v30 =	vadd.s32 s24, v2;
	v22 =	vshll.u32 v42, $0x4;
	v15 =	vshll.u32 v45, $0x4;
	(xrf1) =	vsort.ascd.msk.u32 $0xffff, v37, v0;
	v31, _, _ =	vpop (xrf0)  }
0x77: {  	s0 =	sadd.s32 $0xFFFFFF90, s19;
	v15 =	vxor.u32 v1, v15;
	v37 =	vshll.u32 v46, $0x4;
	[tilespmem:s13+$0xFFFFFFC0] =	vst v26;
	v26 =	vsub.s32 v0, v31  }
0x78: {  	vm9 =	vlt.s32 v32, s0;
	v31 =	vxor.u32 v1, v37;
	(xrf1) =	vsort.ascd.msk.u32 $0xffff, v35, v0;
	v35 =	vsub.s32 v0, v38  }
0x79: {  	v34 =	vxor.u32 v1, v34;
	v37 =	vadd.s32 s31, v2;
	(xrf1) =	vsort.ascd.msk.u32 $0xffff, v15, v0;
	v15 =	vshll.u32 v26, $0x4  }
0x7a: {  	vm8 =	vlt.s32 v43, s19;
	vm10 =	vgt.s32 v37, s31;
	(xrf1) =	vsort.ascd.msk.u32 $0xffff, v31, v0;
	v13 =	vor.u32 v13, v15  }
0x7b: {  	vm11 =	vgt.s32 v40, s30;
	v26 =	vnsel vm10, s31, v37;
	v15 =	vsel vm5, $0x80000000, v1;
	[tilespmem:s12+$0x30] =	vst v13  }
0x7c: {  	v31 =	vnsel vm9, s0, v32;
	v32 =	vnsel vm11, s30, v40;
	s0 =	sadd.s32 $0xFFFFFFB0, s19;
	vm9 =	vmor vm4, vm0;
	(xrf1) =	vsort.ascd.msk.u32 $0xffff, v34, v0  }
0x7d: {  	s30 =	sadd.s32 $0xFFFFFFF0, s19;
	vm5 =	vlt.s32 v41, s0;
	v13 =	vxor.u32 v1, v22;
	v22 =	vshll.u32 v35, $0x4;
	[tilespmem:s13+$0x30] =	vst v23  }
0x7e: {  	vm4 =	vlt.s32 v25, s30;
	v23 =	vnsel vm7, s26, v33;
	v33 =	vsel vm9, $0x1, v4;
	(xrf1) =	vsort.ascd.msk.u32 $0xffff, v13, v0  }
0x7f: {  	v28 =	vsub.s32 v0, v28;
	v38 =	vadd.s32 s29, v3;
	s31 =	sadd.s32 $0xFFFFFFE0, s19;
	vm7 =	vgt.s32 v36, s29;
	v17 =	vld.idx.msk [tilespmem:v17+s8+$0x0], $0xffff;
	(xrf0) =	vmax.scan.msk.u32 $0xffff, v15  }
0x80: {  	v28 =	vshll.u32 v28, $0x4;
	v34 =	vnsel vm7, s29, v36;
	vm7 =	vlt.s32 v38, s31;
	v35, v15, _ =	vpop (xrf1)  }
0x81: {  	v44 =	vor.u32 v10, v28;
	v36 =	vnsel vm7, s31, v38;
	v37 =	vshra.s32 v35, $0x4;
	v28 =	vld.idx.msk [tilespmem:v7+s8+$0x0], $0xffff;
	v7 =	vmovc v23  }
0x82: {  	v20 =	vnsel vm6, s28, v20;
	vm6 =	vgt.s32 v30, s24;
	v23 =	vxor.u32 $0xF8000000, v37;
	v35, v13, _ =	vpop (xrf1);
	[tilespmem:s12+$0xFFFFFFE0] =	vst v44  }
0x83: {  	v37 =	vadd.s32 s26, v3;
	s26 =	sadd.s32 $0xFFFFFFC0, s19;
	[tilespmem:s21+$0xFFFFFFC0] =	vst v23;
	v42 =	vshra.s32 v35, $0x4;
	v35 =	vnsel vm8, s19, v43  }
0x84: {  	vm1 =	vmor vm1, vm0;
	v38 =	vnsel vm5, s0, v41;
	v39 =	vxor.u32 $0xF8000000, v42;
	v40, v10, _ =	vpop (xrf1);
	[tilespmem:s13+$0xFFFFFFE0] =	vst v19  }
0x85: {  	vm7 =	vlt.s32 v37, s26;
	vm5 =	veq.s32 v11, v17;
	v19 =	vshra.s32 v40, $0x4;
	v17, _, _ =	vpop (xrf0)  }
0x86: {  	vm8 =	vgt.s32 v24, s25;
	v19 =	vxor.u32 $0xF8000000, v19;
	[tilespmem:s21+$0x30] =	vst v39;
	v40, v41, _ =	vpop (xrf1);
	v42 =	vsub.s32 v0, v17  }
0x87: {  	v17 =	vnsel vm8, s25, v24;
	vm8 =	veq.s32 v16, v28;
	v44 =	vshra.s32 v40, $0x4;
	v26 =	vld.idx.msk [tilespmem:v26+s8+$0x0], $0xffff;
	v40, v43, _ =	vpop (xrf1)  }
0x88: {  	vm9 =	vgt.s32 v29, s22;
	v46 =	vsel vm8, $0x80000000, v1;
	v28 =	vld.idx.msk [tilespmem:v20+s8+$0x0], $0xffff;
	v20 =	vxor.u32 $0xF8000000, v44;
	v16, v24, _ =	vpop (xrf1)  }
0x89: {  	v30 =	vnsel vm6, s24, v30;
	v22 =	vor.u32 v9, v22;
	v31 =	vld.idx.msk [tilespmem:v31+s8+$0x0], $0xffff;
	v16 =	vshra.s32 v16, $0x4;
	(xrf0) =	vmax.scan.msk.u32 $0xffff, v46;
	v9 =	vmovc v24  }
0x8a: {  	v37 =	vnsel vm7, s26, v37;
	v47 =	vshra.s32 v40, $0x4;
	[tilespmem:s21+$0xFFFFFFE0] =	vst v19;
	v24 =	vxor.u32 $0xF8000000, v16;
	v44, v45, _ =	vpop (xrf1)  }
0x8b: {  	v27 =	vsub.s32 v0, v27;
	vm3 =	vmor vm3, vm0;
	v29 =	vnsel vm9, s22, v29;
	v32 =	vld.idx.msk [tilespmem:v32+s8+$0x0], $0xffff;
	[tilespmem:s21+$0x20] =	vst v24  }
0x8c: {  	v27 =	vshll.u32 v27, $0x4;
	v16 =	vxor.u32 $0xF8000000, v47;
	v47 =	vsel vm3, $0x1, v4;
	v35 =	vld.idx.msk [tilespmem:v35+s8+$0x0], $0xffff;
	v40, v46, _ =	vpop (xrf1);
	[tilespmem:s12+$0x20] =	vst v22  }
0x8d: {  	v21 =	vnsel vm2, s23, v21;
	v38 =	vld.idx.msk [tilespmem:v38+s8+$0x0], $0xffff;
	v22 =	vshra.s32 v40, $0x4;
	v40 =	vshll.u32 v42, $0x4  }
0x8e: {  	v49 =	vsel vm5, $0x80000000, v1;
	vm2 =	veq.s32 v39, v26;
	v42 =	vor.u32 s22, v3;
	v48 =	vld.idx.msk [tilespmem:v12+s8+$0x0], $0xffff;
	[tilespmem:s13+$0x20] =	vst v33;
	v12 =	vmovc v21  }
0x8f: {  	s0 =	sadd.s32 $0xFFFFFFD0, s19;
	v21 =	vshra.s32 v44, $0x4;
	v22 =	vxor.u32 $0xF8000000, v22;
	[tilespmem:s21+$0x10] =	vst v20;
	(xrf0) =	vmax.scan.msk.u32 $0xffff, v49;
	v26, _, _ =	vpop (xrf0)  }
0x90: {  	v25 =	vnsel vm4, s30, v25;
	vm3 =	vlt.s32 v42, s0;
	v21 =	vxor.u32 $0xF8000000, v21;
	[tilespmem:s21+$0xFFFFFFF0] =	vst v16;
	v30 =	vld.idx.msk [tilespmem:v30+s8+$0x0], $0xffff  }
0x91: {  	vm4 =	vne.s32 v23, v31;
	vm5 =	veq.s32 v19, v32;
	v31 =	vsub.s32 v0, v26;
	v32 =	vld.idx.msk [tilespmem:v34+s8+$0x0], $0xffff  }
0x92: {  	vm4 =	vmor vm4, vm0;
	v33 =	vsel vm5, $0x80000000, v1;
	v34 =	vnsel vm3, s0, v42;
	[tilespmem:s21+$0x0] =	vst v22  }
0x93: {  	v26 =	vsel vm4, $0x1, v4;
	vm3 =	veq.s32 v23, v28;
	v23 =	vshll.u32 v31, $0x4  }
0x94: {  	v28 =	vsel vm3, $0x80000000, v1;
	vm4 =	vne.s32 v19, v38;
	vm3 =	vne.s32 v11, v48;
	v11 =	vmovc v21;
	v37 =	vld.idx.msk [tilespmem:v37+s8+$0x0], $0xffff  }
0x95: {  	v14 =	vor.u32 v14, v40;
	v19 =	vor.u32 v8, v27;
	[tilespmem:s21+$0xFFFFFFD0] =	vst v11;
	v21 =	vld.idx.msk [tilespmem:v36+s8+$0x0], $0xffff;
	(xrf0) =	vmax.scan.msk.u32 $0xffff, v33;
	v8, _, _ =	vpop (xrf0)  }
0x96: {  	vm4 =	vmor vm4, vm0;
	vm5 =	veq.s32 v24, v30;
	v25 =	vld.idx.msk [tilespmem:v25+s8+$0x0], $0xffff;
	v27 =	vsub.s32 v0, v8;
	[tilespmem:s12+$0x0] =	vst v14  }
.Ltmp0:
0x97: {  	vm6 =	veq.s32 v20, v32;
	v30 =	vsel vm5, $0x80000000, v1;
	v8 =	vmovc v41;
	v31 =	vld.idx.msk [tilespmem:v29+s8+$0x0], $0xffff;
	(xrf0) =	vmax.scan.msk.u32 $0xffff, v28;
	v29 =	vsel vm1, $0x1, v4;
	(pc) =	sbr.rel @p0 .LBB2_2-.Ltmp0, $4  }
0x98: {  	v32 =	vor.u32 v5, v23;
	v5 =	vmovc v43;
	v28 =	vsel vm6, $0x80000000, v1;
	vm1 =	vne.s32 v39, v35;
	(xrf0) =	vmax.scan.msk.u32 $0xffff, v30  }
0x99: {  	v14 =	vmovc v46;
	v27 =	vshll.u32 v27, $0x4;
	vm1 =	vmor vm1, vm0;
	(xrf0) =	vmax.scan.msk.u32 $0xffff, v28;
	[tilespmem:s13+$0x0] =	vst v47  }
0x9a: {  	s18 =	sadd.s32 $0x80, s18;
	s17 =	sadd.s32 $0x80, s17;
	vm3 =	vmor vm3, vm0;
	v33 =	vor.u32 v6, v27;
	v6 =	vmovc v45;
	v23 =	vsel vm1, $0x1, v4;
	[tilespmem:s12+$0x10] =	vst v19  }
0x9b: {  	s20 =	sadd.s32 $0x80, s20;
	s19 =	sadd.s32 $0x80, s19;
	s21 =	sadd.s32 $0x80, s21;
	vm1 =	vne.s32 v16, v37;
	v19 =	vsel vm4, $0x1, v4;
	v30 =	vld.idx.msk [tilespmem:v34+s8+$0x0], $0xffff;
	v28, _, _ =	vpop (xrf0);
	v34 =	vsel vm3, $0x1, v4;
	[tilespmem:s13+$0x10] =	vst v18  }
0x9c: {  	v18 =	vsel vm2, $0x80000000, v1  }
0x9d: {  	(xrf0) =	vmax.scan.msk.u32 $0xffff, v18;
	_ =	sdelay $0x2  }
0x9e: {  	v45, _, _ =	vpop (xrf0)  }
0x9f: {  	v7 =	vld.idx.msk [tilespmem:v7+s8+$0x0], $0xffff;
	v27, _, _ =	vpop (xrf0)  }
0xa0: {  	v46, _, _ =	vpop (xrf0)  }
0xa1: {  	[tilespmem:s12+$0xFFFFFFF0] =	vst v32;
	vm2 =	veq.s32 v22, v31;
	v47, _, _ =	vpop (xrf0)  }
0xa2: {  	v17 =	vld.idx.msk [tilespmem:v17+s8+$0x0], $0xffff;
	[tilespmem:s12+$0xFFFFFFD0] =	vst v33;
	v50 =	vsub.s32 v0, v28;
	v31 =	vsel vm2, $0x80000000, v1;
	v48 =	vsub.s32 v0, v47  }
0xa3: {  	[tilespmem:s13+$0xFFFFFFF0] =	vst v29;
	v18 =	vsub.s32 v0, v45;
	(xrf0) =	vmax.scan.msk.u32 $0xffff, v31;
	v49 =	vshll.u32 v48, $0x4  }
0xa4: {  	[tilespmem:s13+$0xFFFFFFD0] =	vst v34;
	v18 =	vshll.u32 v18, $0x4;
	vm2 =	veq.s32 v16, v7;
	v7 =	vor.u32 v13, v49  }
0xa5: {  	v15 =	vor.u32 v15, v18;
	[tilespmem:s15+$0x30] =	vst v7;
	v7 =	vshll.u32 v50, $0x4  }
0xa6: {  	[tilespmem:s15+$0xFFFFFFC0] =	vst v15;
	v51 =	vsel vm2, $0x80000000, v1;
	v7 =	vor.u32 v10, v7  }
0xa7: {  	v52 =	vsub.s32 v0, v27;
	[tilespmem:s14+$0xFFFFFFC0] =	vst v26;
	vm2 =	veq.s32 v11, v17;
	(xrf0) =	vmax.scan.msk.u32 $0xffff, v51  }
0xa8: {  	v53 =	vsel vm2, $0x80000000, v1;
	vm2 =	vne.s32 v24, v25;
	v13 =	vshll.u32 v52, $0x4;
	[tilespmem:s14+$0x30] =	vst v23  }
0xa9: {  	vm2 =	vmor vm2, vm0;
	v9 =	vor.u32 v9, v13;
	[tilespmem:s15+$0xFFFFFFE0] =	vst v7;
	v7, _, _ =	vpop (xrf0);
	(xrf0) =	vmax.scan.msk.u32 $0xffff, v53  }
0xaa: {  	vm3 =	vne.s32 v22, v30;
	v55 =	vsub.s32 v0, v46;
	v54 =	vsel vm2, $0x1, v4;
	[tilespmem:s15+$0x20] =	vst v9  }
0xab: {  	vm2 =	vmor vm3, vm0;
	v9 =	vshll.u32 v55, $0x4;
	[tilespmem:s14+$0x20] =	vst v54;
	v7 =	vsub.s32 v0, v7  }
0xac: {  	v12 =	vld.idx.msk [tilespmem:v12+s8+$0x0], $0xffff;
	vm3 =	vne.s32 v20, v21;
	v8 =	vor.u32 v8, v9;
	[tilespmem:s14+$0xFFFFFFE0] =	vst v19;
	v7 =	vshll.u32 v7, $0x4  }
0xad: {  	v56 =	vsel vm2, $0x1, v4;
	vm2 =	vmor vm3, vm0;
	[tilespmem:s15+$0x10] =	vst v8;
	v57, _, _ =	vpop (xrf0);
	v7 =	vor.u32 v14, v7  }
0xae: {  	v58 =	vsel vm2, $0x1, v4;
	[tilespmem:s15+$0x0] =	vst v7;
	v7 =	vsub.s32 v0, v57  }
0xaf: {  	[tilespmem:s14+$0x10] =	vst v58;
	v7 =	vshll.u32 v7, $0x4;
	v59, _, _ =	vpop (xrf0)  }
0xb0: {  	vm1 =	vmor vm1, vm0;
	[tilespmem:s14+$0x0] =	vst v56;
	v5 =	vor.u32 v5, v7;
	v60 =	vsub.s32 v0, v59  }
0xb1: {  	vm2 =	vne.s32 v11, v12;
	v7 =	vsel vm1, $0x1, v4;
	[tilespmem:s15+$0xFFFFFFF0] =	vst v5;
	v8 =	vshll.u32 v60, $0x4  }
0xb2: {  	vm1 =	vmor vm2, vm0;
	[tilespmem:s14+$0xFFFFFFF0] =	vst v7;
	v5 =	vor.u32 v6, v8  }
0xb3: {  	v6 =	vsel vm1, $0x1, v4;
	[tilespmem:s15+$0xFFFFFFD0] =	vst v5  }
0xb4: {  	[tilespmem:s14+$0xFFFFFFD0] =	vst v6  }
0xb5: {  	[tilespmem:$0xA000] =	vst v4  }
0xb6: {  	[tilespmem:$0xA010] =	vst v4  }
0xb7: {  	[tilespmem:$0xA020] =	vst v4  }
0xb8: {  	s12 =	simm.s32 $0x0;
	[tilespmem:$0xA030] =	vst v4  }
0xb9: {  	v5 =	vld [tilespmem:s12+$0x2000];
	_ =	sdelay $0x3  }
0xba: {  	v6 =	vld [tilespmem:s12+$0x6000];
	_ =	sdelay $0x2  }
0xbb: {  	v7 =	vld [tilespmem:s12+$0x4000]  }
0xbc: {  	v61 =	vld.idx.msk [tilespmem:v5+s9+$0x0], $0xffff  }
0xbd: {  	vm1 =	veq.s32 v6, $0x1;
	_ =	sdelay $0x2  }
0xbe: {  	v6 =	vshra.s32 v7, $0x4  }
0xbf: {  	v7 =	vand.u32 $0xF, v7;
	v62 =	vshll.u32 v5, $0x12;
	v6 =	vadd.s32 v6, v61  }
0xc0: {  	v7 =	vor.u32 v62, v7;
	v63 =	vadd.s32 $0x1, v6;
	v6 =	vshll.u32 v6, $0x4  }
0xc1: {  	s13 =	simm.s32 $0x80;
	s14 =	simm.s32 $0x10;
	[tilespmem:v5+s9+$0x0] =	vst.idx.msk vm1, v63;
	v5 =	vor.u32 v6, v7  }
.LBB2_4:
0xc2: {  	p0 =	sne.s32 s13, $0x7FC0;
	v6 =	vld [tilespmem:s14+$0x2000];
	[tilespmem:s12+$0x8000] =	vst v5;
	s0 =	smov.u32 s13;
	s13 =	sadd.s32 $0x40, s13  }
0xc3: {  	s12 =	smov.u32 s14;
	_ =	sdelay $0x3  }
0xc4: {  	v5 =	vld [tilespmem:s12+$0x6000];
	_ =	sdelay $0x1  }
0xc5: {  	v7 =	vld [tilespmem:s12+$0x4000]  }
0xc6: {  	v8 =	vld.idx.msk [tilespmem:v6+s9+$0x0], $0xffff;
	_ =	sdelay $0x1  }
0xc7: {  	vm1 =	veq.s32 v5, $0x1;
	_ =	sdelay $0x1  }
.Ltmp1:
0xc8: {  	v5 =	vand.u32 $0xF, v7;
	(pc) =	sbr.rel @p0 .LBB2_4-.Ltmp1, $4  }
0xc9: {  	v7 =	vshra.s32 v7, $0x4  }
0xca: {  	v7 =	vadd.s32 v7, v8;
	v8 =	vshll.u32 v6, $0x12  }
0xcb: {  	v9 =	vadd.s32 $0x1, v7;
	v7 =	vshll.u32 v7, $0x4;
	v5 =	vor.u32 v8, v5  }
0xcc: {  	s14 =	sshra.s32 s0, $0x2;
	v5 =	vor.u32 v7, v5;
	[tilespmem:v6+s9+$0x0] =	vst.idx.msk vm1, v9  }
0xcd: {  	v6 =	vld [tilespmem:s14+$0x2000];
	_ =	sdelay $0x2  }
0xce: {  	[tilespmem:s12+$0x8000] =	vst v5  }
0xcf: {  	v5 =	vld [tilespmem:s14+$0x6000];
	_ =	sdelay $0x2  }
0xd0: {  	v7 =	vld [tilespmem:s14+$0x4000]  }
0xd1: {  	v8 =	vld.idx.msk [tilespmem:v6+s9+$0x0], $0xffff  }
0xd2: {  	vm1 =	veq.s32 v5, $0x1;
	_ =	sdelay $0x2  }
0xd3: {  	v5 =	vshra.s32 v7, $0x4  }
0xd4: {  	v63 =	vshll.u32 v6, $0x12;
	v7 =	vand.u32 $0xF, v7;
	v5 =	vadd.s32 v5, v8  }
0xd5: {  	v7 =	vor.u32 v63, v7;
	v9 =	vadd.s32 $0x1, v5;
	v5 =	vshll.u32 v5, $0x4  }
0xd6: {  	[tilespmem:v6+s9+$0x0] =	vst.idx.msk vm1, v9;
	v5 =	vor.u32 v5, v7  }
0xd7: {  	[tilespmem:s14+$0x8000] =	vst v5  }
0xd8: {  	[hbm4b:s4+s2] =	stream.linear.scatter [tilespmem:s10], [sflag:$0x1], $0x2000, $0x38;
	[tilespmem:$0xA080] =	vst v63  }
0xd9: {  	s11 =	sadd.s32 $0x1, s11;
	_ =	swait.ge [sflag:s7], $0x2000  }
0xda: {  	p0 =	sne.s32 s11, s6;
	[sflag:s7] =	ssyncset.done $0x0  }
.Ltmp2:
0xdb: {  	[sflag:s7] =	ssyncadd.s32 $0xFFFFE000;
	(pc) =	sbr.rel @p0 .LBB2_1-.Ltmp2, $4  }
0xdc: {  	[hbm4b:s5+s2] =	stream.linear.scatter [tilespmem:s9], [sflag:$0x1], $0x80, $0x38;
	[tilespmem:$0xA080] =	vst v63  }
0xdd: {  	_ =	swait.ge [sflag:s7], $0x80  }
0xde: {  	[sflag:s7] =	ssyncset.done $0x0  }
0xdf: {  	[sflag:s7] =	ssyncadd.s32 $0xFFFFFF80  }
0xe0: {  	_ =	sfence.sel $0x180000  }
0xe1: {  	[bflag:$0x0] =	sbarrier.arrive $0xFFFF  }
0xe2: {  	_ =	strace $0x90000047  }
0xe3: {  	[bflag:$0x2] =	sbarrier.arrive $0xFFFF  }
0xe4: {  	p0 =	sne.s32 s1, $0x0;
	s0 =	rddreg [dreg:$0x2]  }
0xe5: {  	s0 =	sadd.s32 @!p0 $0x100000, s0  }
0xe6: {  	[sflag:s0] =	ssyncadd.tile.s32 @!p0 $0x1;
	_ =	shalt  }
.Lfunc_end2:
_tile_overlayer_lowered:
.L_overlay_start_2:
0xe7: {  	(tag) =	ssettag $0x2  }
0xe8: {  	s0 =	rddreg [dreg:$0x0];
	s2 =	stileid.u32  }
0xe9: {  	s1 =	rddreg [dreg:$0x1];
	p0 =	sne.s32 s2, $0x0  }
0xea: {  	s3 =	rddreg [dreg:$0x2];
	[bflag:$0x3] =	sbarrier.arrive $0xFFFF;
	s2 =	simm.s32 @!p0 $0x1C01  }
0xeb: {  	[timem:s3], [sflag:s2] =	dma.local @!p0 [hbm:s0], s1  }
0xec: {  	s0 =	simm.s32 @!p0 $0x1  }
0xed: {  	_ =	swait.ge @!p0 [sflag:s0], s1  }
0xee: {  	s1 =	ssub.s32 @!p0 $0x0, s1;
	[sflag:s0] =	ssyncset.done @!p0 $0x0  }
0xef: {  	[sflag:s0] =	ssyncadd.s32 @!p0 s1  }
0xf0: {  	[bflag:$0x3] =	sbarrier.arrive $0xFFFF  }
0xf1: {  	_ =	shalt  }

// kernel: _reorder.7.cloned.1.call-start
scs
__scs_entry_jumppad:
0x0: {  	(pc) =	sbr.rel $0x88, $3  }
0x1: {  	(tag) =	ssettag $0x0;
	lr =	simm.s32 $0x1  }
0x2: {  	[smem:$0x3F9F] =	sst lr;
	_ =	strace $0xD0000000  }
0x3: {  	_ = 	snop  }
0x4: {  	_ = 	snop  }
0x5: {  	_ = 	snop  }
0x6: {  	_ = 	snop  }
0x7: {  	_ = 	snop  }
__scs_overlays_trampoline_lowered:
0x8: {  	[smem:$0x3FAE] =	sst s0  }
0x9: {  	[smem:$0x3FAF] =	sst s1  }
0xa: {  	[smem:$0x3FB0] =	sst s2  }
0xb: {  	[smem:$0x3FB1] =	sst s3  }
0xc: {  	[smem:$0x3FB2] =	sst s4  }
0xd: {  	[smem:$0x3FB3] =	sst s5  }
0xe: {  	[smem:$0x3FB4] =	sst s6  }
0xf: {  	[smem:$0x3FB5] =	sst s7  }
0x10: {  	[smem:$0x3FB6] =	sst s8  }
0x11: {  	[smem:$0x3FB7] =	sst s9;
	s0 =	simm.s32 @!p0 $0x0  }
0x12: {  	s1 =	sld [smem:$0x3F9D];
	s0 =	simm.s32 @p0 $0x1  }
0x13: {  	[smem:$0x3FB8] =	sst s0;
	s0 =	simm.s32 @!p1 $0x0  }
0x14: {  	s2 =	sld [smem:$0x3F9C];
	s0 =	simm.s32 @p1 $0x1  }
0x15: {  	[smem:$0x3FB9] =	sst s0;
	s0 =	simm.s32 @!p2 $0x0  }
0x16: {  	s3 =	sld [smem:$0x3FDB];
	s0 =	simm.s32 @p2 $0x1  }
0x17: {  	s4 =	simm.s32 $0x1BF5;
	[smem:$0x3FBB] =	sst s0  }
0x18: {  	s0 =	sld [smem:$0x3F9E];
	_ =	swait.ge [sflag:s4], $0x0  }
0x19: {  	s7 =	sld [smem:$0x3F9F]  }
0x1a: {  	s8 =	sadd.s32 $0xFFFFE003, lr  }
0x1b: {  	s9 =	sadd.s32 $0xFFFFFEF7, lr;
	s5 =	simm.s32 $0xFFFFFFFF;
	p2 =	slt.u32 s8, $0xFFFFF086  }
0x1c: {  	p1 =	slt.u32 s9, $0xF7A;
	s5 =	simm.s32 @!p2 $0x0  }
0x1d: {  	s5 =	simm.s32 @p1 $0x1;
	p0 =	seq.s32 s7, s2  }
0x1e: {  	s7 =	smul.u32 @!p0 $0xF7A, s2;
	p2 =	seq.s32 @!p0 s5, $0x0  }
0x1f: {  	s9 =	smul.u32 $0xF7A, s1;
	s8 =	simm.s32 @!p0 $0x1BF5;
	p2 =	por !p2, p0  }
0x20: {  	[sflag:s8] =	ssyncset.s32 @!p0 $0xFFFFF086;
	s6 =	sadd.s32 @!p0 s3, s7;
	s7 =	simm.s32 @!p0 $0x108  }
0x21: {  	s3 =	sadd.s32 s3, s9;
	s6 =	sadd.s32 @!p0 $0x88, s6;
	s7 =	simm.s32 @p2 $0x1082  }
0x22: {  	[simem:s7], [sflag:s8] =	dma.local @!p0 [hbm:s6], $0xF7A  }
0x23: {  	s9 =	sor.u32 $0xD0000000, s2;
	s6 =	simm.s32 $0x108;
	_ =	swait.ge @!p0 [sflag:s8], $0x0  }
0x24: {  	s3 =	sadd.s32 $0x88, s3;
	s6 =	simm.s32 @!p1 $0x1082;
	[sflag:s4] =	ssyncset.s32 $0xFFFFF086  }
0x25: {  	[simem:s6], [sflag:s4] =	dma.local [hbm:s3], $0xF7A  }
0x26: {  	[smem:$0x3F9F] =	sst s1;
	(tag) =	ssettag s2;
	_ =	strace s9  }
0x27: {  	s1 =	sld [smem:$0x3FAF]  }
0x28: {  	s2 =	sld [smem:$0x3FB0]  }
0x29: {  	s4 =	sld [smem:$0x3FB2]  }
0x2a: {  	p0 =	seq.s32 s5, $0x0;
	s5 =	sld [smem:$0x3FB3]  }
0x2b: {  	s6 =	sld [smem:$0x3FB4]  }
0x2c: {  	s7 =	sld [smem:$0x3FB5]  }
0x2d: {  	s3 =	simm.s32 $0x108;
	s8 =	sld [smem:$0x3FB6]  }
0x2e: {  	s3 =	simm.s32 @!p0 $0x1082;
	s9 =	sld [smem:$0x3FB7]  }
0x2f: {  	lr =	sadd.s32 s0, s3;
	s0 =	sld [smem:$0x3FAE]  }
0x30: {  	s3 =	sld [smem:$0x3FB1]  }
0x31: {  	[smem:$0x3FBA] =	sst s10  }
0x32: {  	s10 =	sld [smem:$0x3FB8];
	_ =	sdelay $0x3  }
0x33: {  	p0 =	seq.s32 s10, $0x1;
	s10 =	sld [smem:$0x3FBA];
	_ =	sdelay $0x3  }
0x34: {  	[smem:$0x3FBA] =	sst s10  }
0x35: {  	s10 =	sld [smem:$0x3FB9];
	_ =	sdelay $0x3  }
0x36: {  	p1 =	seq.s32 s10, $0x1;
	s10 =	sld [smem:$0x3FBA];
	_ =	sdelay $0x3  }
0x37: {  	[smem:$0x3FBA] =	sst s10  }
0x38: {  	s10 =	sld [smem:$0x3FBB]  }
0x39: {  	_ = 	snop;
	(pc) =	sbr.ind lr, $3  }
0x3a: {  	_ = 	snop  }
0x3b: {  	_ = 	snop  }
0x3c: {  	p2 =	seq.s32 s10, $0x1;
	s10 =	sld [smem:$0x3FBA]  }
0x3d: {  	_ =	shalt  }
0x3e: {  	_ =	shalt  }
0x3f: {  	_ =	shalt  }
0x40: {  	_ =	shalt  }
0x41: {  	_ =	shalt  }
0x42: {  	_ =	shalt  }
0x43: {  	_ =	shalt  }
0x44: {  	_ =	shalt  }
0x45: {  	_ =	shalt  }
0x46: {  	_ =	shalt  }
0x47: {  	_ =	shalt  }
0x48: {  	_ =	shalt  }
0x49: {  	_ =	shalt  }
0x4a: {  	_ =	shalt  }
0x4b: {  	_ =	shalt  }
0x4c: {  	_ =	shalt  }
0x4d: {  	_ =	shalt  }
0x4e: {  	_ =	shalt  }
0x4f: {  	_ =	shalt  }
0x50: {  	_ =	shalt  }
0x51: {  	_ =	shalt  }
0x52: {  	_ =	shalt  }
0x53: {  	_ =	shalt  }
0x54: {  	_ =	shalt  }
0x55: {  	_ =	shalt  }
0x56: {  	_ =	shalt  }
0x57: {  	_ =	shalt  }
0x58: {  	_ =	shalt  }
0x59: {  	_ =	shalt  }
0x5a: {  	_ =	shalt  }
0x5b: {  	_ =	shalt  }
0x5c: {  	_ =	shalt  }
0x5d: {  	_ =	shalt  }
0x5e: {  	_ =	shalt  }
0x5f: {  	_ =	shalt  }
0x60: {  	_ =	shalt  }
0x61: {  	_ =	shalt  }
0x62: {  	_ =	shalt  }
0x63: {  	_ =	shalt  }
0x64: {  	_ =	shalt  }
0x65: {  	_ =	shalt  }
0x66: {  	_ =	shalt  }
0x67: {  	_ =	shalt  }
0x68: {  	_ =	shalt  }
0x69: {  	_ =	shalt  }
0x6a: {  	_ =	shalt  }
0x6b: {  	_ =	shalt  }
0x6c: {  	_ =	shalt  }
0x6d: {  	_ =	shalt  }
0x6e: {  	_ =	shalt  }
0x6f: {  	_ =	shalt  }
0x70: {  	_ =	shalt  }
0x71: {  	_ =	shalt  }
0x72: {  	_ =	shalt  }
0x73: {  	_ =	shalt  }
0x74: {  	_ =	shalt  }
0x75: {  	_ =	shalt  }
0x76: {  	_ =	shalt  }
0x77: {  	_ =	shalt  }
0x78: {  	_ =	shalt  }
0x79: {  	_ =	shalt  }
0x7a: {  	_ =	shalt  }
0x7b: {  	_ =	shalt  }
0x7c: {  	_ =	shalt  }
0x7d: {  	_ =	shalt  }
0x7e: {  	_ =	shalt  }
0x7f: {  	_ =	shalt  }
0x80: {  	_ =	shalt  }
0x81: {  	_ =	shalt  }
0x82: {  	_ =	shalt  }
0x83: {  	_ =	shalt  }
0x84: {  	_ =	shalt  }
0x85: {  	_ =	shalt  }
0x86: {  	_ =	shalt  }
0x87: {  	_ =	shalt  }
.Lfunc_end0:
.L_simem_size_0:
called_computation.1_lowered:
.L_overlay_start_0:
0x88: {  	s0 =	sld [smem:$0x3FD9]  }
0x89: {  	s1 =	sld [smem:$0x3FFE];
	_ =	sdelay $0x3  }
0x8a: {  	s0 =	sadd.s32 s1, s0  }
0x8b: {  	[smem:$0x3FC6] =	sst s0  }
0x8c: {  	_ = 	snop  }
0x8d: {  	s0 =	sld [smem:$0x3FD0];
	_ =	sdelay $0x2  }
0x8e: {  	s2 =	simm.s32 $0xA;
	s3 =	simm.s32 $0x10;
	s13 =	sld [smem:$0x3FC9]  }
0x8f: {  	[smem:s3], [sflag:s2] =	dma.local [hbm:s0], $0x1  }
0x90: {  	_ =	swait.eq [sflag:s2], $0x1  }
0x91: {  	s14 =	sld [smem:$0x10];
	[sflag:s2] =	ssyncset.done $0x0  }
0x92: {  	s15 =	sld [smem:$0x11];
	[sflag:s2] =	ssyncadd.s32 $0xFFFFFFFF  }
0x93: {  	s16 =	sld [smem:$0x12];
	(tm) =	ssettm $0x1  }
0x94: {  	s4 =	sld [smem:$0x3FFB];
	_ =	sdelay $0x3  }
0x95: {  	_ =	strace s4  }
0x96: {  	s4 =	sld [smem:$0x3FFC];
	_ =	sdelay $0x3  }
0x97: {  	_ =	strace s4  }
0x98: {  	s4 =	sld [smem:$0x3FFD];
	_ =	sdelay $0x3  }
0x99: {  	_ =	strace s4  }
0x9a: {  	_ =	strace $0x8FFFFFFF  }
0x9b: {  	s17 =	sld [smem:$0x3FDB];
	_ =	sdelay $0x1  }
0x9c: {  	s5 =	simm.s32 $_scs_section_size  }
0x9d: {  	s6 =	simm.s32 $_size__tile_overlayer_lowered;
	s7 =	simm.s32 $_tile_overlayer_lowered  }
0x9e: {  	s20 =	simm.s32 $0x1BFF;
	s19 =	sshll.u32 s7, $0x1;
	s4 =	sadd.s32 s5, s17  }
0x9f: {  	s8 =	simm.s32 $0x0;
	s18 =	sshll.u32 s6, $0x1;
	s6 =	sadd.s32 s19, s4  }
0xa0: {  	[timem:s8], [sflag:s20] =	dma.local [hbm:s6], s18  }
0xa1: {  	_ =	swait.ge [sflag:s20], s18  }
0xa2: {  	s5 =	ssub.s32 $0x0, s18;
	[sflag:s20] =	ssyncset.done $0x0  }
0xa3: {  	[sflag:s20] =	ssyncadd.s32 s5;
	_ =	sdelay $0x1  }
0xa4: {  	s21 =	simm.s32 $0x1B8B  }
0xa5: {  	_ =	swait.ge [sflag:s21], $0x1  }
0xa6: {  	[sflag:s21] =	ssyncset.done $0x0  }
0xa7: {  	s23 =	simm.s32 $0x1B8E;
	s22 =	sld [smem:$0x3FFE];
	[sflag:s21] =	ssyncadd.s32 $0xFFFFFFFF  }
0xa8: {  	s24 =	simm.s32 $execute0_lowered;
	[smem:$0x3FD2] =	sst s23  }
0xa9: {  	s6 =	sshll.u32 s24, $0x1;
	_ =	strace $0x80000049;
	[dreg:$0x1] =	wrdreg $0xFFFFFFFF  }
0xaa: {  	s25 =	simm.s32 $_size_execute0_lowered;
	s4 =	sadd.s32 s4, s6;
	[dreg:$0x0] =	wrdreg $0x0  }
0xab: {  	s6 =	sshll.u32 s25, $0x1;
	[dreg:$0x2] =	wrdreg s4  }
0xac: {  	[dreg:$0x3] =	wrdreg s6  }
0xad: {  	[dreg:$0x4] =	wrdreg $0xC0  }
0xae: {  	_ =	task [dreg:s8], $0x5FFFF  }
0xaf: {  	[dreg:$0x1] =	wrdreg $0xFFFFFFFF  }
0xb0: {  	[dreg:$0x0] =	wrdreg $0x60  }
0xb1: {  	[dreg:$0x2] =	wrdreg s13  }
0xb2: {  	[dreg:$0x3] =	wrdreg s22  }
0xb3: {  	[dreg:$0x4] =	wrdreg s14  }
0xb4: {  	[dreg:$0x5] =	wrdreg s15  }
0xb5: {  	[dreg:$0x6] =	wrdreg s16  }
0xb6: {  	[dreg:$0x7] =	wrdreg $0x155800  }
0xb7: {  	[dreg:$0x8] =	wrdreg $0x195800  }
0xb8: {  	[dreg:$0x9] =	wrdreg $0x9  }
0xb9: {  	_ =	task.clear_ibuf [dreg:s8], $0xAFFFF;
	_ =	strace $0x90000049  }
0xba: {  	s26 =	simm.s32 $0x9;
	_ =	strace $0x8000004B  }
0xbb: {  	_ =	swait.ge [sflag:s26], $0x1  }
0xbc: {  	[sflag:s26] =	ssyncadd.s32 $0xFFFFFFFF  }
0xbd: {  	_ =	strace $0x9000004B  }
0xbe: {  	_ =	sfence  }
0xbf: {  	s28 =	sld [smem:$0x0];
	_ =	sdelay $0x1  }
0xc0: {  	s29 =	srdreg.scid  }
0xc1: {  	s30 =	sshll.u32 s29, $0xD;
	s31 =	sshrl.u32 s29, $0x2  }
0xc2: {  	s1 =	sand.u32 $0x1, s29;
	s2 =	sand.u32 $0x4000, s30;
	s0 =	sadd.s32 s31, s28  }
0xc3: {  	s1 =	sor.u32 s2, s1;
	s0 =	sshll.u32 s0, $0x11  }
0xc4: {  	s0 =	sor.u32 s0, s1  }
0xc5: {  	s0 =	sadd.s32 $0x8F2B, s0  }
0xc6: {  	[sflag:s0] =	ssyncadd.remote.s32 $0x1  }
0xc7: {  	_ =	sfence.sel $0xFFFF  }
0xc8: {  	[dreg:$0x0] =	wrdreg $0xFFFFFFFF;
	(pc) =	sbr.abs _section_cstart, $3  }
0xc9: {  	[dreg:$0x1] =	wrdreg $0xFFFFFFFF  }
0xca: {  	_ =	task.clear_ibuf [dreg:s8], $0x2FFFF;
	_ =	strace $0x9FFFFFFF  }
0xcb: {  	(tm) =	ssettm $0x7FFFFFFF  }
tec
execute0_lowered:
.L_overlay_start_1:
0x0: {  	(tag) =	ssettag $0x1  }
0x1: {  	s9 =	rddreg [dreg:$0x0]  }
0x2: {  	s10 =	rddreg [dreg:$0x1]  }
0x3: {  	s6 =	rddreg [dreg:$0x2]  }
0x4: {  	s5 =	rddreg [dreg:$0x3]  }
0x5: {  	s8 =	rddreg [dreg:$0x4]  }
0x6: {  	s1 =	rddreg [dreg:$0x5]  }
0x7: {  	s2 =	rddreg [dreg:$0x6]  }
0x8: {  	s0 =	rddreg [dreg:$0x7];
	s4 =	simm.s32 $0x0;
	s3 =	stileid.u32  }
0x9: {  	[smem:$0x7FF] =	sst s4;
	s7 =	sshll.u32 s3, $0xB  }
0xa: {  	s24 =	simm.s32 $0x3;
	_ =	strace $0x8000004A;
	s9 =	sadd.s32 s9, s7  }
0xb: {  	[tilespmem:s4], [sflag:$0x3] =	stream.linear.gather [hbm4b:s9+s4], $0x4000, $0x38;
	[tilespmem:$0x1D580] =	vst v63  }
0xc: {  	_ =	swait.ge [sflag:s24], $0x4000  }
0xd: {  	s11 =	sadd.s32 s7, s10;
	[sflag:s24] =	ssyncset.done $0x0  }
0xe: {  	s12 =	simm.s32 $0x4000;
	s11 =	sadd.s32 $0xE00, s11;
	[sflag:s24] =	ssyncadd.s32 $0xFFFFC000  }
0xf: {  	[tilespmem:s12], [sflag:$0x3] =	stream.linear.gather [hbm4b:s11+s4], $0x4000, $0x38;
	[tilespmem:$0x1D580] =	vst v63  }
0x10: {  	_ =	swait.ge [sflag:s24], $0x4000  }
0x11: {  	[sflag:s24] =	ssyncset.done $0x0  }
0x12: {  	s25 =	simm.s32 $0x14000;
	s10 =	sadd.s32 $0x8E00, s10;
	[sflag:s24] =	ssyncadd.s32 $0xFFFFC000  }
0x13: {  	[tilespmem:s25], [sflag:$0x3] =	stream.linear.gather [hbm4b:s10+s4], $0x1000, $0x38;
	[tilespmem:$0x1D580] =	vst v63  }
0x14: {  	_ =	swait.ge [sflag:s24], $0x1000  }
0x15: {  	[sflag:s24] =	ssyncset.done $0x0  }
0x16: {  	[sflag:s24] =	ssyncadd.s32 $0xFFFFF000  }
0x17: {  	v5 =	vld [tilespmem:$0x14000]  }
0x18: {  	v10 =	vld [tilespmem:$0x14010]  }
0x19: {  	v11 =	vld [tilespmem:$0x14020]  }
0x1a: {  	v7 =	vld [tilespmem:$0x140A0]  }
0x1b: {  	v6 =	vld [tilespmem:$0x14030]  }
0x1c: {  	v14 =	vld [tilespmem:$0x14110]  }
0x1d: {  	v12 =	vld [tilespmem:$0x14120];
	[tilespmem:$0x1F350] =	vst v5  }
0x1e: {  	v8 =	vld [tilespmem:$0x140B0];
	[tilespmem:$0x1F540] =	vst v10  }
0x1f: {  	v2 =	vld [tilespmem:$0x14080];
	[tilespmem:$0x1F800] =	vst v11  }
0x20: {  	[tilespmem:$0x1FC00] =	vst v6  }
0x21: {  	s28 =	sshllo.u32 s3, $0x1;
	[tilespmem:$0x1F500] =	vst v14  }
0x22: {  	s26 =	sshll.u32 s3, $0x1;
	v0 =	vmov s28;
	v3 =	vld [tilespmem:$0x14090];
	v11 =	vadd.s32 v11, v7;
	[tilespmem:$0x1F830] =	vst v12  }
0x23: {  	v4 =	vmov s26;
	vm14 =	veq.s32 v0, $0x1;
	v6 =	vadd.s32 v6, v8;
	[tilespmem:$0x1F820] =	vst v11  }
0x24: {  	vm2 =	veq.s32 v4, $0x0;
	v5 =	vadd.s32 v5, v2;
	v2 =	vsel vm14, $0x0, v2;
	[tilespmem:$0x1FBE0] =	vst v6  }
0x25: {  	v13 =	vsel vm2, $0x0, v5;
	[tilespmem:$0x1F360] =	vst v2  }
0x26: {  	v11 =	vsel vm2, $0x0, v11;
	[tilespmem:$0x1F370] =	vst v13  }
0x27: {  	v1 =	vld [tilespmem:$0x14180];
	v2 =	vsel vm14, $0x0, v3;
	[tilespmem:$0x1F840] =	vst v11  }
0x28: {  	v13 =	vadd.s32 v10, v3;
	[tilespmem:$0x1F550] =	vst v2  }
0x29: {  	v11 =	vsel vm2, $0x0, v6;
	[tilespmem:$0x1F4F0] =	vst v13  }
0x2a: {  	vm7 =	vgt.u32 v4, $0x2;
	v2 =	vsel vm14, $0x0, v7;
	[tilespmem:$0x1FC20] =	vst v11  }
0x2b: {  	vm4 =	vgt.u32 v4, $0x3;
	v9 =	vld [tilespmem:$0x14100];
	v3 =	vnsel vm7, $0x0, v14;
	[tilespmem:$0x1F810] =	vst v2  }
0x2c: {  	v6 =	vnsel vm4, $0x0, v1;
	[tilespmem:$0x1F570] =	vst v3  }
0x2d: {  	v10 =	vld [tilespmem:$0x14130];
	v13 =	vsel vm2, $0x0, v13;
	[tilespmem:$0x1F3A0] =	vst v6  }
0x2e: {  	v7 =	vld [tilespmem:$0x141A0];
	v2 =	vsel vm14, $0x0, v8;
	[tilespmem:$0x1F560] =	vst v13  }
0x2f: {  	v3 =	vnsel vm7, $0x0, v12;
	[tilespmem:$0x1FC10] =	vst v2  }
0x30: {  	v11 =	vld [tilespmem:$0x14190];
	v2 =	vnsel vm7, $0x0, v9;
	[tilespmem:$0x1F850] =	vst v3  }
0x31: {  	v8 =	vld [tilespmem:$0x14220];
	[tilespmem:$0x1F380] =	vst v2  }
0x32: {  	[tilespmem:$0x1FBF0] =	vst v10  }
0x33: {  	v3 =	vnsel vm7, $0x0, v10;
	[tilespmem:$0x1F870] =	vst v7  }
0x34: {  	v13 =	vld [tilespmem:$0x14210];
	[tilespmem:$0x1FC30] =	vst v3  }
0x35: {  	vm3 =	vgt.u32 v0, $0x2;
	[tilespmem:$0x1F510] =	vst v11  }
0x36: {  	v3 =	vnsel vm3, $0x0, v9;
	[tilespmem:$0x1F8A0] =	vst v8  }
0x37: {  	v2 =	vld [tilespmem:$0x141B0];
	v6 =	vnsel vm4, $0x0, v11;
	[tilespmem:$0x1F390] =	vst v3  }
0x38: {  	[tilespmem:$0x1F590] =	vst v6  }
0x39: {  	v3 =	vnsel vm3, $0x0, v14;
	[tilespmem:$0x1F520] =	vst v13  }
0x3a: {  	v6 =	vnsel vm4, $0x0, v7;
	[tilespmem:$0x1F580] =	vst v3  }
0x3b: {  	[tilespmem:$0x1F880] =	vst v6  }
0x3c: {  	v3 =	vnsel vm3, $0x0, v12;
	[tilespmem:$0x1FC40] =	vst v2  }
0x3d: {  	v6 =	vnsel vm4, $0x0, v2;
	[tilespmem:$0x1F860] =	vst v3  }
0x3e: {  	vm0 =	vgt.u32 v0, $0x3;
	v42 =	vld [tilespmem:$0x14200];
	v3 =	vnsel vm3, $0x0, v10;
	[tilespmem:$0x1FC60] =	vst v6  }
0x3f: {  	v6 =	vnsel vm0, $0x0, v1;
	[tilespmem:$0x1FC50] =	vst v3  }
0x40: {  	v12 =	vld [tilespmem:$0x14290];
	[tilespmem:$0x1F3B0] =	vst v6;
	v6 =	vnsel vm0, $0x0, v11  }
0x41: {  	[tilespmem:$0x1F5A0] =	vst v6;
	v6 =	vnsel vm0, $0x0, v7  }
0x42: {  	vm5 =	vgt.u32 v4, $0x4;
	v10 =	vld [tilespmem:$0x142A0];
	[tilespmem:$0x1F890] =	vst v6;
	v6 =	vnsel vm0, $0x0, v2  }
0x43: {  	v2 =	vnsel vm5, $0x0, v42;
	[tilespmem:$0x1FC80] =	vst v6  }
0x44: {  	v3 =	vld [tilespmem:$0x14230];
	[tilespmem:$0x1F3C0] =	vst v2  }
0x45: {  	v2 =	vnsel vm5, $0x0, v13;
	[tilespmem:$0x1F530] =	vst v12  }
0x46: {  	v6 =	vld [tilespmem:$0x142B0];
	[tilespmem:$0x1F5B0] =	vst v2;
	v2 =	vnsel vm5, $0x0, v8  }
0x47: {  	[tilespmem:$0x1F8D0] =	vst v10  }
0x48: {  	[tilespmem:$0x1F8B0] =	vst v2  }
0x49: {  	v45 =	vld [tilespmem:$0x14280];
	[tilespmem:$0x1FC70] =	vst v3;
	v2 =	vmov v3;
	v3 =	vnsel vm5, $0x0, v3  }
0x4a: {  	vm6 =	vgt.u32 v0, $0x4;
	[tilespmem:$0x1FC90] =	vst v3  }
0x4b: {  	v3 =	vnsel vm6, $0x0, v42;
	[tilespmem:$0x1FCA0] =	vst v6  }
0x4c: {  	[tilespmem:$0x1F3D0] =	vst v3;
	v3 =	vnsel vm6, $0x0, v13  }
0x4d: {  	vm1 =	vgt.u32 v4, $0x5;
	[tilespmem:$0x1F5C0] =	vst v3;
	v3 =	vnsel vm6, $0x0, v8  }
0x4e: {  	v8 =	vld [tilespmem:$0x14320];
	[tilespmem:$0x1F8C0] =	vst v3;
	v3 =	vnsel vm6, $0x0, v2;
	v2 =	vnsel vm1, $0x0, v45  }
0x4f: {  	[tilespmem:$0x1F3E0] =	vst v2;
	v2 =	vnsel vm1, $0x0, v12  }
0x50: {  	[tilespmem:$0x1F5D0] =	vst v2;
	v2 =	vnsel vm1, $0x0, v10  }
0x51: {  	[tilespmem:$0x1FCB0] =	vst v3  }
0x52: {  	[tilespmem:$0x1F8E0] =	vst v2  }
0x53: {  	vm8 =	vgt.u32 v0, $0x5;
	v46 =	vld [tilespmem:$0x14300];
	[tilespmem:$0x1F900] =	vst v8;
	v2 =	vmov v6;
	v6 =	vnsel vm1, $0x0, v6  }
0x54: {  	v61 =	vld [tilespmem:$0x14310];
	[tilespmem:$0x1FCC0] =	vst v6;
	v6 =	vnsel vm8, $0x0, v45  }
0x55: {  	v7 =	vmov v10;
	[tilespmem:$0x1F3F0] =	vst v6;
	v6 =	vnsel vm8, $0x0, v12  }
0x56: {  	v3 =	vld [tilespmem:$0x14330];
	[tilespmem:$0x1F5E0] =	vst v6;
	v6 =	vnsel vm8, $0x0, v7  }
0x57: {  	vm15 =	vgt.u32 v4, $0x6;
	v10 =	vld [tilespmem:$0x143A0];
	[tilespmem:$0x1F8F0] =	vst v6;
	v6 =	vnsel vm8, $0x0, v2  }
0x58: {  	v2 =	vnsel vm15, $0x0, v46;
	[tilespmem:$0x1FCE0] =	vst v6  }
0x59: {  	[tilespmem:$0x1F400] =	vst v2;
	v2 =	vnsel vm15, $0x0, v61  }
0x5a: {  	v6 =	vld [tilespmem:$0x143B0];
	[tilespmem:$0x1F5F0] =	vst v2;
	v2 =	vnsel vm15, $0x0, v8  }
0x5b: {  	[tilespmem:$0x1FCD0] =	vst v3  }
0x5c: {  	v49 =	vld [tilespmem:$0x14380];
	[tilespmem:$0x1F930] =	vst v10  }
0x5d: {  	v50 =	vld [tilespmem:$0x14400];
	[tilespmem:$0x1F910] =	vst v2;
	v2 =	vmov v3;
	v3 =	vnsel vm15, $0x0, v3  }
0x5e: {  	vm13 =	vgt.u32 v0, $0x6;
	v51 =	vld [tilespmem:$0x14480];
	[tilespmem:$0x1FCF0] =	vst v3  }
0x5f: {  	v60 =	vld [tilespmem:$0x14390];
	v3 =	vnsel vm13, $0x0, v46;
	[tilespmem:$0x1FD00] =	vst v6  }
0x60: {  	v54 =	vld [tilespmem:$0x14500];
	v7 =	vmov v8;
	[tilespmem:$0x1F410] =	vst v3;
	v3 =	vnsel vm13, $0x0, v61  }
0x61: {  	v55 =	vld [tilespmem:$0x14580];
	[tilespmem:$0x1F600] =	vst v3;
	v3 =	vnsel vm13, $0x0, v7  }
0x62: {  	vm11 =	vgt.u32 v4, $0x7;
	v57 =	vld [tilespmem:$0x14600];
	[tilespmem:$0x1F920] =	vst v3;
	v3 =	vnsel vm13, $0x0, v2  }
0x63: {  	v58 =	vld [tilespmem:$0x14680];
	v2 =	vnsel vm11, $0x0, v49;
	[tilespmem:$0x1FD30] =	vst v3  }
0x64: {  	v44 =	vld [tilespmem:$0x14700];
	[tilespmem:$0x1F420] =	vst v2;
	v2 =	vnsel vm11, $0x0, v60  }
0x65: {  	v38 =	vld [tilespmem:$0x14780];
	v3 =	vnsel vm11, $0x0, v10;
	[tilespmem:$0x1F610] =	vst v2  }
0x66: {  	vm10 =	vgt.u32 v0, $0x7;
	v30 =	vld [tilespmem:$0x14800];
	[tilespmem:$0x1F940] =	vst v3;
	v3 =	vnsel vm11, $0x0, v6  }
0x67: {  	v52 =	vld [tilespmem:$0x14410];
	v2 =	vnsel vm10, $0x0, v49;
	[tilespmem:$0x1FD50] =	vst v3  }
0x68: {  	v19 =	vld [tilespmem:$0x14880];
	[tilespmem:$0x1F430] =	vst v2;
	v2 =	vnsel vm10, $0x0, v60  }
0x69: {  	v8 =	vld [tilespmem:$0x14420];
	v3 =	vnsel vm10, $0x0, v10;
	[tilespmem:$0x1F620] =	vst v2  }
0x6a: {  	vm12 =	vgt.u32 v4, $0x8;
	v43 =	vld [tilespmem:$0x14490];
	[tilespmem:$0x1F950] =	vst v3;
	v3 =	vnsel vm10, $0x0, v6  }
0x6b: {  	v7 =	vld [tilespmem:$0x14430];
	v2 =	vnsel vm12, $0x0, v50;
	[tilespmem:$0x1FD70] =	vst v3  }
0x6c: {  	v40 =	vld [tilespmem:$0x14510];
	[tilespmem:$0x1F440] =	vst v2;
	v2 =	vnsel vm12, $0x0, v52  }
0x6d: {  	v10 =	vld [tilespmem:$0x144A0];
	[tilespmem:$0x1F630] =	vst v2  }
0x6e: {  	v6 =	vld [tilespmem:$0x144B0];
	v3 =	vnsel vm12, $0x0, v8;
	[tilespmem:$0x1F960] =	vst v8  }
0x6f: {  	[tilespmem:$0x1F970] =	vst v3  }
0x70: {  	vm9 =	vgt.u32 v0, $0x8;
	[tilespmem:$0x1FD20] =	vst v7;
	v3 =	vnsel vm12, $0x0, v7  }
0x71: {  	[tilespmem:$0x1FD90] =	vst v3;
	v3 =	vnsel vm9, $0x0, v50  }
0x72: {  	[tilespmem:$0x1F450] =	vst v3  }
0x73: {  	v3 =	vnsel vm9, $0x0, v52;
	[tilespmem:$0x1F990] =	vst v10  }
0x74: {  	v2 =	vmov v8;
	[tilespmem:$0x1F640] =	vst v3  }
0x75: {  	vm2 =	vgt.u32 v4, $0x9;
	v3 =	vnsel vm9, $0x0, v2;
	[tilespmem:$0x1FD40] =	vst v6  }
0x76: {  	v12 =	vld [tilespmem:$0x14620];
	v2 =	vnsel vm2, $0x0, v51;
	[tilespmem:$0x1F980] =	vst v3  }
0x77: {  	v11 =	vld [tilespmem:$0x146A0];
	v3 =	vnsel vm9, $0x0, v7;
	[tilespmem:$0x1F460] =	vst v2  }
0x78: {  	v63 =	vld [tilespmem:$0x14AB0];
	v2 =	vnsel vm2, $0x0, v43;
	[tilespmem:$0x1FDB0] =	vst v3  }
0x79: {  	[tilespmem:$0x1F650] =	vst v2;
	v2 =	vnsel vm2, $0x0, v10  }
0x7a: {  	v8 =	vld [tilespmem:$0x14520];
	[tilespmem:$0x1F9A0] =	vst v2  }
0x7b: {  	[tilespmem:$0x1FA20] =	vst v12  }
0x7c: {  	[tilespmem:$0x1FA50] =	vst v11  }
0x7d: {  	v7 =	vld [tilespmem:$0x14530];
	v2 =	vnsel vm2, $0x0, v6;
	[tilespmem:$0x1FEC0] =	vst v63  }
0x7e: {  	vm14 =	vgt.u32 v0, $0x9;
	[tilespmem:$0x1FDE0] =	vst v2  }
0x7f: {  	v3 =	vld [tilespmem:$0x145A0];
	v2 =	vnsel vm14, $0x0, v51;
	[tilespmem:$0x1F9C0] =	vst v8  }
0x80: {  	[tilespmem:$0x1F470] =	vst v2;
	v2 =	vnsel vm14, $0x0, v43  }
0x81: {  	[tilespmem:$0x1F660] =	vst v2  }
0x82: {  	v2 =	vnsel vm14, $0x0, v10;
	[tilespmem:$0x1FD60] =	vst v7  }
0x83: {  	[tilespmem:$0x1F9B0] =	vst v2  }
0x84: {  	vm7 =	vgt.u32 v4, $0xA;
	v2 =	vnsel vm14, $0x0, v6;
	[tilespmem:$0x1F9F0] =	vst v3  }
0x85: {  	[tilespmem:$0x1FE10] =	vst v2;
	v2 =	vnsel vm7, $0x0, v54  }
0x86: {  	[tilespmem:$0x1F480] =	vst v2;
	v2 =	vnsel vm7, $0x0, v40  }
0x87: {  	[tilespmem:$0x1F670] =	vst v2;
	v2 =	vnsel vm7, $0x0, v8  }
0x88: {  	vm3 =	vgt.u32 v0, $0xA;
	[tilespmem:$0x1F9D0] =	vst v2;
	v2 =	vnsel vm7, $0x0, v7  }
0x89: {  	v6 =	vld [tilespmem:$0x145B0];
	[tilespmem:$0x1FE40] =	vst v2;
	v2 =	vnsel vm3, $0x0, v54  }
0x8a: {  	[tilespmem:$0x1F490] =	vst v2;
	v2 =	vnsel vm3, $0x0, v40  }
0x8b: {  	v37 =	vld [tilespmem:$0x14590];
	[tilespmem:$0x1F680] =	vst v2;
	v2 =	vnsel vm3, $0x0, v8  }
0x8c: {  	v8 =	vld [tilespmem:$0x146B0];
	[tilespmem:$0x1F9E0] =	vst v2;
	v2 =	vnsel vm3, $0x0, v7  }
0x8d: {  	vm3 =	vgt.u32 v4, $0x17;
	[tilespmem:$0x1FE50] =	vst v2;
	v2 =	vimm.s32 $0x0  }
0x8e: {  	vm4 =	vgt.u32 v4, $0xB;
	[tilespmem:$0x1FD80] =	vst v6;
	v2 =	vsel vm3, $0xFFFFFFFF, v2  }
0x8f: {  	[tilespmem:$0x1F4D0] =	vst v2;
	v2 =	vnsel vm4, $0x0, v55  }
0x90: {  	[tilespmem:$0x1F4A0] =	vst v2  }
0x91: {  	v2 =	vnsel vm4, $0x0, v37;
	[tilespmem:$0x1FDC0] =	vst v8  }
0x92: {  	[tilespmem:$0x1F690] =	vst v2;
	v2 =	vnsel vm4, $0x0, v3  }
0x93: {  	vm0 =	vgt.u32 v0, $0xB;
	[tilespmem:$0x1FA00] =	vst v2;
	v2 =	vnsel vm4, $0x0, v6  }
0x94: {  	v7 =	vld [tilespmem:$0x14630];
	[tilespmem:$0x1FE70] =	vst v2;
	v2 =	vnsel vm0, $0x0, v55  }
0x95: {  	[tilespmem:$0x1F4B0] =	vst v2;
	v2 =	vnsel vm0, $0x0, v37  }
0x96: {  	v34 =	vld [tilespmem:$0x14610];
	[tilespmem:$0x1F6A0] =	vst v2;
	v2 =	vnsel vm0, $0x0, v3  }
0x97: {  	[tilespmem:$0x1FA10] =	vst v2;
	v2 =	vnsel vm0, $0x0, v6  }
0x98: {  	vm6 =	vgt.u32 v0, $0xC;
	vm0 =	vgt.u32 v4, $0x19;
	[tilespmem:$0x1FE80] =	vst v2;
	v2 =	vimm.s32 $0x0  }
0x99: {  	vm5 =	vgt.u32 v4, $0xC;
	v62 =	vnsel vm6, $0x0, v57;
	[tilespmem:$0x1FDA0] =	vst v7;
	v2 =	vsel vm0, $0xFFFFFFFF, v2  }
0x9a: {  	vm1 =	vgt.u32 v4, $0xD;
	vm15 =	vgt.u32 v4, $0xE;
	[tilespmem:$0x1F4E0] =	vst v2;
	v2 =	vnsel vm5, $0x0, v57  }
0x9b: {  	vm13 =	vgt.u32 v4, $0xF;
	vm11 =	vgt.u32 v4, $0x10;
	[tilespmem:$0x1F4C0] =	vst v2;
	v2 =	vnsel vm5, $0x0, v34  }
0x9c: {  	vm10 =	vgt.u32 v4, $0x11;
	vm12 =	vgt.u32 v4, $0x12;
	v32 =	vld [tilespmem:$0x14690];
	[tilespmem:$0x1F6B0] =	vst v2;
	v2 =	vnsel vm5, $0x0, v12  }
0x9d: {  	v29 =	vld [tilespmem:$0x14710];
	vm9 =	vgt.u32 v4, $0x13;
	vm2 =	vgt.u32 v4, $0x14;
	[tilespmem:$0x1FA30] =	vst v2;
	v2 =	vnsel vm5, $0x0, v7  }
0x9e: {  	vm14 =	vgt.u32 v4, $0x15;
	vm7 =	vgt.u32 v4, $0x16;
	[tilespmem:$0x1FEA0] =	vst v2;
	v2 =	vnsel vm6, $0x0, v34  }
0x9f: {  	vm3 =	vgt.u32 v4, $0x18;
	vm4 =	vgt.u32 v4, $0x1B;
	[tilespmem:$0x1F6C0] =	vst v2;
	v2 =	vnsel vm6, $0x0, v12  }
0xa0: {  	vm0 =	vgt.u32 v4, $0x1A;
	vm5 =	vgt.u32 v4, $0x1C;
	[tilespmem:$0x1FA40] =	vst v2;
	v2 =	vnsel vm6, $0x0, v7  }
0xa1: {  	v12 =	vld [tilespmem:$0x14720];
	vm6 =	veq.s32 v4, $0x1E;
	v4 =	vadd.s32 v9, v5;
	[tilespmem:$0x1FEB0] =	vst v2;
	v2 =	vnsel vm1, $0x0, v32  }
0xa2: {  	v22 =	vadd.s32 v1, v4;
	v1 =	vnsel vm15, $0x0, v29;
	[tilespmem:$0x1F6D0] =	vst v2  }
0xa3: {  	v2 =	vnsel vm1, $0x0, v11;
	[tilespmem:$0x1F6F0] =	vst v1  }
0xa4: {  	v7 =	vld [tilespmem:$0x14730];
	[tilespmem:$0x1FA60] =	vst v2;
	v2 =	vnsel vm1, $0x0, v8  }
0xa5: {  	vm8 =	vgt.u32 v0, $0xD;
	v5 =	vld [tilespmem:$0x147B0];
	[tilespmem:$0x1FED0] =	vst v2  }
0xa6: {  	v2 =	vnsel vm8, $0x0, v32;
	[tilespmem:$0x1FA80] =	vst v12  }
0xa7: {  	v1 =	vnsel vm15, $0x0, v12;
	[tilespmem:$0x1F6E0] =	vst v2  }
0xa8: {  	v4 =	vld [tilespmem:$0x14830];
	[tilespmem:$0x1FA90] =	vst v1  }
0xa9: {  	[tilespmem:$0x1FDD0] =	vst v7  }
0xaa: {  	v2 =	vnsel vm8, $0x0, v11;
	[tilespmem:$0x1FDF0] =	vst v5  }
0xab: {  	v1 =	vnsel vm15, $0x0, v7;
	[tilespmem:$0x1FA70] =	vst v2  }
0xac: {  	v27 =	vld [tilespmem:$0x14790];
	[tilespmem:$0x1FEF0] =	vst v1  }
0xad: {  	v56 =	vnsel vm1, $0x0, v58;
	vm1 =	vgt.u32 v0, $0xE;
	v2 =	vnsel vm8, $0x0, v8;
	[tilespmem:$0x1FE00] =	vst v4  }
0xae: {  	v11 =	vld [tilespmem:$0x147A0];
	v1 =	vnsel vm1, $0x0, v29;
	[tilespmem:$0x1FEE0] =	vst v2  }
0xaf: {  	[tilespmem:$0x1F700] =	vst v1;
	v1 =	vnsel vm1, $0x0, v12  }
0xb0: {  	v8 =	vld [tilespmem:$0x14920];
	[tilespmem:$0x1FAA0] =	vst v1;
	v1 =	vnsel vm1, $0x0, v7  }
0xb1: {  	[tilespmem:$0x1FF00] =	vst v1;
	v1 =	vnsel vm13, $0x0, v27  }
0xb2: {  	v2 =	vld [tilespmem:$0x14820];
	[tilespmem:$0x1F710] =	vst v1  }
0xb3: {  	[tilespmem:$0x1FAB0] =	vst v11;
	v1 =	vnsel vm13, $0x0, v11  }
0xb4: {  	v7 =	vld [tilespmem:$0x14930];
	[tilespmem:$0x1FAC0] =	vst v1  }
0xb5: {  	v1 =	vnsel vm13, $0x0, v5;
	[tilespmem:$0x1FB40] =	vst v8  }
0xb6: {  	v24 =	vld [tilespmem:$0x14810];
	v36 =	vnsel vm1, $0x0, v44;
	vm1 =	vgt.u32 v0, $0xF;
	[tilespmem:$0x1FF10] =	vst v1  }
0xb7: {  	v1 =	vnsel vm1, $0x0, v27;
	[tilespmem:$0x1FAE0] =	vst v2  }
0xb8: {  	[tilespmem:$0x1F720] =	vst v1  }
0xb9: {  	v1 =	vnsel vm1, $0x0, v11;
	[tilespmem:$0x1FE30] =	vst v7  }
0xba: {  	[tilespmem:$0x1FAD0] =	vst v1;
	v1 =	vnsel vm1, $0x0, v5  }
0xbb: {  	v5 =	vld [tilespmem:$0x148B0];
	[tilespmem:$0x1FF20] =	vst v1;
	v1 =	vnsel vm11, $0x0, v24  }
0xbc: {  	[tilespmem:$0x1F730] =	vst v1;
	v1 =	vnsel vm11, $0x0, v2  }
0xbd: {  	v48 =	vnsel vm8, $0x0, v58;
	v23 =	vld [tilespmem:$0x14890];
	vm8 =	vgt.u32 v0, $0x10;
	[tilespmem:$0x1FAF0] =	vst v1;
	v1 =	vnsel vm11, $0x0, v4  }
0xbe: {  	v9 =	vld [tilespmem:$0x148A0];
	[tilespmem:$0x1FF30] =	vst v1;
	v1 =	vnsel vm8, $0x0, v24  }
0xbf: {  	[tilespmem:$0x1F740] =	vst v1  }
0xc0: {  	v1 =	vnsel vm8, $0x0, v2;
	[tilespmem:$0x1FE20] =	vst v5  }
0xc1: {  	[tilespmem:$0x1FB00] =	vst v1;
	v1 =	vnsel vm8, $0x0, v4  }
0xc2: {  	[tilespmem:$0x1FF40] =	vst v1;
	v1 =	vnsel vm10, $0x0, v23  }
0xc3: {  	v21 =	vld [tilespmem:$0x14910];
	[tilespmem:$0x1F750] =	vst v1;
	v1 =	vnsel vm10, $0x0, v9  }
0xc4: {  	v33 =	vnsel vm1, $0x0, v38;
	vm1 =	vgt.u32 v0, $0x11;
	[tilespmem:$0x1FB20] =	vst v1;
	v1 =	vnsel vm10, $0x0, v5  }
0xc5: {  	[tilespmem:$0x1FF50] =	vst v1;
	v1 =	vnsel vm1, $0x0, v23  }
0xc6: {  	[tilespmem:$0x1F760] =	vst v1;
	v1 =	vnsel vm1, $0x0, v9  }
0xc7: {  	[tilespmem:$0x1FB30] =	vst v1;
	v1 =	vnsel vm1, $0x0, v5  }
0xc8: {  	[tilespmem:$0x1FF60] =	vst v1;
	v1 =	vnsel vm12, $0x0, v21  }
0xc9: {  	v15 =	vld [tilespmem:$0x14990];
	[tilespmem:$0x1F770] =	vst v1;
	v1 =	vnsel vm12, $0x0, v8  }
0xca: {  	v39 =	vnsel vm15, $0x0, v44;
	v59 =	vld [tilespmem:$0x149A0];
	vm15 =	vgt.u32 v0, $0x12;
	[tilespmem:$0x1FB50] =	vst v1;
	v1 =	vnsel vm12, $0x0, v7  }
0xcb: {  	v5 =	vld [tilespmem:$0x149B0];
	[tilespmem:$0x1FF70] =	vst v1;
	v1 =	vnsel vm15, $0x0, v21  }
0xcc: {  	[tilespmem:$0x1F780] =	vst v1;
	v1 =	vnsel vm15, $0x0, v8  }
0xcd: {  	[tilespmem:$0x1FB60] =	vst v1;
	v1 =	vnsel vm15, $0x0, v7  }
0xce: {  	v7 =	vld [tilespmem:$0x14A30];
	[tilespmem:$0x1FF80] =	vst v1;
	v1 =	vnsel vm9, $0x0, v15  }
0xcf: {  	[tilespmem:$0x1F790] =	vst v1;
	v1 =	vnsel vm9, $0x0, v59  }
0xd0: {  	v31 =	vnsel vm11, $0x0, v30;
	vm11 =	vgt.u32 v0, $0x13;
	[tilespmem:$0x1FB70] =	vst v1;
	v1 =	vnsel vm9, $0x0, v5  }
0xd1: {  	[tilespmem:$0x1FF90] =	vst v1;
	v1 =	vnsel vm11, $0x0, v15  }
0xd2: {  	v13 =	vld [tilespmem:$0x14A10];
	[tilespmem:$0x1F7A0] =	vst v1  }
0xd3: {  	v12 =	vld [tilespmem:$0x14A90];
	v1 =	vnsel vm11, $0x0, v59;
	[tilespmem:$0x1FE90] =	vst v7  }
0xd4: {  	v53 =	vld [tilespmem:$0x14A20];
	v4 =	vnsel vm2, $0x0, v7;
	[tilespmem:$0x1FB80] =	vst v1  }
0xd5: {  	v35 =	vnsel vm13, $0x0, v38;
	v47 =	vld [tilespmem:$0x14AA0];
	vm13 =	vgt.u32 v0, $0x14;
	v1 =	vnsel vm11, $0x0, v5;
	[tilespmem:$0x1FFB0] =	vst v4  }
0xd6: {  	v10 =	vld [tilespmem:$0x14900];
	v4 =	vnsel vm13, $0x0, v7;
	[tilespmem:$0x1FFA0] =	vst v1  }
0xd7: {  	v6 =	vld [tilespmem:$0x14980];
	v1 =	vnsel vm2, $0x0, v13;
	[tilespmem:$0x1FFC0] =	vst v4  }
0xd8: {  	v4 =	vnsel vm14, $0x0, v12;
	[tilespmem:$0x1F7B0] =	vst v1  }
0xd9: {  	v1 =	vnsel vm2, $0x0, v53;
	[tilespmem:$0x1F7D0] =	vst v4  }
0xda: {  	v17 =	vld [tilespmem:$0x14B10];
	v4 =	vnsel vm14, $0x0, v47;
	[tilespmem:$0x1FB90] =	vst v1  }
0xdb: {  	v26 =	vnsel vm10, $0x0, v19;
	v41 =	vld [tilespmem:$0x14B20];
	v20 =	vnsel vm12, $0x0, v10;
	v1 =	vnsel vm13, $0x0, v13;
	[tilespmem:$0x1FBB0] =	vst v4  }
0xdc: {  	v3 =	vld [tilespmem:$0x14A00];
	v16 =	vnsel vm9, $0x0, v6;
	v18 =	vnsel vm15, $0x0, v10;
	v4 =	vnsel vm14, $0x0, v63;
	[tilespmem:$0x1F7C0] =	vst v1  }
0xdd: {  	v25 =	vnsel vm1, $0x0, v19;
	v2 =	vld [tilespmem:$0x14A80];
	vm1 =	vgt.u32 v0, $0x15;
	v1 =	vnsel vm13, $0x0, v53;
	[tilespmem:$0x1FFD0] =	vst v4  }
0xde: {  	v28 =	vnsel vm8, $0x0, v30;
	v14 =	vnsel vm11, $0x0, v6;
	v4 =	vnsel vm1, $0x0, v12;
	[tilespmem:$0x1FBA0] =	vst v1;
	v1 =	vld [tilespmem:$0x14B30]  }
0xdf: {  	v11 =	vld [tilespmem:$0x14B00];
	vm8 =	vgt.u32 v0, $0x16;
	vm10 =	vgt.u32 v0, $0x17;
	[tilespmem:$0x1F7E0] =	vst v4;
	v4 =	vnsel vm1, $0x0, v47  }
0xe0: {  	vm12 =	vgt.u32 v0, $0x1A;
	[tilespmem:$0x1FBC0] =	vst v4;
	v4 =	vnsel vm1, $0x0, v63;
	v63 =	vnsel vm7, $0x0, v17  }
0xe1: {  	v8 =	vnsel vm13, $0x0, v3;
	vm15 =	vgt.u32 v0, $0x1D;
	[tilespmem:$0x1F7F0] =	vst v63;
	v63 =	vnsel vm7, $0x0, v41  }
0xe2: {  	vm9 =	vgt.u32 v0, $0x18;
	vm11 =	vgt.u32 v0, $0x19;
	v7 =	vnsel vm14, $0x0, v2;
	[tilespmem:$0x1FBD0] =	vst v63  }
0xe3: {  	vm14 =	vgt.u32 v0, $0x1C;
	vm13 =	vgt.u32 v0, $0x1B;
	[tilespmem:$0x1FD10] =	vst v1;
	v63 =	vnsel vm7, $0x0, v1;
	v1 =	vld [tilespmem:$0x1F350]  }
0xe4: {  	[tilespmem:$0x1FFE0] =	vst v4;
	v4 =	vnsel vm7, $0x0, v11;
	vm7 =	veq.s32 v0, $0x1F;
	v0 =	vadd.s32 v42, v22;
	v22 =	vld [tilespmem:$0x1F360];
	_ =	sdelay $0x3  }
0xe5: {  	[tilespmem:$0x1FFF0] =	vst v63;
	v63 =	vld [tilespmem:$0x1F380]  }
0xe6: {  	v22 =	vadd.s32 v1, v22;
	v1 =	vld [tilespmem:$0x1F370];
	_ =	sdelay $0x4  }
0xe7: {  	v42 =	vadd.s32 v63, v1;
	v1 =	vld [tilespmem:$0x1F390];
	_ =	sdelay $0x4  }
0xe8: {  	v22 =	vadd.s32 v1, v22;
	v1 =	vld [tilespmem:$0x1F3A0];
	_ =	sdelay $0x4  }
0xe9: {  	v42 =	vadd.s32 v1, v42;
	v1 =	vld [tilespmem:$0x1F3B0];
	_ =	sdelay $0x4  }
0xea: {  	v22 =	vadd.s32 v1, v22;
	v1 =	vld [tilespmem:$0x1F3C0];
	_ =	sdelay $0x4  }
0xeb: {  	v42 =	vadd.s32 v1, v42;
	v1 =	vld [tilespmem:$0x1F3D0];
	_ =	sdelay $0x4  }
0xec: {  	v22 =	vadd.s32 v1, v22;
	v1 =	vld [tilespmem:$0x1F3E0];
	_ =	sdelay $0x4  }
0xed: {  	v42 =	vadd.s32 v1, v42;
	v1 =	vld [tilespmem:$0x1F3F0];
	_ =	sdelay $0x4  }
0xee: {  	v22 =	vadd.s32 v1, v22;
	v1 =	vld [tilespmem:$0x1F400];
	_ =	sdelay $0x4  }
0xef: {  	v42 =	vadd.s32 v1, v42;
	v1 =	vld [tilespmem:$0x1F410];
	_ =	sdelay $0x4  }
0xf0: {  	v22 =	vadd.s32 v1, v22;
	v1 =	vld [tilespmem:$0x1F420];
	_ =	sdelay $0x4  }
0xf1: {  	v42 =	vadd.s32 v1, v42;
	v1 =	vld [tilespmem:$0x1F430];
	_ =	sdelay $0x4  }
0xf2: {  	v22 =	vadd.s32 v1, v22;
	v1 =	vld [tilespmem:$0x1F440];
	_ =	sdelay $0x4  }
0xf3: {  	v42 =	vadd.s32 v1, v42;
	v1 =	vld [tilespmem:$0x1F450];
	_ =	sdelay $0x4  }
0xf4: {  	v22 =	vadd.s32 v1, v22;
	v1 =	vld [tilespmem:$0x1F460];
	_ =	sdelay $0x4  }
0xf5: {  	v42 =	vadd.s32 v1, v42;
	v1 =	vld [tilespmem:$0x1F470];
	_ =	sdelay $0x4  }
0xf6: {  	v22 =	vadd.s32 v1, v22;
	v1 =	vld [tilespmem:$0x1F480];
	_ =	sdelay $0x4  }
0xf7: {  	v42 =	vadd.s32 v1, v42;
	v1 =	vld [tilespmem:$0x1F490];
	_ =	sdelay $0x4  }
0xf8: {  	v22 =	vadd.s32 v1, v22;
	v1 =	vld [tilespmem:$0x1F4A0];
	_ =	sdelay $0x4  }
0xf9: {  	v0 =	vadd.s32 v45, v0;
	v42 =	vadd.s32 v1, v42;
	v1 =	vld [tilespmem:$0x1F4B0]  }
0xfa: {  	v0 =	vadd.s32 v46, v0  }
0xfb: {  	v0 =	vadd.s32 v49, v0  }
0xfc: {  	v0 =	vadd.s32 v50, v0  }
0xfd: {  	v0 =	vadd.s32 v51, v0  }
0xfe: {  	v0 =	vadd.s32 v54, v0;
	v22 =	vadd.s32 v1, v22;
	v1 =	vld [tilespmem:$0x1F4C0]  }
0xff: {  	v0 =	vadd.s32 v55, v0  }
0x100: {  	v0 =	vadd.s32 v57, v0  }
0x101: {  	v0 =	vadd.s32 v58, v0  }
0x102: {  	[tilespmem:$0x1FB10] =	vst v9;
	v9 =	vnsel vm2, $0x0, v3;
	v0 =	vadd.s32 v44, v0  }
0x103: {  	[tilespmem:$0x1FE60] =	vst v5;
	v5 =	vnsel vm1, $0x0, v2;
	v0 =	vadd.s32 v38, v0;
	v42 =	vadd.s32 v1, v42  }
0x104: {  	v0 =	vadd.s32 v30, v0;
	v22 =	vadd.s32 v62, v22;
	v63 =	vadd.s32 v56, v42  }
0x105: {  	v0 =	vadd.s32 v19, v0;
	v22 =	vadd.s32 v48, v22;
	v39 =	vadd.s32 v39, v63  }
0x106: {  	v0 =	vadd.s32 v10, v0;
	v10 =	vld [tilespmem:$0x14B80];
	v19 =	vadd.s32 v36, v22;
	v22 =	vadd.s32 v35, v39  }
0x107: {  	v0 =	vadd.s32 v6, v0;
	v6 =	vld [tilespmem:$0x14C00];
	v19 =	vadd.s32 v33, v19;
	v22 =	vadd.s32 v31, v22  }
0x108: {  	v0 =	vadd.s32 v3, v0;
	v3 =	vld [tilespmem:$0x14C80];
	v19 =	vadd.s32 v28, v19;
	v22 =	vadd.s32 v26, v22  }
0x109: {  	v0 =	vadd.s32 v2, v0;
	v2 =	vld [tilespmem:$0x14D00];
	v19 =	vadd.s32 v25, v19;
	v20 =	vadd.s32 v20, v22  }
0x10a: {  	v0 =	vadd.s32 v11, v0;
	v18 =	vadd.s32 v18, v19;
	v19 =	vld [tilespmem:$0x14D80];
	v16 =	vadd.s32 v16, v20  }
0x10b: {  	v0 =	vadd.s32 v10, v0;
	v14 =	vadd.s32 v14, v18;
	v9 =	vadd.s32 v9, v16;
	v16 =	vld [tilespmem:$0x14E00]  }
0x10c: {  	v0 =	vadd.s32 v6, v0;
	v8 =	vadd.s32 v8, v14;
	v7 =	vadd.s32 v7, v9;
	v9 =	vld [tilespmem:$0x14E80]  }
0x10d: {  	v0 =	vadd.s32 v3, v0;
	v1 =	vnsel vm8, $0x0, v11;
	v5 =	vadd.s32 v5, v8;
	v8 =	vld [tilespmem:$0x14F00]  }
0x10e: {  	v0 =	vadd.s32 v2, v0;
	v1 =	vadd.s32 v1, v5;
	v5 =	vld [tilespmem:$0x14F80]  }
0x10f: {  	v0 =	vadd.s32 v19, v0  }
0x110: {  	v4 =	vadd.s32 v4, v7;
	v7 =	vld [tilespmem:$0x1F4D0];
	v0 =	vadd.s32 v16, v0  }
0x111: {  	v0 =	vadd.s32 v9, v0  }
0x112: {  	v0 =	vadd.s32 v8, v0  }
0x113: {  	v5 =	vadd.s32 v5, v0;
	v0 =	vld [tilespmem:$0x1F4E0];
	_ =	sdelay $0x1  }
0x114: {  	vm2 =	vnez.u8 v7  }
0x115: {  	v7 =	vnsel vm2, $0x0, v10;
	v10 =	vnsel vm10, $0x0, v10  }
0x116: {  	v4 =	vadd.s32 v7, v4;
	v1 =	vadd.s32 v10, v1;
	v7 =	vnsel vm3, $0x0, v6  }
0x117: {  	v6 =	vnsel vm9, $0x0, v6;
	v4 =	vadd.s32 v7, v4;
	vm1 =	vnez.u8 v0  }
0x118: {  	v1 =	vadd.s32 v6, v1;
	v0 =	vnsel vm1, $0x0, v3;
	v3 =	vnsel vm11, $0x0, v3  }
0x119: {  	v0 =	vadd.s32 v0, v4;
	v1 =	vadd.s32 v3, v1;
	v3 =	vnsel vm0, $0x0, v2  }
0x11a: {  	v2 =	vnsel vm12, $0x0, v2;
	v0 =	vadd.s32 v3, v0  }
0x11b: {  	v3 =	vnsel vm4, $0x0, v19;
	v1 =	vadd.s32 v2, v1;
	v2 =	vnsel vm13, $0x0, v19  }
0x11c: {  	v0 =	vadd.s32 v3, v0;
	v1 =	vadd.s32 v2, v1;
	v2 =	vnsel vm5, $0x0, v16  }
0x11d: {  	v3 =	vnsel vm14, $0x0, v16;
	v0 =	vadd.s32 v2, v0;
	v2 =	vld [tilespmem:$0x1F4F0]  }
0x11e: {  	v1 =	vadd.s32 v3, v1;
	v3 =	vld [tilespmem:$0x1F500];
	_ =	sdelay $0x4  }
0x11f: {  	v2 =	vadd.s32 v3, v2;
	v3 =	vld [tilespmem:$0x1F510];
	_ =	sdelay $0x4  }
0x120: {  	v2 =	vadd.s32 v3, v2;
	v3 =	vnsel vm6, $0x0, v9  }
0x121: {  	(xrf0) =	vadd.scan.msk.s32 $0xffff, v5;
	v4 =	vnsel vm15, $0x0, v9;
	v0 =	vadd.s32 v3, v0;
	v3 =	vld [tilespmem:$0x1F520]  }
0x122: {  	v1 =	vadd.s32 v4, v1;
	v4 =	vld [tilespmem:$0x1F530];
	_ =	sdelay $0x3  }
0x123: {  	v2 =	vadd.s32 v3, v2  }
0x124: {  	v3, _, _ =	vpop (xrf0);
	v2 =	vadd.s32 v4, v2;
	v4 =	vnsel vm7, $0x0, v8  }
0x125: {  	v6 =	vsub.s32 v3, v5;
	v1 =	vadd.s32 v4, v1  }
0x126: {  	v4 =	vadd.s32 v61, v2;
	v2 =	vadd.s32 v6, v0;
	v0 =	vadd.s32 v6, v1;
	v1 =	vld [tilespmem:$0x1F540]  }
0x127: {  	v6 =	vld [tilespmem:$0x1F550];
	_ =	sdelay $0x3  }
0x128: {  	v7 =	vld [tilespmem:$0x1F570]  }
0x129: {  	v1 =	vadd.s32 v1, v6;
	v6 =	vld [tilespmem:$0x1F560];
	_ =	sdelay $0x4  }
0x12a: {  	v6 =	vadd.s32 v7, v6;
	v7 =	vld [tilespmem:$0x1F580];
	_ =	sdelay $0x4  }
0x12b: {  	v1 =	vadd.s32 v7, v1;
	v7 =	vld [tilespmem:$0x1F590];
	_ =	sdelay $0x4  }
0x12c: {  	v6 =	vadd.s32 v7, v6;
	v7 =	vld [tilespmem:$0x1F5A0];
	_ =	sdelay $0x4  }
0x12d: {  	v1 =	vadd.s32 v7, v1;
	v7 =	vld [tilespmem:$0x1F5B0];
	_ =	sdelay $0x4  }
0x12e: {  	v6 =	vadd.s32 v7, v6;
	v7 =	vld [tilespmem:$0x1F5C0];
	_ =	sdelay $0x4  }
0x12f: {  	v1 =	vadd.s32 v7, v1;
	v7 =	vld [tilespmem:$0x1F5D0];
	_ =	sdelay $0x4  }
0x130: {  	v6 =	vadd.s32 v7, v6;
	v7 =	vld [tilespmem:$0x1F5E0];
	_ =	sdelay $0x4  }
0x131: {  	v1 =	vadd.s32 v7, v1;
	v7 =	vld [tilespmem:$0x1F5F0];
	_ =	sdelay $0x4  }
0x132: {  	v6 =	vadd.s32 v7, v6;
	v7 =	vld [tilespmem:$0x1F600];
	_ =	sdelay $0x4  }
0x133: {  	v1 =	vadd.s32 v7, v1;
	v7 =	vld [tilespmem:$0x1F610];
	_ =	sdelay $0x4  }
0x134: {  	v6 =	vadd.s32 v7, v6;
	v7 =	vld [tilespmem:$0x1F620];
	_ =	sdelay $0x4  }
0x135: {  	v1 =	vadd.s32 v7, v1;
	v7 =	vld [tilespmem:$0x1F630];
	_ =	sdelay $0x4  }
0x136: {  	v6 =	vadd.s32 v7, v6;
	v7 =	vld [tilespmem:$0x1F640];
	_ =	sdelay $0x4  }
0x137: {  	v1 =	vadd.s32 v7, v1;
	v7 =	vld [tilespmem:$0x1F650];
	_ =	sdelay $0x4  }
0x138: {  	v6 =	vadd.s32 v7, v6;
	v7 =	vld [tilespmem:$0x1F660];
	_ =	sdelay $0x4  }
0x139: {  	v1 =	vadd.s32 v7, v1;
	v7 =	vld [tilespmem:$0x1F670];
	_ =	sdelay $0x4  }
0x13a: {  	v6 =	vadd.s32 v7, v6;
	v7 =	vld [tilespmem:$0x1F680];
	_ =	sdelay $0x4  }
0x13b: {  	v4 =	vadd.s32 v60, v4;
	v1 =	vadd.s32 v7, v1;
	v7 =	vld [tilespmem:$0x1F690]  }
0x13c: {  	v4 =	vadd.s32 v52, v4  }
0x13d: {  	v4 =	vadd.s32 v43, v4  }
0x13e: {  	v4 =	vadd.s32 v40, v4  }
0x13f: {  	v4 =	vadd.s32 v37, v4  }
0x140: {  	v4 =	vadd.s32 v34, v4;
	v6 =	vadd.s32 v7, v6;
	v7 =	vld [tilespmem:$0x1F6A0]  }
0x141: {  	v4 =	vadd.s32 v32, v4  }
0x142: {  	v4 =	vadd.s32 v29, v4  }
0x143: {  	v4 =	vadd.s32 v27, v4  }
0x144: {  	v11 =	vld [tilespmem:$0x1F730];
	v4 =	vadd.s32 v24, v4  }
0x145: {  	v4 =	vadd.s32 v23, v4;
	v1 =	vadd.s32 v7, v1;
	v7 =	vld [tilespmem:$0x1F6B0]  }
0x146: {  	v8 =	vld [tilespmem:$0x1F6D0];
	v4 =	vadd.s32 v21, v4  }
0x147: {  	v9 =	vld [tilespmem:$0x1F6F0];
	v4 =	vadd.s32 v15, v4  }
0x148: {  	v10 =	vld [tilespmem:$0x1F710];
	v4 =	vadd.s32 v13, v4  }
0x149: {  	v4 =	vadd.s32 v12, v4;
	v12 =	vld [tilespmem:$0x1F750]  }
0x14a: {  	v6 =	vadd.s32 v7, v6;
	v7 =	vld [tilespmem:$0x1F6C0]  }
0x14b: {  	v6 =	vadd.s32 v8, v6;
	v8 =	vld [tilespmem:$0x1F6E0]  }
0x14c: {  	v6 =	vadd.s32 v9, v6;
	v9 =	vld [tilespmem:$0x1F700]  }
0x14d: {  	v6 =	vadd.s32 v10, v6;
	v10 =	vld [tilespmem:$0x1F720]  }
0x14e: {  	v6 =	vadd.s32 v11, v6;
	v11 =	vld [tilespmem:$0x1F740]  }
0x14f: {  	v1 =	vadd.s32 v7, v1;
	v6 =	vadd.s32 v12, v6;
	v12 =	vld [tilespmem:$0x1F760]  }
0x150: {  	v1 =	vadd.s32 v8, v1  }
0x151: {  	v1 =	vadd.s32 v9, v1  }
0x152: {  	v1 =	vadd.s32 v10, v1  }
0x153: {  	v1 =	vadd.s32 v11, v1  }
0x154: {  	v1 =	vadd.s32 v12, v1;
	v12 =	vld [tilespmem:$0x1F770];
	_ =	sdelay $0x4  }
0x155: {  	v6 =	vadd.s32 v12, v6;
	v12 =	vld [tilespmem:$0x1F780];
	_ =	sdelay $0x4  }
0x156: {  	v1 =	vadd.s32 v12, v1;
	v12 =	vld [tilespmem:$0x1F790];
	_ =	sdelay $0x4  }
0x157: {  	v6 =	vadd.s32 v12, v6;
	v12 =	vld [tilespmem:$0x1F7A0];
	_ =	sdelay $0x4  }
0x158: {  	v1 =	vadd.s32 v12, v1;
	v12 =	vld [tilespmem:$0x1F7B0];
	_ =	sdelay $0x4  }
0x159: {  	v6 =	vadd.s32 v12, v6;
	v12 =	vld [tilespmem:$0x1F7C0];
	_ =	sdelay $0x4  }
0x15a: {  	v1 =	vadd.s32 v12, v1;
	v12 =	vld [tilespmem:$0x1F7D0]  }
0x15b: {  	v14 =	vld [tilespmem:$0x14E90]  }
0x15c: {  	v7 =	vld [tilespmem:$0x14B90]  }
0x15d: {  	v8 =	vld [tilespmem:$0x14C10]  }
0x15e: {  	v9 =	vld [tilespmem:$0x14C90]  }
0x15f: {  	v6 =	vadd.s32 v12, v6;
	v12 =	vld [tilespmem:$0x1F7E0]  }
0x160: {  	v10 =	vld [tilespmem:$0x14D10]  }
0x161: {  	v4 =	vadd.s32 v17, v4;
	v11 =	vld [tilespmem:$0x14D90]  }
0x162: {  	v13 =	vld [tilespmem:$0x14E10];
	v4 =	vadd.s32 v7, v4  }
0x163: {  	v15 =	vld [tilespmem:$0x14F10];
	v4 =	vadd.s32 v8, v4  }
0x164: {  	v4 =	vadd.s32 v9, v4;
	v1 =	vadd.s32 v12, v1;
	v12 =	vld [tilespmem:$0x1F7F0]  }
0x165: {  	v4 =	vadd.s32 v10, v4  }
0x166: {  	v4 =	vadd.s32 v11, v4  }
0x167: {  	v16 =	vld [tilespmem:$0x14F90];
	v4 =	vadd.s32 v13, v4  }
0x168: {  	v4 =	vadd.s32 v14, v4  }
0x169: {  	v4 =	vadd.s32 v15, v4;
	v6 =	vadd.s32 v12, v6;
	v12 =	vnsel vm8, $0x0, v17  }
0x16a: {  	v1 =	vadd.s32 v12, v1;
	v12 =	vnsel vm2, $0x0, v7;
	v7 =	vnsel vm10, $0x0, v7  }
0x16b: {  	v6 =	vadd.s32 v12, v6;
	v1 =	vadd.s32 v7, v1;
	v7 =	vnsel vm3, $0x0, v8  }
0x16c: {  	v4 =	vadd.s32 v16, v4;
	v6 =	vadd.s32 v7, v6;
	v7 =	vnsel vm9, $0x0, v8  }
0x16d: {  	(xrf0) =	vadd.scan.msk.s32 $0xffff, v4;
	v8 =	vnsel vm1, $0x0, v9;
	v1 =	vadd.s32 v7, v1;
	v7 =	vnsel vm11, $0x0, v9  }
0x16e: {  	v6 =	vadd.s32 v8, v6;
	v1 =	vadd.s32 v7, v1;
	v7 =	vnsel vm0, $0x0, v10  }
0x16f: {  	v8 =	vnsel vm12, $0x0, v10;
	v6 =	vadd.s32 v7, v6  }
0x170: {  	v1 =	vadd.s32 v8, v1;
	v7 =	vnsel vm4, $0x0, v11;
	v8 =	vnsel vm5, $0x0, v13  }
0x171: {  	v6 =	vadd.s32 v7, v6;
	v7 =	vnsel vm13, $0x0, v11  }
0x172: {  	v9 =	vbroadcast v3, $0xF;
	v1 =	vadd.s32 v7, v1;
	v7 =	vnsel vm14, $0x0, v13  }
0x173: {  	v6 =	vadd.s32 v8, v6;
	v1 =	vadd.s32 v7, v1;
	v7 =	vnsel vm6, $0x0, v14;
	v8, _, _ =	vpop (xrf0)  }
0x174: {  	v6 =	vadd.s32 v7, v6;
	v7 =	vnsel vm15, $0x0, v14;
	v10 =	vsub.s32 v8, v4  }
0x175: {  	v1 =	vadd.s32 v7, v1;
	v7 =	vadd.s32 v9, v10;
	v9 =	vnsel vm7, $0x0, v15  }
0x176: {  	(v2sf) =	vpush v3, $0xF;
	v1 =	vadd.s32 v9, v1;
	v3 =	vadd.s32 v7, v6;
	v6 =	vld [tilespmem:$0x1F800]  }
0x177: {  	v1 =	vadd.s32 v7, v1;
	v7 =	vld [tilespmem:$0x1F810];
	_ =	sdelay $0x3  }
0x178: {  	(v2sf) =	vpush v8, $0xF;
	v8 =	vld [tilespmem:$0x1F830]  }
0x179: {  	v6 =	vadd.s32 v6, v7;
	v7 =	vld [tilespmem:$0x1F820];
	_ =	sdelay $0x3  }
0x17a: {  	v9 =	vld [tilespmem:$0x1F850]  }
0x17b: {  	v7 =	vadd.s32 v8, v7;
	v8 =	vld [tilespmem:$0x1F840];
	_ =	sdelay $0x4  }
0x17c: {  	v8 =	vadd.s32 v9, v8;
	v9 =	vld [tilespmem:$0x1F860];
	_ =	sdelay $0x4  }
0x17d: {  	v6 =	vadd.s32 v9, v6;
	v9 =	vld [tilespmem:$0x1F870];
	_ =	sdelay $0x4  }
0x17e: {  	v7 =	vadd.s32 v9, v7;
	v9 =	vld [tilespmem:$0x1F880];
	_ =	sdelay $0x4  }
0x17f: {  	v8 =	vadd.s32 v9, v8;
	v9 =	vld [tilespmem:$0x1F890];
	_ =	sdelay $0x4  }
0x180: {  	v6 =	vadd.s32 v9, v6;
	v9 =	vld [tilespmem:$0x1F8A0];
	_ =	sdelay $0x4  }
0x181: {  	v7 =	vadd.s32 v9, v7;
	v9 =	vld [tilespmem:$0x1F8B0];
	_ =	sdelay $0x4  }
0x182: {  	v8 =	vadd.s32 v9, v8;
	v9 =	vld [tilespmem:$0x1F8C0];
	_ =	sdelay $0x4  }
0x183: {  	v6 =	vadd.s32 v9, v6;
	v9 =	vld [tilespmem:$0x1F8D0];
	_ =	sdelay $0x4  }
0x184: {  	v7 =	vadd.s32 v9, v7;
	v9 =	vld [tilespmem:$0x1F8E0];
	_ =	sdelay $0x4  }
0x185: {  	v8 =	vadd.s32 v9, v8;
	v9 =	vld [tilespmem:$0x1F8F0];
	_ =	sdelay $0x4  }
0x186: {  	v6 =	vadd.s32 v9, v6;
	v9 =	vld [tilespmem:$0x1F900];
	_ =	sdelay $0x4  }
0x187: {  	v7 =	vadd.s32 v9, v7;
	v9 =	vld [tilespmem:$0x1F910];
	_ =	sdelay $0x4  }
0x188: {  	v8 =	vadd.s32 v9, v8;
	v9 =	vld [tilespmem:$0x1F920];
	_ =	sdelay $0x4  }
0x189: {  	v6 =	vadd.s32 v9, v6;
	v9 =	vld [tilespmem:$0x1F930];
	_ =	sdelay $0x4  }
0x18a: {  	v7 =	vadd.s32 v9, v7;
	v9 =	vld [tilespmem:$0x1F940];
	_ =	sdelay $0x4  }
0x18b: {  	v8 =	vadd.s32 v9, v8;
	v9 =	vld [tilespmem:$0x1F950];
	_ =	sdelay $0x4  }
0x18c: {  	v6 =	vadd.s32 v9, v6;
	v9 =	vld [tilespmem:$0x1F960];
	_ =	sdelay $0x4  }
0x18d: {  	v7 =	vadd.s32 v9, v7;
	v9 =	vld [tilespmem:$0x1F970];
	_ =	sdelay $0x4  }
0x18e: {  	v8 =	vadd.s32 v9, v8;
	v9 =	vld [tilespmem:$0x1F980];
	_ =	sdelay $0x4  }
0x18f: {  	v6 =	vadd.s32 v9, v6;
	v9 =	vld [tilespmem:$0x1F990];
	_ =	sdelay $0x4  }
0x190: {  	v7 =	vadd.s32 v9, v7;
	v9 =	vld [tilespmem:$0x1F9A0];
	_ =	sdelay $0x4  }
0x191: {  	v8 =	vadd.s32 v9, v8;
	v9 =	vld [tilespmem:$0x1F9B0];
	_ =	sdelay $0x4  }
0x192: {  	v6 =	vadd.s32 v9, v6;
	v9 =	vld [tilespmem:$0x1F9C0];
	_ =	sdelay $0x4  }
0x193: {  	v7 =	vadd.s32 v9, v7;
	v9 =	vld [tilespmem:$0x1F9D0];
	_ =	sdelay $0x4  }
0x194: {  	v8 =	vadd.s32 v9, v8;
	v9 =	vld [tilespmem:$0x1F9E0];
	_ =	sdelay $0x4  }
0x195: {  	v6 =	vadd.s32 v9, v6;
	v9 =	vld [tilespmem:$0x1F9F0];
	_ =	sdelay $0x4  }
0x196: {  	v7 =	vadd.s32 v9, v7;
	v9 =	vld [tilespmem:$0x1FA00];
	_ =	sdelay $0x4  }
0x197: {  	v8 =	vadd.s32 v9, v8;
	v9 =	vld [tilespmem:$0x1FA10];
	_ =	sdelay $0x4  }
0x198: {  	v6 =	vadd.s32 v9, v6;
	v9 =	vld [tilespmem:$0x1FA20];
	_ =	sdelay $0x4  }
0x199: {  	v7 =	vadd.s32 v9, v7;
	v9 =	vld [tilespmem:$0x1FA30];
	_ =	sdelay $0x4  }
0x19a: {  	v8 =	vadd.s32 v9, v8;
	v9 =	vld [tilespmem:$0x1FA40];
	_ =	sdelay $0x4  }
0x19b: {  	v6 =	vadd.s32 v9, v6;
	v9 =	vld [tilespmem:$0x1FA50];
	_ =	sdelay $0x4  }
0x19c: {  	v7 =	vadd.s32 v9, v7;
	v9 =	vld [tilespmem:$0x1FA60];
	_ =	sdelay $0x4  }
0x19d: {  	v8 =	vadd.s32 v9, v8;
	v9 =	vld [tilespmem:$0x1FA70];
	_ =	sdelay $0x4  }
0x19e: {  	v6 =	vadd.s32 v9, v6;
	v9 =	vld [tilespmem:$0x1FA80];
	_ =	sdelay $0x4  }
0x19f: {  	v7 =	vadd.s32 v9, v7;
	v9 =	vld [tilespmem:$0x1FA90];
	_ =	sdelay $0x4  }
0x1a0: {  	v8 =	vadd.s32 v9, v8;
	v9 =	vld [tilespmem:$0x1FAA0];
	_ =	sdelay $0x4  }
0x1a1: {  	v6 =	vadd.s32 v9, v6;
	v9 =	vld [tilespmem:$0x1FAB0];
	_ =	sdelay $0x4  }
0x1a2: {  	v7 =	vadd.s32 v9, v7;
	v9 =	vld [tilespmem:$0x1FAC0];
	_ =	sdelay $0x4  }
0x1a3: {  	v8 =	vadd.s32 v9, v8;
	v9 =	vld [tilespmem:$0x1FAD0];
	_ =	sdelay $0x4  }
0x1a4: {  	v6 =	vadd.s32 v9, v6;
	v9 =	vld [tilespmem:$0x1FAE0];
	_ =	sdelay $0x4  }
0x1a5: {  	v7 =	vadd.s32 v9, v7;
	v9 =	vld [tilespmem:$0x1FAF0];
	_ =	sdelay $0x4  }
0x1a6: {  	v8 =	vadd.s32 v9, v8;
	v9 =	vld [tilespmem:$0x1FB00];
	_ =	sdelay $0x4  }
0x1a7: {  	v6 =	vadd.s32 v9, v6;
	v9 =	vld [tilespmem:$0x1FB10];
	_ =	sdelay $0x4  }
0x1a8: {  	v7 =	vadd.s32 v9, v7;
	v9 =	vld [tilespmem:$0x1FB20];
	_ =	sdelay $0x4  }
0x1a9: {  	v8 =	vadd.s32 v9, v8;
	v9 =	vld [tilespmem:$0x1FB30];
	_ =	sdelay $0x4  }
0x1aa: {  	v6 =	vadd.s32 v9, v6;
	v9 =	vld [tilespmem:$0x1FB40];
	_ =	sdelay $0x4  }
0x1ab: {  	v7 =	vadd.s32 v9, v7;
	v9 =	vld [tilespmem:$0x1FB50]  }
0x1ac: {  	v10 =	vld [tilespmem:$0x1FB70];
	_ =	sdelay $0x3  }
0x1ad: {  	v8 =	vadd.s32 v9, v8;
	v9 =	vld [tilespmem:$0x1FB60]  }
0x1ae: {  	v8 =	vadd.s32 v10, v8;
	v10 =	vld [tilespmem:$0x1FB80];
	_ =	sdelay $0x3  }
0x1af: {  	v6 =	vadd.s32 v9, v6  }
0x1b0: {  	v6 =	vadd.s32 v10, v6;
	v10 =	vld [tilespmem:$0x1FB90]  }
0x1b1: {  	v11 =	vld [tilespmem:$0x1FBB0];
	_ =	sdelay $0x3  }
0x1b2: {  	v8 =	vadd.s32 v10, v8;
	v10 =	vld [tilespmem:$0x1FBA0]  }
0x1b3: {  	v8 =	vadd.s32 v11, v8;
	v11 =	vld [tilespmem:$0x1FBC0]  }
0x1b4: {  	v12 =	vld [tilespmem:$0x1FBD0]  }
0x1b5: {  	v9 =	vld [tilespmem:$0x14BA0]  }
0x1b6: {  	v7 =	vadd.s32 v59, v7  }
0x1b7: {  	v7 =	vadd.s32 v53, v7;
	v6 =	vadd.s32 v10, v6;
	v10 =	vld [tilespmem:$0x14C20]  }
0x1b8: {  	v7 =	vadd.s32 v47, v7;
	v6 =	vadd.s32 v11, v6;
	v11 =	vld [tilespmem:$0x14CA0]  }
0x1b9: {  	v7 =	vadd.s32 v41, v7;
	v8 =	vadd.s32 v12, v8;
	v12 =	vnsel vm8, $0x0, v41  }
0x1ba: {  	v14 =	vld [tilespmem:$0x14D20];
	v13 =	vnsel vm10, $0x0, v9;
	v6 =	vadd.s32 v12, v6;
	v12 =	vnsel vm2, $0x0, v9  }
0x1bb: {  	v7 =	vadd.s32 v9, v7;
	v8 =	vadd.s32 v12, v8;
	v6 =	vadd.s32 v13, v6;
	v12 =	vld [tilespmem:$0x14DA0]  }
0x1bc: {  	v7 =	vadd.s32 v10, v7;
	v9 =	vnsel vm3, $0x0, v10;
	v10 =	vnsel vm9, $0x0, v10  }
0x1bd: {  	v8 =	vadd.s32 v9, v8;
	v6 =	vadd.s32 v10, v6;
	v9 =	vnsel vm1, $0x0, v11  }
0x1be: {  	v10 =	vld [tilespmem:$0x14E20];
	v7 =	vadd.s32 v11, v7;
	v8 =	vadd.s32 v9, v8;
	v9 =	vnsel vm11, $0x0, v11  }
0x1bf: {  	v13 =	vld [tilespmem:$0x14EA0];
	v7 =	vadd.s32 v14, v7;
	v6 =	vadd.s32 v9, v6;
	v9 =	vnsel vm0, $0x0, v14  }
0x1c0: {  	v11 =	vnsel vm12, $0x0, v14;
	v7 =	vadd.s32 v12, v7;
	v8 =	vadd.s32 v9, v8  }
0x1c1: {  	v6 =	vadd.s32 v11, v6;
	v11 =	vnsel vm4, $0x0, v12;
	v12 =	vnsel vm13, $0x0, v12  }
0x1c2: {  	v8 =	vadd.s32 v11, v8;
	v6 =	vadd.s32 v12, v6  }
0x1c3: {  	v11 =	vnsel vm5, $0x0, v10;
	v7 =	vadd.s32 v10, v7;
	v10 =	vnsel vm14, $0x0, v10  }
0x1c4: {  	v9 =	vld [tilespmem:$0x14F20];
	v8 =	vadd.s32 v11, v8;
	v6 =	vadd.s32 v10, v6;
	v10 =	vnsel vm6, $0x0, v13  }
0x1c5: {  	v11 =	vld [tilespmem:$0x1FBF0];
	v8 =	vadd.s32 v10, v8;
	v10 =	vnsel vm15, $0x0, v13  }
0x1c6: {  	v6 =	vadd.s32 v10, v6;
	v10 =	vld [tilespmem:$0x1FBE0]  }
0x1c7: {  	v14 =	vld [tilespmem:$0x14FA0];
	_ =	sdelay $0x2  }
0x1c8: {  	v12 =	vld [tilespmem:$0x1FC10];
	v7 =	vadd.s32 v13, v7  }
0x1c9: {  	v7 =	vadd.s32 v9, v7;
	v10 =	vadd.s32 v11, v10;
	v11 =	vld [tilespmem:$0x1FC00]  }
0x1ca: {  	v7 =	vadd.s32 v14, v7;
	v14 =	vld [tilespmem:$0x1FC50];
	_ =	sdelay $0x2  }
0x1cb: {  	v13 =	vld [tilespmem:$0x1FC30]  }
0x1cc: {  	v11 =	vadd.s32 v11, v12;
	v12 =	vld [tilespmem:$0x1FC20]  }
0x1cd: {  	v11 =	vadd.s32 v14, v11;
	v14 =	vld [tilespmem:$0x1FC60];
	_ =	sdelay $0x3  }
0x1ce: {  	v12 =	vadd.s32 v13, v12;
	v13 =	vld [tilespmem:$0x1FC40]  }
0x1cf: {  	v12 =	vadd.s32 v14, v12;
	v14 =	vld [tilespmem:$0x1FC70];
	_ =	sdelay $0x3  }
0x1d0: {  	v10 =	vadd.s32 v13, v10  }
0x1d1: {  	v10 =	vadd.s32 v14, v10;
	v14 =	vld [tilespmem:$0x1FC80]  }
0x1d2: {  	v15 =	vld [tilespmem:$0x1FCB0];
	_ =	sdelay $0x3  }
0x1d3: {  	v11 =	vadd.s32 v14, v11;
	v14 =	vld [tilespmem:$0x1FC90]  }
0x1d4: {  	v11 =	vadd.s32 v15, v11;
	v15 =	vld [tilespmem:$0x1FCC0];
	_ =	sdelay $0x3  }
0x1d5: {  	v12 =	vadd.s32 v14, v12;
	v14 =	vld [tilespmem:$0x1FCA0]  }
0x1d6: {  	v12 =	vadd.s32 v15, v12;
	v15 =	vld [tilespmem:$0x1FCD0];
	_ =	sdelay $0x3  }
0x1d7: {  	v45 =	vld [tilespmem:$0x1FDE0];
	v10 =	vadd.s32 v14, v10  }
0x1d8: {  	v10 =	vadd.s32 v15, v10;
	v15 =	vld [tilespmem:$0x1FCE0]  }
0x1d9: {  	v49 =	vld [tilespmem:$0x1FE00]  }
0x1da: {  	v51 =	vld [tilespmem:$0x1FE10]  }
0x1db: {  	v55 =	vld [tilespmem:$0x1FE30]  }
0x1dc: {  	v57 =	vld [tilespmem:$0x1FE40]  }
0x1dd: {  	v11 =	vadd.s32 v15, v11;
	v15 =	vld [tilespmem:$0x1FCF0]  }
0x1de: {  	v58 =	vld [tilespmem:$0x1FE50]  }
0x1df: {  	v18 =	vld [tilespmem:$0x1FD30]  }
0x1e0: {  	v26 =	vld [tilespmem:$0x1FDB0]  }
0x1e1: {  	v22 =	vld [tilespmem:$0x1FD70]  }
0x1e2: {  	v12 =	vadd.s32 v15, v12;
	v15 =	vld [tilespmem:$0x1FD00]  }
0x1e3: {  	v17 =	vld [tilespmem:$0x1FD20]  }
0x1e4: {  	v19 =	vld [tilespmem:$0x1FD40]  }
0x1e5: {  	v21 =	vld [tilespmem:$0x1FD60]  }
0x1e6: {  	v23 =	vld [tilespmem:$0x1FD80];
	v11 =	vadd.s32 v18, v11  }
0x1e7: {  	v25 =	vld [tilespmem:$0x1FDA0];
	v11 =	vadd.s32 v22, v11;
	v10 =	vadd.s32 v15, v10  }
0x1e8: {  	v11 =	vadd.s32 v26, v11;
	v26 =	vld [tilespmem:$0x1FDC0];
	v10 =	vadd.s32 v17, v10  }
0x1e9: {  	v43 =	vld [tilespmem:$0x1FDD0];
	v10 =	vadd.s32 v19, v10  }
0x1ea: {  	v47 =	vld [tilespmem:$0x1FDF0];
	v10 =	vadd.s32 v21, v10  }
0x1eb: {  	v38 =	vld [tilespmem:$0x1FEC0];
	v10 =	vadd.s32 v23, v10  }
0x1ec: {  	v53 =	vld [tilespmem:$0x1FE20];
	v10 =	vadd.s32 v25, v10  }
0x1ed: {  	v62 =	vld [tilespmem:$0x1FE90];
	v10 =	vadd.s32 v26, v10  }
0x1ee: {  	v59 =	vld [tilespmem:$0x1FE60];
	v10 =	vadd.s32 v43, v10  }
0x1ef: {  	v42 =	vld [tilespmem:$0x1FD10];
	v10 =	vadd.s32 v47, v10  }
0x1f0: {  	v63 =	vld [tilespmem:$0x1FEA0];
	v10 =	vadd.s32 v49, v10  }
0x1f1: {  	v13 =	vld [tilespmem:$0x14BB0];
	v10 =	vadd.s32 v53, v10  }
0x1f2: {  	v20 =	vld [tilespmem:$0x1FD50];
	v10 =	vadd.s32 v55, v10  }
0x1f3: {  	v61 =	vld [tilespmem:$0x1FE80];
	v10 =	vadd.s32 v59, v10  }
0x1f4: {  	v37 =	vld [tilespmem:$0x1FEB0];
	v10 =	vadd.s32 v62, v10  }
0x1f5: {  	v24 =	vld [tilespmem:$0x1FD90];
	v10 =	vadd.s32 v38, v10  }
0x1f6: {  	v40 =	vld [tilespmem:$0x1FEE0];
	v18 =	vnsel vm10, $0x0, v13;
	v10 =	vadd.s32 v42, v10  }
0x1f7: {  	v11 =	vadd.s32 v51, v11;
	v17 =	vnsel vm2, $0x0, v13;
	v10 =	vadd.s32 v13, v10;
	v13 =	vld [tilespmem:$0x1FF00]  }
0x1f8: {  	v60 =	vld [tilespmem:$0x1FE70];
	v11 =	vadd.s32 v58, v11  }
0x1f9: {  	v39 =	vld [tilespmem:$0x1FED0];
	v12 =	vadd.s32 v20, v12;
	v11 =	vadd.s32 v61, v11  }
0x1fa: {  	v14 =	vld [tilespmem:$0x14C30];
	v12 =	vadd.s32 v24, v12;
	v11 =	vadd.s32 v37, v11  }
0x1fb: {  	v16 =	vnsel vm8, $0x0, v42;
	v12 =	vadd.s32 v45, v12;
	v11 =	vadd.s32 v40, v11;
	v42 =	vld [tilespmem:$0x1FEF0]  }
0x1fc: {  	v12 =	vadd.s32 v57, v12;
	v11 =	vadd.s32 v13, v11;
	v13 =	vld [tilespmem:$0x1FF10]  }
0x1fd: {  	v15 =	vld [tilespmem:$0x14CB0];
	v12 =	vadd.s32 v60, v12  }
0x1fe: {  	v12 =	vadd.s32 v63, v12  }
0x1ff: {  	v12 =	vadd.s32 v39, v12  }
0x200: {  	v12 =	vadd.s32 v42, v12  }
0x201: {  	v10 =	vadd.s32 v14, v10;
	v12 =	vadd.s32 v13, v12;
	v13 =	vld [tilespmem:$0x1FF20]  }
0x202: {  	v24 =	vnsel vm1, $0x0, v15;
	v25 =	vnsel vm11, $0x0, v15;
	v10 =	vadd.s32 v15, v10;
	v15 =	vld [tilespmem:$0x1FF40];
	_ =	sdelay $0x3  }
0x203: {  	v11 =	vadd.s32 v13, v11;
	v13 =	vld [tilespmem:$0x1FF30]  }
0x204: {  	v11 =	vadd.s32 v15, v11;
	v15 =	vld [tilespmem:$0x1FF50];
	_ =	sdelay $0x3  }
0x205: {  	v12 =	vadd.s32 v13, v12  }
0x206: {  	v12 =	vadd.s32 v15, v12;
	v15 =	vld [tilespmem:$0x1FF60];
	_ =	sdelay $0x4  }
0x207: {  	v11 =	vadd.s32 v15, v11;
	v15 =	vld [tilespmem:$0x1FF70];
	_ =	sdelay $0x4  }
0x208: {  	v12 =	vadd.s32 v15, v12;
	v15 =	vld [tilespmem:$0x1FF80];
	_ =	sdelay $0x4  }
0x209: {  	v11 =	vadd.s32 v15, v11;
	v15 =	vld [tilespmem:$0x1FF90];
	_ =	sdelay $0x3  }
0x20a: {  	v19 =	vld [tilespmem:$0x14D30]  }
0x20b: {  	v12 =	vadd.s32 v15, v12;
	v15 =	vld [tilespmem:$0x1FFA0]  }
0x20c: {  	v21 =	vld [tilespmem:$0x14DB0]  }
0x20d: {  	v23 =	vld [tilespmem:$0x14E30]  }
0x20e: {  	v26 =	vld [tilespmem:$0x14EB0]  }
0x20f: {  	(xrf0) =	vadd.scan.msk.s32 $0xffff, v7;
	v13 =	vld [tilespmem:$0x14F30]  }
0x210: {  	v11 =	vadd.s32 v15, v11;
	v15 =	vld [tilespmem:$0x1FFB0]  }
0x211: {  	v22 =	vnsel vm9, $0x0, v14;
	v20 =	vnsel vm3, $0x0, v14;
	v14 =	vld [tilespmem:$0x14FB0];
	v10 =	vadd.s32 v19, v10  }
0x212: {  	v10 =	vadd.s32 v21, v10  }
0x213: {  	v10 =	vadd.s32 v23, v10  }
0x214: {  	v10 =	vadd.s32 v26, v10  }
0x215: {  	v41, _, _ =	vpop (xrf0);
	v10 =	vadd.s32 v13, v10;
	v12 =	vadd.s32 v15, v12;
	v15 =	vld [tilespmem:$0x1FFC0]  }
0x216: {  	(v2sf) =	vpush v41, $0xF;
	v10 =	vadd.s32 v14, v10;
	v14 =	vld [tilespmem:$0x1FFE0];
	_ =	sdelay $0x3  }
0x217: {  	s29 =	spop (v2sf);
	v11 =	vadd.s32 v15, v11;
	v15 =	vld [tilespmem:$0x1FFD0]  }
0x218: {  	[tilespmem:$0x15000] =	vst v2;
	v4 =	vcvt.s32.f32 v4;
	s30 =	spop (v2sf);
	v11 =	vadd.s32 v14, v11;
	v14 =	vld [tilespmem:$0x1FFF0]  }
0x219: {  	v5 =	vcvt.s32.f32 v5;
	[tilespmem:$0x15080] =	vst v0;
	s9 =	sadd.s32 s29, s30;
	v9 =	vnsel vm7, $0x0, v9;
	v0 =	vsub.s32 v41, v7  }
0x21a: {  	[tilespmem:$0x15110] =	vst v4;
	v2 =	vadd.s32 v9, v6;
	v4 =	vcvt.s32.f32 v7;
	v0 =	vadd.s32 s9, v0  }
0x21b: {  	[tilespmem:$0x15010] =	vst v3;
	v3 =	vadd.s32 v0, v8;
	v0 =	vadd.s32 v0, v2;
	v27 =	vnsel vm0, $0x0, v19  }
0x21c: {  	v44 =	vnsel vm12, $0x0, v19;
	(xrf0) =	vadd.scan.msk.s32 $0xffff, v10;
	v6 =	vadd.s32 v16, v11;
	v12 =	vadd.s32 v15, v12  }
0x21d: {  	v46 =	vnsel vm4, $0x0, v21;
	v6 =	vadd.s32 v18, v6;
	v12 =	vadd.s32 v14, v12  }
0x21e: {  	[tilespmem:$0x15100] =	vst v5;
	v48 =	vnsel vm13, $0x0, v21;
	v5 =	vadd.s32 v22, v6;
	v9 =	vadd.s32 v17, v12  }
0x21f: {  	v50 =	vnsel vm5, $0x0, v23;
	v5 =	vadd.s32 v25, v5;
	v9 =	vadd.s32 v20, v9  }
0x220: {  	[tilespmem:$0x15090] =	vst v1;
	v52 =	vnsel vm14, $0x0, v23;
	v1 =	vadd.s32 v44, v5;
	v6 =	vadd.s32 v24, v9  }
0x221: {  	v54 =	vnsel vm6, $0x0, v26;
	v1 =	vadd.s32 v48, v1;
	v6 =	vadd.s32 v27, v6  }
0x222: {  	[tilespmem:$0x15020] =	vst v3;
	s31 =	spop (v2sf);
	v56 =	vnsel vm15, $0x0, v26;
	v5, _, _ =	vpop (xrf0);
	v1 =	vadd.s32 v52, v1;
	v2 =	vadd.s32 v46, v6  }
0x223: {  	[tilespmem:$0x150A0] =	vst v0;
	s9 =	sadd.s32 s9, s31;
	v3 =	vsub.s32 v5, v10;
	v0 =	vadd.s32 v56, v1;
	v2 =	vadd.s32 v50, v2  }
0x224: {  	v1 =	vnsel vm7, $0x0, v13;
	v3 =	vadd.s32 s9, v3;
	v2 =	vadd.s32 v54, v2  }
0x225: {  	[tilespmem:$0x15120] =	vst v4;
	v0 =	vadd.s32 v1, v0;
	v1 =	vadd.s32 v3, v2  }
0x226: {  	v0 =	vadd.s32 v3, v0;
	[tilespmem:$0x15030] =	vst v1;
	v1 =	vcvt.s32.f32 v10  }
0x227: {  	p0 =	sne.s32 s3, $0x0;
	[tilespmem:$0x150B0] =	vst v0  }
0x228: {  	s10 =	simm.s32 @!p0 $0x15100;
	s9 =	simm.s32 @!p0 $0x0;
	[tilespmem:$0x15130] =	vst v1  }
0x229: {  	[hbm4b:s8+s9] =	stream.linear.scatter @!p0 [tilespmem:s10], [sflag:$0x3], $0x80, $0x38;
	[tilespmem:$0x1D580] =	vst v63  }
0x22a: {  	s8 =	simm.s32 @!p0 $0x3  }
0x22b: {  	s14 =	simm.s32 $0x30;
	s26 =	simm.s32 $0xB0;
	_ =	swait.ge @!p0 [sflag:s8], $0x80  }
0x22c: {  	s23 =	simm.s32 $0x90;
	s24 =	simm.s32 $0xF0;
	v8 =	vmov s4;
	v58 =	vmov s26;
	[sflag:s8] =	ssyncset.done @!p0 $0x0  }
0x22d: {  	s12 =	simm.s32 $0x20;
	vm0 =	vcmask $0x300;
	v53 =	vmov s23;
	v55 =	vmov s24;
	s10 =	simm.s32 $0x4040;
	[sflag:s8] =	ssyncadd.s32 @!p0 $0xFFFFFF80  }
0x22e: {  	s16 =	simm.s32 $0x50;
	v38 =	vshrl.u32 v55, $0x7;
	v16 =	vmov s12;
	v18 =	vmov s14;
	v1 =	vld [tilespmem:s10+$0x30]  }
0x22f: {  	s13 =	simm.s32 $0x70;
	s17 =	simm.s32 $0x60;
	v16 =	vshrl.u32 v16, $0x7;
	v22 =	vmov s16;
	v18 =	vshrl.u32 v18, $0x7;
	v2 =	vld [tilespmem:s10+$0xFFFFFFD0]  }
0x230: {  	s15 =	simm.s32 $0x40;
	v15 =	vmov s13;
	v25 =	vmov s17;
	v22 =	vshrl.u32 v22, $0x7;
	v3 =	vld [tilespmem:s10+$0xFFFFFFE0]  }
0x231: {  	s11 =	simm.s32 $0x10;
	v15 =	vshrl.u32 v15, $0x7;
	v25 =	vshrl.u32 v25, $0x7;
	v20 =	vmov s15;
	v4 =	vld [tilespmem:s10+$0xFFFFFFF0]  }
0x232: {  	s25 =	simm.s32 $0xA0;
	v13 =	vmov s11;
	v20 =	vshrl.u32 v20, $0x7;
	v0 =	vimm.s32 $0x0;
	v5 =	vld [tilespmem:s10+$0x0]  }
0x233: {  	v56 =	vmov s25;
	v13 =	vshrl.u32 v13, $0x7;
	v0 =	vsel vm0, $0x7, v0;
	v6 =	vld [tilespmem:s10+$0x10]  }
0x234: {  	v15 =	vshll.u32 v15, v0;
	v13 =	vshll.u32 v13, v0;
	v16 =	vshll.u32 v16, v0;
	v9 =	vld [tilespmem:s10+$0x20]  }
0x235: {  	v38 =	vshll.u32 v38, v0;
	v15 =	vor.u32 $0x70, v15;
	v13 =	vor.u32 $0x10, v13;
	v12 =	vld [tilespmem:s10+$0xFFFFFFC0]  }
0x236: {  	v16 =	vor.u32 $0x20, v16;
	v38 =	vor.u32 $0x70, v38;
	v15 =	vbroadcast v15, $0x0  }
0x237: {  	s20 =	simm.s32 $0x40C0;
	v13 =	vbroadcast v13, $0x0;
	v16 =	vbroadcast v16, $0x0;
	v7 =	vshra.s32 v1, $0x12  }
0x238: {  	v51 =	vld [tilespmem:s20+$0x30];
	v10 =	vshra.s32 v2, $0x12;
	v11 =	vshrl.u32 v2, $0x4;
	v14 =	vshra.s32 v3, $0x12  }
0x239: {  	v35 =	vld [tilespmem:s20+$0xFFFFFFC0];
	v17 =	vshra.s32 v4, $0x12;
	v19 =	vshra.s32 v5, $0x12;
	v21 =	vshra.s32 v6, $0x12  }
0x23a: {  	v23 =	vshra.s32 v9, $0x12;
	v24 =	vshra.s32 v12, $0x12;
	v26 =	vand.u32 $0xF, v1  }
0x23b: {  	v1 =	vshrl.u32 v1, $0x4;
	v27 =	vshrl.u32 v3, $0x4;
	v43 =	vshrl.u32 v4, $0x4  }
0x23c: {  	s9 =	sshll.u32 s3, $0xE;
	v44 =	vshrl.u32 v5, $0x4;
	v45 =	vshrl.u32 v6, $0x4;
	v46 =	vshrl.u32 v9, $0x4  }
0x23d: {  	s18 =	sadd.s32 $0x0, s9;
	s10 =	simm.s32 $0x15000;
	v2 =	vand.u32 $0xF, v2;
	v3 =	vand.u32 $0xF, v3;
	v4 =	vand.u32 $0xF, v4  }
0x23e: {  	s19 =	sadd.s32 $0x70, s18;
	v62 =	vshrl.u32 v51, $0x4;
	v63 =	vshra.s32 v35, $0x12;
	v29 =	vand.u32 $0xF, v51;
	v7 =	vld.idx.msk [tilespmem:v7+s10+$0x0], $0xffff  }
0x23f: {  	v15 =	vor.u32 v15, v26;
	v1 =	vand.u32 $0x3FFF, v1;
	v26 =	vor.u32 s19, v26;
	v19 =	vld.idx.msk [tilespmem:v19+s10+$0x0], $0xffff  }
0x240: {  	s13 =	sadd.s32 $0x10, s18;
	s14 =	sadd.s32 $0x20, s18;
	v48 =	vand.u32 $0x3FFF, v44;
	v49 =	vand.u32 $0x3FFF, v45;
	v50 =	vor.u32 v13, v2;
	v21 =	vld.idx.msk [tilespmem:v21+s10+$0x0], $0xffff  }
0x241: {  	v16 =	vor.u32 v16, v3;
	v2 =	vor.u32 s13, v2;
	v3 =	vor.u32 s14, v3  }
0x242: {  	v45 =	vand.u32 $0x3FFF, v62;
	v26 =	vshrl.u32 v26, $0x3;
	v31 =	vshrl.u32 v3, $0x3  }
0x243: {  	v1 =	vadd.s32 v7, v1;
	v7 =	vshrl.u32 v8, $0x7;
	v8 =	vshll.u32 v18, v0  }
0x244: {  	v18 =	vshll.u32 v20, v0;
	v20 =	vshll.u32 v22, v0;
	v22 =	vshll.u32 v25, v0  }
0x245: {  	v10 =	vld.idx.msk [tilespmem:v10+s10+$0x0], $0xffff;
	v25 =	vshrl.u32 v12, $0x4;
	v19 =	vadd.s32 v19, v48;
	v21 =	vadd.s32 v21, v49  }
0x246: {  	v24 =	vld.idx.msk [tilespmem:v24+s10+$0x0], $0xffff;
	v48 =	vshrl.u32 v56, $0x7;
	v49 =	vshrl.u32 v58, $0x7;
	v8 =	vor.u32 $0x30, v8  }
0x247: {  	v14 =	vld.idx.msk [tilespmem:v14+s10+$0x0], $0xffff;
	v18 =	vor.u32 $0x40, v18;
	v7 =	vshll.u32 v7, v0;
	v20 =	vor.u32 $0x50, v20  }
0x248: {  	v17 =	vld.idx.msk [tilespmem:v17+s10+$0x0], $0xffff;
	v22 =	vor.u32 $0x60, v22;
	v25 =	vand.u32 $0x3FFF, v25;
	v8 =	vbroadcast v8, $0x0  }
0x249: {  	v28 =	vshll.u32 v49, v0;
	v18 =	vbroadcast v18, $0x0;
	v20 =	vbroadcast v20, $0x0  }
0x24a: {  	v23 =	vld.idx.msk [tilespmem:v23+s10+$0x0], $0xffff;
	v22 =	vbroadcast v22, $0x0;
	v47 =	vbroadcast v7, $0x0;
	v7 =	vand.u32 $0x3FFF, v11  }
0x24b: {  	v11 =	vand.u32 $0x3FFF, v27;
	v27 =	vand.u32 $0x3FFF, v43;
	v24 =	vadd.s32 v24, v25  }
0x24c: {  	v25 =	vadd.s32 v10, v7;
	v7 =	vand.u32 $0x3FFF, v46;
	v14 =	vadd.s32 v14, v11  }
0x24d: {  	s21 =	simm.s32 $0x8040;
	v17 =	vadd.s32 v17, v27;
	v10 =	vand.u32 $0xF, v12;
	v11 =	vand.u32 $0xF, v5  }
0x24e: {  	v12 =	vand.u32 $0xF, v6;
	v27 =	vand.u32 $0xF, v9;
	[tilespmem:s21+$0xFFFFFFC0] =	vst v24;
	v24 =	vbroadcast v38, $0x0  }
0x24f: {  	[tilespmem:s21+$0x30] =	vst v1;
	v23 =	vadd.s32 v23, v7;
	v30 =	vor.u32 v8, v4;
	v7 =	vor.u32 v18, v11  }
0x250: {  	s15 =	sadd.s32 $0x30, s18;
	s16 =	sadd.s32 $0x40, s18;
	v15 =	vld.idx.msk [tilespmem:v15+s4+$0x0], $0xffff;
	v6 =	vor.u32 v20, v12;
	v5 =	vor.u32 v22, v27;
	v18 =	vor.u32 v47, v10  }
0x251: {  	s30 =	simm.s32 $0xE0;
	v9 =	vld [tilespmem:s20+$0xFFFFFFE0];
	v1 =	vor.u32 s18, v10;
	v4 =	vor.u32 s15, v4;
	v13 =	vor.u32 s16, v11  }
0x252: {  	s22 =	sadd.s32 $0x50, s18;
	s11 =	sadd.s32 $0x60, s18;
	v8 =	vld [tilespmem:s20+$0xFFFFFFD0];
	v22 =	vshra.s32 v51, $0x12;
	[tilespmem:s21+$0xFFFFFFD0] =	vst v25;
	v25 =	vmov s30;
	v20 =	vshrl.u32 v1, $0x3  }
0x253: {  	v11 =	vld [tilespmem:s20+$0xFFFFFFF0];
	v1 =	vor.u32 s22, v12;
	v12 =	vor.u32 s11, v27;
	v27 =	vshrl.u32 v2, $0x3  }
0x254: {  	[tilespmem:s21+$0x10] =	vst v21;
	v10 =	vld [tilespmem:s20+$0x0];
	v4 =	vshrl.u32 v4, $0x3;
	v3 =	vshrl.u32 v13, $0x3;
	v24 =	vor.u32 v24, v29  }
0x255: {  	[tilespmem:s21+$0xFFFFFFF0] =	vst v17;
	s11 =	simm.s32 $0x80;
	v17 =	vld.idx.msk [tilespmem:v50+s4+$0x0], $0xffff;
	v25 =	vshrl.u32 v25, $0x7;
	v50 =	vshll.u32 v48, v0;
	v2 =	vshrl.u32 v1, $0x3  }
0x256: {  	s28 =	simm.s32 $0xC0;
	s13 =	simm.s32 $0xC040;
	[tilespmem:s21+$0xFFFFFFE0] =	vst v14;
	v13 =	vld [tilespmem:s20+$0x20];
	v1 =	vshrl.u32 v12, $0x3;
	v32 =	vmov s11;
	v25 =	vshll.u32 v25, v0  }
0x257: {  	s29 =	simm.s32 $0xD0;
	s12 =	simm.s32 $0x10040;
	v12 =	vld [tilespmem:s20+$0x10];
	[tilespmem:s13+$0x30] =	vst v15;
	v15 =	vmov s28;
	v21 =	vshrl.u32 v32, $0x7;
	v54 =	vshra.s32 v9, $0x12  }
0x258: {  	v16 =	vld.idx.msk [tilespmem:v16+s4+$0x0], $0xffff;
	[tilespmem:s12+$0x30] =	vst v26;
	v26 =	vmov s29;
	v15 =	vshrl.u32 v15, $0x7;
	v52 =	vshra.s32 v8, $0x12  }
0x259: {  	v34 =	vshrl.u32 v8, $0x4;
	v57 =	vshra.s32 v11, $0x12;
	v22 =	vld.idx.msk [tilespmem:v22+s10+$0x0], $0xffff;
	v59 =	vshra.s32 v10, $0x12  }
0x25a: {  	[tilespmem:s21+$0x0] =	vst v19;
	v14 =	vld.idx.msk [tilespmem:v18+s4+$0x0], $0xffff;
	v18 =	vshrl.u32 v53, $0x7;
	v26 =	vshrl.u32 v26, $0x7;
	v15 =	vshll.u32 v15, v0  }
0x25b: {  	v55 =	vld.idx.msk [tilespmem:v63+s10+$0x0], $0xffff;
	v61 =	vshra.s32 v13, $0x12;
	v18 =	vshll.u32 v18, v0;
	v15 =	vor.u32 $0x40, v15;
	[tilespmem:s13+$0xFFFFFFD0] =	vst v17  }
0x25c: {  	s19 =	sadd.s32 $0x80, s9;
	v17 =	vshrl.u32 v10, $0x4;
	v60 =	vshra.s32 v12, $0x12;
	v18 =	vor.u32 $0x10, v18;
	[tilespmem:s12+$0xFFFFFFD0] =	vst v27;
	v27 =	vld.idx.msk [tilespmem:v30+s4+$0x0], $0xffff  }
0x25d: {  	s31 =	sadd.s32 $0x70, s19;
	[tilespmem:s21+$0x20] =	vst v23;
	v56 =	vshrl.u32 v12, $0x4;
	v15 =	vbroadcast v15, $0x0;
	v17 =	vand.u32 $0x3FFF, v17;
	v51 =	vld.idx.msk [tilespmem:v54+s10+$0x0], $0xffff  }
0x25e: {  	[tilespmem:s13+$0xFFFFFFE0] =	vst v16;
	v58 =	vbroadcast v18, $0x0;
	v18 =	vor.u32 s31, v29;
	v54 =	vshrl.u32 v11, $0x4;
	v19 =	vld.idx.msk [tilespmem:v52+s10+$0x0], $0xffff  }
0x25f: {  	s15 =	simm.s32 $0x80C0;
	v18 =	vshrl.u32 v18, $0x3;
	v22 =	vadd.s32 v22, v45;
	v52 =	vld.idx.msk [tilespmem:v57+s10+$0x0], $0xffff;
	[tilespmem:s13+$0xFFFFFFC0] =	vst v14;
	v14 =	vshll.u32 v21, v0  }
0x260: {  	v53 =	vld.idx.msk [tilespmem:v59+s10+$0x0], $0xffff;
	v57 =	vshrl.u32 v13, $0x4;
	v16 =	vand.u32 $0x3FFF, v54;
	[tilespmem:s15+$0x30] =	vst v22;
	v22 =	vshll.u32 v26, v0  }
0x261: {  	v26 =	vor.u32 $0x30, v28;
	[tilespmem:s12+$0xFFFFFFC0] =	vst v20;
	v20 =	vshrl.u32 v35, $0x4;
	v23 =	vld.idx.msk [tilespmem:v24+s4+$0x0], $0xffff;
	v24 =	vor.u32 $0x20, v50  }
0x262: {  	v21 =	vor.u32 $0x50, v22;
	v22 =	vor.u32 $0x60, v25;
	v25 =	vshrl.u32 v9, $0x4  }
0x263: {  	[tilespmem:s12+$0xFFFFFFE0] =	vst v31;
	v20 =	vand.u32 $0x3FFF, v20;
	v59 =	vbroadcast v24, $0x0;
	v24 =	vld.idx.msk [tilespmem:v60+s10+$0x0], $0xffff;
	v60 =	vbroadcast v21, $0x0  }
0x264: {  	[tilespmem:s13+$0xFFFFFFF0] =	vst v27;
	v21 =	vbroadcast v14, $0x0;
	v14 =	vand.u32 $0x3FFF, v34;
	v20 =	vadd.s32 v55, v20  }
0x265: {  	s14 =	simm.s32 $0xC0C0;
	v26 =	vbroadcast v26, $0x0;
	[tilespmem:s15+$0xFFFFFFC0] =	vst v20;
	v20 =	vld.idx.msk [tilespmem:v6+s4+$0x0], $0xffff;
	v6 =	vand.u32 $0xF, v8;
	v14 =	vadd.s32 v19, v14  }
0x266: {  	v62 =	vadd.s32 v52, v16;
	v28 =	vadd.s32 v53, v17;
	v16 =	vand.u32 $0xF, v9;
	[tilespmem:s14+$0x30] =	vst v23;
	v23 =	vld.idx.msk [tilespmem:v61+s10+$0x0], $0xffff  }
0x267: {  	s16 =	simm.s32 $0x100C0;
	v19 =	vand.u32 $0xF, v35;
	v9 =	vand.u32 $0xF, v13;
	[tilespmem:s15+$0xFFFFFFD0] =	vst v14;
	v14 =	vor.u32 v59, v16  }
0x268: {  	v61 =	vbroadcast v22, $0x0;
	v22 =	vand.u32 $0x3FFF, v56;
	[tilespmem:s16+$0x30] =	vst v18;
	v18 =	vand.u32 $0x3FFF, v25  }
0x269: {  	s6 =	sadd.s32 s6, s7;
	s5 =	sadd.s32 s5, s7;
	s17 =	simm.s32 $0x8;
	v17 =	vld.idx.msk [tilespmem:v5+s4+$0x0], $0xffff;
	[tilespmem:s15+$0xFFFFFFF0] =	vst v62;
	v25 =	vand.u32 $0x3FFF, v57;
	v63 =	vadd.s32 v24, v22;
	v22 =	vor.u32 v58, v6  }
0x26a: {  	s7 =	sadd.s32 s9, s2;
	s8 =	sadd.s32 s9, s1;
	s24 =	sadd.s32 $0x10, s19;
	[tilespmem:s15+$0x0] =	vst v28;
	v27 =	vadd.s32 v51, v18;
	v18 =	vld.idx.msk [tilespmem:v7+s4+$0x0], $0xffff;
	v7 =	vand.u32 $0xF, v11;
	v5 =	vor.u32 v61, v9  }
0x26b: {  	s25 =	sadd.s32 $0x30, s19;
	s23 =	sadd.s32 $0x50, s19;
	s18 =	simm.s32 $0x4140;
	[tilespmem:s15+$0x10] =	vst v63;
	v24 =	vadd.s32 v23, v25;
	v23 =	vand.u32 $0xF, v10;
	v10 =	vand.u32 $0xF, v12  }
0x26c: {  	s21 =	sadd.s32 $0x20, s19;
	s22 =	sadd.s32 $0x40, s19;
	s20 =	sadd.s32 $0x60, s19;
	[tilespmem:s15+$0xFFFFFFE0] =	vst v27;
	v12 =	vor.u32 v26, v7;
	v11 =	vor.u32 v15, v23;
	v8 =	vor.u32 v60, v10  }
.LBB2_1:
0x26d: {  	v25 =	vld [tilespmem:s18+$0x30];
	v21 =	vor.u32 v21, v19;
	v13 =	vor.u32 s19, v19;
	v15 =	vor.u32 s24, v6;
	[tilespmem:s15+$0x20] =	vst v24  }
0x26e: {  	s17 =	sadd.s32 $0x8, s17;
	v16 =	vor.u32 s21, v16;
	v19 =	vor.u32 s25, v7;
	v23 =	vor.u32 s22, v23;
	v6 =	vld [tilespmem:s18+$0xFFFFFFD0]  }
0x26f: {  	v26 =	vor.u32 s20, v9;
	p1 =	slt.u32 s17, $0x1F8;
	v24 =	vshrl.u32 v13, $0x3;
	v13 =	vor.u32 s23, v10;
	v7 =	vld [tilespmem:s18+$0xFFFFFFE0];
	[tilespmem:s12+$0xFFFFFFF0] =	vst v4  }
0x270: {  	v27 =	vshrl.u32 v15, $0x3;
	v16 =	vshrl.u32 v16, $0x3;
	v4 =	vshrl.u32 v19, $0x3;
	v9 =	vld [tilespmem:s18+$0xFFFFFFF0];
	[tilespmem:s13+$0x0] =	vst v18  }
0x271: {  	v26 =	vshrl.u32 v26, $0x3;
	v18 =	vshrl.u32 v13, $0x3;
	v10 =	vld [tilespmem:s18+$0x0];
	[tilespmem:s12+$0x0] =	vst v3;
	v3 =	vshrl.u32 v23, $0x3  }
0x272: {  	s11 =	sadd.s32 $0x80, s11;
	v13 =	vld [tilespmem:s18+$0x10];
	v23 =	vshra.s32 v25, $0x12;
	[tilespmem:s13+$0x10] =	vst v20  }
0x273: {  	s19 =	sadd.s32 $0x10, s11;
	s20 =	sadd.s32 $0x20, s11;
	s21 =	sadd.s32 $0x70, s11;
	v20 =	vmov s11;
	v28 =	vshra.s32 v6, $0x12;
	v29 =	vshrl.u32 v6, $0x4;
	v15 =	vld [tilespmem:s18+$0x20];
	[tilespmem:s12+$0x10] =	vst v2;
	v2 =	vmovc v18  }
0x274: {  	s22 =	sadd.s32 $0x40, s11;
	s23 =	sadd.s32 $0x50, s11;
	v31 =	vmov s21;
	v18 =	vmov s19;
	s19 =	sadd.s32 $0x30, s11;
	v19 =	vld [tilespmem:s18+$0xFFFFFFC0];
	v30 =	vshra.s32 v7, $0x12;
	[tilespmem:s13+$0x20] =	vst v17  }
0x275: {  	v31 =	vshrl.u32 v31, $0x7;
	v17 =	vmov s20;
	s20 =	sadd.s32 $0x60, s11;
	s13 =	smov.u32 s14;
	v32 =	vshra.s32 v9, $0x12;
	v21 =	vld.idx.msk [tilespmem:v21+s4+$0x0], $0xffff;
	[tilespmem:s12+$0x20] =	vst v1;
	v1 =	vmovc v26;
	s12 =	smov.u32 s16  }
0x276: {  	v31 =	vshll.u32 v31, v0;
	v26 =	vmov s19;
	v33 =	vshra.s32 v10, $0x12;
	v22 =	vld.idx.msk [tilespmem:v22+s4+$0x0], $0xffff  }
0x277: {  	v34 =	vmov s22;
	v31 =	vor.u32 $0x70, v31;
	v35 =	vshra.s32 v13, $0x12;
	v23 =	vld.idx.msk [tilespmem:v23+s10+$0x0], $0xffff  }
0x278: {  	v36 =	vmov s23;
	v31 =	vbroadcast v31, $0x0;
	v28 =	vld.idx.msk [tilespmem:v28+s10+$0x0], $0xffff;
	v37 =	vshra.s32 v15, $0x12  }
0x279: {  	v40 =	vand.u32 $0xF, v25;
	v39 =	vmov s20;
	v38 =	vshra.s32 v19, $0x12;
	v30 =	vld.idx.msk [tilespmem:v30+s10+$0x0], $0xffff  }
0x27a: {  	v18 =	vshrl.u32 v18, $0x7;
	v17 =	vshrl.u32 v17, $0x7;
	v31 =	vor.u32 v31, v40;
	v32 =	vld.idx.msk [tilespmem:v32+s10+$0x0], $0xffff  }
0x27b: {  	v34 =	vshrl.u32 v34, $0x7;
	v25 =	vshrl.u32 v25, $0x4;
	v26 =	vshrl.u32 v26, $0x7;
	v33 =	vld.idx.msk [tilespmem:v33+s10+$0x0], $0xffff;
	[tilespmem:s14+$0xFFFFFFC0] =	vst v21  }
0x27c: {  	v25 =	vand.u32 $0x3FFF, v25;
	v21 =	vshrl.u32 v36, $0x7;
	v36 =	vshrl.u32 v39, $0x7;
	v35 =	vld.idx.msk [tilespmem:v35+s10+$0x0], $0xffff;
	[tilespmem:s16+$0xFFFFFFC0] =	vst v24  }
0x27d: {  	s15 =	sadd.s32 $0x80, s15;
	v18 =	vshll.u32 v18, v0;
	v17 =	vshll.u32 v17, v0;
	v23 =	vadd.s32 v23, v25;
	v24 =	vld.idx.msk [tilespmem:v37+s10+$0x0], $0xffff  }
0x27e: {  	v34 =	vshll.u32 v34, v0;
	v20 =	vshrl.u32 v20, $0x7;
	v26 =	vshll.u32 v26, v0;
	v25 =	vld.idx.msk [tilespmem:v38+s10+$0x0], $0xffff;
	[tilespmem:s15+$0x30] =	vst v23  }
0x27f: {  	v23 =	vor.u32 $0x10, v18;
	v18 =	vshll.u32 v21, v0;
	v21 =	vshll.u32 v36, v0;
	v31 =	vld.idx.msk [tilespmem:v31+s4+$0x0], $0xffff;
	[tilespmem:s14+$0xFFFFFFD0] =	vst v22  }
0x280: {  	v17 =	vor.u32 $0x20, v17;
	v22 =	vor.u32 $0x30, v26;
	v26 =	vor.u32 $0x40, v34;
	[tilespmem:s16+$0xFFFFFFD0] =	vst v27;
	v14 =	vld.idx.msk [tilespmem:v14+s4+$0x0], $0xffff  }
0x281: {  	v34 =	vor.u32 $0x50, v18;
	v21 =	vor.u32 $0x60, v21;
	v27 =	vshll.u32 v20, v0;
	v12 =	vld.idx.msk [tilespmem:v12+s4+$0x0], $0xffff  }
0x282: {  	s19 =	sadd.s32 s11, s9;
	v37 =	vshrl.u32 v7, $0x4;
	v36 =	vshrl.u32 v19, $0x4;
	v38 =	vshrl.u32 v9, $0x4;
	v18 =	vld.idx.msk [tilespmem:v11+s4+$0x0], $0xffff  }
0x283: {  	s24 =	sadd.s32 $0x10, s19;
	s21 =	sadd.s32 $0x20, s19;
	s20 =	sadd.s32 $0x70, s19;
	v41 =	vshrl.u32 v15, $0x4;
	v39 =	vshrl.u32 v13, $0x4;
	v11 =	vshrl.u32 v10, $0x4;
	v20 =	vld.idx.msk [tilespmem:v8+s4+$0x0], $0xffff  }
0x284: {  	s25 =	sadd.s32 $0x30, s19;
	s22 =	sadd.s32 $0x40, s19;
	v42 =	vbroadcast v17, $0x0;
	s14 =	sadd.s32 $0x80, s14;
	v8 =	vbroadcast v23, $0x0;
	v23 =	vor.u32 s20, v40;
	v17 =	vld.idx.msk [tilespmem:v5+s4+$0x0], $0xffff  }
0x285: {  	s23 =	sadd.s32 $0x50, s19;
	v26 =	vbroadcast v26, $0x0;
	s16 =	sadd.s32 $0x80, s16;
	s20 =	sadd.s32 $0x60, s19;
	v5 =	vbroadcast v22, $0x0;
	v22 =	vshrl.u32 v23, $0x3;
	[tilespmem:s14+$0x30] =	vst v31  }
0x286: {  	v23 =	vand.u32 $0x3FFF, v36;
	v31 =	vbroadcast v34, $0x0;
	v34 =	vbroadcast v21, $0x0;
	[tilespmem:s16+$0x30] =	vst v22  }
0x287: {  	v21 =	vbroadcast v27, $0x0;
	v27 =	vand.u32 $0x3FFF, v37;
	v22 =	vand.u32 $0x3FFF, v29;
	[tilespmem:s13+$0xFFFFFFE0] =	vst v14  }
0x288: {  	v11 =	vand.u32 $0x3FFF, v11;
	v29 =	vand.u32 $0x3FFF, v39;
	v14 =	vand.u32 $0x3FFF, v38;
	[tilespmem:s12+$0xFFFFFFE0] =	vst v16  }
0x289: {  	v22 =	vadd.s32 v28, v22;
	v16 =	vadd.s32 v25, v23;
	v23 =	vand.u32 $0x3FFF, v41;
	[tilespmem:s13+$0xFFFFFFF0] =	vst v12  }
0x28a: {  	v11 =	vadd.s32 v33, v11;
	v14 =	vadd.s32 v32, v14;
	v12 =	vadd.s32 v30, v27;
	[tilespmem:s15+$0xFFFFFFC0] =	vst v16  }
.Ltmp0:
0x28b: {  	v19 =	vand.u32 $0xF, v19;
	v25 =	vadd.s32 v35, v29;
	v24 =	vadd.s32 v24, v23;
	[tilespmem:s15+$0xFFFFFFD0] =	vst v22;
	(pc) =	sbr.rel @p1 .LBB2_1-.Ltmp0, $4  }
0x28c: {  	v6 =	vand.u32 $0xF, v6;
	v16 =	vand.u32 $0xF, v7;
	v7 =	vand.u32 $0xF, v9;
	[tilespmem:s15+$0xFFFFFFE0] =	vst v12  }
0x28d: {  	v23 =	vand.u32 $0xF, v10;
	v10 =	vand.u32 $0xF, v13;
	v9 =	vand.u32 $0xF, v15;
	[tilespmem:s15+$0xFFFFFFF0] =	vst v14  }
0x28e: {  	v22 =	vor.u32 v8, v6;
	v12 =	vor.u32 v5, v7;
	v14 =	vor.u32 v42, v16;
	[tilespmem:s15+$0x0] =	vst v11  }
0x28f: {  	s18 =	sadd.s32 $0x80, s18;
	v8 =	vor.u32 v31, v10;
	v5 =	vor.u32 v34, v9;
	v11 =	vor.u32 v26, v23;
	[tilespmem:s15+$0x10] =	vst v25  }
0x290: {  	v0 =	vor.u32 v21, v19  }
0x291: {  	[tilespmem:s15+$0x20] =	vst v24  }
0x292: {  	[tilespmem:s12+$0xFFFFFFF0] =	vst v4  }
0x293: {  	[tilespmem:s13+$0x0] =	vst v18  }
0x294: {  	[tilespmem:s13+$0x10] =	vst v20;
	v4 =	vld.idx.msk [tilespmem:v8+s4+$0x0], $0xffff  }
0x295: {  	[tilespmem:s13+$0x20] =	vst v17;
	v0 =	vld.idx.msk [tilespmem:v0+s4+$0x0], $0xffff  }
0x296: {  	[tilespmem:s12+$0x0] =	vst v3  }
0x297: {  	[tilespmem:s12+$0x10] =	vst v2;
	v2 =	vld.idx.msk [tilespmem:v22+s4+$0x0], $0xffff  }
0x298: {  	[tilespmem:s12+$0x20] =	vst v1  }
0x299: {  	v3 =	vor.u32 s19, v19;
	v1 =	vld.idx.msk [tilespmem:v14+s4+$0x0], $0xffff;
	[tilespmem:s14+$0x10] =	vst v4  }
0x29a: {  	v3 =	vshrl.u32 v3, $0x3;
	[tilespmem:s14+$0xFFFFFFC0] =	vst v0  }
0x29b: {  	v0 =	vor.u32 s24, v6;
	[tilespmem:s16+$0xFFFFFFC0] =	vst v3;
	v3 =	vld.idx.msk [tilespmem:v12+s4+$0x0], $0xffff  }
0x29c: {  	[tilespmem:s14+$0xFFFFFFD0] =	vst v2;
	v0 =	vshrl.u32 v0, $0x3  }
0x29d: {  	v2 =	vor.u32 s21, v16;
	[tilespmem:s16+$0xFFFFFFD0] =	vst v0;
	v0 =	vld.idx.msk [tilespmem:v11+s4+$0x0], $0xffff  }
0x29e: {  	[tilespmem:s14+$0xFFFFFFE0] =	vst v1;
	v2 =	vshrl.u32 v2, $0x3  }
0x29f: {  	v1 =	vor.u32 s25, v7;
	[tilespmem:s16+$0xFFFFFFE0] =	vst v2  }
0x2a0: {  	v1 =	vshrl.u32 v1, $0x3;
	[tilespmem:s14+$0xFFFFFFF0] =	vst v3;
	v3 =	vld.idx.msk [tilespmem:v5+s4+$0x0], $0xffff  }
0x2a1: {  	s10 =	simm.s32 $0x2010;
	v2 =	vor.u32 s22, v23;
	[tilespmem:s16+$0xFFFFFFF0] =	vst v1  }
0x2a2: {  	s11 =	simm.s32 $0x2070;
	s26 =	simm.s32 $0x2000;
	v13 =	vmov s10;
	v1 =	vshrl.u32 v2, $0x3;
	[tilespmem:s14+$0x0] =	vst v0;
	v0 =	vor.u32 s23, v10  }
0x2a3: {  	v14 =	vmov s11;
	v26 =	vmov s26;
	[tilespmem:s16+$0x0] =	vst v1;
	v0 =	vshrl.u32 v0, $0x3  }
0x2a4: {  	s26 =	simm.s32 $0x20D0;
	v14 =	vshrl.u32 v14, $0x7;
	v13 =	vshrl.u32 v13, $0x7;
	s21 =	simm.s32 $0x2020;
	v1 =	vor.u32 s20, v9;
	[tilespmem:s16+$0x10] =	vst v0  }
0x2a5: {  	v43 =	vmov s26;
	s25 =	simm.s32 $0x2060;
	v16 =	vmov s21;
	v0 =	vshrl.u32 v1, $0x3;
	[tilespmem:s14+$0x20] =	vst v3  }
0x2a6: {  	v50 =	vshrl.u32 v43, $0x7;
	v24 =	vmov s25;
	s21 =	simm.s32 $0x2090;
	s25 =	simm.s32 $0x20C0;
	v16 =	vshrl.u32 v16, $0x7;
	s20 =	simm.s32 $0x6070;
	[tilespmem:s16+$0x20] =	vst v0  }
0x2a7: {  	s22 =	simm.s32 $0x2030;
	v24 =	vshrl.u32 v24, $0x7;
	v36 =	vmov s21;
	v42 =	vmov s25;
	v1 =	vld [tilespmem:s20+$0x0]  }
0x2a8: {  	v18 =	vmov s22;
	s22 =	simm.s32 $0x20F0;
	v47 =	vshrl.u32 v36, $0x7;
	v49 =	vshrl.u32 v42, $0x7;
	s24 =	simm.s32 $0x2050;
	v2 =	vld [tilespmem:s20+$0xFFFFFF90]  }
0x2a9: {  	v18 =	vshrl.u32 v18, $0x7;
	v37 =	vmov s22;
	v22 =	vmov s24;
	s23 =	simm.s32 $0x2040;
	v3 =	vld [tilespmem:s20+$0xFFFFFFA0]  }
0x2aa: {  	s24 =	simm.s32 $0x20B0;
	v37 =	vshrl.u32 v37, $0x7;
	v22 =	vshrl.u32 v22, $0x7;
	v20 =	vmov s23;
	s23 =	simm.s32 $0x20A0;
	v4 =	vld [tilespmem:s20+$0xFFFFFFB0]  }
0x2ab: {  	s28 =	sadd.s32 $0x0, s9;
	v41 =	vmov s24;
	v39 =	vmov s23;
	v0 =	vimm.s32 $0x0;
	v5 =	vld [tilespmem:s20+$0xFFFFFFC0]  }
0x2ac: {  	s29 =	sadd.s32 $0x2070, s28;
	s15 =	sadd.s32 $0x2000, s28;
	s19 =	sadd.s32 $0x2020, s28;
	v20 =	vshrl.u32 v20, $0x7;
	v48 =	vshrl.u32 v39, $0x7;
	v6 =	vld [tilespmem:s20+$0xFFFFFFD0];
	v0 =	vsel vm0, $0x7, v0  }
0x2ad: {  	s17 =	sadd.s32 $0x2030, s28;
	s18 =	sadd.s32 $0x2040, s28;
	s11 =	sadd.s32 $0x2060, s28;
	v9 =	vld [tilespmem:s20+$0xFFFFFFE0];
	v14 =	vshll.u32 v14, v0;
	v13 =	vshll.u32 v13, v0;
	v16 =	vshll.u32 v16, v0  }
0x2ae: {  	s16 =	sadd.s32 $0x2010, s28;
	v12 =	vld [tilespmem:s20+$0xFFFFFFF0];
	s20 =	sadd.s32 $0x2050, s28;
	s28 =	simm.s32 $0x20E0;
	v18 =	vshll.u32 v18, v0;
	v20 =	vshll.u32 v20, v0;
	v22 =	vshll.u32 v22, v0  }
0x2af: {  	v24 =	vshll.u32 v24, v0;
	v37 =	vshll.u32 v37, v0;
	v44 =	vmov s28  }
0x2b0: {  	v52 =	vshll.u32 v48, v0;
	v14 =	vor.u32 $0x70, v14;
	v13 =	vor.u32 $0x10, v13  }
0x2b1: {  	v16 =	vor.u32 $0x20, v16;
	v18 =	vor.u32 $0x30, v18;
	v20 =	vor.u32 $0x40, v20  }
0x2b2: {  	v22 =	vor.u32 $0x50, v22;
	v24 =	vor.u32 $0x60, v24;
	v14 =	vbroadcast v14, $0x0  }
0x2b3: {  	v37 =	vor.u32 $0x70, v37;
	v13 =	vbroadcast v13, $0x0;
	v16 =	vbroadcast v16, $0x0  }
0x2b4: {  	v51 =	vshrl.u32 v44, $0x7;
	v18 =	vbroadcast v18, $0x0;
	v20 =	vbroadcast v20, $0x0  }
0x2b5: {  	v22 =	vbroadcast v22, $0x0;
	v24 =	vbroadcast v24, $0x0;
	v53 =	vshll.u32 v51, v0  }
0x2b6: {  	v37 =	vbroadcast v37, $0x0;
	v55 =	vor.u32 $0x60, v53;
	v7 =	vshra.s32 v1, $0x12  }
0x2b7: {  	v8 =	vshra.s32 v2, $0x12;
	v10 =	vshrl.u32 v2, $0x4;
	v2 =	vand.u32 $0xF, v2  }
0x2b8: {  	v11 =	vshra.s32 v3, $0x12;
	v15 =	vshra.s32 v4, $0x12;
	v19 =	vshra.s32 v6, $0x12  }
0x2b9: {  	v17 =	vshra.s32 v5, $0x12;
	v21 =	vshra.s32 v9, $0x12;
	v23 =	vshra.s32 v12, $0x12  }
0x2ba: {  	s4 =	simm.s32 $0x15080;
	v25 =	vand.u32 $0xF, v1;
	v1 =	vshrl.u32 v1, $0x4;
	v27 =	vshrl.u32 v4, $0x4  }
0x2bb: {  	v28 =	vshrl.u32 v5, $0x4;
	v29 =	vshrl.u32 v6, $0x4;
	v30 =	vshrl.u32 v9, $0x4;
	v7 =	vld.idx.msk [tilespmem:v7+s4+$0x0], $0xffff  }
0x2bc: {  	v31 =	vshrl.u32 v12, $0x4;
	v4 =	vand.u32 $0xF, v4;
	v5 =	vand.u32 $0xF, v5;
	v8 =	vld.idx.msk [tilespmem:v8+s4+$0x0], $0xffff  }
0x2bd: {  	v14 =	vor.u32 v14, v25;
	v1 =	vand.u32 $0x3FFF, v1;
	v25 =	vor.u32 s29, v25;
	v19 =	vld.idx.msk [tilespmem:v19+s4+$0x0], $0xffff  }
0x2be: {  	v10 =	vand.u32 $0x3FFF, v10;
	v57 =	vand.u32 $0x3FFF, v29;
	v16 =	vor.u32 v16, v4;
	v21 =	vld.idx.msk [tilespmem:v21+s4+$0x0], $0xffff  }
0x2bf: {  	v18 =	vor.u32 v18, v5;
	v4 =	vor.u32 s19, v4;
	v5 =	vor.u32 s17, v5;
	v23 =	vld.idx.msk [tilespmem:v23+s4+$0x0], $0xffff  }
0x2c0: {  	v25 =	vshrl.u32 v25, $0x3;
	v11 =	vld.idx.msk [tilespmem:v11+s4+$0x0], $0xffff;
	v1 =	vadd.s32 v7, v1;
	v7 =	vshrl.u32 v26, $0x7  }
0x2c1: {  	v15 =	vld.idx.msk [tilespmem:v15+s4+$0x0], $0xffff;
	v26 =	vshrl.u32 v3, $0x4;
	v58 =	vadd.s32 v8, v10;
	v8 =	vand.u32 $0x3FFF, v30  }
0x2c2: {  	v17 =	vld.idx.msk [tilespmem:v17+s4+$0x0], $0xffff;
	v10 =	vand.u32 $0x3FFF, v31;
	v19 =	vadd.s32 v19, v57;
	v3 =	vand.u32 $0xF, v3  }
0x2c3: {  	s30 =	simm.s32 $0xA070;
	v30 =	vshll.u32 v47, v0;
	v7 =	vshll.u32 v7, v0;
	v21 =	vadd.s32 v21, v8  }
0x2c4: {  	s31 =	simm.s32 $0x60F0;
	v23 =	vadd.s32 v23, v10;
	v10 =	vand.u32 $0xF, v6;
	[tilespmem:s30+$0x0] =	vst v1;
	v1 =	vand.u32 $0xF, v9  }
0x2c5: {  	v9 =	vld [tilespmem:s31+$0xFFFFFFA0];
	v32 =	vbroadcast v7, $0x0;
	v7 =	vand.u32 $0x3FFF, v26;
	v26 =	vand.u32 $0x3FFF, v27  }
0x2c6: {  	s10 =	simm.s32 $0x0;
	v27 =	vand.u32 $0x3FFF, v28;
	v8 =	vor.u32 v20, v10;
	v20 =	vld [tilespmem:s31+$0x0];
	v59 =	vadd.s32 v11, v7  }
0x2c7: {  	v15 =	vadd.s32 v15, v26;
	v17 =	vadd.s32 v17, v27;
	v11 =	vand.u32 $0xF, v12;
	v27 =	vld.idx.msk [tilespmem:v14+s10+$0x0], $0xffff  }
0x2c8: {  	v26 =	vor.u32 v13, v3;
	v7 =	vor.u32 v22, v1;
	v3 =	vor.u32 s16, v3;
	v13 =	vld [tilespmem:s31+$0xFFFFFF90]  }
0x2c9: {  	[tilespmem:s30+$0xFFFFFF90] =	vst v58;
	v14 =	vor.u32 s18, v10;
	v1 =	vor.u32 s20, v1;
	v10 =	vld [tilespmem:s31+$0xFFFFFFB0];
	v6 =	vor.u32 v24, v11  }
0x2ca: {  	[tilespmem:s30+$0xFFFFFFD0] =	vst v19;
	v12 =	vld [tilespmem:s31+$0xFFFFFFC0];
	v22 =	vor.u32 v32, v2;
	v2 =	vor.u32 s15, v2;
	v11 =	vor.u32 s11, v11  }
0x2cb: {  	[tilespmem:s30+$0xFFFFFFE0] =	vst v21;
	v60 =	vshrl.u32 v3, $0x3;
	v3 =	vshrl.u32 v14, $0x3;
	v14 =	vld [tilespmem:s31+$0xFFFFFFF0];
	v61 =	vshra.s32 v20, $0x12  }
0x2cc: {  	[tilespmem:s30+$0xFFFFFFB0] =	vst v15;
	v24 =	vshrl.u32 v2, $0x3;
	v2 =	vshrl.u32 v1, $0x3;
	v1 =	vshrl.u32 v11, $0x3;
	v11 =	vld [tilespmem:s31+$0xFFFFFFD0]  }
0x2cd: {  	v31 =	vshrl.u32 v4, $0x3;
	v4 =	vshrl.u32 v5, $0x3;
	v30 =	vor.u32 $0x10, v30;
	[tilespmem:s30+$0xFFFFFFF0] =	vst v23;
	v16 =	vld.idx.msk [tilespmem:v16+s10+$0x0], $0xffff  }
0x2ce: {  	s11 =	simm.s32 $0xE070;
	[tilespmem:s30+$0xFFFFFFA0] =	vst v59;
	v33 =	vshra.s32 v13, $0x12;
	v34 =	vshrl.u32 v13, $0x4;
	v5 =	vand.u32 $0xF, v13;
	v13 =	vld [tilespmem:s31+$0xFFFFFFE0]  }
0x2cf: {  	s12 =	simm.s32 $0x12070;
	v30 =	vbroadcast v30, $0x0;
	v35 =	vshra.s32 v9, $0x12;
	v45 =	vand.u32 $0xF, v20;
	[tilespmem:s11+$0x0] =	vst v27;
	v15 =	vld.idx.msk [tilespmem:v26+s10+$0x0], $0xffff  }
0x2d0: {  	v20 =	vshrl.u32 v20, $0x4;
	v38 =	vshra.s32 v10, $0x12;
	v40 =	vshra.s32 v12, $0x12;
	[tilespmem:s12+$0x0] =	vst v25;
	v25 =	vld.idx.msk [tilespmem:v61+s4+$0x0], $0xffff  }
0x2d1: {  	[tilespmem:s30+$0xFFFFFFC0] =	vst v17;
	s30 =	sadd.s32 $0x80, s9;
	v37 =	vor.u32 v37, v45;
	v26 =	vshrl.u32 v41, $0x7;
	v20 =	vand.u32 $0x3FFF, v20  }
0x2d2: {  	v56 =	vshrl.u32 v10, $0x4;
	s31 =	sadd.s32 $0x2070, s30;
	v63 =	vshra.s32 v14, $0x12;
	v22 =	vld.idx.msk [tilespmem:v22+s10+$0x0], $0xffff;
	v26 =	vshll.u32 v26, v0  }
0x2d3: {  	v59 =	vld.idx.msk [tilespmem:v18+s10+$0x0], $0xffff;
	v18 =	vor.u32 s31, v45;
	v27 =	vshra.s32 v11, $0x12;
	v26 =	vor.u32 $0x30, v26  }
0x2d4: {  	v57 =	vshrl.u32 v11, $0x4;
	v18 =	vshrl.u32 v18, $0x3;
	[tilespmem:s11+$0xFFFFFFB0] =	vst v16;
	v16 =	vand.u32 $0x3FFF, v56;
	v19 =	vld.idx.msk [tilespmem:v35+s4+$0x0], $0xffff  }
0x2d5: {  	s15 =	simm.s32 $0xA0F0;
	v35 =	vor.u32 $0x20, v52;
	v62 =	vshra.s32 v13, $0x12;
	v54 =	vld.idx.msk [tilespmem:v40+s4+$0x0], $0xffff;
	[tilespmem:s11+$0xFFFFFFA0] =	vst v15;
	v20 =	vadd.s32 v25, v20  }
0x2d6: {  	v26 =	vbroadcast v26, $0x0;
	v35 =	vbroadcast v35, $0x0;
	v61 =	vand.u32 $0x3FFF, v34;
	v17 =	vld.idx.msk [tilespmem:v33+s4+$0x0], $0xffff;
	[tilespmem:s15+$0x0] =	vst v20  }
0x2d7: {  	v33 =	vshll.u32 v50, v0;
	v15 =	vshrl.u32 v12, $0x4;
	v58 =	vshrl.u32 v13, $0x4;
	[tilespmem:s11+$0xFFFFFF90] =	vst v22;
	v23 =	vld.idx.msk [tilespmem:v37+s10+$0x0], $0xffff  }
0x2d8: {  	s29 =	simm.s32 $0x2080;
	v22 =	vor.u32 $0x50, v33;
	[tilespmem:s12+$0xFFFFFFA0] =	vst v60;
	v60 =	vshrl.u32 v14, $0x4;
	v33 =	vbroadcast v55, $0x0  }
0x2d9: {  	[tilespmem:s11+$0xFFFFFFC0] =	vst v59;
	v21 =	vld.idx.msk [tilespmem:v38+s4+$0x0], $0xffff;
	v15 =	vand.u32 $0x3FFF, v15;
	v25 =	vmov s29;
	v20 =	vshll.u32 v49, v0  }
0x2da: {  	[tilespmem:s12+$0xFFFFFFB0] =	vst v31;
	v25 =	vshrl.u32 v25, $0x7;
	v32 =	vld.idx.msk [tilespmem:v62+s4+$0x0], $0xffff;
	v15 =	vadd.s32 v54, v15;
	v20 =	vor.u32 $0x40, v20  }
0x2db: {  	s13 =	simm.s32 $0xE0F0;
	[tilespmem:s12+$0xFFFFFF90] =	vst v24;
	v27 =	vld.idx.msk [tilespmem:v27+s4+$0x0], $0xffff;
	v24 =	vshll.u32 v25, v0;
	v25 =	vshrl.u32 v9, $0x4;
	v62 =	vbroadcast v20, $0x0  }
0x2dc: {  	s14 =	simm.s32 $0x120F0;
	v20 =	vand.u32 $0x3FFF, v25;
	v25 =	vand.u32 $0x3FFF, v60;
	[tilespmem:s13+$0x0] =	vst v23;
	v23 =	vld.idx.msk [tilespmem:v63+s4+$0x0], $0xffff;
	v63 =	vbroadcast v22, $0x0  }
0x2dd: {  	v22 =	vbroadcast v24, $0x0;
	v24 =	vand.u32 $0x3FFF, v57;
	[tilespmem:s14+$0x0] =	vst v18;
	v18 =	vld.idx.msk [tilespmem:v8+s10+$0x0], $0xffff;
	v8 =	vadd.s32 v17, v61  }
0x2de: {  	v17 =	vand.u32 $0x3FFF, v58;
	[tilespmem:s15+$0xFFFFFF90] =	vst v8;
	v8 =	vadd.s32 v19, v20;
	v19 =	vadd.s32 v21, v16  }
0x2df: {  	[tilespmem:s15+$0xFFFFFFC0] =	vst v15;
	v17 =	vadd.s32 v32, v17;
	v20 =	vld.idx.msk [tilespmem:v7+s10+$0x0], $0xffff;
	v16 =	vand.u32 $0xF, v10;
	v7 =	vand.u32 $0xF, v12  }
0x2e0: {  	s17 =	simm.s32 $0x80;
	[tilespmem:s15+$0xFFFFFFA0] =	vst v8;
	v8 =	vadd.s32 v27, v24;
	v24 =	vand.u32 $0xF, v9;
	v9 =	vand.u32 $0xF, v14  }
0x2e1: {  	s16 =	simm.s32 $0x8;
	s18 =	simm.s32 $0x6170;
	s24 =	sadd.s32 $0x2000, s30;
	[tilespmem:s15+$0xFFFFFFB0] =	vst v19;
	v14 =	vor.u32 v35, v16;
	v12 =	vor.u32 v26, v7;
	v21 =	vor.u32 v30, v24  }
0x2e2: {  	s20 =	sadd.s32 $0x2010, s30;
	s25 =	sadd.s32 $0x2020, s30;
	s21 =	sadd.s32 $0x2030, s30;
	v19 =	vld.idx.msk [tilespmem:v6+s10+$0x0], $0xffff;
	[tilespmem:s15+$0xFFFFFFE0] =	vst v17;
	v25 =	vadd.s32 v23, v25;
	v23 =	vand.u32 $0xF, v11;
	v11 =	vand.u32 $0xF, v13  }
0x2e3: {  	s23 =	sadd.s32 $0x2040, s30;
	s19 =	sadd.s32 $0x2050, s30;
	s22 =	sadd.s32 $0x2060, s30;
	[tilespmem:s15+$0xFFFFFFD0] =	vst v8;
	v6 =	vor.u32 v33, v9;
	v10 =	vor.u32 v62, v23;
	v8 =	vor.u32 v63, v11  }
.LBB2_3:
0x2e4: {  	v26 =	vld [tilespmem:s18+$0x0];
	v22 =	vor.u32 v22, v5;
	v5 =	vor.u32 s24, v5;
	v13 =	vor.u32 s20, v24;
	[tilespmem:s15+$0xFFFFFFF0] =	vst v25  }
0x2e5: {  	s16 =	sadd.s32 $0x8, s16;
	v16 =	vor.u32 s25, v16;
	v17 =	vor.u32 s21, v7;
	v23 =	vor.u32 s23, v23;
	v15 =	vld [tilespmem:s18+$0xFFFFFF90]  }
0x2e6: {  	v25 =	vor.u32 s22, v9;
	p1 =	slt.u32 s16, $0x1F8;
	v24 =	vshrl.u32 v5, $0x3;
	v5 =	vor.u32 s19, v11;
	v7 =	vld [tilespmem:s18+$0xFFFFFFA0];
	[tilespmem:s12+$0xFFFFFFC0] =	vst v4  }
0x2e7: {  	v27 =	vshrl.u32 v13, $0x3;
	v16 =	vshrl.u32 v16, $0x3;
	v4 =	vshrl.u32 v17, $0x3;
	v9 =	vld [tilespmem:s18+$0xFFFFFFB0];
	[tilespmem:s11+$0xFFFFFFD0] =	vst v18  }
0x2e8: {  	v17 =	vshrl.u32 v5, $0x3;
	v18 =	vshrl.u32 v25, $0x3;
	v11 =	vld [tilespmem:s18+$0xFFFFFFC0];
	[tilespmem:s12+$0xFFFFFFD0] =	vst v3;
	v3 =	vshrl.u32 v23, $0x3  }
0x2e9: {  	s17 =	sadd.s32 $0x80, s17;
	v13 =	vld [tilespmem:s18+$0xFFFFFFD0];
	v23 =	vshra.s32 v26, $0x12;
	[tilespmem:s11+$0xFFFFFFE0] =	vst v20  }
0x2ea: {  	s19 =	sadd.s32 $0x2010, s17;
	s20 =	sadd.s32 $0x2020, s17;
	s21 =	sadd.s32 $0x2070, s17;
	v20 =	vshra.s32 v15, $0x12;
	v25 =	vshrl.u32 v15, $0x4;
	v5 =	vand.u32 $0xF, v15;
	v15 =	vld [tilespmem:s18+$0xFFFFFFE0];
	[tilespmem:s12+$0xFFFFFFE0] =	vst v2;
	v2 =	vmovc v17  }
0x2eb: {  	s22 =	sadd.s32 $0x2040, s17;
	s23 =	sadd.s32 $0x2050, s17;
	v29 =	vmov s19;
	s19 =	sadd.s32 $0x2030, s17;
	v30 =	vmov s21;
	v28 =	vshra.s32 v7, $0x12;
	v17 =	vld [tilespmem:s18+$0xFFFFFFF0];
	[tilespmem:s11+$0xFFFFFFF0] =	vst v19  }
0x2ec: {  	s21 =	sadd.s32 $0x2000, s17;
	v31 =	vmov s20;
	s20 =	sadd.s32 $0x2060, s17;
	v30 =	vshrl.u32 v30, $0x7;
	s11 =	smov.u32 s13;
	v19 =	vshra.s32 v9, $0x12;
	v22 =	vld.idx.msk [tilespmem:v22+s10+$0x0], $0xffff;
	[tilespmem:s12+$0xFFFFFFF0] =	vst v1;
	v1 =	vmovc v18  }
0x2ed: {  	v32 =	vmov s19;
	v30 =	vshll.u32 v30, v0;
	s12 =	smov.u32 s14;
	v18 =	vshra.s32 v11, $0x12;
	v21 =	vld.idx.msk [tilespmem:v21+s10+$0x0], $0xffff  }
0x2ee: {  	v34 =	vmov s22;
	v30 =	vor.u32 $0x70, v30;
	v33 =	vshra.s32 v13, $0x12;
	v23 =	vld.idx.msk [tilespmem:v23+s4+$0x0], $0xffff  }
0x2ef: {  	v36 =	vmov s23;
	v30 =	vbroadcast v30, $0x0;
	v35 =	vld.idx.msk [tilespmem:v20+s4+$0x0], $0xffff;
	v20 =	vshra.s32 v15, $0x12  }
0x2f0: {  	v38 =	vmov s20;
	v39 =	vand.u32 $0xF, v26;
	v28 =	vld.idx.msk [tilespmem:v28+s4+$0x0], $0xffff;
	v37 =	vshra.s32 v17, $0x12  }
0x2f1: {  	v29 =	vshrl.u32 v29, $0x7;
	v30 =	vor.u32 v30, v39;
	v40 =	vld.idx.msk [tilespmem:v19+s4+$0x0], $0xffff;
	v19 =	vshrl.u32 v31, $0x7  }
0x2f2: {  	v26 =	vshrl.u32 v26, $0x4;
	v31 =	vld.idx.msk [tilespmem:v18+s4+$0x0], $0xffff;
	v18 =	vshrl.u32 v32, $0x7;
	v32 =	vshrl.u32 v34, $0x7;
	[tilespmem:s13+$0xFFFFFF90] =	vst v22  }
0x2f3: {  	v26 =	vand.u32 $0x3FFF, v26;
	v22 =	vshrl.u32 v36, $0x7;
	v34 =	vshrl.u32 v38, $0x7;
	v33 =	vld.idx.msk [tilespmem:v33+s4+$0x0], $0xffff;
	[tilespmem:s14+$0xFFFFFF90] =	vst v24  }
0x2f4: {  	s15 =	sadd.s32 $0x80, s15;
	v29 =	vshll.u32 v29, v0;
	v24 =	vmov s21;
	v36 =	vld.idx.msk [tilespmem:v20+s4+$0x0], $0xffff;
	v20 =	vadd.s32 v23, v26;
	[tilespmem:s13+$0xFFFFFFA0] =	vst v21  }
0x2f5: {  	v19 =	vshll.u32 v19, v0;
	v18 =	vshll.u32 v18, v0;
	v21 =	vshrl.u32 v24, $0x7;
	v23 =	vld.idx.msk [tilespmem:v37+s4+$0x0], $0xffff;
	[tilespmem:s15+$0x0] =	vst v20  }
0x2f6: {  	v22 =	vshll.u32 v22, v0;
	v24 =	vshll.u32 v34, v0;
	v20 =	vshll.u32 v32, v0;
	v26 =	vld.idx.msk [tilespmem:v30+s10+$0x0], $0xffff  }
0x2f7: {  	v29 =	vor.u32 $0x10, v29;
	v32 =	vor.u32 $0x30, v18;
	v30 =	vor.u32 $0x20, v19;
	[tilespmem:s14+$0xFFFFFFA0] =	vst v27;
	v14 =	vld.idx.msk [tilespmem:v14+s10+$0x0], $0xffff  }
0x2f8: {  	v22 =	vor.u32 $0x50, v22;
	v24 =	vor.u32 $0x60, v24;
	v27 =	vor.u32 $0x40, v20;
	v12 =	vld.idx.msk [tilespmem:v12+s10+$0x0], $0xffff  }
0x2f9: {  	s22 =	sadd.s32 s17, s9;
	v34 =	vshrl.u32 v7, $0x4;
	v21 =	vshll.u32 v21, v0;
	v37 =	vshrl.u32 v9, $0x4;
	v18 =	vld.idx.msk [tilespmem:v10+s10+$0x0], $0xffff  }
0x2fa: {  	s24 =	sadd.s32 $0x2000, s22;
	s20 =	sadd.s32 $0x2010, s22;
	s19 =	sadd.s32 $0x2070, s22;
	v41 =	vshrl.u32 v15, $0x4;
	v38 =	vshrl.u32 v13, $0x4;
	v10 =	vshrl.u32 v11, $0x4;
	v20 =	vld.idx.msk [tilespmem:v8+s10+$0x0], $0xffff  }
0x2fb: {  	s25 =	sadd.s32 $0x2020, s22;
	v39 =	vor.u32 s19, v39;
	s21 =	sadd.s32 $0x2030, s22;
	s13 =	sadd.s32 $0x80, s13;
	v8 =	vbroadcast v29, $0x0;
	v29 =	vshrl.u32 v17, $0x4;
	v19 =	vld.idx.msk [tilespmem:v6+s10+$0x0], $0xffff  }
0x2fc: {  	s23 =	sadd.s32 $0x2040, s22;
	s19 =	sadd.s32 $0x2050, s22;
	s14 =	sadd.s32 $0x80, s14;
	v6 =	vbroadcast v30, $0x0;
	v30 =	vbroadcast v32, $0x0;
	[tilespmem:s13+$0x0] =	vst v26;
	v26 =	vshrl.u32 v39, $0x3  }
0x2fd: {  	v25 =	vand.u32 $0x3FFF, v25;
	s22 =	sadd.s32 $0x2060, s22;
	v27 =	vbroadcast v27, $0x0;
	v32 =	vbroadcast v22, $0x0;
	[tilespmem:s14+$0x0] =	vst v26  }
0x2fe: {  	v22 =	vbroadcast v21, $0x0;
	v21 =	vand.u32 $0x3FFF, v34;
	v26 =	vbroadcast v24, $0x0;
	[tilespmem:s11+$0xFFFFFFB0] =	vst v14  }
0x2ff: {  	v10 =	vand.u32 $0x3FFF, v10;
	v24 =	vand.u32 $0x3FFF, v38;
	v14 =	vand.u32 $0x3FFF, v37;
	[tilespmem:s12+$0xFFFFFFB0] =	vst v16  }
0x300: {  	v29 =	vand.u32 $0x3FFF, v29;
	v16 =	vadd.s32 v35, v25;
	v25 =	vand.u32 $0x3FFF, v41;
	[tilespmem:s11+$0xFFFFFFC0] =	vst v12  }
0x301: {  	v10 =	vadd.s32 v31, v10;
	v14 =	vadd.s32 v40, v14;
	v12 =	vadd.s32 v28, v21;
	[tilespmem:s15+$0xFFFFFF90] =	vst v16  }
.Ltmp1:
0x302: {  	v28 =	vadd.s32 v33, v24;
	v31 =	vadd.s32 v36, v25;
	v25 =	vadd.s32 v23, v29;
	[tilespmem:s15+$0xFFFFFFA0] =	vst v12;
	(pc) =	sbr.rel @p1 .LBB2_3-.Ltmp1, $4  }
0x303: {  	v24 =	vand.u32 $0xF, v7;
	v7 =	vand.u32 $0xF, v11;
	v16 =	vand.u32 $0xF, v9;
	[tilespmem:s15+$0xFFFFFFB0] =	vst v14  }
0x304: {  	v23 =	vand.u32 $0xF, v13;
	v11 =	vand.u32 $0xF, v15;
	v9 =	vand.u32 $0xF, v17;
	[tilespmem:s15+$0xFFFFFFC0] =	vst v10  }
0x305: {  	v21 =	vor.u32 v8, v24;
	v12 =	vor.u32 v30, v7;
	v14 =	vor.u32 v6, v16;
	[tilespmem:s15+$0xFFFFFFD0] =	vst v28  }
0x306: {  	s18 =	sadd.s32 $0x80, s18;
	v8 =	vor.u32 v32, v11;
	v6 =	vor.u32 v26, v9;
	v10 =	vor.u32 v27, v23;
	[tilespmem:s15+$0xFFFFFFE0] =	vst v31  }
0x307: {  	_ = 	snop  }
0x308: {  	[tilespmem:s15+$0xFFFFFFF0] =	vst v25  }
0x309: {  	[tilespmem:s12+$0xFFFFFFC0] =	vst v4  }
0x30a: {  	[tilespmem:s11+$0xFFFFFFD0] =	vst v18  }
0x30b: {  	[tilespmem:s11+$0xFFFFFFE0] =	vst v20;
	v49 =	vld.idx.msk [tilespmem:v21+s10+$0x0], $0xffff  }
0x30c: {  	[tilespmem:s11+$0xFFFFFFF0] =	vst v19;
	v51 =	vld.idx.msk [tilespmem:v14+s10+$0x0], $0xffff  }
0x30d: {  	v53 =	vld.idx.msk [tilespmem:v12+s10+$0x0], $0xffff;
	[tilespmem:s12+$0xFFFFFFD0] =	vst v3  }
0x30e: {  	v55 =	vld.idx.msk [tilespmem:v10+s10+$0x0], $0xffff;
	[tilespmem:s12+$0xFFFFFFE0] =	vst v2  }
0x30f: {  	v57 =	vld.idx.msk [tilespmem:v8+s10+$0x0], $0xffff;
	[tilespmem:s12+$0xFFFFFFF0] =	vst v1  }
0x310: {  	v0 =	vor.u32 v22, v5;
	[tilespmem:s13+$0xFFFFFFA0] =	vst v49  }
0x311: {  	[tilespmem:s13+$0xFFFFFFB0] =	vst v51  }
0x312: {  	[tilespmem:s13+$0xFFFFFFC0] =	vst v53  }
0x313: {  	v54 =	vor.u32 s25, v16;
	v59 =	vld.idx.msk [tilespmem:v6+s10+$0x0], $0xffff;
	[tilespmem:s13+$0xFFFFFFD0] =	vst v55  }
0x314: {  	v56 =	vor.u32 s21, v7;
	v2 =	vshrl.u32 v54, $0x3;
	[tilespmem:s13+$0xFFFFFFE0] =	vst v57  }
0x315: {  	v58 =	vor.u32 s23, v23;
	v1 =	vshrl.u32 v56, $0x3;
	v0 =	vld.idx.msk [tilespmem:v0+s10+$0x0], $0xffff;
	[tilespmem:s14+$0xFFFFFFB0] =	vst v2  }
0x316: {  	v60 =	vshrl.u32 v58, $0x3;
	[tilespmem:s14+$0xFFFFFFC0] =	vst v1  }
0x317: {  	v62 =	vor.u32 s22, v9;
	[tilespmem:s14+$0xFFFFFFD0] =	vst v60  }
0x318: {  	v63 =	vshrl.u32 v62, $0x3;
	[tilespmem:s13+$0xFFFFFFF0] =	vst v59  }
0x319: {  	v50 =	vor.u32 s24, v5;
	[tilespmem:s14+$0xFFFFFFF0] =	vst v63  }
0x31a: {  	v52 =	vor.u32 s20, v24;
	s4 =	simm.s32 $0x0;
	s9 =	simm.s32 $0x80;
	s11 =	simm.s32 $0x15200;
	v3 =	vshrl.u32 v50, $0x3;
	[tilespmem:s13+$0xFFFFFF90] =	vst v0  }
0x31b: {  	v61 =	vor.u32 s19, v11;
	s15 =	simm.s32 $0x15300;
	s16 =	simm.s32 $0x15400;
	s17 =	simm.s32 $0x15480;
	v0 =	vshrl.u32 v52, $0x3;
	[tilespmem:s14+$0xFFFFFF90] =	vst v3  }
0x31c: {  	s18 =	simm.s32 $0x1;
	s19 =	simm.s32 $0x2;
	s12 =	simm.s32 $0x15280;
	[tilespmem:s14+$0xFFFFFFA0] =	vst v0;
	v0 =	vshrl.u32 v61, $0x3  }
0x31d: {  	s10 =	simm.s32 $0x15180;
	s13 =	simm.s32 $0x15380;
	[tilespmem:s14+$0xFFFFFFE0] =	vst v0;
	s14 =	simm.s32 $0x15500  }
.LBB2_5:
0x31e: {  	s20 =	sshra.s32 s4, $0x2  }
0x31f: {  	v0 =	vld [tilespmem:s20+$0x8000];
	_ =	sdelay $0x4  }
0x320: {  	[tilespmem:$0x15180] =	vst v0  }
0x321: {  	v0 =	vld [tilespmem:s20+$0x8010];
	_ =	sdelay $0x4  }
0x322: {  	[tilespmem:$0x15190] =	vst v0  }
0x323: {  	v0 =	vld [tilespmem:s20+$0x8020];
	_ =	sdelay $0x4  }
0x324: {  	[tilespmem:$0x151A0] =	vst v0  }
0x325: {  	v0 =	vld [tilespmem:s20+$0x8030];
	_ =	sdelay $0x4  }
0x326: {  	[tilespmem:$0x151B0] =	vst v0  }
0x327: {  	v0 =	vld [tilespmem:s20+$0x8040];
	_ =	sdelay $0x4  }
0x328: {  	[tilespmem:$0x151C0] =	vst v0  }
0x329: {  	v0 =	vld [tilespmem:s20+$0x8050];
	_ =	sdelay $0x4  }
0x32a: {  	[tilespmem:$0x151D0] =	vst v0  }
0x32b: {  	v0 =	vld [tilespmem:s20+$0x8060];
	_ =	sdelay $0x4  }
0x32c: {  	[tilespmem:$0x151E0] =	vst v0  }
0x32d: {  	v0 =	vld [tilespmem:s20+$0x8070];
	_ =	sdelay $0x4  }
0x32e: {  	s21 =	sadd.s32 $0xC000, s20;
	[tilespmem:$0x151F0] =	vst v0  }
0x32f: {  	[spmem:s1] =	stream.indirect.scatter [tilespmem:s21], [sflag:$0x1], $0x1, s10, s9, $0xb8;
	[tilespmem:$0x1D580] =	vst v63  }
0x330: {  	s26 =	sadd.s32 $0x10000, s20  }
0x331: {  	[spmem:s2] =	stream.indirect.scatter [tilespmem:s26], [sflag:$0x2], $0x1, s10, s9, $0xb8;
	[tilespmem:$0x1D580] =	vst v63  }
0x332: {  	v0 =	vld [tilespmem:s20+$0x8080];
	_ =	sdelay $0x4  }
0x333: {  	[tilespmem:$0x15200] =	vst v0  }
0x334: {  	v0 =	vld [tilespmem:s20+$0x8090];
	_ =	sdelay $0x4  }
0x335: {  	[tilespmem:$0x15210] =	vst v0  }
0x336: {  	v0 =	vld [tilespmem:s20+$0x80A0];
	_ =	sdelay $0x4  }
0x337: {  	[tilespmem:$0x15220] =	vst v0  }
0x338: {  	v0 =	vld [tilespmem:s20+$0x80B0];
	_ =	sdelay $0x4  }
0x339: {  	[tilespmem:$0x15230] =	vst v0  }
0x33a: {  	v0 =	vld [tilespmem:s20+$0x80C0];
	_ =	sdelay $0x4  }
0x33b: {  	[tilespmem:$0x15240] =	vst v0  }
0x33c: {  	v0 =	vld [tilespmem:s20+$0x80D0];
	_ =	sdelay $0x4  }
0x33d: {  	[tilespmem:$0x15250] =	vst v0  }
0x33e: {  	v0 =	vld [tilespmem:s20+$0x80E0];
	_ =	sdelay $0x4  }
0x33f: {  	[tilespmem:$0x15260] =	vst v0  }
0x340: {  	v0 =	vld [tilespmem:s20+$0x80F0];
	_ =	sdelay $0x4  }
0x341: {  	s28 =	sadd.s32 $0xC080, s20;
	[tilespmem:$0x15270] =	vst v0  }
0x342: {  	[spmem:s1] =	stream.indirect.scatter [tilespmem:s28], [sflag:$0x1], $0x1, s11, s9, $0xb8;
	[tilespmem:$0x1D580] =	vst v63  }
0x343: {  	s29 =	sadd.s32 $0x10080, s20  }
0x344: {  	[spmem:s2] =	stream.indirect.scatter [tilespmem:s29], [sflag:$0x2], $0x1, s11, s9, $0xb8;
	[tilespmem:$0x1D580] =	vst v63  }
0x345: {  	v0 =	vld [tilespmem:s20+$0x8100];
	_ =	sdelay $0x4  }
0x346: {  	[tilespmem:$0x15280] =	vst v0  }
0x347: {  	v0 =	vld [tilespmem:s20+$0x8110];
	_ =	sdelay $0x4  }
0x348: {  	[tilespmem:$0x15290] =	vst v0  }
0x349: {  	v0 =	vld [tilespmem:s20+$0x8120];
	_ =	sdelay $0x4  }
0x34a: {  	[tilespmem:$0x152A0] =	vst v0  }
0x34b: {  	v0 =	vld [tilespmem:s20+$0x8130];
	_ =	sdelay $0x4  }
0x34c: {  	[tilespmem:$0x152B0] =	vst v0  }
0x34d: {  	v0 =	vld [tilespmem:s20+$0x8140];
	_ =	sdelay $0x4  }
0x34e: {  	[tilespmem:$0x152C0] =	vst v0  }
0x34f: {  	v0 =	vld [tilespmem:s20+$0x8150];
	_ =	sdelay $0x4  }
0x350: {  	[tilespmem:$0x152D0] =	vst v0  }
0x351: {  	v0 =	vld [tilespmem:s20+$0x8160];
	_ =	sdelay $0x4  }
0x352: {  	[tilespmem:$0x152E0] =	vst v0  }
0x353: {  	v0 =	vld [tilespmem:s20+$0x8170];
	_ =	sdelay $0x4  }
0x354: {  	s30 =	sadd.s32 $0xC100, s20;
	[tilespmem:$0x152F0] =	vst v0  }
0x355: {  	[spmem:s1] =	stream.indirect.scatter [tilespmem:s30], [sflag:$0x1], $0x1, s12, s9, $0xb8;
	[tilespmem:$0x1D580] =	vst v63  }
0x356: {  	s31 =	sadd.s32 $0x10100, s20  }
0x357: {  	[spmem:s2] =	stream.indirect.scatter [tilespmem:s31], [sflag:$0x2], $0x1, s12, s9, $0xb8;
	[tilespmem:$0x1D580] =	vst v63  }
0x358: {  	v0 =	vld [tilespmem:s20+$0x8180];
	_ =	sdelay $0x4  }
0x359: {  	[tilespmem:$0x15300] =	vst v0  }
0x35a: {  	v0 =	vld [tilespmem:s20+$0x8190];
	_ =	sdelay $0x4  }
0x35b: {  	[tilespmem:$0x15310] =	vst v0  }
0x35c: {  	v0 =	vld [tilespmem:s20+$0x81A0];
	_ =	sdelay $0x4  }
0x35d: {  	[tilespmem:$0x15320] =	vst v0  }
0x35e: {  	v0 =	vld [tilespmem:s20+$0x81B0];
	_ =	sdelay $0x4  }
0x35f: {  	[tilespmem:$0x15330] =	vst v0  }
0x360: {  	v0 =	vld [tilespmem:s20+$0x81C0];
	_ =	sdelay $0x4  }
0x361: {  	[tilespmem:$0x15340] =	vst v0  }
0x362: {  	v0 =	vld [tilespmem:s20+$0x81D0];
	_ =	sdelay $0x4  }
0x363: {  	[tilespmem:$0x15350] =	vst v0  }
0x364: {  	v0 =	vld [tilespmem:s20+$0x81E0];
	_ =	sdelay $0x4  }
0x365: {  	[tilespmem:$0x15360] =	vst v0  }
0x366: {  	v0 =	vld [tilespmem:s20+$0x81F0];
	_ =	sdelay $0x4  }
0x367: {  	s22 =	sadd.s32 $0xC180, s20;
	[tilespmem:$0x15370] =	vst v0  }
0x368: {  	[spmem:s1] =	stream.indirect.scatter [tilespmem:s22], [sflag:$0x1], $0x1, s15, s9, $0xb8;
	[tilespmem:$0x1D580] =	vst v63  }
0x369: {  	s23 =	sadd.s32 $0x10180, s20  }
0x36a: {  	[spmem:s2] =	stream.indirect.scatter [tilespmem:s23], [sflag:$0x2], $0x1, s15, s9, $0xb8;
	[tilespmem:$0x1D580] =	vst v63  }
0x36b: {  	v0 =	vld [tilespmem:s20+$0x8200];
	_ =	sdelay $0x4  }
0x36c: {  	[tilespmem:$0x15380] =	vst v0  }
0x36d: {  	v0 =	vld [tilespmem:s20+$0x8210];
	_ =	sdelay $0x4  }
0x36e: {  	[tilespmem:$0x15390] =	vst v0  }
0x36f: {  	v0 =	vld [tilespmem:s20+$0x8220];
	_ =	sdelay $0x4  }
0x370: {  	[tilespmem:$0x153A0] =	vst v0  }
0x371: {  	v0 =	vld [tilespmem:s20+$0x8230];
	_ =	sdelay $0x4  }
0x372: {  	[tilespmem:$0x153B0] =	vst v0  }
0x373: {  	v0 =	vld [tilespmem:s20+$0x8240];
	_ =	sdelay $0x4  }
0x374: {  	[tilespmem:$0x153C0] =	vst v0  }
0x375: {  	v0 =	vld [tilespmem:s20+$0x8250];
	_ =	sdelay $0x4  }
0x376: {  	[tilespmem:$0x153D0] =	vst v0  }
0x377: {  	v0 =	vld [tilespmem:s20+$0x8260];
	_ =	sdelay $0x4  }
0x378: {  	[tilespmem:$0x153E0] =	vst v0  }
0x379: {  	v0 =	vld [tilespmem:s20+$0x8270];
	_ =	sdelay $0x4  }
0x37a: {  	s24 =	sadd.s32 $0xC200, s20;
	[tilespmem:$0x153F0] =	vst v0  }
0x37b: {  	[spmem:s1] =	stream.indirect.scatter [tilespmem:s24], [sflag:$0x1], $0x1, s13, s9, $0xb8;
	[tilespmem:$0x1D580] =	vst v63  }
0x37c: {  	s25 =	sadd.s32 $0x10200, s20  }
0x37d: {  	[spmem:s2] =	stream.indirect.scatter [tilespmem:s25], [sflag:$0x2], $0x1, s13, s9, $0xb8;
	[tilespmem:$0x1D580] =	vst v63  }
0x37e: {  	v0 =	vld [tilespmem:s20+$0x8280];
	_ =	sdelay $0x4  }
0x37f: {  	[tilespmem:$0x15400] =	vst v0  }
0x380: {  	v0 =	vld [tilespmem:s20+$0x8290];
	_ =	sdelay $0x4  }
0x381: {  	[tilespmem:$0x15410] =	vst v0  }
0x382: {  	v0 =	vld [tilespmem:s20+$0x82A0];
	_ =	sdelay $0x4  }
0x383: {  	[tilespmem:$0x15420] =	vst v0  }
0x384: {  	v0 =	vld [tilespmem:s20+$0x82B0];
	_ =	sdelay $0x4  }
0x385: {  	[tilespmem:$0x15430] =	vst v0  }
0x386: {  	v0 =	vld [tilespmem:s20+$0x82C0];
	_ =	sdelay $0x4  }
0x387: {  	[tilespmem:$0x15440] =	vst v0  }
0x388: {  	v0 =	vld [tilespmem:s20+$0x82D0];
	_ =	sdelay $0x4  }
0x389: {  	[tilespmem:$0x15450] =	vst v0  }
0x38a: {  	v0 =	vld [tilespmem:s20+$0x82E0];
	_ =	sdelay $0x4  }
0x38b: {  	[tilespmem:$0x15460] =	vst v0  }
0x38c: {  	v0 =	vld [tilespmem:s20+$0x82F0];
	_ =	sdelay $0x4  }
0x38d: {  	s26 =	sadd.s32 $0xC280, s20;
	[tilespmem:$0x15470] =	vst v0  }
0x38e: {  	[spmem:s1] =	stream.indirect.scatter [tilespmem:s26], [sflag:$0x1], $0x1, s16, s9, $0xb8;
	[tilespmem:$0x1D580] =	vst v63  }
0x38f: {  	s28 =	sadd.s32 $0x10280, s20  }
0x390: {  	[spmem:s2] =	stream.indirect.scatter [tilespmem:s28], [sflag:$0x2], $0x1, s16, s9, $0xb8;
	[tilespmem:$0x1D580] =	vst v63  }
0x391: {  	v0 =	vld [tilespmem:s20+$0x8300];
	_ =	sdelay $0x4  }
0x392: {  	[tilespmem:$0x15480] =	vst v0  }
0x393: {  	v0 =	vld [tilespmem:s20+$0x8310];
	_ =	sdelay $0x4  }
0x394: {  	[tilespmem:$0x15490] =	vst v0  }
0x395: {  	v0 =	vld [tilespmem:s20+$0x8320];
	_ =	sdelay $0x4  }
0x396: {  	[tilespmem:$0x154A0] =	vst v0  }
0x397: {  	v0 =	vld [tilespmem:s20+$0x8330];
	_ =	sdelay $0x4  }
0x398: {  	[tilespmem:$0x154B0] =	vst v0  }
0x399: {  	v0 =	vld [tilespmem:s20+$0x8340];
	_ =	sdelay $0x4  }
0x39a: {  	[tilespmem:$0x154C0] =	vst v0  }
0x39b: {  	v0 =	vld [tilespmem:s20+$0x8350];
	_ =	sdelay $0x4  }
0x39c: {  	[tilespmem:$0x154D0] =	vst v0  }
0x39d: {  	v0 =	vld [tilespmem:s20+$0x8360];
	_ =	sdelay $0x4  }
0x39e: {  	[tilespmem:$0x154E0] =	vst v0  }
0x39f: {  	v0 =	vld [tilespmem:s20+$0x8370];
	_ =	sdelay $0x4  }
0x3a0: {  	s29 =	sadd.s32 $0xC300, s20;
	[tilespmem:$0x154F0] =	vst v0  }
0x3a1: {  	[spmem:s1] =	stream.indirect.scatter [tilespmem:s29], [sflag:$0x1], $0x1, s17, s9, $0xb8;
	[tilespmem:$0x1D580] =	vst v63  }
0x3a2: {  	s30 =	sadd.s32 $0x10300, s20  }
0x3a3: {  	[spmem:s2] =	stream.indirect.scatter [tilespmem:s30], [sflag:$0x2], $0x1, s17, s9, $0xb8;
	[tilespmem:$0x1D580] =	vst v63  }
0x3a4: {  	v0 =	vld [tilespmem:s20+$0x8380];
	_ =	sdelay $0x4  }
0x3a5: {  	[tilespmem:$0x15500] =	vst v0  }
0x3a6: {  	v0 =	vld [tilespmem:s20+$0x8390];
	_ =	sdelay $0x4  }
0x3a7: {  	[tilespmem:$0x15510] =	vst v0  }
0x3a8: {  	v0 =	vld [tilespmem:s20+$0x83A0];
	_ =	sdelay $0x4  }
0x3a9: {  	[tilespmem:$0x15520] =	vst v0  }
0x3aa: {  	v0 =	vld [tilespmem:s20+$0x83B0];
	_ =	sdelay $0x4  }
0x3ab: {  	[tilespmem:$0x15530] =	vst v0  }
0x3ac: {  	v0 =	vld [tilespmem:s20+$0x83C0];
	_ =	sdelay $0x4  }
0x3ad: {  	[tilespmem:$0x15540] =	vst v0  }
0x3ae: {  	v0 =	vld [tilespmem:s20+$0x83D0];
	_ =	sdelay $0x4  }
0x3af: {  	[tilespmem:$0x15550] =	vst v0  }
0x3b0: {  	v0 =	vld [tilespmem:s20+$0x83E0];
	_ =	sdelay $0x4  }
0x3b1: {  	[tilespmem:$0x15560] =	vst v0  }
0x3b2: {  	v0 =	vld [tilespmem:s20+$0x83F0];
	_ =	sdelay $0x4  }
0x3b3: {  	s31 =	sadd.s32 $0xC380, s20;
	[tilespmem:$0x15570] =	vst v0  }
0x3b4: {  	[spmem:s1] =	stream.indirect.scatter [tilespmem:s31], [sflag:$0x1], $0x1, s14, s9, $0xb8;
	[tilespmem:$0x1D580] =	vst v63  }
0x3b5: {  	s20 =	sadd.s32 $0x10380, s20  }
0x3b6: {  	[spmem:s2] =	stream.indirect.scatter [tilespmem:s20], [sflag:$0x2], $0x1, s14, s9, $0xb8;
	[tilespmem:$0x1D580] =	vst v63  }
0x3b7: {  	_ =	swait.ge [sflag:s18], $0x80  }
0x3b8: {  	[sflag:s18] =	ssyncset.done $0x0  }
0x3b9: {  	[sflag:s18] =	ssyncadd.s32 $0xFFFFFF80  }
0x3ba: {  	_ =	swait.ge [sflag:s19], $0x80  }
0x3bb: {  	[sflag:s19] =	ssyncset.done $0x0  }
0x3bc: {  	[sflag:s19] =	ssyncadd.s32 $0xFFFFFF80  }
0x3bd: {  	_ =	swait.ge [sflag:s18], $0x80  }
0x3be: {  	[sflag:s18] =	ssyncset.done $0x0  }
0x3bf: {  	[sflag:s18] =	ssyncadd.s32 $0xFFFFFF80  }
0x3c0: {  	_ =	swait.ge [sflag:s19], $0x80  }
0x3c1: {  	[sflag:s19] =	ssyncset.done $0x0  }
0x3c2: {  	[sflag:s19] =	ssyncadd.s32 $0xFFFFFF80  }
0x3c3: {  	_ =	swait.ge [sflag:s18], $0x80  }
0x3c4: {  	[sflag:s18] =	ssyncset.done $0x0  }
0x3c5: {  	[sflag:s18] =	ssyncadd.s32 $0xFFFFFF80  }
0x3c6: {  	_ =	swait.ge [sflag:s19], $0x80  }
0x3c7: {  	[sflag:s19] =	ssyncset.done $0x0  }
0x3c8: {  	[sflag:s19] =	ssyncadd.s32 $0xFFFFFF80  }
0x3c9: {  	_ =	swait.ge [sflag:s18], $0x80  }
0x3ca: {  	[sflag:s18] =	ssyncset.done $0x0  }
0x3cb: {  	[sflag:s18] =	ssyncadd.s32 $0xFFFFFF80  }
0x3cc: {  	_ =	swait.ge [sflag:s19], $0x80  }
0x3cd: {  	[sflag:s19] =	ssyncset.done $0x0  }
0x3ce: {  	[sflag:s19] =	ssyncadd.s32 $0xFFFFFF80  }
0x3cf: {  	_ =	swait.ge [sflag:s18], $0x80  }
0x3d0: {  	[sflag:s18] =	ssyncset.done $0x0  }
0x3d1: {  	[sflag:s18] =	ssyncadd.s32 $0xFFFFFF80  }
0x3d2: {  	_ =	swait.ge [sflag:s19], $0x80  }
0x3d3: {  	[sflag:s19] =	ssyncset.done $0x0  }
0x3d4: {  	[sflag:s19] =	ssyncadd.s32 $0xFFFFFF80  }
0x3d5: {  	_ =	swait.ge [sflag:s18], $0x80  }
0x3d6: {  	[sflag:s18] =	ssyncset.done $0x0  }
0x3d7: {  	[sflag:s18] =	ssyncadd.s32 $0xFFFFFF80  }
0x3d8: {  	_ =	swait.ge [sflag:s19], $0x80  }
0x3d9: {  	[sflag:s19] =	ssyncset.done $0x0  }
0x3da: {  	[sflag:s19] =	ssyncadd.s32 $0xFFFFFF80  }
0x3db: {  	_ =	swait.ge [sflag:s18], $0x80  }
0x3dc: {  	[sflag:s18] =	ssyncset.done $0x0  }
0x3dd: {  	[sflag:s18] =	ssyncadd.s32 $0xFFFFFF80  }
0x3de: {  	_ =	swait.ge [sflag:s19], $0x80  }
0x3df: {  	[sflag:s19] =	ssyncset.done $0x0  }
0x3e0: {  	[sflag:s19] =	ssyncadd.s32 $0xFFFFFF80  }
0x3e1: {  	p1 =	sne.s32 s4, $0xF000;
	_ =	swait.ge [sflag:s18], $0x80  }
.Ltmp2:
0x3e2: {  	[sflag:s18] =	ssyncset.done $0x0;
	(pc) =	sbr.rel @p1 .LBB2_5-.Ltmp2, $4  }
0x3e3: {  	[sflag:s18] =	ssyncadd.s32 $0xFFFFFF80  }
0x3e4: {  	_ =	swait.ge [sflag:s19], $0x80  }
0x3e5: {  	[sflag:s19] =	ssyncset.done $0x0  }
0x3e6: {  	s4 =	sadd.s32 $0x1000, s4;
	[sflag:s19] =	ssyncadd.s32 $0xFFFFFF80  }
0x3e7: {  	s1 =	sshll.u32 s3, $0x6;
	[bflag:$0x0] =	sbarrier.arrive $0xFFFF  }
0x3e8: {  	s2 =	sshrl.u32 s8, $0x3;
	s30 =	simm.s32 $0x3;
	s1 =	sor.u32 $0x1C03, s1  }
0x3e9: {  	[hbm:s6], [sflag:s1] =	dma.local [spmem:s2], $0x800  }
0x3ea: {  	_ =	swait.ge [sflag:s30], $0x800  }
0x3eb: {  	[sflag:s30] =	ssyncset.done $0x0  }
0x3ec: {  	s31 =	sshrl.u32 s7, $0x3;
	[sflag:s30] =	ssyncadd.s32 $0xFFFFF800  }
0x3ed: {  	[hbm:s5], [sflag:s1] =	dma.local [spmem:s31], $0x800  }
0x3ee: {  	_ =	swait.ge [sflag:s30], $0x800  }
0x3ef: {  	[sflag:s30] =	ssyncset.done $0x0  }
0x3f0: {  	[sflag:s30] =	ssyncadd.s32 $0xFFFFF800  }
0x3f1: {  	_ =	sfence.sel $0x180000  }
0x3f2: {  	[bflag:$0x0] =	sbarrier.arrive $0xFFFF  }
0x3f3: {  	_ =	strace $0x9000004A  }
0x3f4: {  	s0 =	sadd.s32 @!p0 $0x100000, s0;
	[bflag:$0x2] =	sbarrier.arrive $0xFFFF  }
0x3f5: {  	[sflag:s0] =	ssyncadd.tile.s32 @!p0 $0x1;
	_ =	shalt  }
.Lfunc_end2:
_tile_overlayer_lowered:
.L_overlay_start_2:
0x3f6: {  	(tag) =	ssettag $0x2  }
0x3f7: {  	s0 =	rddreg [dreg:$0x0];
	s2 =	stileid.u32  }
0x3f8: {  	s1 =	rddreg [dreg:$0x1];
	p0 =	sne.s32 s2, $0x0  }
0x3f9: {  	s3 =	rddreg [dreg:$0x2];
	[bflag:$0x3] =	sbarrier.arrive $0xFFFF;
	s2 =	simm.s32 @!p0 $0x1C03  }
0x3fa: {  	[timem:s3], [sflag:s2] =	dma.local @!p0 [hbm:s0], s1  }
0x3fb: {  	s0 =	simm.s32 @!p0 $0x3  }
0x3fc: {  	_ =	swait.ge @!p0 [sflag:s0], s1  }
0x3fd: {  	s1 =	ssub.s32 @!p0 $0x0, s1;
	[sflag:s0] =	ssyncset.done @!p0 $0x0  }
0x3fe: {  	[sflag:s0] =	ssyncadd.s32 @!p0 s1  }
0x3ff: {  	[bflag:$0x3] =	sbarrier.arrive $0xFFFF  }
0x400: {  	_ =	shalt  }

</sc_bundles>
